<compile_context>
chip_gen: v7x
topology: tpu7x:2x2x1
jax: 0.10.2.dev20260603
libtpu: 0.0.44.dev20260713+nightly
codegen_flags: <defaults>
</compile_context>

<pallas_src>
import functools

import jax
import jax.numpy as jnp
from jax import lax
from jax.experimental import pallas as pl
from jax.experimental.pallas import tpu as pltpu
from jax.experimental.pallas import tpu_sc as plsc

N = 100000
E = 1600000
D = 16
PACK = 8
RN = N // PACK
NP = 100008
RNP = NP * D // 128
BLKE = 512
EBLK = E // BLKE
B0 = 1575
B1 = EBLK - B0
Q0, R0 = divmod(B0, 16)
Q1, R1 = divmod(B1, 16)
PZ = 784
PCAP = RN - PZ
ZROWS = 6256
ZCAP = N - ZROWS
ZB = 256
BR = 2504
GRID = (RN + BR - 1) // BR



def _fill_zeros_2d(zv):
    def fz(i, c):
        zv[i, :] = jnp.zeros((16,), jnp.float32)
        return c
    lax.fori_loop(0, ZB, fz, 0)


def _zero_slice_2d(acc_sh, zv, o):
    for i in range(ZROWS // ZB):
        pltpu.sync_copy(zv, acc_sh.at[pl.ds(o + i * ZB, ZB)])
    rem = ZROWS % ZB
    pltpu.sync_copy(zv.at[pl.ds(0, rem)], acc_sh.at[pl.ds(o + ZROWS - rem, rem)])


def _tile_blocks(c, s):
    q = jnp.where(c == 0, Q0, Q1)
    r = jnp.where(c == 0, R0, R1)
    nb = q + (s < r).astype(jnp.int32)
    bstart = jnp.where(c == 0, 0, B0) + s * q + jnp.minimum(s, r)
    return bstart, nb


def _copy_out(acc_sh, out_hbm, c, s):
    o = jnp.minimum(s * ZROWS, ZCAP)
    pltpu.sync_copy(acc_sh.at[pl.ds(o, ZROWS)], out_hbm.at[c, pl.ds(o, ZROWS)])


@functools.lru_cache(maxsize=None)
def _sc_agg():
    mesh = plsc.VectorSubcoreMesh(core_axis_name="c", subcore_axis_name="s")

    @functools.partial(
        pl.kernel,
        mesh=mesh,
        compiler_params=pltpu.CompilerParams(use_tc_tiling_on_sc=False),
        out_type=jax.ShapeDtypeStruct((2, N, D), jnp.float32),
        scratch_types=[
            pltpu.VMEM((2, BLKE), jnp.int32),
            pltpu.VMEM((2, BLKE), jnp.int32),
            pltpu.VMEM((2, BLKE, D), jnp.float32),
            pltpu.VMEM((ZB, D), jnp.float32),
            pltpu.VMEM_SHARED((NP, D), jnp.float32),
            pltpu.SemaphoreType.DMA((2,)),
            pltpu.SemaphoreType.DMA((2,)),
        ],
    )
    def k(h_hbm, srce_hbm, dste_hbm, p_hbm,
          src_v, dst_v, rows_v, zv2d, acc_sh, gsem, ssem):
        c = lax.axis_index("c")
        s = lax.axis_index("s")
        o = jnp.minimum(s * ZROWS, ZCAP)
        _fill_zeros_2d(zv2d)
        _zero_slice_2d(acc_sh, zv2d, o)
        plsc.subcore_barrier()

        bstart, nbc = _tile_blocks(c, s)

        def gather_desc(bb):
            return pltpu.make_async_copy(
                h_hbm.at[src_v.at[bb]], rows_v.at[bb], gsem.at[bb])

        def scatter_desc(bb):
            return pltpu.make_async_copy(
                rows_v.at[bb], acc_sh.at[dst_v.at[bb]], ssem.at[bb])

        def body(b, carry):
            bb = b % 2
            e0 = (bstart + b) * BLKE

            @pl.when(b >= 2)
            def _():
                scatter_desc(bb).wait()

            pltpu.sync_copy(srce_hbm.at[pl.ds(e0, BLKE)], src_v.at[bb])
            pltpu.sync_copy(dste_hbm.at[pl.ds(e0, BLKE)], dst_v.at[bb])
            gather_desc(bb).start()
            gather_desc(bb).wait()
            scatter_desc(bb).start(add=True)
            return carry

        lax.fori_loop(0, nbc, body, 0)
        for bb in (0, 1):
            scatter_desc(bb).wait()
        plsc.subcore_barrier()
        _copy_out(acc_sh, p_hbm, c, s)

    return k


@functools.lru_cache(maxsize=None)
def _sc_count():
    mesh = plsc.VectorSubcoreMesh(core_axis_name="c", subcore_axis_name="s")

    @functools.partial(
        pl.kernel,
        mesh=mesh,
        compiler_params=pltpu.CompilerParams(use_tc_tiling_on_sc=False),
        out_type=jax.ShapeDtypeStruct((2, N, D), jnp.float32),
        scratch_types=[
            pltpu.VMEM((2, BLKE), jnp.int32),
            pltpu.VMEM((BLKE, D), jnp.float32),
            pltpu.VMEM((ZB, D), jnp.float32),
            pltpu.VMEM_SHARED((NP, D), jnp.float32),
            pltpu.SemaphoreType.DMA((2,)),
        ],
    )
    def k(dste_hbm, cnt_hbm, dst_v, ones_v, zv2d, acc_sh, ssem):
        c = lax.axis_index("c")
        s = lax.axis_index("s")
        o = jnp.minimum(s * ZROWS, ZCAP)
        _fill_zeros_2d(zv2d)
        _zero_slice_2d(acc_sh, zv2d, o)

        def fo(i, carry):
            ones_v[i, :] = jnp.ones((16,), jnp.float32)
            return carry
        lax.fori_loop(0, BLKE, fo, 0)
        plsc.subcore_barrier()

        bstart, nbc = _tile_blocks(c, s)

        def scatter_desc(bb):
            return pltpu.make_async_copy(
                ones_v, acc_sh.at[dst_v.at[bb]], ssem.at[bb])

        def body(b, carry):
            bb = b % 2

            @pl.when(b >= 2)
            def _():
                scatter_desc(bb).wait()

            pltpu.sync_copy(dste_hbm.at[pl.ds((bstart + b) * BLKE, BLKE)],
                            dst_v.at[bb])
            scatter_desc(bb).start(add=True)
            return carry

        lax.fori_loop(0, nbc, body, 0)
        for bb in (0, 1):
            scatter_desc(bb).wait()
        plsc.subcore_barrier()
        _copy_out(acc_sh, cnt_hbm, c, s)

    return k



def _fc1_body(x_ref, w_ref, b_ref, o_ref):
    o_ref[...] = jnp.maximum(
        jnp.dot(x_ref[...], w_ref[...], preferred_element_type=jnp.float32)
        + b_ref[...], 0.0)


def _tc_fc1(x8, W1B, b128):
    return pl.pallas_call(
        _fc1_body,
        grid=(GRID,),
        in_specs=[
            pl.BlockSpec((BR, 1024), lambda i: (i, 0)),
            pl.BlockSpec((1024, 128), lambda i: (0, 0)),
            pl.BlockSpec((1, 128), lambda i: (0, 0)),
        ],
        out_specs=pl.BlockSpec((BR, 128), lambda i: (i, 0)),
        out_shape=jax.ShapeDtypeStruct((RN, 128), jnp.float32),
    )(x8, W1B, b128)


def _mid_body(h1_ref, p_ref, cnt_ref, wl_ref, wr_ref, b1_ref, w2l_ref, w2r_ref,
              y_ref, z_ref):
    inv = 1.0 / jnp.maximum(cnt_ref[0] + cnt_ref[1], 1.0)
    a1 = (p_ref[0] + p_ref[1]) * inv
    h2 = jnp.maximum(
        jnp.dot(a1, wl_ref[...], preferred_element_type=jnp.float32)
        + jnp.dot(h1_ref[...], wr_ref[...], preferred_element_type=jnp.float32)
        + b1_ref[...], 0.0)
    y_ref[...] = jnp.dot(h2, w2l_ref[...], preferred_element_type=jnp.float32)
    z_ref[...] = jnp.dot(h2, w2r_ref[...], preferred_element_type=jnp.float32)


def _tc_mid(h1p, p, cnt, Wl8, Wr8, b18, W2l8, W2r8):
    return pl.pallas_call(
        _mid_body,
        grid=(GRID,),
        in_specs=[
            pl.BlockSpec((BR, 128), lambda i: (i, 0)),
            pl.BlockSpec((2, BR, 128), lambda i: (0, i, 0)),
            pl.BlockSpec((2, BR, 128), lambda i: (0, i, 0)),
            pl.BlockSpec((128, 256), lambda i: (0, 0)),
            pl.BlockSpec((128, 256), lambda i: (0, 0)),
            pl.BlockSpec((1, 256), lambda i: (0, 0)),
            pl.BlockSpec((256, 128), lambda i: (0, 0)),
            pl.BlockSpec((256, 128), lambda i: (0, 0)),
        ],
        out_specs=[
            pl.BlockSpec((BR, 128), lambda i: (i, 0)),
            pl.BlockSpec((BR, 128), lambda i: (i, 0)),
        ],
        out_shape=[
            jax.ShapeDtypeStruct((RN, 128), jnp.float32),
            jax.ShapeDtypeStruct((RN, 128), jnp.float32),
        ],
    )(h1p, p, cnt, Wl8, Wr8, b18, W2l8, W2r8)


def _fin_body(q_ref, cnt_ref, z_ref, b28_ref, w8_ref, b8_ref, o_ref):
    inv = 1.0 / jnp.maximum(cnt_ref[0] + cnt_ref[1], 1.0)
    a2 = (q_ref[0] + q_ref[1]) * inv
    h3 = jnp.maximum(a2 + z_ref[...] + b28_ref[...], 0.0)
    o = jnp.dot(h3, w8_ref[...], preferred_element_type=jnp.float32) + b8_ref[...]
    parts = []
    for k in range(PACK):
        ok = o[:, 3 * k:3 * k + 3]
        g = jax.nn.sigmoid(ok[:, 1:2])
        fsi = jnp.maximum(ok[:, 0:1], 0.0) + g
        mxi = jax.nn.sigmoid(ok[:, 2:3])
        parts.append(jnp.concatenate([fsi, g, mxi], axis=1))
    o_ref[...] = jnp.concatenate(parts, axis=1)


def _tc_fin(q, cnt, z, b28, W8, b8):
    return pl.pallas_call(
        _fin_body,
        grid=(GRID,),
        in_specs=[
            pl.BlockSpec((2, BR, 128), lambda i: (0, i, 0)),
            pl.BlockSpec((2, BR, 128), lambda i: (0, i, 0)),
            pl.BlockSpec((BR, 128), lambda i: (i, 0)),
            pl.BlockSpec((1, 128), lambda i: (0, 0)),
            pl.BlockSpec((128, 24), lambda i: (0, 0)),
            pl.BlockSpec((1, 24), lambda i: (0, 0)),
        ],
        out_specs=pl.BlockSpec((BR, 24), lambda i: (i, 0)),
        out_shape=jax.ShapeDtypeStruct((RN, 24), jnp.float32),
    )(q, cnt, z, b28, W8, b8)



def kernel(x, edge_index, fc1_W, fc1_b, c1_Wl, c1_Wr, c1_b,
           c2_Wl, c2_Wr, c2_b, fc2_W, fc2_b):
    eye8 = jnp.eye(PACK, dtype=jnp.float32)
    W1B = jnp.kron(eye8, fc1_W)
    b128 = jnp.tile(fc1_b, PACK).reshape(1, 128)
    Wl8 = jnp.kron(eye8, c1_Wl)
    Wr8 = jnp.kron(eye8, c1_Wr)
    W2l8 = jnp.kron(eye8, c2_Wl)
    W2r8 = jnp.kron(eye8, c2_Wr)
    W8 = jnp.kron(eye8, fc2_W)
    b18 = jnp.tile(c1_b, PACK).reshape(1, 256)
    b28 = jnp.tile(c2_b, PACK).reshape(1, 128)
    b8 = jnp.tile(fc2_b, PACK).reshape(1, 24)

    srce = edge_index[0]
    dste = edge_index[1]
    cnt = _sc_count()(dste).reshape(2, RN, 128)
    h1p = _tc_fc1(x.reshape(RN, PACK * 128), W1B, b128)
    p = _sc_agg()(h1p.reshape(N, D), srce, dste).reshape(2, RN, 128)
    y2p, z2p = _tc_mid(h1p, p, cnt, Wl8, Wr8, b18, W2l8, W2r8)
    q = _sc_agg()(y2p.reshape(N, D), srce, dste).reshape(2, RN, 128)
    out24 = _tc_fin(q, cnt, z2p, b28, W8, b8)
    return out24.reshape(N, 3)

# --- scband reference (transcript-rebuilt; emitter-appended) ---
"""Pipeline reference for scband-sage-model-55241869361537 (READ-ONLY COPY).

The authoritative reference and input builder live on the scoring server;
editing this copy changes nothing except your own understanding.
"""

import jax, jax.numpy as jnp
import numpy as np

N_NODES = 100000
N_EDGES = 1600000
D_IN = 128
D_OUT = 3


def _sage_conv(x, edge_index, W_l, W_r, b):
    # PyG-style SAGEConv with mean aggregation:
    # out = lin_l(mean_{j in N(i)} x_j) + lin_r(x_i)
    src = edge_index[0]
    dst = edge_index[1]
    msgs = x[src]  # gather: [E, d]
    agg = jax.ops.segment_sum(msgs, dst, num_segments=N_NODES)
    cnt = jax.ops.segment_sum(jnp.ones((src.shape[0], 1), x.dtype), dst, num_segments=N_NODES)
    agg = agg / jnp.clip(cnt, 1.0, None)
    return agg @ W_l + x @ W_r + b


def setup_inputs(seed: int = 0) -> dict:
    key = jax.random.key(seed)
    ks = jax.random.split(key, 12)
    x = jax.random.normal(ks[0], (N_NODES, D_IN), dtype=jnp.float32)
    edge_index = jax.random.randint(ks[1], (2, N_EDGES), 0, N_NODES, dtype=jnp.int32)
    s1 = 1.0 / np.sqrt(D_IN)
    s16 = 1.0 / np.sqrt(16.0)
    s32 = 1.0 / np.sqrt(32.0)
    return {
        "x": x,
        "edge_index": edge_index,
        "fc1_W": jax.random.normal(ks[2], (D_IN, 16), dtype=jnp.float32) * s1,
        "fc1_b": jnp.zeros((16,), dtype=jnp.float32),
        "c1_Wl": jax.random.normal(ks[3], (16, 32), dtype=jnp.float32) * s16,
        "c1_Wr": jax.random.normal(ks[4], (16, 32), dtype=jnp.float32) * s16,
        "c1_b": jnp.zeros((32,), dtype=jnp.float32),
        "c2_Wl": jax.random.normal(ks[5], (32, 16), dtype=jnp.float32) * s32,
        "c2_Wr": jax.random.normal(ks[6], (32, 16), dtype=jnp.float32) * s32,
        "c2_b": jnp.zeros((16,), dtype=jnp.float32),
        "fc2_W": jax.random.normal(ks[7], (16, D_OUT), dtype=jnp.float32) * s16,
        "fc2_b": jnp.zeros((D_OUT,), dtype=jnp.float32),
    }


def reference(x, edge_index, fc1_W, fc1_b, c1_Wl, c1_Wr, c1_b, c2_Wl, c2_Wr, c2_b, fc2_W, fc2_b):
    h = jax.nn.relu(x @ fc1_W + fc1_b)
    h = jax.nn.relu(_sage_conv(h, edge_index, c1_Wl, c1_Wr, c1_b))
    h = jax.nn.relu(_sage_conv(h, edge_index, c2_Wl, c2_Wr, c2_b))
    out = h @ fc2_W + fc2_b
    gsi = jax.nn.sigmoid(out[:, 1])
    mxi = jax.nn.sigmoid(out[:, 2])
    fsi = jax.nn.relu(out[:, 0]) + gsi
    return jnp.stack([fsi, gsi, mxi], axis=1)

if __name__ == "__main__":
    import jax
    _d = setup_inputs()
    print(jax.jit(kernel)(*tuple(_d.values())))

</pallas_src>

<mosaic_0001>
#map = affine_map<(d0, d1) -> (0)>
#map1 = affine_map<(d0, d1) -> (0, 0, 0)>
module attributes {stable_mosaic.version = 14 : i64} {
  func.func @k(%arg0: i32, %arg1: i32, %arg2: memref<1600000xi32, #tpu.memory_space<hbm>>, %arg3: memref<2x100000x16xf32, #tpu.memory_space<hbm>>, %arg4: memref<2x512xi32, #tpu.memory_space<vmem>>, %arg5: memref<512x16xf32, #tpu.memory_space<vmem>>, %arg6: memref<256x16xf32, #tpu.memory_space<vmem>>, %arg7: memref<100008x16xf32, #tpu.memory_space<vmem_shared>>, %arg8: memref<2x!tpu.dma_semaphore, #tpu.memory_space<semaphore_mem>>) attributes {dimension_semantics = [#tpu.dimension_semantics<core_parallel>, #tpu.dimension_semantics<subcore_parallel>], iteration_bounds = array<i64: 2, 16>, scalar_prefetch = 0 : i64, scratch_operands = 5 : i64, tpu.core_type = #tpu.core_type<sc_vector_subcore>, window_params = [{transform_indices = #map}, {transform_indices = #map1}]} {
    %mul3A = arith.constant 6256 : i32
    %mul3A_0 = arith.muli %arg1, %mul3A : i32
    %min3A = arith.constant 93744 : i32
    %min3A_1 = arith.minsi %mul3A_0, %min3A : i32
    %scan3A = arith.constant 0 : i32
    %scan3A_2 = arith.constant 0 : i32
    %scan3A_3 = arith.constant 256 : i32
    %scan3A_4 = arith.addi %scan3A_2, %scan3A_3 : i32
    %scan3A_5 = arith.constant 1 : i32
    scf.for %scan3A_113 = %scan3A_2 to %scan3A_4 step %scan3A_5  : i32 {
      %broadcast_in_dim3A = arith.constant 0.000000e+00 : f32
      %broadcast_in_dim3A_114 = vector.broadcast %broadcast_in_dim3A : f32 to vector<16xf32>
      %swap3A = arith.index_cast %scan3A_113 : i32 to index
      %swap3A_115 = arith.constant 0 : index
      %swap3A_116 = tpu.vector_load %arg6[%swap3A, %swap3A_115] {strides = array<i32>} : memref<256x16xf32, #tpu.memory_space<vmem>>, vector<1x16xf32>,
      %swap3A_117 = vector.shape_cast %swap3A_116 : vector<1x16xf32> to vector<16xf32>
      %swap3A_118 = vector.shape_cast %broadcast_in_dim3A_114 : vector<16xf32> to vector<1x16xf32>
      tpu.vector_store %arg6[%swap3A, %swap3A_115], %swap3A_118 {strides = array<i32>} : memref<256x16xf32, #tpu.memory_space<vmem>>, vector<1x16xf32>,
    }
    %scan3A_6 = arith.constant 256 : i32
    %add3A = arith.constant 0 : i32
    %add3A_7 = arith.addi %min3A_1, %add3A : i32
    "tpu.region"() ({
      %run_scoped3A = tpu.sem_alloc : memref<!tpu.dma_semaphore, #tpu.memory_space<semaphore_mem>>
      %dma_start3A = arith.constant 0 : i32
      %dma_start3A_113 = tpu.memref_slice %arg7[%add3A_7, %dma_start3A] : memref<100008x16xf32, #tpu.memory_space<vmem_shared>> -> memref<256x16xf32, #tpu.memory_space<vmem_shared>>
      %dma_start3A_114 = arith.constant 0 : i32
      %dma_start3A_115 = tpu.memref_slice %arg7[%add3A_7, %dma_start3A_114] : memref<100008x16xf32, #tpu.memory_space<vmem_shared>> -> memref<256x16xf32, #tpu.memory_space<vmem_shared>>
      tpu.enqueue_dma source(%arg6 : memref<256x16xf32, #tpu.memory_space<vmem>>) target(%dma_start3A_115 : memref<256x16xf32, #tpu.memory_space<vmem_shared>>) target_semaphore(%run_scoped3A : memref<!tpu.dma_semaphore, #tpu.memory_space<semaphore_mem>>)
      %dma_wait3A_116 = arith.constant 0 : i32
      %dma_wait3A_117 = tpu.memref_slice %arg7[%add3A_7, %dma_wait3A_116] : memref<100008x16xf32, #tpu.memory_space<vmem_shared>> -> memref<256x16xf32, #tpu.memory_space<vmem_shared>>
      %dma_wait3A_118 = arith.constant 0 : i32
      %dma_wait3A_119 = tpu.memref_slice %arg7[%add3A_7, %dma_wait3A_118] : memref<100008x16xf32, #tpu.memory_space<vmem_shared>> -> memref<256x16xf32, #tpu.memory_space<vmem_shared>>
      tpu.wait_dma2 semaphore(%run_scoped3A : memref<!tpu.dma_semaphore, #tpu.memory_space<semaphore_mem>>) src(%arg6 : memref<256x16xf32, #tpu.memory_space<vmem>>) dst(%dma_wait3A_119 : memref<256x16xf32, #tpu.memory_space<vmem_shared>>)
      tpu.yield
    }) : () -> ()
    %add3A_8 = arith.constant 256 : i32
    %add3A_9 = arith.addi %min3A_1, %add3A_8 : i32
    "tpu.region"() ({
      %run_scoped3A = tpu.sem_alloc : memref<!tpu.dma_semaphore, #tpu.memory_space<semaphore_mem>>
      %dma_start3A = arith.constant 0 : i32
      %dma_start3A_113 = tpu.memref_slice %arg7[%add3A_9, %dma_start3A] : memref<100008x16xf32, #tpu.memory_space<vmem_shared>> -> memref<256x16xf32, #tpu.memory_space<vmem_shared>>
      %dma_start3A_114 = arith.constant 0 : i32
      %dma_start3A_115 = tpu.memref_slice %arg7[%add3A_9, %dma_start3A_114] : memref<100008x16xf32, #tpu.memory_space<vmem_shared>> -> memref<256x16xf32, #tpu.memory_space<vmem_shared>>
      tpu.enqueue_dma source(%arg6 : memref<256x16xf32, #tpu.memory_space<vmem>>) target(%dma_start3A_115 : memref<256x16xf32, #tpu.memory_space<vmem_shared>>) target_semaphore(%run_scoped3A : memref<!tpu.dma_semaphore, #tpu.memory_space<semaphore_mem>>)
      %dma_wait3A_116 = arith.constant 0 : i32
      %dma_wait3A_117 = tpu.memref_slice %arg7[%add3A_9, %dma_wait3A_116] : memref<100008x16xf32, #tpu.memory_space<vmem_shared>> -> memref<256x16xf32, #tpu.memory_space<vmem_shared>>
      %dma_wait3A_118 = arith.constant 0 : i32
      %dma_wait3A_119 = tpu.memref_slice %arg7[%add3A_9, %dma_wait3A_118] : memref<100008x16xf32, #tpu.memory_space<vmem_shared>> -> memref<256x16xf32, #tpu.memory_space<vmem_shared>>
      tpu.wait_dma2 semaphore(%run_scoped3A : memref<!tpu.dma_semaphore, #tpu.memory_space<semaphore_mem>>) src(%arg6 : memref<256x16xf32, #tpu.memory_space<vmem>>) dst(%dma_wait3A_119 : memref<256x16xf32, #tpu.memory_space<vmem_shared>>)
      tpu.yield
    }) : () -> ()
    %add3A_10 = arith.constant 512 : i32
    %add3A_11 = arith.addi %min3A_1, %add3A_10 : i32
    "tpu.region"() ({
      %run_scoped3A = tpu.sem_alloc : memref<!tpu.dma_semaphore, #tpu.memory_space<semaphore_mem>>
      %dma_start3A = arith.constant 0 : i32
      %dma_start3A_113 = tpu.memref_slice %arg7[%add3A_11, %dma_start3A] : memref<100008x16xf32, #tpu.memory_space<vmem_shared>> -> memref<256x16xf32, #tpu.memory_space<vmem_shared>>
      %dma_start3A_114 = arith.constant 0 : i32
      %dma_start3A_115 = tpu.memref_slice %arg7[%add3A_11, %dma_start3A_114] : memref<100008x16xf32, #tpu.memory_space<vmem_shared>> -> memref<256x16xf32, #tpu.memory_space<vmem_shared>>
      tpu.enqueue_dma source(%arg6 : memref<256x16xf32, #tpu.memory_space<vmem>>) target(%dma_start3A_115 : memref<256x16xf32, #tpu.memory_space<vmem_shared>>) target_semaphore(%run_scoped3A : memref<!tpu.dma_semaphore, #tpu.memory_space<semaphore_mem>>)
      %dma_wait3A_116 = arith.constant 0 : i32
      %dma_wait3A_117 = tpu.memref_slice %arg7[%add3A_11, %dma_wait3A_116] : memref<100008x16xf32, #tpu.memory_space<vmem_shared>> -> memref<256x16xf32, #tpu.memory_space<vmem_shared>>
      %dma_wait3A_118 = arith.constant 0 : i32
      %dma_wait3A_119 = tpu.memref_slice %arg7[%add3A_11, %dma_wait3A_118] : memref<100008x16xf32, #tpu.memory_space<vmem_shared>> -> memref<256x16xf32, #tpu.memory_space<vmem_shared>>
      tpu.wait_dma2 semaphore(%run_scoped3A : memref<!tpu.dma_semaphore, #tpu.memory_space<semaphore_mem>>) src(%arg6 : memref<256x16xf32, #tpu.memory_space<vmem>>) dst(%dma_wait3A_119 : memref<256x16xf32, #tpu.memory_space<vmem_shared>>)
      tpu.yield
    }) : () -> ()
    %add3A_12 = arith.constant 768 : i32
    %add3A_13 = arith.addi %min3A_1, %add3A_12 : i32
    "tpu.region"() ({
      %run_scoped3A = tpu.sem_alloc : memref<!tpu.dma_semaphore, #tpu.memory_space<semaphore_mem>>
      %dma_start3A = arith.constant 0 : i32
      %dma_start3A_113 = tpu.memref_slice %arg7[%add3A_13, %dma_start3A] : memref<100008x16xf32, #tpu.memory_space<vmem_shared>> -> memref<256x16xf32, #tpu.memory_space<vmem_shared>>
      %dma_start3A_114 = arith.constant 0 : i32
      %dma_start3A_115 = tpu.memref_slice %arg7[%add3A_13, %dma_start3A_114] : memref<100008x16xf32, #tpu.memory_space<vmem_shared>> -> memref<256x16xf32, #tpu.memory_space<vmem_shared>>
      tpu.enqueue_dma source(%arg6 : memref<256x16xf32, #tpu.memory_space<vmem>>) target(%dma_start3A_115 : memref<256x16xf32, #tpu.memory_space<vmem_shared>>) target_semaphore(%run_scoped3A : memref<!tpu.dma_semaphore, #tpu.memory_space<semaphore_mem>>)
      %dma_wait3A_116 = arith.constant 0 : i32
      %dma_wait3A_117 = tpu.memref_slice %arg7[%add3A_13, %dma_wait3A_116] : memref<100008x16xf32, #tpu.memory_space<vmem_shared>> -> memref<256x16xf32, #tpu.memory_space<vmem_shared>>
      %dma_wait3A_118 = arith.constant 0 : i32
      %dma_wait3A_119 = tpu.memref_slice %arg7[%add3A_13, %dma_wait3A_118] : memref<100008x16xf32, #tpu.memory_space<vmem_shared>> -> memref<256x16xf32, #tpu.memory_space<vmem_shared>>
      tpu.wait_dma2 semaphore(%run_scoped3A : memref<!tpu.dma_semaphore, #tpu.memory_space<semaphore_mem>>) src(%arg6 : memref<256x16xf32, #tpu.memory_space<vmem>>) dst(%dma_wait3A_119 : memref<256x16xf32, #tpu.memory_space<vmem_shared>>)
      tpu.yield
    }) : () -> ()
    %add3A_14 = arith.constant 1024 : i32
    %add3A_15 = arith.addi %min3A_1, %add3A_14 : i32
    "tpu.region"() ({
      %run_scoped3A = tpu.sem_alloc : memref<!tpu.dma_semaphore, #tpu.memory_space<semaphore_mem>>
      %dma_start3A = arith.constant 0 : i32
      %dma_start3A_113 = tpu.memref_slice %arg7[%add3A_15, %dma_start3A] : memref<100008x16xf32, #tpu.memory_space<vmem_shared>> -> memref<256x16xf32, #tpu.memory_space<vmem_shared>>
      %dma_start3A_114 = arith.constant 0 : i32
      %dma_start3A_115 = tpu.memref_slice %arg7[%add3A_15, %dma_start3A_114] : memref<100008x16xf32, #tpu.memory_space<vmem_shared>> -> memref<256x16xf32, #tpu.memory_space<vmem_shared>>
      tpu.enqueue_dma source(%arg6 : memref<256x16xf32, #tpu.memory_space<vmem>>) target(%dma_start3A_115 : memref<256x16xf32, #tpu.memory_space<vmem_shared>>) target_semaphore(%run_scoped3A : memref<!tpu.dma_semaphore, #tpu.memory_space<semaphore_mem>>)
      %dma_wait3A_116 = arith.constant 0 : i32
      %dma_wait3A_117 = tpu.memref_slice %arg7[%add3A_15, %dma_wait3A_116] : memref<100008x16xf32, #tpu.memory_space<vmem_shared>> -> memref<256x16xf32, #tpu.memory_space<vmem_shared>>
      %dma_wait3A_118 = arith.constant 0 : i32
      %dma_wait3A_119 = tpu.memref_slice %arg7[%add3A_15, %dma_wait3A_118] : memref<100008x16xf32, #tpu.memory_space<vmem_shared>> -> memref<256x16xf32, #tpu.memory_space<vmem_shared>>
      tpu.wait_dma2 semaphore(%run_scoped3A : memref<!tpu.dma_semaphore, #tpu.memory_space<semaphore_mem>>) src(%arg6 : memref<256x16xf32, #tpu.memory_space<vmem>>) dst(%dma_wait3A_119 : memref<256x16xf32, #tpu.memory_space<vmem_shared>>)
      tpu.yield
    }) : () -> ()
    %add3A_16 = arith.constant 1280 : i32
    %add3A_17 = arith.addi %min3A_1, %add3A_16 : i32
    "tpu.region"() ({
      %run_scoped3A = tpu.sem_alloc : memref<!tpu.dma_semaphore, #tpu.memory_space<semaphore_mem>>
      %dma_start3A = arith.constant 0 : i32
      %dma_start3A_113 = tpu.memref_slice %arg7[%add3A_17, %dma_start3A] : memref<100008x16xf32, #tpu.memory_space<vmem_shared>> -> memref<256x16xf32, #tpu.memory_space<vmem_shared>>
      %dma_start3A_114 = arith.constant 0 : i32
      %dma_start3A_115 = tpu.memref_slice %arg7[%add3A_17, %dma_start3A_114] : memref<100008x16xf32, #tpu.memory_space<vmem_shared>> -> memref<256x16xf32, #tpu.memory_space<vmem_shared>>
      tpu.enqueue_dma source(%arg6 : memref<256x16xf32, #tpu.memory_space<vmem>>) target(%dma_start3A_115 : memref<256x16xf32, #tpu.memory_space<vmem_shared>>) target_semaphore(%run_scoped3A : memref<!tpu.dma_semaphore, #tpu.memory_space<semaphore_mem>>)
      %dma_wait3A_116 = arith.constant 0 : i32
      %dma_wait3A_117 = tpu.memref_slice %arg7[%add3A_17, %dma_wait3A_116] : memref<100008x16xf32, #tpu.memory_space<vmem_shared>> -> memref<256x16xf32, #tpu.memory_space<vmem_shared>>
      %dma_wait3A_118 = arith.constant 0 : i32
      %dma_wait3A_119 = tpu.memref_slice %arg7[%add3A_17, %dma_wait3A_118] : memref<100008x16xf32, #tpu.memory_space<vmem_shared>> -> memref<256x16xf32, #tpu.memory_space<vmem_shared>>
      tpu.wait_dma2 semaphore(%run_scoped3A : memref<!tpu.dma_semaphore, #tpu.memory_space<semaphore_mem>>) src(%arg6 : memref<256x16xf32, #tpu.memory_space<vmem>>) dst(%dma_wait3A_119 : memref<256x16xf32, #tpu.memory_space<vmem_shared>>)
      tpu.yield
    }) : () -> ()
    %add3A_18 = arith.constant 1536 : i32
    %add3A_19 = arith.addi %min3A_1, %add3A_18 : i32
    "tpu.region"() ({
      %run_scoped3A = tpu.sem_alloc : memref<!tpu.dma_semaphore, #tpu.memory_space<semaphore_mem>>
      %dma_start3A = arith.constant 0 : i32
      %dma_start3A_113 = tpu.memref_slice %arg7[%add3A_19, %dma_start3A] : memref<100008x16xf32, #tpu.memory_space<vmem_shared>> -> memref<256x16xf32, #tpu.memory_space<vmem_shared>>
      %dma_start3A_114 = arith.constant 0 : i32
      %dma_start3A_115 = tpu.memref_slice %arg7[%add3A_19, %dma_start3A_114] : memref<100008x16xf32, #tpu.memory_space<vmem_shared>> -> memref<256x16xf32, #tpu.memory_space<vmem_shared>>
      tpu.enqueue_dma source(%arg6 : memref<256x16xf32, #tpu.memory_space<vmem>>) target(%dma_start3A_115 : memref<256x16xf32, #tpu.memory_space<vmem_shared>>) target_semaphore(%run_scoped3A : memref<!tpu.dma_semaphore, #tpu.memory_space<semaphore_mem>>)
      %dma_wait3A_116 = arith.constant 0 : i32
      %dma_wait3A_117 = tpu.memref_slice %arg7[%add3A_19, %dma_wait3A_116] : memref<100008x16xf32, #tpu.memory_space<vmem_shared>> -> memref<256x16xf32, #tpu.memory_space<vmem_shared>>
      %dma_wait3A_118 = arith.constant 0 : i32
      %dma_wait3A_119 = tpu.memref_slice %arg7[%add3A_19, %dma_wait3A_118] : memref<100008x16xf32, #tpu.memory_space<vmem_shared>> -> memref<256x16xf32, #tpu.memory_space<vmem_shared>>
      tpu.wait_dma2 semaphore(%run_scoped3A : memref<!tpu.dma_semaphore, #tpu.memory_space<semaphore_mem>>) src(%arg6 : memref<256x16xf32, #tpu.memory_space<vmem>>) dst(%dma_wait3A_119 : memref<256x16xf32, #tpu.memory_space<vmem_shared>>)
      tpu.yield
    }) : () -> ()
    %add3A_20 = arith.constant 1792 : i32
    %add3A_21 = arith.addi %min3A_1, %add3A_20 : i32
    "tpu.region"() ({
      %run_scoped3A = tpu.sem_alloc : memref<!tpu.dma_semaphore, #tpu.memory_space<semaphore_mem>>
      %dma_start3A = arith.constant 0 : i32
      %dma_start3A_113 = tpu.memref_slice %arg7[%add3A_21, %dma_start3A] : memref<100008x16xf32, #tpu.memory_space<vmem_shared>> -> memref<256x16xf32, #tpu.memory_space<vmem_shared>>
      %dma_start3A_114 = arith.constant 0 : i32
      %dma_start3A_115 = tpu.memref_slice %arg7[%add3A_21, %dma_start3A_114] : memref<100008x16xf32, #tpu.memory_space<vmem_shared>> -> memref<256x16xf32, #tpu.memory_space<vmem_shared>>
      tpu.enqueue_dma source(%arg6 : memref<256x16xf32, #tpu.memory_space<vmem>>) target(%dma_start3A_115 : memref<256x16xf32, #tpu.memory_space<vmem_shared>>) target_semaphore(%run_scoped3A : memref<!tpu.dma_semaphore, #tpu.memory_space<semaphore_mem>>)
      %dma_wait3A_116 = arith.constant 0 : i32
      %dma_wait3A_117 = tpu.memref_slice %arg7[%add3A_21, %dma_wait3A_116] : memref<100008x16xf32, #tpu.memory_space<vmem_shared>> -> memref<256x16xf32, #tpu.memory_space<vmem_shared>>
      %dma_wait3A_118 = arith.constant 0 : i32
      %dma_wait3A_119 = tpu.memref_slice %arg7[%add3A_21, %dma_wait3A_118] : memref<100008x16xf32, #tpu.memory_space<vmem_shared>> -> memref<256x16xf32, #tpu.memory_space<vmem_shared>>
      tpu.wait_dma2 semaphore(%run_scoped3A : memref<!tpu.dma_semaphore, #tpu.memory_space<semaphore_mem>>) src(%arg6 : memref<256x16xf32, #tpu.memory_space<vmem>>) dst(%dma_wait3A_119 : memref<256x16xf32, #tpu.memory_space<vmem_shared>>)
      tpu.yield
    }) : () -> ()
    %add3A_22 = arith.constant 2048 : i32
    %add3A_23 = arith.addi %min3A_1, %add3A_22 : i32
    "tpu.region"() ({
      %run_scoped3A = tpu.sem_alloc : memref<!tpu.dma_semaphore, #tpu.memory_space<semaphore_mem>>
      %dma_start3A = arith.constant 0 : i32
      %dma_start3A_113 = tpu.memref_slice %arg7[%add3A_23, %dma_start3A] : memref<100008x16xf32, #tpu.memory_space<vmem_shared>> -> memref<256x16xf32, #tpu.memory_space<vmem_shared>>
      %dma_start3A_114 = arith.constant 0 : i32
      %dma_start3A_115 = tpu.memref_slice %arg7[%add3A_23, %dma_start3A_114] : memref<100008x16xf32, #tpu.memory_space<vmem_shared>> -> memref<256x16xf32, #tpu.memory_space<vmem_shared>>
      tpu.enqueue_dma source(%arg6 : memref<256x16xf32, #tpu.memory_space<vmem>>) target(%dma_start3A_115 : memref<256x16xf32, #tpu.memory_space<vmem_shared>>) target_semaphore(%run_scoped3A : memref<!tpu.dma_semaphore, #tpu.memory_space<semaphore_mem>>)
      %dma_wait3A_116 = arith.constant 0 : i32
      %dma_wait3A_117 = tpu.memref_slice %arg7[%add3A_23, %dma_wait3A_116] : memref<100008x16xf32, #tpu.memory_space<vmem_shared>> -> memref<256x16xf32, #tpu.memory_space<vmem_shared>>
      %dma_wait3A_118 = arith.constant 0 : i32
      %dma_wait3A_119 = tpu.memref_slice %arg7[%add3A_23, %dma_wait3A_118] : memref<100008x16xf32, #tpu.memory_space<vmem_shared>> -> memref<256x16xf32, #tpu.memory_space<vmem_shared>>
      tpu.wait_dma2 semaphore(%run_scoped3A : memref<!tpu.dma_semaphore, #tpu.memory_space<semaphore_mem>>) src(%arg6 : memref<256x16xf32, #tpu.memory_space<vmem>>) dst(%dma_wait3A_119 : memref<256x16xf32, #tpu.memory_space<vmem_shared>>)
      tpu.yield
    }) : () -> ()
    %add3A_24 = arith.constant 2304 : i32
    %add3A_25 = arith.addi %min3A_1, %add3A_24 : i32
    "tpu.region"() ({
      %run_scoped3A = tpu.sem_alloc : memref<!tpu.dma_semaphore, #tpu.memory_space<semaphore_mem>>
      %dma_start3A = arith.constant 0 : i32
      %dma_start3A_113 = tpu.memref_slice %arg7[%add3A_25, %dma_start3A] : memref<100008x16xf32, #tpu.memory_space<vmem_shared>> -> memref<256x16xf32, #tpu.memory_space<vmem_shared>>
      %dma_start3A_114 = arith.constant 0 : i32
      %dma_start3A_115 = tpu.memref_slice %arg7[%add3A_25, %dma_start3A_114] : memref<100008x16xf32, #tpu.memory_space<vmem_shared>> -> memref<256x16xf32, #tpu.memory_space<vmem_shared>>
      tpu.enqueue_dma source(%arg6 : memref<256x16xf32, #tpu.memory_space<vmem>>) target(%dma_start3A_115 : memref<256x16xf32, #tpu.memory_space<vmem_shared>>) target_semaphore(%run_scoped3A : memref<!tpu.dma_semaphore, #tpu.memory_space<semaphore_mem>>)
      %dma_wait3A_116 = arith.constant 0 : i32
      %dma_wait3A_117 = tpu.memref_slice %arg7[%add3A_25, %dma_wait3A_116] : memref<100008x16xf32, #tpu.memory_space<vmem_shared>> -> memref<256x16xf32, #tpu.memory_space<vmem_shared>>
      %dma_wait3A_118 = arith.constant 0 : i32
      %dma_wait3A_119 = tpu.memref_slice %arg7[%add3A_25, %dma_wait3A_118] : memref<100008x16xf32, #tpu.memory_space<vmem_shared>> -> memref<256x16xf32, #tpu.memory_space<vmem_shared>>
      tpu.wait_dma2 semaphore(%run_scoped3A : memref<!tpu.dma_semaphore, #tpu.memory_space<semaphore_mem>>) src(%arg6 : memref<256x16xf32, #tpu.memory_space<vmem>>) dst(%dma_wait3A_119 : memref<256x16xf32, #tpu.memory_space<vmem_shared>>)
      tpu.yield
    }) : () -> ()
    %add3A_26 = arith.constant 2560 : i32
    %add3A_27 = arith.addi %min3A_1, %add3A_26 : i32
    "tpu.region"() ({
      %run_scoped3A = tpu.sem_alloc : memref<!tpu.dma_semaphore, #tpu.memory_space<semaphore_mem>>
      %dma_start3A = arith.constant 0 : i32
      %dma_start3A_113 = tpu.memref_slice %arg7[%add3A_27, %dma_start3A] : memref<100008x16xf32, #tpu.memory_space<vmem_shared>> -> memref<256x16xf32, #tpu.memory_space<vmem_shared>>
      %dma_start3A_114 = arith.constant 0 : i32
      %dma_start3A_115 = tpu.memref_slice %arg7[%add3A_27, %dma_start3A_114] : memref<100008x16xf32, #tpu.memory_space<vmem_shared>> -> memref<256x16xf32, #tpu.memory_space<vmem_shared>>
      tpu.enqueue_dma source(%arg6 : memref<256x16xf32, #tpu.memory_space<vmem>>) target(%dma_start3A_115 : memref<256x16xf32, #tpu.memory_space<vmem_shared>>) target_semaphore(%run_scoped3A : memref<!tpu.dma_semaphore, #tpu.memory_space<semaphore_mem>>)
      %dma_wait3A_116 = arith.constant 0 : i32
      %dma_wait3A_117 = tpu.memref_slice %arg7[%add3A_27, %dma_wait3A_116] : memref<100008x16xf32, #tpu.memory_space<vmem_shared>> -> memref<256x16xf32, #tpu.memory_space<vmem_shared>>
      %dma_wait3A_118 = arith.constant 0 : i32
      %dma_wait3A_119 = tpu.memref_slice %arg7[%add3A_27, %dma_wait3A_118] : memref<100008x16xf32, #tpu.memory_space<vmem_shared>> -> memref<256x16xf32, #tpu.memory_space<vmem_shared>>
      tpu.wait_dma2 semaphore(%run_scoped3A : memref<!tpu.dma_semaphore, #tpu.memory_space<semaphore_mem>>) src(%arg6 : memref<256x16xf32, #tpu.memory_space<vmem>>) dst(%dma_wait3A_119 : memref<256x16xf32, #tpu.memory_space<vmem_shared>>)
      tpu.yield
    }) : () -> ()
    %add3A_28 = arith.constant 2816 : i32
    %add3A_29 = arith.addi %min3A_1, %add3A_28 : i32
    "tpu.region"() ({
      %run_scoped3A = tpu.sem_alloc : memref<!tpu.dma_semaphore, #tpu.memory_space<semaphore_mem>>
      %dma_start3A = arith.constant 0 : i32
      %dma_start3A_113 = tpu.memref_slice %arg7[%add3A_29, %dma_start3A] : memref<100008x16xf32, #tpu.memory_space<vmem_shared>> -> memref<256x16xf32, #tpu.memory_space<vmem_shared>>
      %dma_start3A_114 = arith.constant 0 : i32
      %dma_start3A_115 = tpu.memref_slice %arg7[%add3A_29, %dma_start3A_114] : memref<100008x16xf32, #tpu.memory_space<vmem_shared>> -> memref<256x16xf32, #tpu.memory_space<vmem_shared>>
      tpu.enqueue_dma source(%arg6 : memref<256x16xf32, #tpu.memory_space<vmem>>) target(%dma_start3A_115 : memref<256x16xf32, #tpu.memory_space<vmem_shared>>) target_semaphore(%run_scoped3A : memref<!tpu.dma_semaphore, #tpu.memory_space<semaphore_mem>>)
      %dma_wait3A_116 = arith.constant 0 : i32
      %dma_wait3A_117 = tpu.memref_slice %arg7[%add3A_29, %dma_wait3A_116] : memref<100008x16xf32, #tpu.memory_space<vmem_shared>> -> memref<256x16xf32, #tpu.memory_space<vmem_shared>>
      %dma_wait3A_118 = arith.constant 0 : i32
      %dma_wait3A_119 = tpu.memref_slice %arg7[%add3A_29, %dma_wait3A_118] : memref<100008x16xf32, #tpu.memory_space<vmem_shared>> -> memref<256x16xf32, #tpu.memory_space<vmem_shared>>
      tpu.wait_dma2 semaphore(%run_scoped3A : memref<!tpu.dma_semaphore, #tpu.memory_space<semaphore_mem>>) src(%arg6 : memref<256x16xf32, #tpu.memory_space<vmem>>) dst(%dma_wait3A_119 : memref<256x16xf32, #tpu.memory_space<vmem_shared>>)
      tpu.yield
    }) : () -> ()
    %add3A_30 = arith.constant 3072 : i32
    %add3A_31 = arith.addi %min3A_1, %add3A_30 : i32
    "tpu.region"() ({
      %run_scoped3A = tpu.sem_alloc : memref<!tpu.dma_semaphore, #tpu.memory_space<semaphore_mem>>
      %dma_start3A = arith.constant 0 : i32
      %dma_start3A_113 = tpu.memref_slice %arg7[%add3A_31, %dma_start3A] : memref<100008x16xf32, #tpu.memory_space<vmem_shared>> -> memref<256x16xf32, #tpu.memory_space<vmem_shared>>
      %dma_start3A_114 = arith.constant 0 : i32
      %dma_start3A_115 = tpu.memref_slice %arg7[%add3A_31, %dma_start3A_114] : memref<100008x16xf32, #tpu.memory_space<vmem_shared>> -> memref<256x16xf32, #tpu.memory_space<vmem_shared>>
      tpu.enqueue_dma source(%arg6 : memref<256x16xf32, #tpu.memory_space<vmem>>) target(%dma_start3A_115 : memref<256x16xf32, #tpu.memory_space<vmem_shared>>) target_semaphore(%run_scoped3A : memref<!tpu.dma_semaphore, #tpu.memory_space<semaphore_mem>>)
      %dma_wait3A_116 = arith.constant 0 : i32
      %dma_wait3A_117 = tpu.memref_slice %arg7[%add3A_31, %dma_wait3A_116] : memref<100008x16xf32, #tpu.memory_space<vmem_shared>> -> memref<256x16xf32, #tpu.memory_space<vmem_shared>>
      %dma_wait3A_118 = arith.constant 0 : i32
      %dma_wait3A_119 = tpu.memref_slice %arg7[%add3A_31, %dma_wait3A_118] : memref<100008x16xf32, #tpu.memory_space<vmem_shared>> -> memref<256x16xf32, #tpu.memory_space<vmem_shared>>
      tpu.wait_dma2 semaphore(%run_scoped3A : memref<!tpu.dma_semaphore, #tpu.memory_space<semaphore_mem>>) src(%arg6 : memref<256x16xf32, #tpu.memory_space<vmem>>) dst(%dma_wait3A_119 : memref<256x16xf32, #tpu.memory_space<vmem_shared>>)
      tpu.yield
    }) : () -> ()
    %add3A_32 = arith.constant 3328 : i32
    %add3A_33 = arith.addi %min3A_1, %add3A_32 : i32
    "tpu.region"() ({
      %run_scoped3A = tpu.sem_alloc : memref<!tpu.dma_semaphore, #tpu.memory_space<semaphore_mem>>
      %dma_start3A = arith.constant 0 : i32
      %dma_start3A_113 = tpu.memref_slice %arg7[%add3A_33, %dma_start3A] : memref<100008x16xf32, #tpu.memory_space<vmem_shared>> -> memref<256x16xf32, #tpu.memory_space<vmem_shared>>
      %dma_start3A_114 = arith.constant 0 : i32
      %dma_start3A_115 = tpu.memref_slice %arg7[%add3A_33, %dma_start3A_114] : memref<100008x16xf32, #tpu.memory_space<vmem_shared>> -> memref<256x16xf32, #tpu.memory_space<vmem_shared>>
      tpu.enqueue_dma source(%arg6 : memref<256x16xf32, #tpu.memory_space<vmem>>) target(%dma_start3A_115 : memref<256x16xf32, #tpu.memory_space<vmem_shared>>) target_semaphore(%run_scoped3A : memref<!tpu.dma_semaphore, #tpu.memory_space<semaphore_mem>>)
      %dma_wait3A_116 = arith.constant 0 : i32
      %dma_wait3A_117 = tpu.memref_slice %arg7[%add3A_33, %dma_wait3A_116] : memref<100008x16xf32, #tpu.memory_space<vmem_shared>> -> memref<256x16xf32, #tpu.memory_space<vmem_shared>>
      %dma_wait3A_118 = arith.constant 0 : i32
      %dma_wait3A_119 = tpu.memref_slice %arg7[%add3A_33, %dma_wait3A_118] : memref<100008x16xf32, #tpu.memory_space<vmem_shared>> -> memref<256x16xf32, #tpu.memory_space<vmem_shared>>
      tpu.wait_dma2 semaphore(%run_scoped3A : memref<!tpu.dma_semaphore, #tpu.memory_space<semaphore_mem>>) src(%arg6 : memref<256x16xf32, #tpu.memory_space<vmem>>) dst(%dma_wait3A_119 : memref<256x16xf32, #tpu.memory_space<vmem_shared>>)
      tpu.yield
    }) : () -> ()
    %add3A_34 = arith.constant 3584 : i32
    %add3A_35 = arith.addi %min3A_1, %add3A_34 : i32
    "tpu.region"() ({
      %run_scoped3A = tpu.sem_alloc : memref<!tpu.dma_semaphore, #tpu.memory_space<semaphore_mem>>
      %dma_start3A = arith.constant 0 : i32
      %dma_start3A_113 = tpu.memref_slice %arg7[%add3A_35, %dma_start3A] : memref<100008x16xf32, #tpu.memory_space<vmem_shared>> -> memref<256x16xf32, #tpu.memory_space<vmem_shared>>
      %dma_start3A_114 = arith.constant 0 : i32
      %dma_start3A_115 = tpu.memref_slice %arg7[%add3A_35, %dma_start3A_114] : memref<100008x16xf32, #tpu.memory_space<vmem_shared>> -> memref<256x16xf32, #tpu.memory_space<vmem_shared>>
      tpu.enqueue_dma source(%arg6 : memref<256x16xf32, #tpu.memory_space<vmem>>) target(%dma_start3A_115 : memref<256x16xf32, #tpu.memory_space<vmem_shared>>) target_semaphore(%run_scoped3A : memref<!tpu.dma_semaphore, #tpu.memory_space<semaphore_mem>>)
      %dma_wait3A_116 = arith.constant 0 : i32
      %dma_wait3A_117 = tpu.memref_slice %arg7[%add3A_35, %dma_wait3A_116] : memref<100008x16xf32, #tpu.memory_space<vmem_shared>> -> memref<256x16xf32, #tpu.memory_space<vmem_shared>>
      %dma_wait3A_118 = arith.constant 0 : i32
      %dma_wait3A_119 = tpu.memref_slice %arg7[%add3A_35, %dma_wait3A_118] : memref<100008x16xf32, #tpu.memory_space<vmem_shared>> -> memref<256x16xf32, #tpu.memory_space<vmem_shared>>
      tpu.wait_dma2 semaphore(%run_scoped3A : memref<!tpu.dma_semaphore, #tpu.memory_space<semaphore_mem>>) src(%arg6 : memref<256x16xf32, #tpu.memory_space<vmem>>) dst(%dma_wait3A_119 : memref<256x16xf32, #tpu.memory_space<vmem_shared>>)
      tpu.yield
    }) : () -> ()
    %add3A_36 = arith.constant 3840 : i32
    %add3A_37 = arith.addi %min3A_1, %add3A_36 : i32
    "tpu.region"() ({
      %run_scoped3A = tpu.sem_alloc : memref<!tpu.dma_semaphore, #tpu.memory_space<semaphore_mem>>
      %dma_start3A = arith.constant 0 : i32
      %dma_start3A_113 = tpu.memref_slice %arg7[%add3A_37, %dma_start3A] : memref<100008x16xf32, #tpu.memory_space<vmem_shared>> -> memref<256x16xf32, #tpu.memory_space<vmem_shared>>
      %dma_start3A_114 = arith.constant 0 : i32
      %dma_start3A_115 = tpu.memref_slice %arg7[%add3A_37, %dma_start3A_114] : memref<100008x16xf32, #tpu.memory_space<vmem_shared>> -> memref<256x16xf32, #tpu.memory_space<vmem_shared>>
      tpu.enqueue_dma source(%arg6 : memref<256x16xf32, #tpu.memory_space<vmem>>) target(%dma_start3A_115 : memref<256x16xf32, #tpu.memory_space<vmem_shared>>) target_semaphore(%run_scoped3A : memref<!tpu.dma_semaphore, #tpu.memory_space<semaphore_mem>>)
      %dma_wait3A_116 = arith.constant 0 : i32
      %dma_wait3A_117 = tpu.memref_slice %arg7[%add3A_37, %dma_wait3A_116] : memref<100008x16xf32, #tpu.memory_space<vmem_shared>> -> memref<256x16xf32, #tpu.memory_space<vmem_shared>>
      %dma_wait3A_118 = arith.constant 0 : i32
      %dma_wait3A_119 = tpu.memref_slice %arg7[%add3A_37, %dma_wait3A_118] : memref<100008x16xf32, #tpu.memory_space<vmem_shared>> -> memref<256x16xf32, #tpu.memory_space<vmem_shared>>
      tpu.wait_dma2 semaphore(%run_scoped3A : memref<!tpu.dma_semaphore, #tpu.memory_space<semaphore_mem>>) src(%arg6 : memref<256x16xf32, #tpu.memory_space<vmem>>) dst(%dma_wait3A_119 : memref<256x16xf32, #tpu.memory_space<vmem_shared>>)
      tpu.yield
    }) : () -> ()
    %add3A_38 = arith.constant 4096 : i32
    %add3A_39 = arith.addi %min3A_1, %add3A_38 : i32
    "tpu.region"() ({
      %run_scoped3A = tpu.sem_alloc : memref<!tpu.dma_semaphore, #tpu.memory_space<semaphore_mem>>
      %dma_start3A = arith.constant 0 : i32
      %dma_start3A_113 = tpu.memref_slice %arg7[%add3A_39, %dma_start3A] : memref<100008x16xf32, #tpu.memory_space<vmem_shared>> -> memref<256x16xf32, #tpu.memory_space<vmem_shared>>
      %dma_start3A_114 = arith.constant 0 : i32
      %dma_start3A_115 = tpu.memref_slice %arg7[%add3A_39, %dma_start3A_114] : memref<100008x16xf32, #tpu.memory_space<vmem_shared>> -> memref<256x16xf32, #tpu.memory_space<vmem_shared>>
      tpu.enqueue_dma source(%arg6 : memref<256x16xf32, #tpu.memory_space<vmem>>) target(%dma_start3A_115 : memref<256x16xf32, #tpu.memory_space<vmem_shared>>) target_semaphore(%run_scoped3A : memref<!tpu.dma_semaphore, #tpu.memory_space<semaphore_mem>>)
      %dma_wait3A_116 = arith.constant 0 : i32
      %dma_wait3A_117 = tpu.memref_slice %arg7[%add3A_39, %dma_wait3A_116] : memref<100008x16xf32, #tpu.memory_space<vmem_shared>> -> memref<256x16xf32, #tpu.memory_space<vmem_shared>>
      %dma_wait3A_118 = arith.constant 0 : i32
      %dma_wait3A_119 = tpu.memref_slice %arg7[%add3A_39, %dma_wait3A_118] : memref<100008x16xf32, #tpu.memory_space<vmem_shared>> -> memref<256x16xf32, #tpu.memory_space<vmem_shared>>
      tpu.wait_dma2 semaphore(%run_scoped3A : memref<!tpu.dma_semaphore, #tpu.memory_space<semaphore_mem>>) src(%arg6 : memref<256x16xf32, #tpu.memory_space<vmem>>) dst(%dma_wait3A_119 : memref<256x16xf32, #tpu.memory_space<vmem_shared>>)
      tpu.yield
    }) : () -> ()
    %add3A_40 = arith.constant 4352 : i32
    %add3A_41 = arith.addi %min3A_1, %add3A_40 : i32
    "tpu.region"() ({
      %run_scoped3A = tpu.sem_alloc : memref<!tpu.dma_semaphore, #tpu.memory_space<semaphore_mem>>
      %dma_start3A = arith.constant 0 : i32
      %dma_start3A_113 = tpu.memref_slice %arg7[%add3A_41, %dma_start3A] : memref<100008x16xf32, #tpu.memory_space<vmem_shared>> -> memref<256x16xf32, #tpu.memory_space<vmem_shared>>
      %dma_start3A_114 = arith.constant 0 : i32
      %dma_start3A_115 = tpu.memref_slice %arg7[%add3A_41, %dma_start3A_114] : memref<100008x16xf32, #tpu.memory_space<vmem_shared>> -> memref<256x16xf32, #tpu.memory_space<vmem_shared>>
      tpu.enqueue_dma source(%arg6 : memref<256x16xf32, #tpu.memory_space<vmem>>) target(%dma_start3A_115 : memref<256x16xf32, #tpu.memory_space<vmem_shared>>) target_semaphore(%run_scoped3A : memref<!tpu.dma_semaphore, #tpu.memory_space<semaphore_mem>>)
      %dma_wait3A_116 = arith.constant 0 : i32
      %dma_wait3A_117 = tpu.memref_slice %arg7[%add3A_41, %dma_wait3A_116] : memref<100008x16xf32, #tpu.memory_space<vmem_shared>> -> memref<256x16xf32, #tpu.memory_space<vmem_shared>>
      %dma_wait3A_118 = arith.constant 0 : i32
      %dma_wait3A_119 = tpu.memref_slice %arg7[%add3A_41, %dma_wait3A_118] : memref<100008x16xf32, #tpu.memory_space<vmem_shared>> -> memref<256x16xf32, #tpu.memory_space<vmem_shared>>
      tpu.wait_dma2 semaphore(%run_scoped3A : memref<!tpu.dma_semaphore, #tpu.memory_space<semaphore_mem>>) src(%arg6 : memref<256x16xf32, #tpu.memory_space<vmem>>) dst(%dma_wait3A_119 : memref<256x16xf32, #tpu.memory_space<vmem_shared>>)
      tpu.yield
    }) : () -> ()
    %add3A_42 = arith.constant 4608 : i32
    %add3A_43 = arith.addi %min3A_1, %add3A_42 : i32
    "tpu.region"() ({
      %run_scoped3A = tpu.sem_alloc : memref<!tpu.dma_semaphore, #tpu.memory_space<semaphore_mem>>
      %dma_start3A = arith.constant 0 : i32
      %dma_start3A_113 = tpu.memref_slice %arg7[%add3A_43, %dma_start3A] : memref<100008x16xf32, #tpu.memory_space<vmem_shared>> -> memref<256x16xf32, #tpu.memory_space<vmem_shared>>
      %dma_start3A_114 = arith.constant 0 : i32
      %dma_start3A_115 = tpu.memref_slice %arg7[%add3A_43, %dma_start3A_114] : memref<100008x16xf32, #tpu.memory_space<vmem_shared>> -> memref<256x16xf32, #tpu.memory_space<vmem_shared>>
      tpu.enqueue_dma source(%arg6 : memref<256x16xf32, #tpu.memory_space<vmem>>) target(%dma_start3A_115 : memref<256x16xf32, #tpu.memory_space<vmem_shared>>) target_semaphore(%run_scoped3A : memref<!tpu.dma_semaphore, #tpu.memory_space<semaphore_mem>>)
      %dma_wait3A_116 = arith.constant 0 : i32
      %dma_wait3A_117 = tpu.memref_slice %arg7[%add3A_43, %dma_wait3A_116] : memref<100008x16xf32, #tpu.memory_space<vmem_shared>> -> memref<256x16xf32, #tpu.memory_space<vmem_shared>>
      %dma_wait3A_118 = arith.constant 0 : i32
      %dma_wait3A_119 = tpu.memref_slice %arg7[%add3A_43, %dma_wait3A_118] : memref<100008x16xf32, #tpu.memory_space<vmem_shared>> -> memref<256x16xf32, #tpu.memory_space<vmem_shared>>
      tpu.wait_dma2 semaphore(%run_scoped3A : memref<!tpu.dma_semaphore, #tpu.memory_space<semaphore_mem>>) src(%arg6 : memref<256x16xf32, #tpu.memory_space<vmem>>) dst(%dma_wait3A_119 : memref<256x16xf32, #tpu.memory_space<vmem_shared>>)
      tpu.yield
    }) : () -> ()
    %add3A_44 = arith.constant 4864 : i32
    %add3A_45 = arith.addi %min3A_1, %add3A_44 : i32
    "tpu.region"() ({
      %run_scoped3A = tpu.sem_alloc : memref<!tpu.dma_semaphore, #tpu.memory_space<semaphore_mem>>
      %dma_start3A = arith.constant 0 : i32
      %dma_start3A_113 = tpu.memref_slice %arg7[%add3A_45, %dma_start3A] : memref<100008x16xf32, #tpu.memory_space<vmem_shared>> -> memref<256x16xf32, #tpu.memory_space<vmem_shared>>
      %dma_start3A_114 = arith.constant 0 : i32
      %dma_start3A_115 = tpu.memref_slice %arg7[%add3A_45, %dma_start3A_114] : memref<100008x16xf32, #tpu.memory_space<vmem_shared>> -> memref<256x16xf32, #tpu.memory_space<vmem_shared>>
      tpu.enqueue_dma source(%arg6 : memref<256x16xf32, #tpu.memory_space<vmem>>) target(%dma_start3A_115 : memref<256x16xf32, #tpu.memory_space<vmem_shared>>) target_semaphore(%run_scoped3A : memref<!tpu.dma_semaphore, #tpu.memory_space<semaphore_mem>>)
      %dma_wait3A_116 = arith.constant 0 : i32
      %dma_wait3A_117 = tpu.memref_slice %arg7[%add3A_45, %dma_wait3A_116] : memref<100008x16xf32, #tpu.memory_space<vmem_shared>> -> memref<256x16xf32, #tpu.memory_space<vmem_shared>>
      %dma_wait3A_118 = arith.constant 0 : i32
      %dma_wait3A_119 = tpu.memref_slice %arg7[%add3A_45, %dma_wait3A_118] : memref<100008x16xf32, #tpu.memory_space<vmem_shared>> -> memref<256x16xf32, #tpu.memory_space<vmem_shared>>
      tpu.wait_dma2 semaphore(%run_scoped3A : memref<!tpu.dma_semaphore, #tpu.memory_space<semaphore_mem>>) src(%arg6 : memref<256x16xf32, #tpu.memory_space<vmem>>) dst(%dma_wait3A_119 : memref<256x16xf32, #tpu.memory_space<vmem_shared>>)
      tpu.yield
    }) : () -> ()
    %add3A_46 = arith.constant 5120 : i32
    %add3A_47 = arith.addi %min3A_1, %add3A_46 : i32
    "tpu.region"() ({
      %run_scoped3A = tpu.sem_alloc : memref<!tpu.dma_semaphore, #tpu.memory_space<semaphore_mem>>
      %dma_start3A = arith.constant 0 : i32
      %dma_start3A_113 = tpu.memref_slice %arg7[%add3A_47, %dma_start3A] : memref<100008x16xf32, #tpu.memory_space<vmem_shared>> -> memref<256x16xf32, #tpu.memory_space<vmem_shared>>
      %dma_start3A_114 = arith.constant 0 : i32
      %dma_start3A_115 = tpu.memref_slice %arg7[%add3A_47, %dma_start3A_114] : memref<100008x16xf32, #tpu.memory_space<vmem_shared>> -> memref<256x16xf32, #tpu.memory_space<vmem_shared>>
      tpu.enqueue_dma source(%arg6 : memref<256x16xf32, #tpu.memory_space<vmem>>) target(%dma_start3A_115 : memref<256x16xf32, #tpu.memory_space<vmem_shared>>) target_semaphore(%run_scoped3A : memref<!tpu.dma_semaphore, #tpu.memory_space<semaphore_mem>>)
      %dma_wait3A_116 = arith.constant 0 : i32
      %dma_wait3A_117 = tpu.memref_slice %arg7[%add3A_47, %dma_wait3A_116] : memref<100008x16xf32, #tpu.memory_space<vmem_shared>> -> memref<256x16xf32, #tpu.memory_space<vmem_shared>>
      %dma_wait3A_118 = arith.constant 0 : i32
      %dma_wait3A_119 = tpu.memref_slice %arg7[%add3A_47, %dma_wait3A_118] : memref<100008x16xf32, #tpu.memory_space<vmem_shared>> -> memref<256x16xf32, #tpu.memory_space<vmem_shared>>
      tpu.wait_dma2 semaphore(%run_scoped3A : memref<!tpu.dma_semaphore, #tpu.memory_space<semaphore_mem>>) src(%arg6 : memref<256x16xf32, #tpu.memory_space<vmem>>) dst(%dma_wait3A_119 : memref<256x16xf32, #tpu.memory_space<vmem_shared>>)
      tpu.yield
    }) : () -> ()
    %add3A_48 = arith.constant 5376 : i32
    %add3A_49 = arith.addi %min3A_1, %add3A_48 : i32
    "tpu.region"() ({
      %run_scoped3A = tpu.sem_alloc : memref<!tpu.dma_semaphore, #tpu.memory_space<semaphore_mem>>
      %dma_start3A = arith.constant 0 : i32
      %dma_start3A_113 = tpu.memref_slice %arg7[%add3A_49, %dma_start3A] : memref<100008x16xf32, #tpu.memory_space<vmem_shared>> -> memref<256x16xf32, #tpu.memory_space<vmem_shared>>
      %dma_start3A_114 = arith.constant 0 : i32
      %dma_start3A_115 = tpu.memref_slice %arg7[%add3A_49, %dma_start3A_114] : memref<100008x16xf32, #tpu.memory_space<vmem_shared>> -> memref<256x16xf32, #tpu.memory_space<vmem_shared>>
      tpu.enqueue_dma source(%arg6 : memref<256x16xf32, #tpu.memory_space<vmem>>) target(%dma_start3A_115 : memref<256x16xf32, #tpu.memory_space<vmem_shared>>) target_semaphore(%run_scoped3A : memref<!tpu.dma_semaphore, #tpu.memory_space<semaphore_mem>>)
      %dma_wait3A_116 = arith.constant 0 : i32
      %dma_wait3A_117 = tpu.memref_slice %arg7[%add3A_49, %dma_wait3A_116] : memref<100008x16xf32, #tpu.memory_space<vmem_shared>> -> memref<256x16xf32, #tpu.memory_space<vmem_shared>>
      %dma_wait3A_118 = arith.constant 0 : i32
      %dma_wait3A_119 = tpu.memref_slice %arg7[%add3A_49, %dma_wait3A_118] : memref<100008x16xf32, #tpu.memory_space<vmem_shared>> -> memref<256x16xf32, #tpu.memory_space<vmem_shared>>
      tpu.wait_dma2 semaphore(%run_scoped3A : memref<!tpu.dma_semaphore, #tpu.memory_space<semaphore_mem>>) src(%arg6 : memref<256x16xf32, #tpu.memory_space<vmem>>) dst(%dma_wait3A_119 : memref<256x16xf32, #tpu.memory_space<vmem_shared>>)
      tpu.yield
    }) : () -> ()
    %add3A_50 = arith.constant 5632 : i32
    %add3A_51 = arith.addi %min3A_1, %add3A_50 : i32
    "tpu.region"() ({
      %run_scoped3A = tpu.sem_alloc : memref<!tpu.dma_semaphore, #tpu.memory_space<semaphore_mem>>
      %dma_start3A = arith.constant 0 : i32
      %dma_start3A_113 = tpu.memref_slice %arg7[%add3A_51, %dma_start3A] : memref<100008x16xf32, #tpu.memory_space<vmem_shared>> -> memref<256x16xf32, #tpu.memory_space<vmem_shared>>
      %dma_start3A_114 = arith.constant 0 : i32
      %dma_start3A_115 = tpu.memref_slice %arg7[%add3A_51, %dma_start3A_114] : memref<100008x16xf32, #tpu.memory_space<vmem_shared>> -> memref<256x16xf32, #tpu.memory_space<vmem_shared>>
      tpu.enqueue_dma source(%arg6 : memref<256x16xf32, #tpu.memory_space<vmem>>) target(%dma_start3A_115 : memref<256x16xf32, #tpu.memory_space<vmem_shared>>) target_semaphore(%run_scoped3A : memref<!tpu.dma_semaphore, #tpu.memory_space<semaphore_mem>>)
      %dma_wait3A_116 = arith.constant 0 : i32
      %dma_wait3A_117 = tpu.memref_slice %arg7[%add3A_51, %dma_wait3A_116] : memref<100008x16xf32, #tpu.memory_space<vmem_shared>> -> memref<256x16xf32, #tpu.memory_space<vmem_shared>>
      %dma_wait3A_118 = arith.constant 0 : i32
      %dma_wait3A_119 = tpu.memref_slice %arg7[%add3A_51, %dma_wait3A_118] : memref<100008x16xf32, #tpu.memory_space<vmem_shared>> -> memref<256x16xf32, #tpu.memory_space<vmem_shared>>
      tpu.wait_dma2 semaphore(%run_scoped3A : memref<!tpu.dma_semaphore, #tpu.memory_space<semaphore_mem>>) src(%arg6 : memref<256x16xf32, #tpu.memory_space<vmem>>) dst(%dma_wait3A_119 : memref<256x16xf32, #tpu.memory_space<vmem_shared>>)
      tpu.yield
    }) : () -> ()
    %add3A_52 = arith.constant 5888 : i32
    %add3A_53 = arith.addi %min3A_1, %add3A_52 : i32
    "tpu.region"() ({
      %run_scoped3A = tpu.sem_alloc : memref<!tpu.dma_semaphore, #tpu.memory_space<semaphore_mem>>
      %dma_start3A = arith.constant 0 : i32
      %dma_start3A_113 = tpu.memref_slice %arg7[%add3A_53, %dma_start3A] : memref<100008x16xf32, #tpu.memory_space<vmem_shared>> -> memref<256x16xf32, #tpu.memory_space<vmem_shared>>
      %dma_start3A_114 = arith.constant 0 : i32
      %dma_start3A_115 = tpu.memref_slice %arg7[%add3A_53, %dma_start3A_114] : memref<100008x16xf32, #tpu.memory_space<vmem_shared>> -> memref<256x16xf32, #tpu.memory_space<vmem_shared>>
      tpu.enqueue_dma source(%arg6 : memref<256x16xf32, #tpu.memory_space<vmem>>) target(%dma_start3A_115 : memref<256x16xf32, #tpu.memory_space<vmem_shared>>) target_semaphore(%run_scoped3A : memref<!tpu.dma_semaphore, #tpu.memory_space<semaphore_mem>>)
      %dma_wait3A_116 = arith.constant 0 : i32
      %dma_wait3A_117 = tpu.memref_slice %arg7[%add3A_53, %dma_wait3A_116] : memref<100008x16xf32, #tpu.memory_space<vmem_shared>> -> memref<256x16xf32, #tpu.memory_space<vmem_shared>>
      %dma_wait3A_118 = arith.constant 0 : i32
      %dma_wait3A_119 = tpu.memref_slice %arg7[%add3A_53, %dma_wait3A_118] : memref<100008x16xf32, #tpu.memory_space<vmem_shared>> -> memref<256x16xf32, #tpu.memory_space<vmem_shared>>
      tpu.wait_dma2 semaphore(%run_scoped3A : memref<!tpu.dma_semaphore, #tpu.memory_space<semaphore_mem>>) src(%arg6 : memref<256x16xf32, #tpu.memory_space<vmem>>) dst(%dma_wait3A_119 : memref<256x16xf32, #tpu.memory_space<vmem_shared>>)
      tpu.yield
    }) : () -> ()
    %add3A_54 = arith.constant 6256 : i32
    %add3A_55 = arith.addi %min3A_1, %add3A_54 : i32
    %sub3A = arith.constant 112 : i32
    %sub3A_56 = arith.subi %add3A_55, %sub3A : i32
    "tpu.region"() ({
      %run_scoped3A = tpu.sem_alloc : memref<!tpu.dma_semaphore, #tpu.memory_space<semaphore_mem>>
      %dma_start3A = arith.constant 0 : i32
      %dma_start3A_113 = arith.constant 0 : i32
      %dma_start3A_114 = tpu.memref_slice %arg6[%dma_start3A, %dma_start3A_113] : memref<256x16xf32, #tpu.memory_space<vmem>> -> memref<112x16xf32, #tpu.memory_space<vmem>>
      %dma_start3A_115 = arith.constant 0 : i32
      %dma_start3A_116 = tpu.memref_slice %arg7[%sub3A_56, %dma_start3A_115] : memref<100008x16xf32, #tpu.memory_space<vmem_shared>> -> memref<112x16xf32, #tpu.memory_space<vmem_shared>>
      %dma_start3A_117 = arith.constant 0 : i32
      %dma_start3A_118 = tpu.memref_slice %arg7[%sub3A_56, %dma_start3A_117] : memref<100008x16xf32, #tpu.memory_space<vmem_shared>> -> memref<112x16xf32, #tpu.memory_space<vmem_shared>>
      %dma_start3A_119 = arith.constant 0 : i32
      %dma_start3A_120 = arith.constant 0 : i32
      %dma_start3A_121 = tpu.memref_slice %arg6[%dma_start3A_119, %dma_start3A_120] : memref<256x16xf32, #tpu.memory_space<vmem>> -> memref<112x16xf32, #tpu.memory_space<vmem>>
      tpu.enqueue_dma source(%dma_start3A_121 : memref<112x16xf32, #tpu.memory_space<vmem>>) target(%dma_start3A_118 : memref<112x16xf32, #tpu.memory_space<vmem_shared>>) target_semaphore(%run_scoped3A : memref<!tpu.dma_semaphore, #tpu.memory_space<semaphore_mem>>)
      %dma_wait3A_122 = arith.constant 0 : i32
      %dma_wait3A_123 = arith.constant 0 : i32
      %dma_wait3A_124 = tpu.memref_slice %arg6[%dma_wait3A_122, %dma_wait3A_123] : memref<256x16xf32, #tpu.memory_space<vmem>> -> memref<112x16xf32, #tpu.memory_space<vmem>>
      %dma_wait3A_125 = arith.constant 0 : i32
      %dma_wait3A_126 = tpu.memref_slice %arg7[%sub3A_56, %dma_wait3A_125] : memref<100008x16xf32, #tpu.memory_space<vmem_shared>> -> memref<112x16xf32, #tpu.memory_space<vmem_shared>>
      %dma_wait3A_127 = arith.constant 0 : i32
      %dma_wait3A_128 = tpu.memref_slice %arg7[%sub3A_56, %dma_wait3A_127] : memref<100008x16xf32, #tpu.memory_space<vmem_shared>> -> memref<112x16xf32, #tpu.memory_space<vmem_shared>>
      %dma_wait3A_129 = arith.constant 0 : i32
      %dma_wait3A_130 = arith.constant 0 : i32
      %dma_wait3A_131 = tpu.memref_slice %arg6[%dma_wait3A_129, %dma_wait3A_130] : memref<256x16xf32, #tpu.memory_space<vmem>> -> memref<112x16xf32, #tpu.memory_space<vmem>>
      tpu.wait_dma2 semaphore(%run_scoped3A : memref<!tpu.dma_semaphore, #tpu.memory_space<semaphore_mem>>) src(%dma_wait3A_131 : memref<112x16xf32, #tpu.memory_space<vmem>>) dst(%dma_wait3A_128 : memref<112x16xf32, #tpu.memory_space<vmem_shared>>)
      tpu.yield
    }) : () -> ()
    %scan3A_57 = arith.constant 0 : i32
    %scan3A_58 = arith.constant 0 : i32
    %scan3A_59 = arith.constant 512 : i32
    %scan3A_60 = arith.addi %scan3A_58, %scan3A_59 : i32
    %scan3A_61 = arith.constant 1 : i32
    scf.for %scan3A_113 = %scan3A_58 to %scan3A_60 step %scan3A_61  : i32 {
      %broadcast_in_dim3A = arith.constant 1.000000e+00 : f32
      %broadcast_in_dim3A_114 = vector.broadcast %broadcast_in_dim3A : f32 to vector<16xf32>
      %swap3A = arith.index_cast %scan3A_113 : i32 to index
      %swap3A_115 = arith.constant 0 : index
      %swap3A_116 = tpu.vector_load %arg5[%swap3A, %swap3A_115] {strides = array<i32>} : memref<512x16xf32, #tpu.memory_space<vmem>>, vector<1x16xf32>,
      %swap3A_117 = vector.shape_cast %swap3A_116 : vector<1x16xf32> to vector<16xf32>
      %swap3A_118 = vector.shape_cast %broadcast_in_dim3A_114 : vector<16xf32> to vector<1x16xf32>
      tpu.vector_store %arg5[%swap3A, %swap3A_115], %swap3A_118 {strides = array<i32>} : memref<512x16xf32, #tpu.memory_space<vmem>>, vector<1x16xf32>,
    }
    %scan3A_62 = arith.constant 512 : i32
    %barrier3A = arith.constant 0 : index
    tpu.barrier barrier_id(%barrier3A)
    %eq3A = arith.constant 0 : i32
    %eq3A_63 = arith.cmpi eq, %arg0, %eq3A : i32
    %jit3A = arith.constant 98 : i32
    %jit3A_64 = arith.constant 96 : i32
    %select_n3A = arith.select %eq3A_63, %jit3A, %jit3A_64 : i32
    %eq3A_65 = arith.constant 0 : i32
    %eq3A_66 = arith.cmpi eq, %arg0, %eq3A_65 : i32
    %jit3A_67 = arith.constant 7 : i32
    %jit3A_68 = arith.constant 14 : i32
    %select_n3A_69 = arith.select %eq3A_66, %jit3A_67, %jit3A_68 : i32
    %lt3A = arith.cmpi slt, %arg1, %select_n3A_69 : i32
    %convert_element_type3A = arith.extui %lt3A : i1 to i32
    %add3A_70 = arith.addi %select_n3A, %convert_element_type3A : i32
    %eq3A_71 = arith.constant 0 : i32
    %eq3A_72 = arith.cmpi eq, %arg0, %eq3A_71 : i32
    %jit3A_73 = arith.constant 0 : i32
    %jit3A_74 = arith.constant 1575 : i32
    %select_n3A_75 = arith.select %eq3A_72, %jit3A_73, %jit3A_74 : i32
    %mul3A_76 = arith.muli %arg1, %select_n3A : i32
    %add3A_77 = arith.addi %select_n3A_75, %mul3A_76 : i32
    %min3A_78 = arith.minsi %arg1, %select_n3A_69 : i32
    %add3A_79 = arith.addi %add3A_77, %min3A_78 : i32
    %while3A = arith.constant 0 : i32
    %while3A_80 = arith.constant 0 : i32
    %while3A_81 = arith.subi %add3A_70, %while3A_80 : i32
    %while3A_82 = arith.addi %while3A_80, %while3A_81 : i32
    %while3A_83 = arith.constant 1 : i32
    %while3A_84 = arith.divsi %while3A_81, %while3A_83 : i32
    %while3A_85 = arith.muli %while3A_84, %while3A_83 : i32
    %while3A_86 = arith.addi %while3A_80, %while3A_85 : i32
    %while3A_87 = arith.constant 1 : i32
    scf.for %while3A_113 = %while3A_80 to %while3A_86 step %while3A_87  : i32 {
      %jit3A_114 = arith.constant 2 : i32
      %eq3A_115 = arith.constant 0 : i32
      %eq3A_116 = arith.cmpi eq, %jit3A_114, %eq3A_115 : i32
      %jit3A_117 = arith.constant 1 : i32
      %select_n3A_118 = arith.select %eq3A_116, %jit3A_117, %jit3A_114 : i32
      %rem3A = arith.remsi %while3A_113, %select_n3A_118 : i32
      %ne3A = arith.constant 0 : i32
      %ne3A_119 = arith.cmpi ne, %rem3A, %ne3A : i32
      %lt3A_120 = arith.constant 0 : i32
      %lt3A_121 = arith.cmpi slt, %rem3A, %lt3A_120 : i32
      %lt3A_122 = arith.constant 0 : i32
      %lt3A_123 = arith.cmpi slt, %select_n3A_118, %lt3A_122 : i32
      %ne3A_124 = arith.xori %lt3A_121, %lt3A_123 : i1
      %and3A = arith.andi %ne3A_124, %ne3A_119 : i1
      %add3A_125 = arith.addi %rem3A, %select_n3A_118 : i32
      %select_n3A_126 = arith.select %and3A, %add3A_125, %rem3A : i32
      %ge3A = arith.constant 2 : i32
      %ge3A_127 = arith.cmpi sge, %while3A_113, %ge3A : i32
      %convert_element_type3A_128 = arith.extui %ge3A_127 : i1 to i32
      %cond3A = arith.constant 0 : i32
      %cond3A_129 = arith.cmpi ne, %convert_element_type3A_128, %cond3A : i32
      scf.if %cond3A_129 {
        %dma_wait3A_140 = arith.constant 0 : i32
        %dma_wait3A_141 = tpu.memref_slice %arg4[%select_n3A_126, %dma_wait3A_140] : memref<2x512xi32, #tpu.memory_space<vmem>> -> memref<1x512xi32, #tpu.memory_space<vmem>>
        %dma_wait3A_142 = tpu.memref_squeeze %dma_wait3A_141 : memref<1x512xi32, #tpu.memory_space<vmem>> -> memref<512xi32, #tpu.memory_space<vmem>>
        %dma_wait3A_143 = arith.constant 0 : i32
        %dma_wait3A_144 = arith.constant 0 : i32
        %dma_wait3A_145 = tpu.memref_slice %arg7[%dma_wait3A_143, %dma_wait3A_144] : memref<100008x16xf32, #tpu.memory_space<vmem_shared>> -> memref<100008x16xf32, #tpu.memory_space<vmem_shared>>
        %dma_wait3A_146 = tpu.memref_slice %arg8[%select_n3A_126] : memref<2x!tpu.dma_semaphore, #tpu.memory_space<semaphore_mem>> -> memref<1x!tpu.dma_semaphore, #tpu.memory_space<semaphore_mem>>
        %dma_wait3A_147 = tpu.memref_squeeze %dma_wait3A_146 : memref<1x!tpu.dma_semaphore, #tpu.memory_space<semaphore_mem>> -> memref<!tpu.dma_semaphore, #tpu.memory_space<semaphore_mem>>
        tpu.wait_indirect_dma semaphore(%dma_wait3A_147 : memref<!tpu.dma_semaphore, #tpu.memory_space<semaphore_mem>>) src(%arg5 : memref<512x16xf32, #tpu.memory_space<vmem>>) dst(%dma_wait3A_145 : memref<100008x16xf32, #tpu.memory_space<vmem_shared>>)
      } else {
      }
      %add3A_130 = arith.addi %add3A_79, %while3A_113 : i32
      %mul3A_131 = arith.constant 512 : i32
      %mul3A_132 = arith.muli %add3A_130, %mul3A_131 : i32
      "tpu.region"() ({
        %run_scoped3A = tpu.sem_alloc : memref<!tpu.dma_semaphore, #tpu.memory_space<semaphore_mem>>
        %dma_start3A_140 = arith.constant 0 : i32
        %dma_start3A_141 = tpu.memref_slice %arg4[%select_n3A_126, %dma_start3A_140] : memref<2x512xi32, #tpu.memory_space<vmem>> -> memref<1x512xi32, #tpu.memory_space<vmem>>
        %dma_start3A_142 = tpu.memref_squeeze %dma_start3A_141 : memref<1x512xi32, #tpu.memory_space<vmem>> -> memref<512xi32, #tpu.memory_space<vmem>>
        %dma_start3A_143 = tpu.memref_slice %arg2[%mul3A_132] : memref<1600000xi32, #tpu.memory_space<hbm>> -> memref<512xi32, #tpu.memory_space<hbm>>
        %dma_start3A_144 = arith.constant 0 : i32
        %dma_start3A_145 = tpu.memref_slice %arg4[%select_n3A_126, %dma_start3A_144] : memref<2x512xi32, #tpu.memory_space<vmem>> -> memref<1x512xi32, #tpu.memory_space<vmem>>
        %dma_start3A_146 = tpu.memref_squeeze %dma_start3A_145 : memref<1x512xi32, #tpu.memory_space<vmem>> -> memref<512xi32, #tpu.memory_space<vmem>>
        %dma_start3A_147 = tpu.memref_slice %arg2[%mul3A_132] : memref<1600000xi32, #tpu.memory_space<hbm>> -> memref<512xi32, #tpu.memory_space<hbm>>
        tpu.enqueue_dma source(%dma_start3A_147 : memref<512xi32, #tpu.memory_space<hbm>>) target(%dma_start3A_146 : memref<512xi32, #tpu.memory_space<vmem>>) target_semaphore(%run_scoped3A : memref<!tpu.dma_semaphore, #tpu.memory_space<semaphore_mem>>)
        %dma_wait3A_148 = arith.constant 0 : i32
        %dma_wait3A_149 = tpu.memref_slice %arg4[%select_n3A_126, %dma_wait3A_148] : memref<2x512xi32, #tpu.memory_space<vmem>> -> memref<1x512xi32, #tpu.memory_space<vmem>>
        %dma_wait3A_150 = tpu.memref_squeeze %dma_wait3A_149 : memref<1x512xi32, #tpu.memory_space<vmem>> -> memref<512xi32, #tpu.memory_space<vmem>>
        %dma_wait3A_151 = tpu.memref_slice %arg2[%mul3A_132] : memref<1600000xi32, #tpu.memory_space<hbm>> -> memref<512xi32, #tpu.memory_space<hbm>>
        %dma_wait3A_152 = arith.constant 0 : i32
        %dma_wait3A_153 = tpu.memref_slice %arg4[%select_n3A_126, %dma_wait3A_152] : memref<2x512xi32, #tpu.memory_space<vmem>> -> memref<1x512xi32, #tpu.memory_space<vmem>>
        %dma_wait3A_154 = tpu.memref_squeeze %dma_wait3A_153 : memref<1x512xi32, #tpu.memory_space<vmem>> -> memref<512xi32, #tpu.memory_space<vmem>>
        %dma_wait3A_155 = tpu.memref_slice %arg2[%mul3A_132] : memref<1600000xi32, #tpu.memory_space<hbm>> -> memref<512xi32, #tpu.memory_space<hbm>>
        tpu.wait_dma2 semaphore(%run_scoped3A : memref<!tpu.dma_semaphore, #tpu.memory_space<semaphore_mem>>) src(%dma_wait3A_155 : memref<512xi32, #tpu.memory_space<hbm>>) dst(%dma_wait3A_154 : memref<512xi32, #tpu.memory_space<vmem>>)
        tpu.yield
      }) : () -> ()
      %dma_start3A = arith.constant 0 : i32
      %dma_start3A_133 = tpu.memref_slice %arg4[%select_n3A_126, %dma_start3A] : memref<2x512xi32, #tpu.memory_space<vmem>> -> memref<1x512xi32, #tpu.memory_space<vmem>>
      %dma_start3A_134 = tpu.memref_squeeze %dma_start3A_133 : memref<1x512xi32, #tpu.memory_space<vmem>> -> memref<512xi32, #tpu.memory_space<vmem>>
      %dma_start3A_135 = arith.constant 0 : i32
      %dma_start3A_136 = arith.constant 0 : i32
      %dma_start3A_137 = tpu.memref_slice %arg7[%dma_start3A_135, %dma_start3A_136] : memref<100008x16xf32, #tpu.memory_space<vmem_shared>> -> memref<100008x16xf32, #tpu.memory_space<vmem_shared>>
      %dma_start3A_138 = tpu.memref_slice %arg8[%select_n3A_126] : memref<2x!tpu.dma_semaphore, #tpu.memory_space<semaphore_mem>> -> memref<1x!tpu.dma_semaphore, #tpu.memory_space<semaphore_mem>>
      %dma_start3A_139 = tpu.memref_squeeze %dma_start3A_138 : memref<1x!tpu.dma_semaphore, #tpu.memory_space<semaphore_mem>> -> memref<!tpu.dma_semaphore, #tpu.memory_space<semaphore_mem>>
      tpu.enqueue_indirect_dma source(%arg5 : memref<512x16xf32, #tpu.memory_space<vmem>>) target(%dma_start3A_137 : memref<100008x16xf32, #tpu.memory_space<vmem_shared>>) offsets(%dma_start3A_134 : memref<512xi32, #tpu.memory_space<vmem>>) semaphore(%dma_start3A_139 : memref<!tpu.dma_semaphore, #tpu.memory_space<semaphore_mem>>) {add = true}
    }
    %while3A_88 = arith.constant 1 : i32
    scf.for %while3A_113 = %while3A_86 to %while3A_82 step %while3A_88  : i32 {
      %jit3A_114 = arith.constant 2 : i32
      %eq3A_115 = arith.constant 0 : i32
      %eq3A_116 = arith.cmpi eq, %jit3A_114, %eq3A_115 : i32
      %jit3A_117 = arith.constant 1 : i32
      %select_n3A_118 = arith.select %eq3A_116, %jit3A_117, %jit3A_114 : i32
      %rem3A = arith.remsi %while3A_113, %select_n3A_118 : i32
      %ne3A = arith.constant 0 : i32
      %ne3A_119 = arith.cmpi ne, %rem3A, %ne3A : i32
      %lt3A_120 = arith.constant 0 : i32
      %lt3A_121 = arith.cmpi slt, %rem3A, %lt3A_120 : i32
      %lt3A_122 = arith.constant 0 : i32
      %lt3A_123 = arith.cmpi slt, %select_n3A_118, %lt3A_122 : i32
      %ne3A_124 = arith.xori %lt3A_121, %lt3A_123 : i1
      %and3A = arith.andi %ne3A_124, %ne3A_119 : i1
      %add3A_125 = arith.addi %rem3A, %select_n3A_118 : i32
      %select_n3A_126 = arith.select %and3A, %add3A_125, %rem3A : i32
      %ge3A = arith.constant 2 : i32
      %ge3A_127 = arith.cmpi sge, %while3A_113, %ge3A : i32
      %convert_element_type3A_128 = arith.extui %ge3A_127 : i1 to i32
      %cond3A = arith.constant 0 : i32
      %cond3A_129 = arith.cmpi ne, %convert_element_type3A_128, %cond3A : i32
      scf.if %cond3A_129 {
        %dma_wait3A_140 = arith.constant 0 : i32
        %dma_wait3A_141 = tpu.memref_slice %arg4[%select_n3A_126, %dma_wait3A_140] : memref<2x512xi32, #tpu.memory_space<vmem>> -> memref<1x512xi32, #tpu.memory_space<vmem>>
        %dma_wait3A_142 = tpu.memref_squeeze %dma_wait3A_141 : memref<1x512xi32, #tpu.memory_space<vmem>> -> memref<512xi32, #tpu.memory_space<vmem>>
        %dma_wait3A_143 = arith.constant 0 : i32
        %dma_wait3A_144 = arith.constant 0 : i32
        %dma_wait3A_145 = tpu.memref_slice %arg7[%dma_wait3A_143, %dma_wait3A_144] : memref<100008x16xf32, #tpu.memory_space<vmem_shared>> -> memref<100008x16xf32, #tpu.memory_space<vmem_shared>>
        %dma_wait3A_146 = tpu.memref_slice %arg8[%select_n3A_126] : memref<2x!tpu.dma_semaphore, #tpu.memory_space<semaphore_mem>> -> memref<1x!tpu.dma_semaphore, #tpu.memory_space<semaphore_mem>>
        %dma_wait3A_147 = tpu.memref_squeeze %dma_wait3A_146 : memref<1x!tpu.dma_semaphore, #tpu.memory_space<semaphore_mem>> -> memref<!tpu.dma_semaphore, #tpu.memory_space<semaphore_mem>>
        tpu.wait_indirect_dma semaphore(%dma_wait3A_147 : memref<!tpu.dma_semaphore, #tpu.memory_space<semaphore_mem>>) src(%arg5 : memref<512x16xf32, #tpu.memory_space<vmem>>) dst(%dma_wait3A_145 : memref<100008x16xf32, #tpu.memory_space<vmem_shared>>)
      } else {
      }
      %add3A_130 = arith.addi %add3A_79, %while3A_113 : i32
      %mul3A_131 = arith.constant 512 : i32
      %mul3A_132 = arith.muli %add3A_130, %mul3A_131 : i32
      "tpu.region"() ({
        %run_scoped3A = tpu.sem_alloc : memref<!tpu.dma_semaphore, #tpu.memory_space<semaphore_mem>>
        %dma_start3A_140 = arith.constant 0 : i32
        %dma_start3A_141 = tpu.memref_slice %arg4[%select_n3A_126, %dma_start3A_140] : memref<2x512xi32, #tpu.memory_space<vmem>> -> memref<1x512xi32, #tpu.memory_space<vmem>>
        %dma_start3A_142 = tpu.memref_squeeze %dma_start3A_141 : memref<1x512xi32, #tpu.memory_space<vmem>> -> memref<512xi32, #tpu.memory_space<vmem>>
        %dma_start3A_143 = tpu.memref_slice %arg2[%mul3A_132] : memref<1600000xi32, #tpu.memory_space<hbm>> -> memref<512xi32, #tpu.memory_space<hbm>>
        %dma_start3A_144 = arith.constant 0 : i32
        %dma_start3A_145 = tpu.memref_slice %arg4[%select_n3A_126, %dma_start3A_144] : memref<2x512xi32, #tpu.memory_space<vmem>> -> memref<1x512xi32, #tpu.memory_space<vmem>>
        %dma_start3A_146 = tpu.memref_squeeze %dma_start3A_145 : memref<1x512xi32, #tpu.memory_space<vmem>> -> memref<512xi32, #tpu.memory_space<vmem>>
        %dma_start3A_147 = tpu.memref_slice %arg2[%mul3A_132] : memref<1600000xi32, #tpu.memory_space<hbm>> -> memref<512xi32, #tpu.memory_space<hbm>>
        tpu.enqueue_dma source(%dma_start3A_147 : memref<512xi32, #tpu.memory_space<hbm>>) target(%dma_start3A_146 : memref<512xi32, #tpu.memory_space<vmem>>) target_semaphore(%run_scoped3A : memref<!tpu.dma_semaphore, #tpu.memory_space<semaphore_mem>>)
        %dma_wait3A_148 = arith.constant 0 : i32
        %dma_wait3A_149 = tpu.memref_slice %arg4[%select_n3A_126, %dma_wait3A_148] : memref<2x512xi32, #tpu.memory_space<vmem>> -> memref<1x512xi32, #tpu.memory_space<vmem>>
        %dma_wait3A_150 = tpu.memref_squeeze %dma_wait3A_149 : memref<1x512xi32, #tpu.memory_space<vmem>> -> memref<512xi32, #tpu.memory_space<vmem>>
        %dma_wait3A_151 = tpu.memref_slice %arg2[%mul3A_132] : memref<1600000xi32, #tpu.memory_space<hbm>> -> memref<512xi32, #tpu.memory_space<hbm>>
        %dma_wait3A_152 = arith.constant 0 : i32
        %dma_wait3A_153 = tpu.memref_slice %arg4[%select_n3A_126, %dma_wait3A_152] : memref<2x512xi32, #tpu.memory_space<vmem>> -> memref<1x512xi32, #tpu.memory_space<vmem>>
        %dma_wait3A_154 = tpu.memref_squeeze %dma_wait3A_153 : memref<1x512xi32, #tpu.memory_space<vmem>> -> memref<512xi32, #tpu.memory_space<vmem>>
        %dma_wait3A_155 = tpu.memref_slice %arg2[%mul3A_132] : memref<1600000xi32, #tpu.memory_space<hbm>> -> memref<512xi32, #tpu.memory_space<hbm>>
        tpu.wait_dma2 semaphore(%run_scoped3A : memref<!tpu.dma_semaphore, #tpu.memory_space<semaphore_mem>>) src(%dma_wait3A_155 : memref<512xi32, #tpu.memory_space<hbm>>) dst(%dma_wait3A_154 : memref<512xi32, #tpu.memory_space<vmem>>)
        tpu.yield
      }) : () -> ()
      %dma_start3A = arith.constant 0 : i32
      %dma_start3A_133 = tpu.memref_slice %arg4[%select_n3A_126, %dma_start3A] : memref<2x512xi32, #tpu.memory_space<vmem>> -> memref<1x512xi32, #tpu.memory_space<vmem>>
      %dma_start3A_134 = tpu.memref_squeeze %dma_start3A_133 : memref<1x512xi32, #tpu.memory_space<vmem>> -> memref<512xi32, #tpu.memory_space<vmem>>
      %dma_start3A_135 = arith.constant 0 : i32
      %dma_start3A_136 = arith.constant 0 : i32
      %dma_start3A_137 = tpu.memref_slice %arg7[%dma_start3A_135, %dma_start3A_136] : memref<100008x16xf32, #tpu.memory_space<vmem_shared>> -> memref<100008x16xf32, #tpu.memory_space<vmem_shared>>
      %dma_start3A_138 = tpu.memref_slice %arg8[%select_n3A_126] : memref<2x!tpu.dma_semaphore, #tpu.memory_space<semaphore_mem>> -> memref<1x!tpu.dma_semaphore, #tpu.memory_space<semaphore_mem>>
      %dma_start3A_139 = tpu.memref_squeeze %dma_start3A_138 : memref<1x!tpu.dma_semaphore, #tpu.memory_space<semaphore_mem>> -> memref<!tpu.dma_semaphore, #tpu.memory_space<semaphore_mem>>
      tpu.enqueue_indirect_dma source(%arg5 : memref<512x16xf32, #tpu.memory_space<vmem>>) target(%dma_start3A_137 : memref<100008x16xf32, #tpu.memory_space<vmem_shared>>) offsets(%dma_start3A_134 : memref<512xi32, #tpu.memory_space<vmem>>) semaphore(%dma_start3A_139 : memref<!tpu.dma_semaphore, #tpu.memory_space<semaphore_mem>>) {add = true}
    }
    %dma_wait3A = arith.constant 0 : i32
    %dma_wait3A_89 = arith.constant 0 : i32
    %dma_wait3A_90 = arith.constant 0 : i32
    %dma_wait3A_91 = tpu.memref_slice %arg4[%dma_wait3A, %dma_wait3A_90] : memref<2x512xi32, #tpu.memory_space<vmem>> -> memref<1x512xi32, #tpu.memory_space<vmem>>
    %dma_wait3A_92 = tpu.memref_squeeze %dma_wait3A_91 : memref<1x512xi32, #tpu.memory_space<vmem>> -> memref<512xi32, #tpu.memory_space<vmem>>
    %dma_wait3A_93 = arith.constant 0 : i32
    %dma_wait3A_94 = arith.constant 0 : i32
    %dma_wait3A_95 = tpu.memref_slice %arg7[%dma_wait3A_93, %dma_wait3A_94] : memref<100008x16xf32, #tpu.memory_space<vmem_shared>> -> memref<100008x16xf32, #tpu.memory_space<vmem_shared>>
    %dma_wait3A_96 = tpu.memref_slice %arg8[%dma_wait3A_89] : memref<2x!tpu.dma_semaphore, #tpu.memory_space<semaphore_mem>> -> memref<1x!tpu.dma_semaphore, #tpu.memory_space<semaphore_mem>>
    %dma_wait3A_97 = tpu.memref_squeeze %dma_wait3A_96 : memref<1x!tpu.dma_semaphore, #tpu.memory_space<semaphore_mem>> -> memref<!tpu.dma_semaphore, #tpu.memory_space<semaphore_mem>>
    tpu.wait_indirect_dma semaphore(%dma_wait3A_97 : memref<!tpu.dma_semaphore, #tpu.memory_space<semaphore_mem>>) src(%arg5 : memref<512x16xf32, #tpu.memory_space<vmem>>) dst(%dma_wait3A_95 : memref<100008x16xf32, #tpu.memory_space<vmem_shared>>)
    %dma_wait3A_98 = arith.constant 1 : i32
    %dma_wait3A_99 = arith.constant 1 : i32
    %dma_wait3A_100 = arith.constant 0 : i32
    %dma_wait3A_101 = tpu.memref_slice %arg4[%dma_wait3A_98, %dma_wait3A_100] : memref<2x512xi32, #tpu.memory_space<vmem>> -> memref<1x512xi32, #tpu.memory_space<vmem>>
    %dma_wait3A_102 = tpu.memref_squeeze %dma_wait3A_101 : memref<1x512xi32, #tpu.memory_space<vmem>> -> memref<512xi32, #tpu.memory_space<vmem>>
    %dma_wait3A_103 = arith.constant 0 : i32
    %dma_wait3A_104 = arith.constant 0 : i32
    %dma_wait3A_105 = tpu.memref_slice %arg7[%dma_wait3A_103, %dma_wait3A_104] : memref<100008x16xf32, #tpu.memory_space<vmem_shared>> -> memref<100008x16xf32, #tpu.memory_space<vmem_shared>>
    %dma_wait3A_106 = tpu.memref_slice %arg8[%dma_wait3A_99] : memref<2x!tpu.dma_semaphore, #tpu.memory_space<semaphore_mem>> -> memref<1x!tpu.dma_semaphore, #tpu.memory_space<semaphore_mem>>
    %dma_wait3A_107 = tpu.memref_squeeze %dma_wait3A_106 : memref<1x!tpu.dma_semaphore, #tpu.memory_space<semaphore_mem>> -> memref<!tpu.dma_semaphore, #tpu.memory_space<semaphore_mem>>
    tpu.wait_indirect_dma semaphore(%dma_wait3A_107 : memref<!tpu.dma_semaphore, #tpu.memory_space<semaphore_mem>>) src(%arg5 : memref<512x16xf32, #tpu.memory_space<vmem>>) dst(%dma_wait3A_105 : memref<100008x16xf32, #tpu.memory_space<vmem_shared>>)
    %barrier3A_108 = arith.constant 0 : index
    tpu.barrier barrier_id(%barrier3A_108)
    %mul3A_109 = arith.constant 6256 : i32
    %mul3A_110 = arith.muli %arg1, %mul3A_109 : i32
    %min3A_111 = arith.constant 93744 : i32
    %min3A_112 = arith.minsi %mul3A_110, %min3A_111 : i32
    "tpu.region"() ({
      %run_scoped3A = tpu.sem_alloc : memref<!tpu.dma_semaphore, #tpu.memory_space<semaphore_mem>>
      %dma_start3A = arith.constant 0 : i32
      %dma_start3A_113 = tpu.memref_slice %arg3[%arg0, %min3A_112, %dma_start3A] : memref<2x100000x16xf32, #tpu.memory_space<hbm>> -> memref<1x6256x16xf32, #tpu.memory_space<hbm>>
      %dma_start3A_114 = tpu.memref_squeeze %dma_start3A_113 : memref<1x6256x16xf32, #tpu.memory_space<hbm>> -> memref<6256x16xf32, #tpu.memory_space<hbm>>
      %dma_start3A_115 = arith.constant 0 : i32
      %dma_start3A_116 = tpu.memref_slice %arg7[%min3A_112, %dma_start3A_115] : memref<100008x16xf32, #tpu.memory_space<vmem_shared>> -> memref<6256x16xf32, #tpu.memory_space<vmem_shared>>
      tpu.enqueue_dma source(%dma_start3A_116 : memref<6256x16xf32, #tpu.memory_space<vmem_shared>>) target(%dma_start3A_114 : memref<6256x16xf32, #tpu.memory_space<hbm>>) target_semaphore(%run_scoped3A : memref<!tpu.dma_semaphore, #tpu.memory_space<semaphore_mem>>)
      %dma_wait3A_117 = arith.constant 0 : i32
      %dma_wait3A_118 = tpu.memref_slice %arg3[%arg0, %min3A_112, %dma_wait3A_117] : memref<2x100000x16xf32, #tpu.memory_space<hbm>> -> memref<1x6256x16xf32, #tpu.memory_space<hbm>>
      %dma_wait3A_119 = tpu.memref_squeeze %dma_wait3A_118 : memref<1x6256x16xf32, #tpu.memory_space<hbm>> -> memref<6256x16xf32, #tpu.memory_space<hbm>>
      %dma_wait3A_120 = arith.constant 0 : i32
      %dma_wait3A_121 = tpu.memref_slice %arg7[%min3A_112, %dma_wait3A_120] : memref<100008x16xf32, #tpu.memory_space<vmem_shared>> -> memref<6256x16xf32, #tpu.memory_space<vmem_shared>>
      tpu.wait_dma2 semaphore(%run_scoped3A : memref<!tpu.dma_semaphore, #tpu.memory_space<semaphore_mem>>) src(%dma_wait3A_121 : memref<6256x16xf32, #tpu.memory_space<vmem_shared>>) dst(%dma_wait3A_119 : memref<6256x16xf32, #tpu.memory_space<hbm>>)
      tpu.yield
    }) : () -> ()
    return
  }
}

#map = affine_map<(d0, d1) -> (0, 0)>
#map1 = affine_map<(d0, d1) -> (0)>
#map2 = affine_map<(d0, d1) -> (0, 0, 0)>
module attributes {stable_mosaic.version = 14 : i64} {
  func.func @k(%arg0: i32, %arg1: i32, %arg2: memref<100000x16xf32, #tpu.memory_space<hbm>>, %arg3: memref<1600000xi32, #tpu.memory_space<hbm>>, %arg4: memref<1600000xi32, #tpu.memory_space<hbm>>, %arg5: memref<2x100000x16xf32, #tpu.memory_space<hbm>>, %arg6: memref<2x512xi32, #tpu.memory_space<vmem>>, %arg7: memref<2x512xi32, #tpu.memory_space<vmem>>, %arg8: memref<2x512x16xf32, #tpu.memory_space<vmem>>, %arg9: memref<256x16xf32, #tpu.memory_space<vmem>>, %arg10: memref<100008x16xf32, #tpu.memory_space<vmem_shared>>, %arg11: memref<2x!tpu.dma_semaphore, #tpu.memory_space<semaphore_mem>>, %arg12: memref<2x!tpu.dma_semaphore, #tpu.memory_space<semaphore_mem>>) attributes {dimension_semantics = [#tpu.dimension_semantics<core_parallel>, #tpu.dimension_semantics<subcore_parallel>], iteration_bounds = array<i64: 2, 16>, scalar_prefetch = 0 : i64, scratch_operands = 7 : i64, tpu.core_type = #tpu.core_type<sc_vector_subcore>, window_params = [{transform_indices = #map}, {transform_indices = #map1}, {transform_indices = #map1}, {transform_indices = #map2}]} {
    %mul3A = arith.constant 6256 : i32
    %mul3A_0 = arith.muli %arg1, %mul3A : i32
    %min3A = arith.constant 93744 : i32
    %min3A_1 = arith.minsi %mul3A_0, %min3A : i32
    %scan3A = arith.constant 0 : i32
    %scan3A_2 = arith.constant 0 : i32
    %scan3A_3 = arith.constant 256 : i32
    %scan3A_4 = arith.addi %scan3A_2, %scan3A_3 : i32
    %scan3A_5 = arith.constant 1 : i32
    scf.for %scan3A_117 = %scan3A_2 to %scan3A_4 step %scan3A_5  : i32 {
      %broadcast_in_dim3A = arith.constant 0.000000e+00 : f32
      %broadcast_in_dim3A_118 = vector.broadcast %broadcast_in_dim3A : f32 to vector<16xf32>
      %swap3A = arith.index_cast %scan3A_117 : i32 to index
      %swap3A_119 = arith.constant 0 : index
      %swap3A_120 = tpu.vector_load %arg9[%swap3A, %swap3A_119] {strides = array<i32>} : memref<256x16xf32, #tpu.memory_space<vmem>>, vector<1x16xf32>,
      %swap3A_121 = vector.shape_cast %swap3A_120 : vector<1x16xf32> to vector<16xf32>
      %swap3A_122 = vector.shape_cast %broadcast_in_dim3A_118 : vector<16xf32> to vector<1x16xf32>
      tpu.vector_store %arg9[%swap3A, %swap3A_119], %swap3A_122 {strides = array<i32>} : memref<256x16xf32, #tpu.memory_space<vmem>>, vector<1x16xf32>,
    }
    %scan3A_6 = arith.constant 256 : i32
    %add3A = arith.constant 0 : i32
    %add3A_7 = arith.addi %min3A_1, %add3A : i32
    "tpu.region"() ({
      %run_scoped3A = tpu.sem_alloc : memref<!tpu.dma_semaphore, #tpu.memory_space<semaphore_mem>>
      %dma_start3A = arith.constant 0 : i32
      %dma_start3A_117 = tpu.memref_slice %arg10[%add3A_7, %dma_start3A] : memref<100008x16xf32, #tpu.memory_space<vmem_shared>> -> memref<256x16xf32, #tpu.memory_space<vmem_shared>>
      %dma_start3A_118 = arith.constant 0 : i32
      %dma_start3A_119 = tpu.memref_slice %arg10[%add3A_7, %dma_start3A_118] : memref<100008x16xf32, #tpu.memory_space<vmem_shared>> -> memref<256x16xf32, #tpu.memory_space<vmem_shared>>
      tpu.enqueue_dma source(%arg9 : memref<256x16xf32, #tpu.memory_space<vmem>>) target(%dma_start3A_119 : memref<256x16xf32, #tpu.memory_space<vmem_shared>>) target_semaphore(%run_scoped3A : memref<!tpu.dma_semaphore, #tpu.memory_space<semaphore_mem>>)
      %dma_wait3A_120 = arith.constant 0 : i32
      %dma_wait3A_121 = tpu.memref_slice %arg10[%add3A_7, %dma_wait3A_120] : memref<100008x16xf32, #tpu.memory_space<vmem_shared>> -> memref<256x16xf32, #tpu.memory_space<vmem_shared>>
      %dma_wait3A_122 = arith.constant 0 : i32
      %dma_wait3A_123 = tpu.memref_slice %arg10[%add3A_7, %dma_wait3A_122] : memref<100008x16xf32, #tpu.memory_space<vmem_shared>> -> memref<256x16xf32, #tpu.memory_space<vmem_shared>>
      tpu.wait_dma2 semaphore(%run_scoped3A : memref<!tpu.dma_semaphore, #tpu.memory_space<semaphore_mem>>) src(%arg9 : memref<256x16xf32, #tpu.memory_space<vmem>>) dst(%dma_wait3A_123 : memref<256x16xf32, #tpu.memory_space<vmem_shared>>)
      tpu.yield
    }) : () -> ()
    %add3A_8 = arith.constant 256 : i32
    %add3A_9 = arith.addi %min3A_1, %add3A_8 : i32
    "tpu.region"() ({
      %run_scoped3A = tpu.sem_alloc : memref<!tpu.dma_semaphore, #tpu.memory_space<semaphore_mem>>
      %dma_start3A = arith.constant 0 : i32
      %dma_start3A_117 = tpu.memref_slice %arg10[%add3A_9, %dma_start3A] : memref<100008x16xf32, #tpu.memory_space<vmem_shared>> -> memref<256x16xf32, #tpu.memory_space<vmem_shared>>
      %dma_start3A_118 = arith.constant 0 : i32
      %dma_start3A_119 = tpu.memref_slice %arg10[%add3A_9, %dma_start3A_118] : memref<100008x16xf32, #tpu.memory_space<vmem_shared>> -> memref<256x16xf32, #tpu.memory_space<vmem_shared>>
      tpu.enqueue_dma source(%arg9 : memref<256x16xf32, #tpu.memory_space<vmem>>) target(%dma_start3A_119 : memref<256x16xf32, #tpu.memory_space<vmem_shared>>) target_semaphore(%run_scoped3A : memref<!tpu.dma_semaphore, #tpu.memory_space<semaphore_mem>>)
      %dma_wait3A_120 = arith.constant 0 : i32
      %dma_wait3A_121 = tpu.memref_slice %arg10[%add3A_9, %dma_wait3A_120] : memref<100008x16xf32, #tpu.memory_space<vmem_shared>> -> memref<256x16xf32, #tpu.memory_space<vmem_shared>>
      %dma_wait3A_122 = arith.constant 0 : i32
      %dma_wait3A_123 = tpu.memref_slice %arg10[%add3A_9, %dma_wait3A_122] : memref<100008x16xf32, #tpu.memory_space<vmem_shared>> -> memref<256x16xf32, #tpu.memory_space<vmem_shared>>
      tpu.wait_dma2 semaphore(%run_scoped3A : memref<!tpu.dma_semaphore, #tpu.memory_space<semaphore_mem>>) src(%arg9 : memref<256x16xf32, #tpu.memory_space<vmem>>) dst(%dma_wait3A_123 : memref<256x16xf32, #tpu.memory_space<vmem_shared>>)
      tpu.yield
    }) : () -> ()
    %add3A_10 = arith.constant 512 : i32
    %add3A_11 = arith.addi %min3A_1, %add3A_10 : i32
    "tpu.region"() ({
      %run_scoped3A = tpu.sem_alloc : memref<!tpu.dma_semaphore, #tpu.memory_space<semaphore_mem>>
      %dma_start3A = arith.constant 0 : i32
      %dma_start3A_117 = tpu.memref_slice %arg10[%add3A_11, %dma_start3A] : memref<100008x16xf32, #tpu.memory_space<vmem_shared>> -> memref<256x16xf32, #tpu.memory_space<vmem_shared>>
      %dma_start3A_118 = arith.constant 0 : i32
      %dma_start3A_119 = tpu.memref_slice %arg10[%add3A_11, %dma_start3A_118] : memref<100008x16xf32, #tpu.memory_space<vmem_shared>> -> memref<256x16xf32, #tpu.memory_space<vmem_shared>>
      tpu.enqueue_dma source(%arg9 : memref<256x16xf32, #tpu.memory_space<vmem>>) target(%dma_start3A_119 : memref<256x16xf32, #tpu.memory_space<vmem_shared>>) target_semaphore(%run_scoped3A : memref<!tpu.dma_semaphore, #tpu.memory_space<semaphore_mem>>)
      %dma_wait3A_120 = arith.constant 0 : i32
      %dma_wait3A_121 = tpu.memref_slice %arg10[%add3A_11, %dma_wait3A_120] : memref<100008x16xf32, #tpu.memory_space<vmem_shared>> -> memref<256x16xf32, #tpu.memory_space<vmem_shared>>
      %dma_wait3A_122 = arith.constant 0 : i32
      %dma_wait3A_123 = tpu.memref_slice %arg10[%add3A_11, %dma_wait3A_122] : memref<100008x16xf32, #tpu.memory_space<vmem_shared>> -> memref<256x16xf32, #tpu.memory_space<vmem_shared>>
      tpu.wait_dma2 semaphore(%run_scoped3A : memref<!tpu.dma_semaphore, #tpu.memory_space<semaphore_mem>>) src(%arg9 : memref<256x16xf32, #tpu.memory_space<vmem>>) dst(%dma_wait3A_123 : memref<256x16xf32, #tpu.memory_space<vmem_shared>>)
      tpu.yield
    }) : () -> ()
    %add3A_12 = arith.constant 768 : i32
    %add3A_13 = arith.addi %min3A_1, %add3A_12 : i32
    "tpu.region"() ({
      %run_scoped3A = tpu.sem_alloc : memref<!tpu.dma_semaphore, #tpu.memory_space<semaphore_mem>>
      %dma_start3A = arith.constant 0 : i32
      %dma_start3A_117 = tpu.memref_slice %arg10[%add3A_13, %dma_start3A] : memref<100008x16xf32, #tpu.memory_space<vmem_shared>> -> memref<256x16xf32, #tpu.memory_space<vmem_shared>>
      %dma_start3A_118 = arith.constant 0 : i32
      %dma_start3A_119 = tpu.memref_slice %arg10[%add3A_13, %dma_start3A_118] : memref<100008x16xf32, #tpu.memory_space<vmem_shared>> -> memref<256x16xf32, #tpu.memory_space<vmem_shared>>
      tpu.enqueue_dma source(%arg9 : memref<256x16xf32, #tpu.memory_space<vmem>>) target(%dma_start3A_119 : memref<256x16xf32, #tpu.memory_space<vmem_shared>>) target_semaphore(%run_scoped3A : memref<!tpu.dma_semaphore, #tpu.memory_space<semaphore_mem>>)
      %dma_wait3A_120 = arith.constant 0 : i32
      %dma_wait3A_121 = tpu.memref_slice %arg10[%add3A_13, %dma_wait3A_120] : memref<100008x16xf32, #tpu.memory_space<vmem_shared>> -> memref<256x16xf32, #tpu.memory_space<vmem_shared>>
      %dma_wait3A_122 = arith.constant 0 : i32
      %dma_wait3A_123 = tpu.memref_slice %arg10[%add3A_13, %dma_wait3A_122] : memref<100008x16xf32, #tpu.memory_space<vmem_shared>> -> memref<256x16xf32, #tpu.memory_space<vmem_shared>>
      tpu.wait_dma2 semaphore(%run_scoped3A : memref<!tpu.dma_semaphore, #tpu.memory_space<semaphore_mem>>) src(%arg9 : memref<256x16xf32, #tpu.memory_space<vmem>>) dst(%dma_wait3A_123 : memref<256x16xf32, #tpu.memory_space<vmem_shared>>)
      tpu.yield
    }) : () -> ()
    %add3A_14 = arith.constant 1024 : i32
    %add3A_15 = arith.addi %min3A_1, %add3A_14 : i32
    "tpu.region"() ({
      %run_scoped3A = tpu.sem_alloc : memref<!tpu.dma_semaphore, #tpu.memory_space<semaphore_mem>>
      %dma_start3A = arith.constant 0 : i32
      %dma_start3A_117 = tpu.memref_slice %arg10[%add3A_15, %dma_start3A] : memref<100008x16xf32, #tpu.memory_space<vmem_shared>> -> memref<256x16xf32, #tpu.memory_space<vmem_shared>>
      %dma_start3A_118 = arith.constant 0 : i32
      %dma_start3A_119 = tpu.memref_slice %arg10[%add3A_15, %dma_start3A_118] : memref<100008x16xf32, #tpu.memory_space<vmem_shared>> -> memref<256x16xf32, #tpu.memory_space<vmem_shared>>
      tpu.enqueue_dma source(%arg9 : memref<256x16xf32, #tpu.memory_space<vmem>>) target(%dma_start3A_119 : memref<256x16xf32, #tpu.memory_space<vmem_shared>>) target_semaphore(%run_scoped3A : memref<!tpu.dma_semaphore, #tpu.memory_space<semaphore_mem>>)
      %dma_wait3A_120 = arith.constant 0 : i32
      %dma_wait3A_121 = tpu.memref_slice %arg10[%add3A_15, %dma_wait3A_120] : memref<100008x16xf32, #tpu.memory_space<vmem_shared>> -> memref<256x16xf32, #tpu.memory_space<vmem_shared>>
      %dma_wait3A_122 = arith.constant 0 : i32
      %dma_wait3A_123 = tpu.memref_slice %arg10[%add3A_15, %dma_wait3A_122] : memref<100008x16xf32, #tpu.memory_space<vmem_shared>> -> memref<256x16xf32, #tpu.memory_space<vmem_shared>>
      tpu.wait_dma2 semaphore(%run_scoped3A : memref<!tpu.dma_semaphore, #tpu.memory_space<semaphore_mem>>) src(%arg9 : memref<256x16xf32, #tpu.memory_space<vmem>>) dst(%dma_wait3A_123 : memref<256x16xf32, #tpu.memory_space<vmem_shared>>)
      tpu.yield
    }) : () -> ()
    %add3A_16 = arith.constant 1280 : i32
    %add3A_17 = arith.addi %min3A_1, %add3A_16 : i32
    "tpu.region"() ({
      %run_scoped3A = tpu.sem_alloc : memref<!tpu.dma_semaphore, #tpu.memory_space<semaphore_mem>>
      %dma_start3A = arith.constant 0 : i32
      %dma_start3A_117 = tpu.memref_slice %arg10[%add3A_17, %dma_start3A] : memref<100008x16xf32, #tpu.memory_space<vmem_shared>> -> memref<256x16xf32, #tpu.memory_space<vmem_shared>>
      %dma_start3A_118 = arith.constant 0 : i32
      %dma_start3A_119 = tpu.memref_slice %arg10[%add3A_17, %dma_start3A_118] : memref<100008x16xf32, #tpu.memory_space<vmem_shared>> -> memref<256x16xf32, #tpu.memory_space<vmem_shared>>
      tpu.enqueue_dma source(%arg9 : memref<256x16xf32, #tpu.memory_space<vmem>>) target(%dma_start3A_119 : memref<256x16xf32, #tpu.memory_space<vmem_shared>>) target_semaphore(%run_scoped3A : memref<!tpu.dma_semaphore, #tpu.memory_space<semaphore_mem>>)
      %dma_wait3A_120 = arith.constant 0 : i32
      %dma_wait3A_121 = tpu.memref_slice %arg10[%add3A_17, %dma_wait3A_120] : memref<100008x16xf32, #tpu.memory_space<vmem_shared>> -> memref<256x16xf32, #tpu.memory_space<vmem_shared>>
      %dma_wait3A_122 = arith.constant 0 : i32
      %dma_wait3A_123 = tpu.memref_slice %arg10[%add3A_17, %dma_wait3A_122] : memref<100008x16xf32, #tpu.memory_space<vmem_shared>> -> memref<256x16xf32, #tpu.memory_space<vmem_shared>>
      tpu.wait_dma2 semaphore(%run_scoped3A : memref<!tpu.dma_semaphore, #tpu.memory_space<semaphore_mem>>) src(%arg9 : memref<256x16xf32, #tpu.memory_space<vmem>>) dst(%dma_wait3A_123 : memref<256x16xf32, #tpu.memory_space<vmem_shared>>)
      tpu.yield
    }) : () -> ()
    %add3A_18 = arith.constant 1536 : i32
    %add3A_19 = arith.addi %min3A_1, %add3A_18 : i32
    "tpu.region"() ({
      %run_scoped3A = tpu.sem_alloc : memref<!tpu.dma_semaphore, #tpu.memory_space<semaphore_mem>>
      %dma_start3A = arith.constant 0 : i32
      %dma_start3A_117 = tpu.memref_slice %arg10[%add3A_19, %dma_start3A] : memref<100008x16xf32, #tpu.memory_space<vmem_shared>> -> memref<256x16xf32, #tpu.memory_space<vmem_shared>>
      %dma_start3A_118 = arith.constant 0 : i32
      %dma_start3A_119 = tpu.memref_slice %arg10[%add3A_19, %dma_start3A_118] : memref<100008x16xf32, #tpu.memory_space<vmem_shared>> -> memref<256x16xf32, #tpu.memory_space<vmem_shared>>
      tpu.enqueue_dma source(%arg9 : memref<256x16xf32, #tpu.memory_space<vmem>>) target(%dma_start3A_119 : memref<256x16xf32, #tpu.memory_space<vmem_shared>>) target_semaphore(%run_scoped3A : memref<!tpu.dma_semaphore, #tpu.memory_space<semaphore_mem>>)
      %dma_wait3A_120 = arith.constant 0 : i32
      %dma_wait3A_121 = tpu.memref_slice %arg10[%add3A_19, %dma_wait3A_120] : memref<100008x16xf32, #tpu.memory_space<vmem_shared>> -> memref<256x16xf32, #tpu.memory_space<vmem_shared>>
      %dma_wait3A_122 = arith.constant 0 : i32
      %dma_wait3A_123 = tpu.memref_slice %arg10[%add3A_19, %dma_wait3A_122] : memref<100008x16xf32, #tpu.memory_space<vmem_shared>> -> memref<256x16xf32, #tpu.memory_space<vmem_shared>>
      tpu.wait_dma2 semaphore(%run_scoped3A : memref<!tpu.dma_semaphore, #tpu.memory_space<semaphore_mem>>) src(%arg9 : memref<256x16xf32, #tpu.memory_space<vmem>>) dst(%dma_wait3A_123 : memref<256x16xf32, #tpu.memory_space<vmem_shared>>)
      tpu.yield
    }) : () -> ()
    %add3A_20 = arith.constant 1792 : i32
    %add3A_21 = arith.addi %min3A_1, %add3A_20 : i32
    "tpu.region"() ({
      %run_scoped3A = tpu.sem_alloc : memref<!tpu.dma_semaphore, #tpu.memory_space<semaphore_mem>>
      %dma_start3A = arith.constant 0 : i32
      %dma_start3A_117 = tpu.memref_slice %arg10[%add3A_21, %dma_start3A] : memref<100008x16xf32, #tpu.memory_space<vmem_shared>> -> memref<256x16xf32, #tpu.memory_space<vmem_shared>>
      %dma_start3A_118 = arith.constant 0 : i32
      %dma_start3A_119 = tpu.memref_slice %arg10[%add3A_21, %dma_start3A_118] : memref<100008x16xf32, #tpu.memory_space<vmem_shared>> -> memref<256x16xf32, #tpu.memory_space<vmem_shared>>
      tpu.enqueue_dma source(%arg9 : memref<256x16xf32, #tpu.memory_space<vmem>>) target(%dma_start3A_119 : memref<256x16xf32, #tpu.memory_space<vmem_shared>>) target_semaphore(%run_scoped3A : memref<!tpu.dma_semaphore, #tpu.memory_space<semaphore_mem>>)
      %dma_wait3A_120 = arith.constant 0 : i32
      %dma_wait3A_121 = tpu.memref_slice %arg10[%add3A_21, %dma_wait3A_120] : memref<100008x16xf32, #tpu.memory_space<vmem_shared>> -> memref<256x16xf32, #tpu.memory_space<vmem_shared>>
      %dma_wait3A_122 = arith.constant 0 : i32
      %dma_wait3A_123 = tpu.memref_slice %arg10[%add3A_21, %dma_wait3A_122] : memref<100008x16xf32, #tpu.memory_space<vmem_shared>> -> memref<256x16xf32, #tpu.memory_space<vmem_shared>>
      tpu.wait_dma2 semaphore(%run_scoped3A : memref<!tpu.dma_semaphore, #tpu.memory_space<semaphore_mem>>) src(%arg9 : memref<256x16xf32, #tpu.memory_space<vmem>>) dst(%dma_wait3A_123 : memref<256x16xf32, #tpu.memory_space<vmem_shared>>)
      tpu.yield
    }) : () -> ()
    %add3A_22 = arith.constant 2048 : i32
    %add3A_23 = arith.addi %min3A_1, %add3A_22 : i32
    "tpu.region"() ({
      %run_scoped3A = tpu.sem_alloc : memref<!tpu.dma_semaphore, #tpu.memory_space<semaphore_mem>>
      %dma_start3A = arith.constant 0 : i32
      %dma_start3A_117 = tpu.memref_slice %arg10[%add3A_23, %dma_start3A] : memref<100008x16xf32, #tpu.memory_space<vmem_shared>> -> memref<256x16xf32, #tpu.memory_space<vmem_shared>>
      %dma_start3A_118 = arith.constant 0 : i32
      %dma_start3A_119 = tpu.memref_slice %arg10[%add3A_23, %dma_start3A_118] : memref<100008x16xf32, #tpu.memory_space<vmem_shared>> -> memref<256x16xf32, #tpu.memory_space<vmem_shared>>
      tpu.enqueue_dma source(%arg9 : memref<256x16xf32, #tpu.memory_space<vmem>>) target(%dma_start3A_119 : memref<256x16xf32, #tpu.memory_space<vmem_shared>>) target_semaphore(%run_scoped3A : memref<!tpu.dma_semaphore, #tpu.memory_space<semaphore_mem>>)
      %dma_wait3A_120 = arith.constant 0 : i32
      %dma_wait3A_121 = tpu.memref_slice %arg10[%add3A_23, %dma_wait3A_120] : memref<100008x16xf32, #tpu.memory_space<vmem_shared>> -> memref<256x16xf32, #tpu.memory_space<vmem_shared>>
      %dma_wait3A_122 = arith.constant 0 : i32
      %dma_wait3A_123 = tpu.memref_slice %arg10[%add3A_23, %dma_wait3A_122] : memref<100008x16xf32, #tpu.memory_space<vmem_shared>> -> memref<256x16xf32, #tpu.memory_space<vmem_shared>>
      tpu.wait_dma2 semaphore(%run_scoped3A : memref<!tpu.dma_semaphore, #tpu.memory_space<semaphore_mem>>) src(%arg9 : memref<256x16xf32, #tpu.memory_space<vmem>>) dst(%dma_wait3A_123 : memref<256x16xf32, #tpu.memory_space<vmem_shared>>)
      tpu.yield
    }) : () -> ()
    %add3A_24 = arith.constant 2304 : i32
    %add3A_25 = arith.addi %min3A_1, %add3A_24 : i32
    "tpu.region"() ({
      %run_scoped3A = tpu.sem_alloc : memref<!tpu.dma_semaphore, #tpu.memory_space<semaphore_mem>>
      %dma_start3A = arith.constant 0 : i32
      %dma_start3A_117 = tpu.memref_slice %arg10[%add3A_25, %dma_start3A] : memref<100008x16xf32, #tpu.memory_space<vmem_shared>> -> memref<256x16xf32, #tpu.memory_space<vmem_shared>>
      %dma_start3A_118 = arith.constant 0 : i32
      %dma_start3A_119 = tpu.memref_slice %arg10[%add3A_25, %dma_start3A_118] : memref<100008x16xf32, #tpu.memory_space<vmem_shared>> -> memref<256x16xf32, #tpu.memory_space<vmem_shared>>
      tpu.enqueue_dma source(%arg9 : memref<256x16xf32, #tpu.memory_space<vmem>>) target(%dma_start3A_119 : memref<256x16xf32, #tpu.memory_space<vmem_shared>>) target_semaphore(%run_scoped3A : memref<!tpu.dma_semaphore, #tpu.memory_space<semaphore_mem>>)
      %dma_wait3A_120 = arith.constant 0 : i32
      %dma_wait3A_121 = tpu.memref_slice %arg10[%add3A_25, %dma_wait3A_120] : memref<100008x16xf32, #tpu.memory_space<vmem_shared>> -> memref<256x16xf32, #tpu.memory_space<vmem_shared>>
      %dma_wait3A_122 = arith.constant 0 : i32
      %dma_wait3A_123 = tpu.memref_slice %arg10[%add3A_25, %dma_wait3A_122] : memref<100008x16xf32, #tpu.memory_space<vmem_shared>> -> memref<256x16xf32, #tpu.memory_space<vmem_shared>>
      tpu.wait_dma2 semaphore(%run_scoped3A : memref<!tpu.dma_semaphore, #tpu.memory_space<semaphore_mem>>) src(%arg9 : memref<256x16xf32, #tpu.memory_space<vmem>>) dst(%dma_wait3A_123 : memref<256x16xf32, #tpu.memory_space<vmem_shared>>)
      tpu.yield
    }) : () -> ()
    %add3A_26 = arith.constant 2560 : i32
    %add3A_27 = arith.addi %min3A_1, %add3A_26 : i32
    "tpu.region"() ({
      %run_scoped3A = tpu.sem_alloc : memref<!tpu.dma_semaphore, #tpu.memory_space<semaphore_mem>>
      %dma_start3A = arith.constant 0 : i32
      %dma_start3A_117 = tpu.memref_slice %arg10[%add3A_27, %dma_start3A] : memref<100008x16xf32, #tpu.memory_space<vmem_shared>> -> memref<256x16xf32, #tpu.memory_space<vmem_shared>>
      %dma_start3A_118 = arith.constant 0 : i32
      %dma_start3A_119 = tpu.memref_slice %arg10[%add3A_27, %dma_start3A_118] : memref<100008x16xf32, #tpu.memory_space<vmem_shared>> -> memref<256x16xf32, #tpu.memory_space<vmem_shared>>
      tpu.enqueue_dma source(%arg9 : memref<256x16xf32, #tpu.memory_space<vmem>>) target(%dma_start3A_119 : memref<256x16xf32, #tpu.memory_space<vmem_shared>>) target_semaphore(%run_scoped3A : memref<!tpu.dma_semaphore, #tpu.memory_space<semaphore_mem>>)
      %dma_wait3A_120 = arith.constant 0 : i32
      %dma_wait3A_121 = tpu.memref_slice %arg10[%add3A_27, %dma_wait3A_120] : memref<100008x16xf32, #tpu.memory_space<vmem_shared>> -> memref<256x16xf32, #tpu.memory_space<vmem_shared>>
      %dma_wait3A_122 = arith.constant 0 : i32
      %dma_wait3A_123 = tpu.memref_slice %arg10[%add3A_27, %dma_wait3A_122] : memref<100008x16xf32, #tpu.memory_space<vmem_shared>> -> memref<256x16xf32, #tpu.memory_space<vmem_shared>>
      tpu.wait_dma2 semaphore(%run_scoped3A : memref<!tpu.dma_semaphore, #tpu.memory_space<semaphore_mem>>) src(%arg9 : memref<256x16xf32, #tpu.memory_space<vmem>>) dst(%dma_wait3A_123 : memref<256x16xf32, #tpu.memory_space<vmem_shared>>)
      tpu.yield
    }) : () -> ()
    %add3A_28 = arith.constant 2816 : i32
    %add3A_29 = arith.addi %min3A_1, %add3A_28 : i32
    "tpu.region"() ({
      %run_scoped3A = tpu.sem_alloc : memref<!tpu.dma_semaphore, #tpu.memory_space<semaphore_mem>>
      %dma_start3A = arith.constant 0 : i32
      %dma_start3A_117 = tpu.memref_slice %arg10[%add3A_29, %dma_start3A] : memref<100008x16xf32, #tpu.memory_space<vmem_shared>> -> memref<256x16xf32, #tpu.memory_space<vmem_shared>>
      %dma_start3A_118 = arith.constant 0 : i32
      %dma_start3A_119 = tpu.memref_slice %arg10[%add3A_29, %dma_start3A_118] : memref<100008x16xf32, #tpu.memory_space<vmem_shared>> -> memref<256x16xf32, #tpu.memory_space<vmem_shared>>
      tpu.enqueue_dma source(%arg9 : memref<256x16xf32, #tpu.memory_space<vmem>>) target(%dma_start3A_119 : memref<256x16xf32, #tpu.memory_space<vmem_shared>>) target_semaphore(%run_scoped3A : memref<!tpu.dma_semaphore, #tpu.memory_space<semaphore_mem>>)
      %dma_wait3A_120 = arith.constant 0 : i32
      %dma_wait3A_121 = tpu.memref_slice %arg10[%add3A_29, %dma_wait3A_120] : memref<100008x16xf32, #tpu.memory_space<vmem_shared>> -> memref<256x16xf32, #tpu.memory_space<vmem_shared>>
      %dma_wait3A_122 = arith.constant 0 : i32
      %dma_wait3A_123 = tpu.memref_slice %arg10[%add3A_29, %dma_wait3A_122] : memref<100008x16xf32, #tpu.memory_space<vmem_shared>> -> memref<256x16xf32, #tpu.memory_space<vmem_shared>>
      tpu.wait_dma2 semaphore(%run_scoped3A : memref<!tpu.dma_semaphore, #tpu.memory_space<semaphore_mem>>) src(%arg9 : memref<256x16xf32, #tpu.memory_space<vmem>>) dst(%dma_wait3A_123 : memref<256x16xf32, #tpu.memory_space<vmem_shared>>)
      tpu.yield
    }) : () -> ()
    %add3A_30 = arith.constant 3072 : i32
    %add3A_31 = arith.addi %min3A_1, %add3A_30 : i32
    "tpu.region"() ({
      %run_scoped3A = tpu.sem_alloc : memref<!tpu.dma_semaphore, #tpu.memory_space<semaphore_mem>>
      %dma_start3A = arith.constant 0 : i32
      %dma_start3A_117 = tpu.memref_slice %arg10[%add3A_31, %dma_start3A] : memref<100008x16xf32, #tpu.memory_space<vmem_shared>> -> memref<256x16xf32, #tpu.memory_space<vmem_shared>>
      %dma_start3A_118 = arith.constant 0 : i32
      %dma_start3A_119 = tpu.memref_slice %arg10[%add3A_31, %dma_start3A_118] : memref<100008x16xf32, #tpu.memory_space<vmem_shared>> -> memref<256x16xf32, #tpu.memory_space<vmem_shared>>
      tpu.enqueue_dma source(%arg9 : memref<256x16xf32, #tpu.memory_space<vmem>>) target(%dma_start3A_119 : memref<256x16xf32, #tpu.memory_space<vmem_shared>>) target_semaphore(%run_scoped3A : memref<!tpu.dma_semaphore, #tpu.memory_space<semaphore_mem>>)
      %dma_wait3A_120 = arith.constant 0 : i32
      %dma_wait3A_121 = tpu.memref_slice %arg10[%add3A_31, %dma_wait3A_120] : memref<100008x16xf32, #tpu.memory_space<vmem_shared>> -> memref<256x16xf32, #tpu.memory_space<vmem_shared>>
      %dma_wait3A_122 = arith.constant 0 : i32
      %dma_wait3A_123 = tpu.memref_slice %arg10[%add3A_31, %dma_wait3A_122] : memref<100008x16xf32, #tpu.memory_space<vmem_shared>> -> memref<256x16xf32, #tpu.memory_space<vmem_shared>>
      tpu.wait_dma2 semaphore(%run_scoped3A : memref<!tpu.dma_semaphore, #tpu.memory_space<semaphore_mem>>) src(%arg9 : memref<256x16xf32, #tpu.memory_space<vmem>>) dst(%dma_wait3A_123 : memref<256x16xf32, #tpu.memory_space<vmem_shared>>)
      tpu.yield
    }) : () -> ()
    %add3A_32 = arith.constant 3328 : i32
    %add3A_33 = arith.addi %min3A_1, %add3A_32 : i32
    "tpu.region"() ({
      %run_scoped3A = tpu.sem_alloc : memref<!tpu.dma_semaphore, #tpu.memory_space<semaphore_mem>>
      %dma_start3A = arith.constant 0 : i32
      %dma_start3A_117 = tpu.memref_slice %arg10[%add3A_33, %dma_start3A] : memref<100008x16xf32, #tpu.memory_space<vmem_shared>> -> memref<256x16xf32, #tpu.memory_space<vmem_shared>>
      %dma_start3A_118 = arith.constant 0 : i32
      %dma_start3A_119 = tpu.memref_slice %arg10[%add3A_33, %dma_start3A_118] : memref<100008x16xf32, #tpu.memory_space<vmem_shared>> -> memref<256x16xf32, #tpu.memory_space<vmem_shared>>
      tpu.enqueue_dma source(%arg9 : memref<256x16xf32, #tpu.memory_space<vmem>>) target(%dma_start3A_119 : memref<256x16xf32, #tpu.memory_space<vmem_shared>>) target_semaphore(%run_scoped3A : memref<!tpu.dma_semaphore, #tpu.memory_space<semaphore_mem>>)
      %dma_wait3A_120 = arith.constant 0 : i32
      %dma_wait3A_121 = tpu.memref_slice %arg10[%add3A_33, %dma_wait3A_120] : memref<100008x16xf32, #tpu.memory_space<vmem_shared>> -> memref<256x16xf32, #tpu.memory_space<vmem_shared>>
      %dma_wait3A_122 = arith.constant 0 : i32
      %dma_wait3A_123 = tpu.memref_slice %arg10[%add3A_33, %dma_wait3A_122] : memref<100008x16xf32, #tpu.memory_space<vmem_shared>> -> memref<256x16xf32, #tpu.memory_space<vmem_shared>>
      tpu.wait_dma2 semaphore(%run_scoped3A : memref<!tpu.dma_semaphore, #tpu.memory_space<semaphore_mem>>) src(%arg9 : memref<256x16xf32, #tpu.memory_space<vmem>>) dst(%dma_wait3A_123 : memref<256x16xf32, #tpu.memory_space<vmem_shared>>)
      tpu.yield
    }) : () -> ()
    %add3A_34 = arith.constant 3584 : i32
    %add3A_35 = arith.addi %min3A_1, %add3A_34 : i32
    "tpu.region"() ({
      %run_scoped3A = tpu.sem_alloc : memref<!tpu.dma_semaphore, #tpu.memory_space<semaphore_mem>>
      %dma_start3A = arith.constant 0 : i32
      %dma_start3A_117 = tpu.memref_slice %arg10[%add3A_35, %dma_start3A] : memref<100008x16xf32, #tpu.memory_space<vmem_shared>> -> memref<256x16xf32, #tpu.memory_space<vmem_shared>>
      %dma_start3A_118 = arith.constant 0 : i32
      %dma_start3A_119 = tpu.memref_slice %arg10[%add3A_35, %dma_start3A_118] : memref<100008x16xf32, #tpu.memory_space<vmem_shared>> -> memref<256x16xf32, #tpu.memory_space<vmem_shared>>
      tpu.enqueue_dma source(%arg9 : memref<256x16xf32, #tpu.memory_space<vmem>>) target(%dma_start3A_119 : memref<256x16xf32, #tpu.memory_space<vmem_shared>>) target_semaphore(%run_scoped3A : memref<!tpu.dma_semaphore, #tpu.memory_space<semaphore_mem>>)
      %dma_wait3A_120 = arith.constant 0 : i32
      %dma_wait3A_121 = tpu.memref_slice %arg10[%add3A_35, %dma_wait3A_120] : memref<100008x16xf32, #tpu.memory_space<vmem_shared>> -> memref<256x16xf32, #tpu.memory_space<vmem_shared>>
      %dma_wait3A_122 = arith.constant 0 : i32
      %dma_wait3A_123 = tpu.memref_slice %arg10[%add3A_35, %dma_wait3A_122] : memref<100008x16xf32, #tpu.memory_space<vmem_shared>> -> memref<256x16xf32, #tpu.memory_space<vmem_shared>>
      tpu.wait_dma2 semaphore(%run_scoped3A : memref<!tpu.dma_semaphore, #tpu.memory_space<semaphore_mem>>) src(%arg9 : memref<256x16xf32, #tpu.memory_space<vmem>>) dst(%dma_wait3A_123 : memref<256x16xf32, #tpu.memory_space<vmem_shared>>)
      tpu.yield
    }) : () -> ()
    %add3A_36 = arith.constant 3840 : i32
    %add3A_37 = arith.addi %min3A_1, %add3A_36 : i32
    "tpu.region"() ({
      %run_scoped3A = tpu.sem_alloc : memref<!tpu.dma_semaphore, #tpu.memory_space<semaphore_mem>>
      %dma_start3A = arith.constant 0 : i32
      %dma_start3A_117 = tpu.memref_slice %arg10[%add3A_37, %dma_start3A] : memref<100008x16xf32, #tpu.memory_space<vmem_shared>> -> memref<256x16xf32, #tpu.memory_space<vmem_shared>>
      %dma_start3A_118 = arith.constant 0 : i32
      %dma_start3A_119 = tpu.memref_slice %arg10[%add3A_37, %dma_start3A_118] : memref<100008x16xf32, #tpu.memory_space<vmem_shared>> -> memref<256x16xf32, #tpu.memory_space<vmem_shared>>
      tpu.enqueue_dma source(%arg9 : memref<256x16xf32, #tpu.memory_space<vmem>>) target(%dma_start3A_119 : memref<256x16xf32, #tpu.memory_space<vmem_shared>>) target_semaphore(%run_scoped3A : memref<!tpu.dma_semaphore, #tpu.memory_space<semaphore_mem>>)
      %dma_wait3A_120 = arith.constant 0 : i32
      %dma_wait3A_121 = tpu.memref_slice %arg10[%add3A_37, %dma_wait3A_120] : memref<100008x16xf32, #tpu.memory_space<vmem_shared>> -> memref<256x16xf32, #tpu.memory_space<vmem_shared>>
      %dma_wait3A_122 = arith.constant 0 : i32
      %dma_wait3A_123 = tpu.memref_slice %arg10[%add3A_37, %dma_wait3A_122] : memref<100008x16xf32, #tpu.memory_space<vmem_shared>> -> memref<256x16xf32, #tpu.memory_space<vmem_shared>>
      tpu.wait_dma2 semaphore(%run_scoped3A : memref<!tpu.dma_semaphore, #tpu.memory_space<semaphore_mem>>) src(%arg9 : memref<256x16xf32, #tpu.memory_space<vmem>>) dst(%dma_wait3A_123 : memref<256x16xf32, #tpu.memory_space<vmem_shared>>)
      tpu.yield
    }) : () -> ()
    %add3A_38 = arith.constant 4096 : i32
    %add3A_39 = arith.addi %min3A_1, %add3A_38 : i32
    "tpu.region"() ({
      %run_scoped3A = tpu.sem_alloc : memref<!tpu.dma_semaphore, #tpu.memory_space<semaphore_mem>>
      %dma_start3A = arith.constant 0 : i32
      %dma_start3A_117 = tpu.memref_slice %arg10[%add3A_39, %dma_start3A] : memref<100008x16xf32, #tpu.memory_space<vmem_shared>> -> memref<256x16xf32, #tpu.memory_space<vmem_shared>>
      %dma_start3A_118 = arith.constant 0 : i32
      %dma_start3A_119 = tpu.memref_slice %arg10[%add3A_39, %dma_start3A_118] : memref<100008x16xf32, #tpu.memory_space<vmem_shared>> -> memref<256x16xf32, #tpu.memory_space<vmem_shared>>
      tpu.enqueue_dma source(%arg9 : memref<256x16xf32, #tpu.memory_space<vmem>>) target(%dma_start3A_119 : memref<256x16xf32, #tpu.memory_space<vmem_shared>>) target_semaphore(%run_scoped3A : memref<!tpu.dma_semaphore, #tpu.memory_space<semaphore_mem>>)
      %dma_wait3A_120 = arith.constant 0 : i32
      %dma_wait3A_121 = tpu.memref_slice %arg10[%add3A_39, %dma_wait3A_120] : memref<100008x16xf32, #tpu.memory_space<vmem_shared>> -> memref<256x16xf32, #tpu.memory_space<vmem_shared>>
      %dma_wait3A_122 = arith.constant 0 : i32
      %dma_wait3A_123 = tpu.memref_slice %arg10[%add3A_39, %dma_wait3A_122] : memref<100008x16xf32, #tpu.memory_space<vmem_shared>> -> memref<256x16xf32, #tpu.memory_space<vmem_shared>>
      tpu.wait_dma2 semaphore(%run_scoped3A : memref<!tpu.dma_semaphore, #tpu.memory_space<semaphore_mem>>) src(%arg9 : memref<256x16xf32, #tpu.memory_space<vmem>>) dst(%dma_wait3A_123 : memref<256x16xf32, #tpu.memory_space<vmem_shared>>)
      tpu.yield
    }) : () -> ()
    %add3A_40 = arith.constant 4352 : i32
    %add3A_41 = arith.addi %min3A_1, %add3A_40 : i32
    "tpu.region"() ({
      %run_scoped3A = tpu.sem_alloc : memref<!tpu.dma_semaphore, #tpu.memory_space<semaphore_mem>>
      %dma_start3A = arith.constant 0 : i32
      %dma_start3A_117 = tpu.memref_slice %arg10[%add3A_41, %dma_start3A] : memref<100008x16xf32, #tpu.memory_space<vmem_shared>> -> memref<256x16xf32, #tpu.memory_space<vmem_shared>>
      %dma_start3A_118 = arith.constant 0 : i32
      %dma_start3A_119 = tpu.memref_slice %arg10[%add3A_41, %dma_start3A_118] : memref<100008x16xf32, #tpu.memory_space<vmem_shared>> -> memref<256x16xf32, #tpu.memory_space<vmem_shared>>
      tpu.enqueue_dma source(%arg9 : memref<256x16xf32, #tpu.memory_space<vmem>>) target(%dma_start3A_119 : memref<256x16xf32, #tpu.memory_space<vmem_shared>>) target_semaphore(%run_scoped3A : memref<!tpu.dma_semaphore, #tpu.memory_space<semaphore_mem>>)
      %dma_wait3A_120 = arith.constant 0 : i32
      %dma_wait3A_121 = tpu.memref_slice %arg10[%add3A_41, %dma_wait3A_120] : memref<100008x16xf32, #tpu.memory_space<vmem_shared>> -> memref<256x16xf32, #tpu.memory_space<vmem_shared>>
      %dma_wait3A_122 = arith.constant 0 : i32
      %dma_wait3A_123 = tpu.memref_slice %arg10[%add3A_41, %dma_wait3A_122] : memref<100008x16xf32, #tpu.memory_space<vmem_shared>> -> memref<256x16xf32, #tpu.memory_space<vmem_shared>>
      tpu.wait_dma2 semaphore(%run_scoped3A : memref<!tpu.dma_semaphore, #tpu.memory_space<semaphore_mem>>) src(%arg9 : memref<256x16xf32, #tpu.memory_space<vmem>>) dst(%dma_wait3A_123 : memref<256x16xf32, #tpu.memory_space<vmem_shared>>)
      tpu.yield
    }) : () -> ()
    %add3A_42 = arith.constant 4608 : i32
    %add3A_43 = arith.addi %min3A_1, %add3A_42 : i32
    "tpu.region"() ({
      %run_scoped3A = tpu.sem_alloc : memref<!tpu.dma_semaphore, #tpu.memory_space<semaphore_mem>>
      %dma_start3A = arith.constant 0 : i32
      %dma_start3A_117 = tpu.memref_slice %arg10[%add3A_43, %dma_start3A] : memref<100008x16xf32, #tpu.memory_space<vmem_shared>> -> memref<256x16xf32, #tpu.memory_space<vmem_shared>>
      %dma_start3A_118 = arith.constant 0 : i32
      %dma_start3A_119 = tpu.memref_slice %arg10[%add3A_43, %dma_start3A_118] : memref<100008x16xf32, #tpu.memory_space<vmem_shared>> -> memref<256x16xf32, #tpu.memory_space<vmem_shared>>
      tpu.enqueue_dma source(%arg9 : memref<256x16xf32, #tpu.memory_space<vmem>>) target(%dma_start3A_119 : memref<256x16xf32, #tpu.memory_space<vmem_shared>>) target_semaphore(%run_scoped3A : memref<!tpu.dma_semaphore, #tpu.memory_space<semaphore_mem>>)
      %dma_wait3A_120 = arith.constant 0 : i32
      %dma_wait3A_121 = tpu.memref_slice %arg10[%add3A_43, %dma_wait3A_120] : memref<100008x16xf32, #tpu.memory_space<vmem_shared>> -> memref<256x16xf32, #tpu.memory_space<vmem_shared>>
      %dma_wait3A_122 = arith.constant 0 : i32
      %dma_wait3A_123 = tpu.memref_slice %arg10[%add3A_43, %dma_wait3A_122] : memref<100008x16xf32, #tpu.memory_space<vmem_shared>> -> memref<256x16xf32, #tpu.memory_space<vmem_shared>>
      tpu.wait_dma2 semaphore(%run_scoped3A : memref<!tpu.dma_semaphore, #tpu.memory_space<semaphore_mem>>) src(%arg9 : memref<256x16xf32, #tpu.memory_space<vmem>>) dst(%dma_wait3A_123 : memref<256x16xf32, #tpu.memory_space<vmem_shared>>)
      tpu.yield
    }) : () -> ()
    %add3A_44 = arith.constant 4864 : i32
    %add3A_45 = arith.addi %min3A_1, %add3A_44 : i32
    "tpu.region"() ({
      %run_scoped3A = tpu.sem_alloc : memref<!tpu.dma_semaphore, #tpu.memory_space<semaphore_mem>>
      %dma_start3A = arith.constant 0 : i32
      %dma_start3A_117 = tpu.memref_slice %arg10[%add3A_45, %dma_start3A] : memref<100008x16xf32, #tpu.memory_space<vmem_shared>> -> memref<256x16xf32, #tpu.memory_space<vmem_shared>>
      %dma_start3A_118 = arith.constant 0 : i32
      %dma_start3A_119 = tpu.memref_slice %arg10[%add3A_45, %dma_start3A_118] : memref<100008x16xf32, #tpu.memory_space<vmem_shared>> -> memref<256x16xf32, #tpu.memory_space<vmem_shared>>
      tpu.enqueue_dma source(%arg9 : memref<256x16xf32, #tpu.memory_space<vmem>>) target(%dma_start3A_119 : memref<256x16xf32, #tpu.memory_space<vmem_shared>>) target_semaphore(%run_scoped3A : memref<!tpu.dma_semaphore, #tpu.memory_space<semaphore_mem>>)
      %dma_wait3A_120 = arith.constant 0 : i32
      %dma_wait3A_121 = tpu.memref_slice %arg10[%add3A_45, %dma_wait3A_120] : memref<100008x16xf32, #tpu.memory_space<vmem_shared>> -> memref<256x16xf32, #tpu.memory_space<vmem_shared>>
      %dma_wait3A_122 = arith.constant 0 : i32
      %dma_wait3A_123 = tpu.memref_slice %arg10[%add3A_45, %dma_wait3A_122] : memref<100008x16xf32, #tpu.memory_space<vmem_shared>> -> memref<256x16xf32, #tpu.memory_space<vmem_shared>>
      tpu.wait_dma2 semaphore(%run_scoped3A : memref<!tpu.dma_semaphore, #tpu.memory_space<semaphore_mem>>) src(%arg9 : memref<256x16xf32, #tpu.memory_space<vmem>>) dst(%dma_wait3A_123 : memref<256x16xf32, #tpu.memory_space<vmem_shared>>)
      tpu.yield
    }) : () -> ()
    %add3A_46 = arith.constant 5120 : i32
    %add3A_47 = arith.addi %min3A_1, %add3A_46 : i32
    "tpu.region"() ({
      %run_scoped3A = tpu.sem_alloc : memref<!tpu.dma_semaphore, #tpu.memory_space<semaphore_mem>>
      %dma_start3A = arith.constant 0 : i32
      %dma_start3A_117 = tpu.memref_slice %arg10[%add3A_47, %dma_start3A] : memref<100008x16xf32, #tpu.memory_space<vmem_shared>> -> memref<256x16xf32, #tpu.memory_space<vmem_shared>>
      %dma_start3A_118 = arith.constant 0 : i32
      %dma_start3A_119 = tpu.memref_slice %arg10[%add3A_47, %dma_start3A_118] : memref<100008x16xf32, #tpu.memory_space<vmem_shared>> -> memref<256x16xf32, #tpu.memory_space<vmem_shared>>
      tpu.enqueue_dma source(%arg9 : memref<256x16xf32, #tpu.memory_space<vmem>>) target(%dma_start3A_119 : memref<256x16xf32, #tpu.memory_space<vmem_shared>>) target_semaphore(%run_scoped3A : memref<!tpu.dma_semaphore, #tpu.memory_space<semaphore_mem>>)
      %dma_wait3A_120 = arith.constant 0 : i32
      %dma_wait3A_121 = tpu.memref_slice %arg10[%add3A_47, %dma_wait3A_120] : memref<100008x16xf32, #tpu.memory_space<vmem_shared>> -> memref<256x16xf32, #tpu.memory_space<vmem_shared>>
      %dma_wait3A_122 = arith.constant 0 : i32
      %dma_wait3A_123 = tpu.memref_slice %arg10[%add3A_47, %dma_wait3A_122] : memref<100008x16xf32, #tpu.memory_space<vmem_shared>> -> memref<256x16xf32, #tpu.memory_space<vmem_shared>>
      tpu.wait_dma2 semaphore(%run_scoped3A : memref<!tpu.dma_semaphore, #tpu.memory_space<semaphore_mem>>) src(%arg9 : memref<256x16xf32, #tpu.memory_space<vmem>>) dst(%dma_wait3A_123 : memref<256x16xf32, #tpu.memory_space<vmem_shared>>)
      tpu.yield
    }) : () -> ()
    %add3A_48 = arith.constant 5376 : i32
    %add3A_49 = arith.addi %min3A_1, %add3A_48 : i32
    "tpu.region"() ({
      %run_scoped3A = tpu.sem_alloc : memref<!tpu.dma_semaphore, #tpu.memory_space<semaphore_mem>>
      %dma_start3A = arith.constant 0 : i32
      %dma_start3A_117 = tpu.memref_slice %arg10[%add3A_49, %dma_start3A] : memref<100008x16xf32, #tpu.memory_space<vmem_shared>> -> memref<256x16xf32, #tpu.memory_space<vmem_shared>>
      %dma_start3A_118 = arith.constant 0 : i32
      %dma_start3A_119 = tpu.memref_slice %arg10[%add3A_49, %dma_start3A_118] : memref<100008x16xf32, #tpu.memory_space<vmem_shared>> -> memref<256x16xf32, #tpu.memory_space<vmem_shared>>
      tpu.enqueue_dma source(%arg9 : memref<256x16xf32, #tpu.memory_space<vmem>>) target(%dma_start3A_119 : memref<256x16xf32, #tpu.memory_space<vmem_shared>>) target_semaphore(%run_scoped3A : memref<!tpu.dma_semaphore, #tpu.memory_space<semaphore_mem>>)
      %dma_wait3A_120 = arith.constant 0 : i32
      %dma_wait3A_121 = tpu.memref_slice %arg10[%add3A_49, %dma_wait3A_120] : memref<100008x16xf32, #tpu.memory_space<vmem_shared>> -> memref<256x16xf32, #tpu.memory_space<vmem_shared>>
      %dma_wait3A_122 = arith.constant 0 : i32
      %dma_wait3A_123 = tpu.memref_slice %arg10[%add3A_49, %dma_wait3A_122] : memref<100008x16xf32, #tpu.memory_space<vmem_shared>> -> memref<256x16xf32, #tpu.memory_space<vmem_shared>>
      tpu.wait_dma2 semaphore(%run_scoped3A : memref<!tpu.dma_semaphore, #tpu.memory_space<semaphore_mem>>) src(%arg9 : memref<256x16xf32, #tpu.memory_space<vmem>>) dst(%dma_wait3A_123 : memref<256x16xf32, #tpu.memory_space<vmem_shared>>)
      tpu.yield
    }) : () -> ()
    %add3A_50 = arith.constant 5632 : i32
    %add3A_51 = arith.addi %min3A_1, %add3A_50 : i32
    "tpu.region"() ({
      %run_scoped3A = tpu.sem_alloc : memref<!tpu.dma_semaphore, #tpu.memory_space<semaphore_mem>>
      %dma_start3A = arith.constant 0 : i32
      %dma_start3A_117 = tpu.memref_slice %arg10[%add3A_51, %dma_start3A] : memref<100008x16xf32, #tpu.memory_space<vmem_shared>> -> memref<256x16xf32, #tpu.memory_space<vmem_shared>>
      %dma_start3A_118 = arith.constant 0 : i32
      %dma_start3A_119 = tpu.memref_slice %arg10[%add3A_51, %dma_start3A_118] : memref<100008x16xf32, #tpu.memory_space<vmem_shared>> -> memref<256x16xf32, #tpu.memory_space<vmem_shared>>
      tpu.enqueue_dma source(%arg9 : memref<256x16xf32, #tpu.memory_space<vmem>>) target(%dma_start3A_119 : memref<256x16xf32, #tpu.memory_space<vmem_shared>>) target_semaphore(%run_scoped3A : memref<!tpu.dma_semaphore, #tpu.memory_space<semaphore_mem>>)
      %dma_wait3A_120 = arith.constant 0 : i32
      %dma_wait3A_121 = tpu.memref_slice %arg10[%add3A_51, %dma_wait3A_120] : memref<100008x16xf32, #tpu.memory_space<vmem_shared>> -> memref<256x16xf32, #tpu.memory_space<vmem_shared>>
      %dma_wait3A_122 = arith.constant 0 : i32
      %dma_wait3A_123 = tpu.memref_slice %arg10[%add3A_51, %dma_wait3A_122] : memref<100008x16xf32, #tpu.memory_space<vmem_shared>> -> memref<256x16xf32, #tpu.memory_space<vmem_shared>>
      tpu.wait_dma2 semaphore(%run_scoped3A : memref<!tpu.dma_semaphore, #tpu.memory_space<semaphore_mem>>) src(%arg9 : memref<256x16xf32, #tpu.memory_space<vmem>>) dst(%dma_wait3A_123 : memref<256x16xf32, #tpu.memory_space<vmem_shared>>)
      tpu.yield
    }) : () -> ()
    %add3A_52 = arith.constant 5888 : i32
    %add3A_53 = arith.addi %min3A_1, %add3A_52 : i32
    "tpu.region"() ({
      %run_scoped3A = tpu.sem_alloc : memref<!tpu.dma_semaphore, #tpu.memory_space<semaphore_mem>>
      %dma_start3A = arith.constant 0 : i32
      %dma_start3A_117 = tpu.memref_slice %arg10[%add3A_53, %dma_start3A] : memref<100008x16xf32, #tpu.memory_space<vmem_shared>> -> memref<256x16xf32, #tpu.memory_space<vmem_shared>>
      %dma_start3A_118 = arith.constant 0 : i32
      %dma_start3A_119 = tpu.memref_slice %arg10[%add3A_53, %dma_start3A_118] : memref<100008x16xf32, #tpu.memory_space<vmem_shared>> -> memref<256x16xf32, #tpu.memory_space<vmem_shared>>
      tpu.enqueue_dma source(%arg9 : memref<256x16xf32, #tpu.memory_space<vmem>>) target(%dma_start3A_119 : memref<256x16xf32, #tpu.memory_space<vmem_shared>>) target_semaphore(%run_scoped3A : memref<!tpu.dma_semaphore, #tpu.memory_space<semaphore_mem>>)
      %dma_wait3A_120 = arith.constant 0 : i32
      %dma_wait3A_121 = tpu.memref_slice %arg10[%add3A_53, %dma_wait3A_120] : memref<100008x16xf32, #tpu.memory_space<vmem_shared>> -> memref<256x16xf32, #tpu.memory_space<vmem_shared>>
      %dma_wait3A_122 = arith.constant 0 : i32
      %dma_wait3A_123 = tpu.memref_slice %arg10[%add3A_53, %dma_wait3A_122] : memref<100008x16xf32, #tpu.memory_space<vmem_shared>> -> memref<256x16xf32, #tpu.memory_space<vmem_shared>>
      tpu.wait_dma2 semaphore(%run_scoped3A : memref<!tpu.dma_semaphore, #tpu.memory_space<semaphore_mem>>) src(%arg9 : memref<256x16xf32, #tpu.memory_space<vmem>>) dst(%dma_wait3A_123 : memref<256x16xf32, #tpu.memory_space<vmem_shared>>)
      tpu.yield
    }) : () -> ()
    %add3A_54 = arith.constant 6256 : i32
    %add3A_55 = arith.addi %min3A_1, %add3A_54 : i32
    %sub3A = arith.constant 112 : i32
    %sub3A_56 = arith.subi %add3A_55, %sub3A : i32
    "tpu.region"() ({
      %run_scoped3A = tpu.sem_alloc : memref<!tpu.dma_semaphore, #tpu.memory_space<semaphore_mem>>
      %dma_start3A = arith.constant 0 : i32
      %dma_start3A_117 = arith.constant 0 : i32
      %dma_start3A_118 = tpu.memref_slice %arg9[%dma_start3A, %dma_start3A_117] : memref<256x16xf32, #tpu.memory_space<vmem>> -> memref<112x16xf32, #tpu.memory_space<vmem>>
      %dma_start3A_119 = arith.constant 0 : i32
      %dma_start3A_120 = tpu.memref_slice %arg10[%sub3A_56, %dma_start3A_119] : memref<100008x16xf32, #tpu.memory_space<vmem_shared>> -> memref<112x16xf32, #tpu.memory_space<vmem_shared>>
      %dma_start3A_121 = arith.constant 0 : i32
      %dma_start3A_122 = tpu.memref_slice %arg10[%sub3A_56, %dma_start3A_121] : memref<100008x16xf32, #tpu.memory_space<vmem_shared>> -> memref<112x16xf32, #tpu.memory_space<vmem_shared>>
      %dma_start3A_123 = arith.constant 0 : i32
      %dma_start3A_124 = arith.constant 0 : i32
      %dma_start3A_125 = tpu.memref_slice %arg9[%dma_start3A_123, %dma_start3A_124] : memref<256x16xf32, #tpu.memory_space<vmem>> -> memref<112x16xf32, #tpu.memory_space<vmem>>
      tpu.enqueue_dma source(%dma_start3A_125 : memref<112x16xf32, #tpu.memory_space<vmem>>) target(%dma_start3A_122 : memref<112x16xf32, #tpu.memory_space<vmem_shared>>) target_semaphore(%run_scoped3A : memref<!tpu.dma_semaphore, #tpu.memory_space<semaphore_mem>>)
      %dma_wait3A_126 = arith.constant 0 : i32
      %dma_wait3A_127 = arith.constant 0 : i32
      %dma_wait3A_128 = tpu.memref_slice %arg9[%dma_wait3A_126, %dma_wait3A_127] : memref<256x16xf32, #tpu.memory_space<vmem>> -> memref<112x16xf32, #tpu.memory_space<vmem>>
      %dma_wait3A_129 = arith.constant 0 : i32
      %dma_wait3A_130 = tpu.memref_slice %arg10[%sub3A_56, %dma_wait3A_129] : memref<100008x16xf32, #tpu.memory_space<vmem_shared>> -> memref<112x16xf32, #tpu.memory_space<vmem_shared>>
      %dma_wait3A_131 = arith.constant 0 : i32
      %dma_wait3A_132 = tpu.memref_slice %arg10[%sub3A_56, %dma_wait3A_131] : memref<100008x16xf32, #tpu.memory_space<vmem_shared>> -> memref<112x16xf32, #tpu.memory_space<vmem_shared>>
      %dma_wait3A_133 = arith.constant 0 : i32
      %dma_wait3A_134 = arith.constant 0 : i32
      %dma_wait3A_135 = tpu.memref_slice %arg9[%dma_wait3A_133, %dma_wait3A_134] : memref<256x16xf32, #tpu.memory_space<vmem>> -> memref<112x16xf32, #tpu.memory_space<vmem>>
      tpu.wait_dma2 semaphore(%run_scoped3A : memref<!tpu.dma_semaphore, #tpu.memory_space<semaphore_mem>>) src(%dma_wait3A_135 : memref<112x16xf32, #tpu.memory_space<vmem>>) dst(%dma_wait3A_132 : memref<112x16xf32, #tpu.memory_space<vmem_shared>>)
      tpu.yield
    }) : () -> ()
    %barrier3A = arith.constant 0 : index
    tpu.barrier barrier_id(%barrier3A)
    %eq3A = arith.constant 0 : i32
    %eq3A_57 = arith.cmpi eq, %arg0, %eq3A : i32
    %jit3A = arith.constant 98 : i32
    %jit3A_58 = arith.constant 96 : i32
    %select_n3A = arith.select %eq3A_57, %jit3A, %jit3A_58 : i32
    %eq3A_59 = arith.constant 0 : i32
    %eq3A_60 = arith.cmpi eq, %arg0, %eq3A_59 : i32
    %jit3A_61 = arith.constant 7 : i32
    %jit3A_62 = arith.constant 14 : i32
    %select_n3A_63 = arith.select %eq3A_60, %jit3A_61, %jit3A_62 : i32
    %lt3A = arith.cmpi slt, %arg1, %select_n3A_63 : i32
    %convert_element_type3A = arith.extui %lt3A : i1 to i32
    %add3A_64 = arith.addi %select_n3A, %convert_element_type3A : i32
    %eq3A_65 = arith.constant 0 : i32
    %eq3A_66 = arith.cmpi eq, %arg0, %eq3A_65 : i32
    %jit3A_67 = arith.constant 0 : i32
    %jit3A_68 = arith.constant 1575 : i32
    %select_n3A_69 = arith.select %eq3A_66, %jit3A_67, %jit3A_68 : i32
    %mul3A_70 = arith.muli %arg1, %select_n3A : i32
    %add3A_71 = arith.addi %select_n3A_69, %mul3A_70 : i32
    %min3A_72 = arith.minsi %arg1, %select_n3A_63 : i32
    %add3A_73 = arith.addi %add3A_71, %min3A_72 : i32
    %while3A = arith.constant 0 : i32
    %while3A_74 = arith.constant 0 : i32
    %while3A_75 = arith.subi %add3A_64, %while3A_74 : i32
    %while3A_76 = arith.addi %while3A_74, %while3A_75 : i32
    %while3A_77 = arith.constant 1 : i32
    %while3A_78 = arith.divsi %while3A_75, %while3A_77 : i32
    %while3A_79 = arith.muli %while3A_78, %while3A_77 : i32
    %while3A_80 = arith.addi %while3A_74, %while3A_79 : i32
    %while3A_81 = arith.constant 1 : i32
    scf.for %while3A_117 = %while3A_74 to %while3A_80 step %while3A_81  : i32 {
      %jit3A_118 = arith.constant 2 : i32
      %eq3A_119 = arith.constant 0 : i32
      %eq3A_120 = arith.cmpi eq, %jit3A_118, %eq3A_119 : i32
      %jit3A_121 = arith.constant 1 : i32
      %select_n3A_122 = arith.select %eq3A_120, %jit3A_121, %jit3A_118 : i32
      %rem3A = arith.remsi %while3A_117, %select_n3A_122 : i32
      %ne3A = arith.constant 0 : i32
      %ne3A_123 = arith.cmpi ne, %rem3A, %ne3A : i32
      %lt3A_124 = arith.constant 0 : i32
      %lt3A_125 = arith.cmpi slt, %rem3A, %lt3A_124 : i32
      %lt3A_126 = arith.constant 0 : i32
      %lt3A_127 = arith.cmpi slt, %select_n3A_122, %lt3A_126 : i32
      %ne3A_128 = arith.xori %lt3A_125, %lt3A_127 : i1
      %and3A = arith.andi %ne3A_128, %ne3A_123 : i1
      %add3A_129 = arith.addi %rem3A, %select_n3A_122 : i32
      %select_n3A_130 = arith.select %and3A, %add3A_129, %rem3A : i32
      %add3A_131 = arith.addi %add3A_73, %while3A_117 : i32
      %mul3A_132 = arith.constant 512 : i32
      %mul3A_133 = arith.muli %add3A_131, %mul3A_132 : i32
      %ge3A = arith.constant 2 : i32
      %ge3A_134 = arith.cmpi sge, %while3A_117, %ge3A : i32
      %convert_element_type3A_135 = arith.extui %ge3A_134 : i1 to i32
      %cond3A = arith.constant 0 : i32
      %cond3A_136 = arith.cmpi ne, %convert_element_type3A_135, %cond3A : i32
      scf.if %cond3A_136 {
        %dma_wait3A_172 = arith.constant 0 : i32
        %dma_wait3A_173 = arith.constant 0 : i32
        %dma_wait3A_174 = tpu.memref_slice %arg8[%select_n3A_130, %dma_wait3A_172, %dma_wait3A_173] : memref<2x512x16xf32, #tpu.memory_space<vmem>> -> memref<1x512x16xf32, #tpu.memory_space<vmem>>
        %dma_wait3A_175 = tpu.memref_squeeze %dma_wait3A_174 : memref<1x512x16xf32, #tpu.memory_space<vmem>> -> memref<512x16xf32, #tpu.memory_space<vmem>>
        %dma_wait3A_176 = arith.constant 0 : i32
        %dma_wait3A_177 = tpu.memref_slice %arg7[%select_n3A_130, %dma_wait3A_176] : memref<2x512xi32, #tpu.memory_space<vmem>> -> memref<1x512xi32, #tpu.memory_space<vmem>>
        %dma_wait3A_178 = tpu.memref_squeeze %dma_wait3A_177 : memref<1x512xi32, #tpu.memory_space<vmem>> -> memref<512xi32, #tpu.memory_space<vmem>>
        %dma_wait3A_179 = arith.constant 0 : i32
        %dma_wait3A_180 = arith.constant 0 : i32
        %dma_wait3A_181 = tpu.memref_slice %arg10[%dma_wait3A_179, %dma_wait3A_180] : memref<100008x16xf32, #tpu.memory_space<vmem_shared>> -> memref<100008x16xf32, #tpu.memory_space<vmem_shared>>
        %dma_wait3A_182 = tpu.memref_slice %arg12[%select_n3A_130] : memref<2x!tpu.dma_semaphore, #tpu.memory_space<semaphore_mem>> -> memref<1x!tpu.dma_semaphore, #tpu.memory_space<semaphore_mem>>
        %dma_wait3A_183 = tpu.memref_squeeze %dma_wait3A_182 : memref<1x!tpu.dma_semaphore, #tpu.memory_space<semaphore_mem>> -> memref<!tpu.dma_semaphore, #tpu.memory_space<semaphore_mem>>
        tpu.wait_indirect_dma semaphore(%dma_wait3A_183 : memref<!tpu.dma_semaphore, #tpu.memory_space<semaphore_mem>>) src(%dma_wait3A_175 : memref<512x16xf32, #tpu.memory_space<vmem>>) dst(%dma_wait3A_181 : memref<100008x16xf32, #tpu.memory_space<vmem_shared>>)
      } else {
      }
      "tpu.region"() ({
        %run_scoped3A = tpu.sem_alloc : memref<!tpu.dma_semaphore, #tpu.memory_space<semaphore_mem>>
        %dma_start3A_172 = arith.constant 0 : i32
        %dma_start3A_173 = tpu.memref_slice %arg6[%select_n3A_130, %dma_start3A_172] : memref<2x512xi32, #tpu.memory_space<vmem>> -> memref<1x512xi32, #tpu.memory_space<vmem>>
        %dma_start3A_174 = tpu.memref_squeeze %dma_start3A_173 : memref<1x512xi32, #tpu.memory_space<vmem>> -> memref<512xi32, #tpu.memory_space<vmem>>
        %dma_start3A_175 = tpu.memref_slice %arg3[%mul3A_133] : memref<1600000xi32, #tpu.memory_space<hbm>> -> memref<512xi32, #tpu.memory_space<hbm>>
        %dma_start3A_176 = arith.constant 0 : i32
        %dma_start3A_177 = tpu.memref_slice %arg6[%select_n3A_130, %dma_start3A_176] : memref<2x512xi32, #tpu.memory_space<vmem>> -> memref<1x512xi32, #tpu.memory_space<vmem>>
        %dma_start3A_178 = tpu.memref_squeeze %dma_start3A_177 : memref<1x512xi32, #tpu.memory_space<vmem>> -> memref<512xi32, #tpu.memory_space<vmem>>
        %dma_start3A_179 = tpu.memref_slice %arg3[%mul3A_133] : memref<1600000xi32, #tpu.memory_space<hbm>> -> memref<512xi32, #tpu.memory_space<hbm>>
        tpu.enqueue_dma source(%dma_start3A_179 : memref<512xi32, #tpu.memory_space<hbm>>) target(%dma_start3A_178 : memref<512xi32, #tpu.memory_space<vmem>>) target_semaphore(%run_scoped3A : memref<!tpu.dma_semaphore, #tpu.memory_space<semaphore_mem>>)
        %dma_wait3A_180 = arith.constant 0 : i32
        %dma_wait3A_181 = tpu.memref_slice %arg6[%select_n3A_130, %dma_wait3A_180] : memref<2x512xi32, #tpu.memory_space<vmem>> -> memref<1x512xi32, #tpu.memory_space<vmem>>
        %dma_wait3A_182 = tpu.memref_squeeze %dma_wait3A_181 : memref<1x512xi32, #tpu.memory_space<vmem>> -> memref<512xi32, #tpu.memory_space<vmem>>
        %dma_wait3A_183 = tpu.memref_slice %arg3[%mul3A_133] : memref<1600000xi32, #tpu.memory_space<hbm>> -> memref<512xi32, #tpu.memory_space<hbm>>
        %dma_wait3A_184 = arith.constant 0 : i32
        %dma_wait3A_185 = tpu.memref_slice %arg6[%select_n3A_130, %dma_wait3A_184] : memref<2x512xi32, #tpu.memory_space<vmem>> -> memref<1x512xi32, #tpu.memory_space<vmem>>
        %dma_wait3A_186 = tpu.memref_squeeze %dma_wait3A_185 : memref<1x512xi32, #tpu.memory_space<vmem>> -> memref<512xi32, #tpu.memory_space<vmem>>
        %dma_wait3A_187 = tpu.memref_slice %arg3[%mul3A_133] : memref<1600000xi32, #tpu.memory_space<hbm>> -> memref<512xi32, #tpu.memory_space<hbm>>
        tpu.wait_dma2 semaphore(%run_scoped3A : memref<!tpu.dma_semaphore, #tpu.memory_space<semaphore_mem>>) src(%dma_wait3A_187 : memref<512xi32, #tpu.memory_space<hbm>>) dst(%dma_wait3A_186 : memref<512xi32, #tpu.memory_space<vmem>>)
        tpu.yield
      }) : () -> ()
      "tpu.region"() ({
        %run_scoped3A = tpu.sem_alloc : memref<!tpu.dma_semaphore, #tpu.memory_space<semaphore_mem>>
        %dma_start3A_172 = arith.constant 0 : i32
        %dma_start3A_173 = tpu.memref_slice %arg7[%select_n3A_130, %dma_start3A_172] : memref<2x512xi32, #tpu.memory_space<vmem>> -> memref<1x512xi32, #tpu.memory_space<vmem>>
        %dma_start3A_174 = tpu.memref_squeeze %dma_start3A_173 : memref<1x512xi32, #tpu.memory_space<vmem>> -> memref<512xi32, #tpu.memory_space<vmem>>
        %dma_start3A_175 = tpu.memref_slice %arg4[%mul3A_133] : memref<1600000xi32, #tpu.memory_space<hbm>> -> memref<512xi32, #tpu.memory_space<hbm>>
        %dma_start3A_176 = arith.constant 0 : i32
        %dma_start3A_177 = tpu.memref_slice %arg7[%select_n3A_130, %dma_start3A_176] : memref<2x512xi32, #tpu.memory_space<vmem>> -> memref<1x512xi32, #tpu.memory_space<vmem>>
        %dma_start3A_178 = tpu.memref_squeeze %dma_start3A_177 : memref<1x512xi32, #tpu.memory_space<vmem>> -> memref<512xi32, #tpu.memory_space<vmem>>
        %dma_start3A_179 = tpu.memref_slice %arg4[%mul3A_133] : memref<1600000xi32, #tpu.memory_space<hbm>> -> memref<512xi32, #tpu.memory_space<hbm>>
        tpu.enqueue_dma source(%dma_start3A_179 : memref<512xi32, #tpu.memory_space<hbm>>) target(%dma_start3A_178 : memref<512xi32, #tpu.memory_space<vmem>>) target_semaphore(%run_scoped3A : memref<!tpu.dma_semaphore, #tpu.memory_space<semaphore_mem>>)
        %dma_wait3A_180 = arith.constant 0 : i32
        %dma_wait3A_181 = tpu.memref_slice %arg7[%select_n3A_130, %dma_wait3A_180] : memref<2x512xi32, #tpu.memory_space<vmem>> -> memref<1x512xi32, #tpu.memory_space<vmem>>
        %dma_wait3A_182 = tpu.memref_squeeze %dma_wait3A_181 : memref<1x512xi32, #tpu.memory_space<vmem>> -> memref<512xi32, #tpu.memory_space<vmem>>
        %dma_wait3A_183 = tpu.memref_slice %arg4[%mul3A_133] : memref<1600000xi32, #tpu.memory_space<hbm>> -> memref<512xi32, #tpu.memory_space<hbm>>
        %dma_wait3A_184 = arith.constant 0 : i32
        %dma_wait3A_185 = tpu.memref_slice %arg7[%select_n3A_130, %dma_wait3A_184] : memref<2x512xi32, #tpu.memory_space<vmem>> -> memref<1x512xi32, #tpu.memory_space<vmem>>
        %dma_wait3A_186 = tpu.memref_squeeze %dma_wait3A_185 : memref<1x512xi32, #tpu.memory_space<vmem>> -> memref<512xi32, #tpu.memory_space<vmem>>
        %dma_wait3A_187 = tpu.memref_slice %arg4[%mul3A_133] : memref<1600000xi32, #tpu.memory_space<hbm>> -> memref<512xi32, #tpu.memory_space<hbm>>
        tpu.wait_dma2 semaphore(%run_scoped3A : memref<!tpu.dma_semaphore, #tpu.memory_space<semaphore_mem>>) src(%dma_wait3A_187 : memref<512xi32, #tpu.memory_space<hbm>>) dst(%dma_wait3A_186 : memref<512xi32, #tpu.memory_space<vmem>>)
        tpu.yield
      }) : () -> ()
      %dma_start3A = arith.constant 0 : i32
      %dma_start3A_137 = arith.constant 0 : i32
      %dma_start3A_138 = tpu.memref_slice %arg8[%select_n3A_130, %dma_start3A, %dma_start3A_137] : memref<2x512x16xf32, #tpu.memory_space<vmem>> -> memref<1x512x16xf32, #tpu.memory_space<vmem>>
      %dma_start3A_139 = tpu.memref_squeeze %dma_start3A_138 : memref<1x512x16xf32, #tpu.memory_space<vmem>> -> memref<512x16xf32, #tpu.memory_space<vmem>>
      %dma_start3A_140 = arith.constant 0 : i32
      %dma_start3A_141 = tpu.memref_slice %arg6[%select_n3A_130, %dma_start3A_140] : memref<2x512xi32, #tpu.memory_space<vmem>> -> memref<1x512xi32, #tpu.memory_space<vmem>>
      %dma_start3A_142 = tpu.memref_squeeze %dma_start3A_141 : memref<1x512xi32, #tpu.memory_space<vmem>> -> memref<512xi32, #tpu.memory_space<vmem>>
      %dma_start3A_143 = arith.constant 0 : i32
      %dma_start3A_144 = arith.constant 0 : i32
      %dma_start3A_145 = tpu.memref_slice %arg2[%dma_start3A_143, %dma_start3A_144] : memref<100000x16xf32, #tpu.memory_space<hbm>> -> memref<100000x16xf32, #tpu.memory_space<hbm>>
      %dma_start3A_146 = tpu.memref_slice %arg11[%select_n3A_130] : memref<2x!tpu.dma_semaphore, #tpu.memory_space<semaphore_mem>> -> memref<1x!tpu.dma_semaphore, #tpu.memory_space<semaphore_mem>>
      %dma_start3A_147 = tpu.memref_squeeze %dma_start3A_146 : memref<1x!tpu.dma_semaphore, #tpu.memory_space<semaphore_mem>> -> memref<!tpu.dma_semaphore, #tpu.memory_space<semaphore_mem>>
      tpu.enqueue_indirect_dma source(%dma_start3A_145 : memref<100000x16xf32, #tpu.memory_space<hbm>>) target(%dma_start3A_139 : memref<512x16xf32, #tpu.memory_space<vmem>>) offsets(%dma_start3A_142 : memref<512xi32, #tpu.memory_space<vmem>>) semaphore(%dma_start3A_147 : memref<!tpu.dma_semaphore, #tpu.memory_space<semaphore_mem>>)
      %dma_wait3A_148 = arith.constant 0 : i32
      %dma_wait3A_149 = arith.constant 0 : i32
      %dma_wait3A_150 = tpu.memref_slice %arg8[%select_n3A_130, %dma_wait3A_148, %dma_wait3A_149] : memref<2x512x16xf32, #tpu.memory_space<vmem>> -> memref<1x512x16xf32, #tpu.memory_space<vmem>>
      %dma_wait3A_151 = tpu.memref_squeeze %dma_wait3A_150 : memref<1x512x16xf32, #tpu.memory_space<vmem>> -> memref<512x16xf32, #tpu.memory_space<vmem>>
      %dma_wait3A_152 = arith.constant 0 : i32
      %dma_wait3A_153 = tpu.memref_slice %arg6[%select_n3A_130, %dma_wait3A_152] : memref<2x512xi32, #tpu.memory_space<vmem>> -> memref<1x512xi32, #tpu.memory_space<vmem>>
      %dma_wait3A_154 = tpu.memref_squeeze %dma_wait3A_153 : memref<1x512xi32, #tpu.memory_space<vmem>> -> memref<512xi32, #tpu.memory_space<vmem>>
      %dma_wait3A_155 = arith.constant 0 : i32
      %dma_wait3A_156 = arith.constant 0 : i32
      %dma_wait3A_157 = tpu.memref_slice %arg2[%dma_wait3A_155, %dma_wait3A_156] : memref<100000x16xf32, #tpu.memory_space<hbm>> -> memref<100000x16xf32, #tpu.memory_space<hbm>>
      %dma_wait3A_158 = tpu.memref_slice %arg11[%select_n3A_130] : memref<2x!tpu.dma_semaphore, #tpu.memory_space<semaphore_mem>> -> memref<1x!tpu.dma_semaphore, #tpu.memory_space<semaphore_mem>>
      %dma_wait3A_159 = tpu.memref_squeeze %dma_wait3A_158 : memref<1x!tpu.dma_semaphore, #tpu.memory_space<semaphore_mem>> -> memref<!tpu.dma_semaphore, #tpu.memory_space<semaphore_mem>>
      tpu.wait_indirect_dma semaphore(%dma_wait3A_159 : memref<!tpu.dma_semaphore, #tpu.memory_space<semaphore_mem>>) src(%dma_wait3A_157 : memref<100000x16xf32, #tpu.memory_space<hbm>>) dst(%dma_wait3A_151 : memref<512x16xf32, #tpu.memory_space<vmem>>)
      %dma_start3A_160 = arith.constant 0 : i32
      %dma_start3A_161 = arith.constant 0 : i32
      %dma_start3A_162 = tpu.memref_slice %arg8[%select_n3A_130, %dma_start3A_160, %dma_start3A_161] : memref<2x512x16xf32, #tpu.memory_space<vmem>> -> memref<1x512x16xf32, #tpu.memory_space<vmem>>
      %dma_start3A_163 = tpu.memref_squeeze %dma_start3A_162 : memref<1x512x16xf32, #tpu.memory_space<vmem>> -> memref<512x16xf32, #tpu.memory_space<vmem>>
      %dma_start3A_164 = arith.constant 0 : i32
      %dma_start3A_165 = tpu.memref_slice %arg7[%select_n3A_130, %dma_start3A_164] : memref<2x512xi32, #tpu.memory_space<vmem>> -> memref<1x512xi32, #tpu.memory_space<vmem>>
      %dma_start3A_166 = tpu.memref_squeeze %dma_start3A_165 : memref<1x512xi32, #tpu.memory_space<vmem>> -> memref<512xi32, #tpu.memory_space<vmem>>
      %dma_start3A_167 = arith.constant 0 : i32
      %dma_start3A_168 = arith.constant 0 : i32
      %dma_start3A_169 = tpu.memref_slice %arg10[%dma_start3A_167, %dma_start3A_168] : memref<100008x16xf32, #tpu.memory_space<vmem_shared>> -> memref<100008x16xf32, #tpu.memory_space<vmem_shared>>
      %dma_start3A_170 = tpu.memref_slice %arg12[%select_n3A_130] : memref<2x!tpu.dma_semaphore, #tpu.memory_space<semaphore_mem>> -> memref<1x!tpu.dma_semaphore, #tpu.memory_space<semaphore_mem>>
      %dma_start3A_171 = tpu.memref_squeeze %dma_start3A_170 : memref<1x!tpu.dma_semaphore, #tpu.memory_space<semaphore_mem>> -> memref<!tpu.dma_semaphore, #tpu.memory_space<semaphore_mem>>
      tpu.enqueue_indirect_dma source(%dma_start3A_163 : memref<512x16xf32, #tpu.memory_space<vmem>>) target(%dma_start3A_169 : memref<100008x16xf32, #tpu.memory_space<vmem_shared>>) offsets(%dma_start3A_166 : memref<512xi32, #tpu.memory_space<vmem>>) semaphore(%dma_start3A_171 : memref<!tpu.dma_semaphore, #tpu.memory_space<semaphore_mem>>) {add = true}
    }
    %while3A_82 = arith.constant 1 : i32
    scf.for %while3A_117 = %while3A_80 to %while3A_76 step %while3A_82  : i32 {
      %jit3A_118 = arith.constant 2 : i32
      %eq3A_119 = arith.constant 0 : i32
      %eq3A_120 = arith.cmpi eq, %jit3A_118, %eq3A_119 : i32
      %jit3A_121 = arith.constant 1 : i32
      %select_n3A_122 = arith.select %eq3A_120, %jit3A_121, %jit3A_118 : i32
      %rem3A = arith.remsi %while3A_117, %select_n3A_122 : i32
      %ne3A = arith.constant 0 : i32
      %ne3A_123 = arith.cmpi ne, %rem3A, %ne3A : i32
      %lt3A_124 = arith.constant 0 : i32
      %lt3A_125 = arith.cmpi slt, %rem3A, %lt3A_124 : i32
      %lt3A_126 = arith.constant 0 : i32
      %lt3A_127 = arith.cmpi slt, %select_n3A_122, %lt3A_126 : i32
      %ne3A_128 = arith.xori %lt3A_125, %lt3A_127 : i1
      %and3A = arith.andi %ne3A_128, %ne3A_123 : i1
      %add3A_129 = arith.addi %rem3A, %select_n3A_122 : i32
      %select_n3A_130 = arith.select %and3A, %add3A_129, %rem3A : i32
      %add3A_131 = arith.addi %add3A_73, %while3A_117 : i32
      %mul3A_132 = arith.constant 512 : i32
      %mul3A_133 = arith.muli %add3A_131, %mul3A_132 : i32
      %ge3A = arith.constant 2 : i32
      %ge3A_134 = arith.cmpi sge, %while3A_117, %ge3A : i32
      %convert_element_type3A_135 = arith.extui %ge3A_134 : i1 to i32
      %cond3A = arith.constant 0 : i32
      %cond3A_136 = arith.cmpi ne, %convert_element_type3A_135, %cond3A : i32
      scf.if %cond3A_136 {
        %dma_wait3A_172 = arith.constant 0 : i32
        %dma_wait3A_173 = arith.constant 0 : i32
        %dma_wait3A_174 = tpu.memref_slice %arg8[%select_n3A_130, %dma_wait3A_172, %dma_wait3A_173] : memref<2x512x16xf32, #tpu.memory_space<vmem>> -> memref<1x512x16xf32, #tpu.memory_space<vmem>>
        %dma_wait3A_175 = tpu.memref_squeeze %dma_wait3A_174 : memref<1x512x16xf32, #tpu.memory_space<vmem>> -> memref<512x16xf32, #tpu.memory_space<vmem>>
        %dma_wait3A_176 = arith.constant 0 : i32
        %dma_wait3A_177 = tpu.memref_slice %arg7[%select_n3A_130, %dma_wait3A_176] : memref<2x512xi32, #tpu.memory_space<vmem>> -> memref<1x512xi32, #tpu.memory_space<vmem>>
        %dma_wait3A_178 = tpu.memref_squeeze %dma_wait3A_177 : memref<1x512xi32, #tpu.memory_space<vmem>> -> memref<512xi32, #tpu.memory_space<vmem>>
        %dma_wait3A_179 = arith.constant 0 : i32
        %dma_wait3A_180 = arith.constant 0 : i32
        %dma_wait3A_181 = tpu.memref_slice %arg10[%dma_wait3A_179, %dma_wait3A_180] : memref<100008x16xf32, #tpu.memory_space<vmem_shared>> -> memref<100008x16xf32, #tpu.memory_space<vmem_shared>>
        %dma_wait3A_182 = tpu.memref_slice %arg12[%select_n3A_130] : memref<2x!tpu.dma_semaphore, #tpu.memory_space<semaphore_mem>> -> memref<1x!tpu.dma_semaphore, #tpu.memory_space<semaphore_mem>>
        %dma_wait3A_183 = tpu.memref_squeeze %dma_wait3A_182 : memref<1x!tpu.dma_semaphore, #tpu.memory_space<semaphore_mem>> -> memref<!tpu.dma_semaphore, #tpu.memory_space<semaphore_mem>>
        tpu.wait_indirect_dma semaphore(%dma_wait3A_183 : memref<!tpu.dma_semaphore, #tpu.memory_space<semaphore_mem>>) src(%dma_wait3A_175 : memref<512x16xf32, #tpu.memory_space<vmem>>) dst(%dma_wait3A_181 : memref<100008x16xf32, #tpu.memory_space<vmem_shared>>)
      } else {
      }
      "tpu.region"() ({
        %run_scoped3A = tpu.sem_alloc : memref<!tpu.dma_semaphore, #tpu.memory_space<semaphore_mem>>
        %dma_start3A_172 = arith.constant 0 : i32
        %dma_start3A_173 = tpu.memref_slice %arg6[%select_n3A_130, %dma_start3A_172] : memref<2x512xi32, #tpu.memory_space<vmem>> -> memref<1x512xi32, #tpu.memory_space<vmem>>
        %dma_start3A_174 = tpu.memref_squeeze %dma_start3A_173 : memref<1x512xi32, #tpu.memory_space<vmem>> -> memref<512xi32, #tpu.memory_space<vmem>>
        %dma_start3A_175 = tpu.memref_slice %arg3[%mul3A_133] : memref<1600000xi32, #tpu.memory_space<hbm>> -> memref<512xi32, #tpu.memory_space<hbm>>
        %dma_start3A_176 = arith.constant 0 : i32
        %dma_start3A_177 = tpu.memref_slice %arg6[%select_n3A_130, %dma_start3A_176] : memref<2x512xi32, #tpu.memory_space<vmem>> -> memref<1x512xi32, #tpu.memory_space<vmem>>
        %dma_start3A_178 = tpu.memref_squeeze %dma_start3A_177 : memref<1x512xi32, #tpu.memory_space<vmem>> -> memref<512xi32, #tpu.memory_space<vmem>>
        %dma_start3A_179 = tpu.memref_slice %arg3[%mul3A_133] : memref<1600000xi32, #tpu.memory_space<hbm>> -> memref<512xi32, #tpu.memory_space<hbm>>
        tpu.enqueue_dma source(%dma_start3A_179 : memref<512xi32, #tpu.memory_space<hbm>>) target(%dma_start3A_178 : memref<512xi32, #tpu.memory_space<vmem>>) target_semaphore(%run_scoped3A : memref<!tpu.dma_semaphore, #tpu.memory_space<semaphore_mem>>)
        %dma_wait3A_180 = arith.constant 0 : i32
        %dma_wait3A_181 = tpu.memref_slice %arg6[%select_n3A_130, %dma_wait3A_180] : memref<2x512xi32, #tpu.memory_space<vmem>> -> memref<1x512xi32, #tpu.memory_space<vmem>>
        %dma_wait3A_182 = tpu.memref_squeeze %dma_wait3A_181 : memref<1x512xi32, #tpu.memory_space<vmem>> -> memref<512xi32, #tpu.memory_space<vmem>>
        %dma_wait3A_183 = tpu.memref_slice %arg3[%mul3A_133] : memref<1600000xi32, #tpu.memory_space<hbm>> -> memref<512xi32, #tpu.memory_space<hbm>>
        %dma_wait3A_184 = arith.constant 0 : i32
        %dma_wait3A_185 = tpu.memref_slice %arg6[%select_n3A_130, %dma_wait3A_184] : memref<2x512xi32, #tpu.memory_space<vmem>> -> memref<1x512xi32, #tpu.memory_space<vmem>>
        %dma_wait3A_186 = tpu.memref_squeeze %dma_wait3A_185 : memref<1x512xi32, #tpu.memory_space<vmem>> -> memref<512xi32, #tpu.memory_space<vmem>>
        %dma_wait3A_187 = tpu.memref_slice %arg3[%mul3A_133] : memref<1600000xi32, #tpu.memory_space<hbm>> -> memref<512xi32, #tpu.memory_space<hbm>>
        tpu.wait_dma2 semaphore(%run_scoped3A : memref<!tpu.dma_semaphore, #tpu.memory_space<semaphore_mem>>) src(%dma_wait3A_187 : memref<512xi32, #tpu.memory_space<hbm>>) dst(%dma_wait3A_186 : memref<512xi32, #tpu.memory_space<vmem>>)
        tpu.yield
      }) : () -> ()
      "tpu.region"() ({
        %run_scoped3A = tpu.sem_alloc : memref<!tpu.dma_semaphore, #tpu.memory_space<semaphore_mem>>
        %dma_start3A_172 = arith.constant 0 : i32
        %dma_start3A_173 = tpu.memref_slice %arg7[%select_n3A_130, %dma_start3A_172] : memref<2x512xi32, #tpu.memory_space<vmem>> -> memref<1x512xi32, #tpu.memory_space<vmem>>
        %dma_start3A_174 = tpu.memref_squeeze %dma_start3A_173 : memref<1x512xi32, #tpu.memory_space<vmem>> -> memref<512xi32, #tpu.memory_space<vmem>>
        %dma_start3A_175 = tpu.memref_slice %arg4[%mul3A_133] : memref<1600000xi32, #tpu.memory_space<hbm>> -> memref<512xi32, #tpu.memory_space<hbm>>
        %dma_start3A_176 = arith.constant 0 : i32
        %dma_start3A_177 = tpu.memref_slice %arg7[%select_n3A_130, %dma_start3A_176] : memref<2x512xi32, #tpu.memory_space<vmem>> -> memref<1x512xi32, #tpu.memory_space<vmem>>
        %dma_start3A_178 = tpu.memref_squeeze %dma_start3A_177 : memref<1x512xi32, #tpu.memory_space<vmem>> -> memref<512xi32, #tpu.memory_space<vmem>>
        %dma_start3A_179 = tpu.memref_slice %arg4[%mul3A_133] : memref<1600000xi32, #tpu.memory_space<hbm>> -> memref<512xi32, #tpu.memory_space<hbm>>
        tpu.enqueue_dma source(%dma_start3A_179 : memref<512xi32, #tpu.memory_space<hbm>>) target(%dma_start3A_178 : memref<512xi32, #tpu.memory_space<vmem>>) target_semaphore(%run_scoped3A : memref<!tpu.dma_semaphore, #tpu.memory_space<semaphore_mem>>)
        %dma_wait3A_180 = arith.constant 0 : i32
        %dma_wait3A_181 = tpu.memref_slice %arg7[%select_n3A_130, %dma_wait3A_180] : memref<2x512xi32, #tpu.memory_space<vmem>> -> memref<1x512xi32, #tpu.memory_space<vmem>>
        %dma_wait3A_182 = tpu.memref_squeeze %dma_wait3A_181 : memref<1x512xi32, #tpu.memory_space<vmem>> -> memref<512xi32, #tpu.memory_space<vmem>>
        %dma_wait3A_183 = tpu.memref_slice %arg4[%mul3A_133] : memref<1600000xi32, #tpu.memory_space<hbm>> -> memref<512xi32, #tpu.memory_space<hbm>>
        %dma_wait3A_184 = arith.constant 0 : i32
        %dma_wait3A_185 = tpu.memref_slice %arg7[%select_n3A_130, %dma_wait3A_184] : memref<2x512xi32, #tpu.memory_space<vmem>> -> memref<1x512xi32, #tpu.memory_space<vmem>>
        %dma_wait3A_186 = tpu.memref_squeeze %dma_wait3A_185 : memref<1x512xi32, #tpu.memory_space<vmem>> -> memref<512xi32, #tpu.memory_space<vmem>>
        %dma_wait3A_187 = tpu.memref_slice %arg4[%mul3A_133] : memref<1600000xi32, #tpu.memory_space<hbm>> -> memref<512xi32, #tpu.memory_space<hbm>>
        tpu.wait_dma2 semaphore(%run_scoped3A : memref<!tpu.dma_semaphore, #tpu.memory_space<semaphore_mem>>) src(%dma_wait3A_187 : memref<512xi32, #tpu.memory_space<hbm>>) dst(%dma_wait3A_186 : memref<512xi32, #tpu.memory_space<vmem>>)
        tpu.yield
      }) : () -> ()
      %dma_start3A = arith.constant 0 : i32
      %dma_start3A_137 = arith.constant 0 : i32
      %dma_start3A_138 = tpu.memref_slice %arg8[%select_n3A_130, %dma_start3A, %dma_start3A_137] : memref<2x512x16xf32, #tpu.memory_space<vmem>> -> memref<1x512x16xf32, #tpu.memory_space<vmem>>
      %dma_start3A_139 = tpu.memref_squeeze %dma_start3A_138 : memref<1x512x16xf32, #tpu.memory_space<vmem>> -> memref<512x16xf32, #tpu.memory_space<vmem>>
      %dma_start3A_140 = arith.constant 0 : i32
      %dma_start3A_141 = tpu.memref_slice %arg6[%select_n3A_130, %dma_start3A_140] : memref<2x512xi32, #tpu.memory_space<vmem>> -> memref<1x512xi32, #tpu.memory_space<vmem>>
      %dma_start3A_142 = tpu.memref_squeeze %dma_start3A_141 : memref<1x512xi32, #tpu.memory_space<vmem>> -> memref<512xi32, #tpu.memory_space<vmem>>
      %dma_start3A_143 = arith.constant 0 : i32
      %dma_start3A_144 = arith.constant 0 : i32
      %dma_start3A_145 = tpu.memref_slice %arg2[%dma_start3A_143, %dma_start3A_144] : memref<100000x16xf32, #tpu.memory_space<hbm>> -> memref<100000x16xf32, #tpu.memory_space<hbm>>
      %dma_start3A_146 = tpu.memref_slice %arg11[%select_n3A_130] : memref<2x!tpu.dma_semaphore, #tpu.memory_space<semaphore_mem>> -> memref<1x!tpu.dma_semaphore, #tpu.memory_space<semaphore_mem>>
      %dma_start3A_147 = tpu.memref_squeeze %dma_start3A_146 : memref<1x!tpu.dma_semaphore, #tpu.memory_space<semaphore_mem>> -> memref<!tpu.dma_semaphore, #tpu.memory_space<semaphore_mem>>
      tpu.enqueue_indirect_dma source(%dma_start3A_145 : memref<100000x16xf32, #tpu.memory_space<hbm>>) target(%dma_start3A_139 : memref<512x16xf32, #tpu.memory_space<vmem>>) offsets(%dma_start3A_142 : memref<512xi32, #tpu.memory_space<vmem>>) semaphore(%dma_start3A_147 : memref<!tpu.dma_semaphore, #tpu.memory_space<semaphore_mem>>)
      %dma_wait3A_148 = arith.constant 0 : i32
      %dma_wait3A_149 = arith.constant 0 : i32
      %dma_wait3A_150 = tpu.memref_slice %arg8[%select_n3A_130, %dma_wait3A_148, %dma_wait3A_149] : memref<2x512x16xf32, #tpu.memory_space<vmem>> -> memref<1x512x16xf32, #tpu.memory_space<vmem>>
      %dma_wait3A_151 = tpu.memref_squeeze %dma_wait3A_150 : memref<1x512x16xf32, #tpu.memory_space<vmem>> -> memref<512x16xf32, #tpu.memory_space<vmem>>
      %dma_wait3A_152 = arith.constant 0 : i32
      %dma_wait3A_153 = tpu.memref_slice %arg6[%select_n3A_130, %dma_wait3A_152] : memref<2x512xi32, #tpu.memory_space<vmem>> -> memref<1x512xi32, #tpu.memory_space<vmem>>
      %dma_wait3A_154 = tpu.memref_squeeze %dma_wait3A_153 : memref<1x512xi32, #tpu.memory_space<vmem>> -> memref<512xi32, #tpu.memory_space<vmem>>
      %dma_wait3A_155 = arith.constant 0 : i32
      %dma_wait3A_156 = arith.constant 0 : i32
      %dma_wait3A_157 = tpu.memref_slice %arg2[%dma_wait3A_155, %dma_wait3A_156] : memref<100000x16xf32, #tpu.memory_space<hbm>> -> memref<100000x16xf32, #tpu.memory_space<hbm>>
      %dma_wait3A_158 = tpu.memref_slice %arg11[%select_n3A_130] : memref<2x!tpu.dma_semaphore, #tpu.memory_space<semaphore_mem>> -> memref<1x!tpu.dma_semaphore, #tpu.memory_space<semaphore_mem>>
      %dma_wait3A_159 = tpu.memref_squeeze %dma_wait3A_158 : memref<1x!tpu.dma_semaphore, #tpu.memory_space<semaphore_mem>> -> memref<!tpu.dma_semaphore, #tpu.memory_space<semaphore_mem>>
      tpu.wait_indirect_dma semaphore(%dma_wait3A_159 : memref<!tpu.dma_semaphore, #tpu.memory_space<semaphore_mem>>) src(%dma_wait3A_157 : memref<100000x16xf32, #tpu.memory_space<hbm>>) dst(%dma_wait3A_151 : memref<512x16xf32, #tpu.memory_space<vmem>>)
      %dma_start3A_160 = arith.constant 0 : i32
      %dma_start3A_161 = arith.constant 0 : i32
      %dma_start3A_162 = tpu.memref_slice %arg8[%select_n3A_130, %dma_start3A_160, %dma_start3A_161] : memref<2x512x16xf32, #tpu.memory_space<vmem>> -> memref<1x512x16xf32, #tpu.memory_space<vmem>>
      %dma_start3A_163 = tpu.memref_squeeze %dma_start3A_162 : memref<1x512x16xf32, #tpu.memory_space<vmem>> -> memref<512x16xf32, #tpu.memory_space<vmem>>
      %dma_start3A_164 = arith.constant 0 : i32
      %dma_start3A_165 = tpu.memref_slice %arg7[%select_n3A_130, %dma_start3A_164] : memref<2x512xi32, #tpu.memory_space<vmem>> -> memref<1x512xi32, #tpu.memory_space<vmem>>
      %dma_start3A_166 = tpu.memref_squeeze %dma_start3A_165 : memref<1x512xi32, #tpu.memory_space<vmem>> -> memref<512xi32, #tpu.memory_space<vmem>>
      %dma_start3A_167 = arith.constant 0 : i32
      %dma_start3A_168 = arith.constant 0 : i32
      %dma_start3A_169 = tpu.memref_slice %arg10[%dma_start3A_167, %dma_start3A_168] : memref<100008x16xf32, #tpu.memory_space<vmem_shared>> -> memref<100008x16xf32, #tpu.memory_space<vmem_shared>>
      %dma_start3A_170 = tpu.memref_slice %arg12[%select_n3A_130] : memref<2x!tpu.dma_semaphore, #tpu.memory_space<semaphore_mem>> -> memref<1x!tpu.dma_semaphore, #tpu.memory_space<semaphore_mem>>
      %dma_start3A_171 = tpu.memref_squeeze %dma_start3A_170 : memref<1x!tpu.dma_semaphore, #tpu.memory_space<semaphore_mem>> -> memref<!tpu.dma_semaphore, #tpu.memory_space<semaphore_mem>>
      tpu.enqueue_indirect_dma source(%dma_start3A_163 : memref<512x16xf32, #tpu.memory_space<vmem>>) target(%dma_start3A_169 : memref<100008x16xf32, #tpu.memory_space<vmem_shared>>) offsets(%dma_start3A_166 : memref<512xi32, #tpu.memory_space<vmem>>) semaphore(%dma_start3A_171 : memref<!tpu.dma_semaphore, #tpu.memory_space<semaphore_mem>>) {add = true}
    }
    %dma_wait3A = arith.constant 0 : i32
    %dma_wait3A_83 = arith.constant 0 : i32
    %dma_wait3A_84 = arith.constant 0 : i32
    %dma_wait3A_85 = arith.constant 0 : i32
    %dma_wait3A_86 = arith.constant 0 : i32
    %dma_wait3A_87 = tpu.memref_slice %arg8[%dma_wait3A, %dma_wait3A_85, %dma_wait3A_86] : memref<2x512x16xf32, #tpu.memory_space<vmem>> -> memref<1x512x16xf32, #tpu.memory_space<vmem>>
    %dma_wait3A_88 = tpu.memref_squeeze %dma_wait3A_87 : memref<1x512x16xf32, #tpu.memory_space<vmem>> -> memref<512x16xf32, #tpu.memory_space<vmem>>
    %dma_wait3A_89 = arith.constant 0 : i32
    %dma_wait3A_90 = tpu.memref_slice %arg7[%dma_wait3A_83, %dma_wait3A_89] : memref<2x512xi32, #tpu.memory_space<vmem>> -> memref<1x512xi32, #tpu.memory_space<vmem>>
    %dma_wait3A_91 = tpu.memref_squeeze %dma_wait3A_90 : memref<1x512xi32, #tpu.memory_space<vmem>> -> memref<512xi32, #tpu.memory_space<vmem>>
    %dma_wait3A_92 = arith.constant 0 : i32
    %dma_wait3A_93 = arith.constant 0 : i32
    %dma_wait3A_94 = tpu.memref_slice %arg10[%dma_wait3A_92, %dma_wait3A_93] : memref<100008x16xf32, #tpu.memory_space<vmem_shared>> -> memref<100008x16xf32, #tpu.memory_space<vmem_shared>>
    %dma_wait3A_95 = tpu.memref_slice %arg12[%dma_wait3A_84] : memref<2x!tpu.dma_semaphore, #tpu.memory_space<semaphore_mem>> -> memref<1x!tpu.dma_semaphore, #tpu.memory_space<semaphore_mem>>
    %dma_wait3A_96 = tpu.memref_squeeze %dma_wait3A_95 : memref<1x!tpu.dma_semaphore, #tpu.memory_space<semaphore_mem>> -> memref<!tpu.dma_semaphore, #tpu.memory_space<semaphore_mem>>
    tpu.wait_indirect_dma semaphore(%dma_wait3A_96 : memref<!tpu.dma_semaphore, #tpu.memory_space<semaphore_mem>>) src(%dma_wait3A_88 : memref<512x16xf32, #tpu.memory_space<vmem>>) dst(%dma_wait3A_94 : memref<100008x16xf32, #tpu.memory_space<vmem_shared>>)
    %dma_wait3A_97 = arith.constant 1 : i32
    %dma_wait3A_98 = arith.constant 1 : i32
    %dma_wait3A_99 = arith.constant 1 : i32
    %dma_wait3A_100 = arith.constant 0 : i32
    %dma_wait3A_101 = arith.constant 0 : i32
    %dma_wait3A_102 = tpu.memref_slice %arg8[%dma_wait3A_97, %dma_wait3A_100, %dma_wait3A_101] : memref<2x512x16xf32, #tpu.memory_space<vmem>> -> memref<1x512x16xf32, #tpu.memory_space<vmem>>
    %dma_wait3A_103 = tpu.memref_squeeze %dma_wait3A_102 : memref<1x512x16xf32, #tpu.memory_space<vmem>> -> memref<512x16xf32, #tpu.memory_space<vmem>>
    %dma_wait3A_104 = arith.constant 0 : i32
    %dma_wait3A_105 = tpu.memref_slice %arg7[%dma_wait3A_98, %dma_wait3A_104] : memref<2x512xi32, #tpu.memory_space<vmem>> -> memref<1x512xi32, #tpu.memory_space<vmem>>
    %dma_wait3A_106 = tpu.memref_squeeze %dma_wait3A_105 : memref<1x512xi32, #tpu.memory_space<vmem>> -> memref<512xi32, #tpu.memory_space<vmem>>
    %dma_wait3A_107 = arith.constant 0 : i32
    %dma_wait3A_108 = arith.constant 0 : i32
    %dma_wait3A_109 = tpu.memref_slice %arg10[%dma_wait3A_107, %dma_wait3A_108] : memref<100008x16xf32, #tpu.memory_space<vmem_shared>> -> memref<100008x16xf32, #tpu.memory_space<vmem_shared>>
    %dma_wait3A_110 = tpu.memref_slice %arg12[%dma_wait3A_99] : memref<2x!tpu.dma_semaphore, #tpu.memory_space<semaphore_mem>> -> memref<1x!tpu.dma_semaphore, #tpu.memory_space<semaphore_mem>>
    %dma_wait3A_111 = tpu.memref_squeeze %dma_wait3A_110 : memref<1x!tpu.dma_semaphore, #tpu.memory_space<semaphore_mem>> -> memref<!tpu.dma_semaphore, #tpu.memory_space<semaphore_mem>>
    tpu.wait_indirect_dma semaphore(%dma_wait3A_111 : memref<!tpu.dma_semaphore, #tpu.memory_space<semaphore_mem>>) src(%dma_wait3A_103 : memref<512x16xf32, #tpu.memory_space<vmem>>) dst(%dma_wait3A_109 : memref<100008x16xf32, #tpu.memory_space<vmem_shared>>)
    %barrier3A_112 = arith.constant 0 : index
    tpu.barrier barrier_id(%barrier3A_112)
    %mul3A_113 = arith.constant 6256 : i32
    %mul3A_114 = arith.muli %arg1, %mul3A_113 : i32
    %min3A_115 = arith.constant 93744 : i32
    %min3A_116 = arith.minsi %mul3A_114, %min3A_115 : i32
    "tpu.region"() ({
      %run_scoped3A = tpu.sem_alloc : memref<!tpu.dma_semaphore, #tpu.memory_space<semaphore_mem>>
      %dma_start3A = arith.constant 0 : i32
      %dma_start3A_117 = tpu.memref_slice %arg5[%arg0, %min3A_116, %dma_start3A] : memref<2x100000x16xf32, #tpu.memory_space<hbm>> -> memref<1x6256x16xf32, #tpu.memory_space<hbm>>
      %dma_start3A_118 = tpu.memref_squeeze %dma_start3A_117 : memref<1x6256x16xf32, #tpu.memory_space<hbm>> -> memref<6256x16xf32, #tpu.memory_space<hbm>>
      %dma_start3A_119 = arith.constant 0 : i32
      %dma_start3A_120 = tpu.memref_slice %arg10[%min3A_116, %dma_start3A_119] : memref<100008x16xf32, #tpu.memory_space<vmem_shared>> -> memref<6256x16xf32, #tpu.memory_space<vmem_shared>>
      tpu.enqueue_dma source(%dma_start3A_120 : memref<6256x16xf32, #tpu.memory_space<vmem_shared>>) target(%dma_start3A_118 : memref<6256x16xf32, #tpu.memory_space<hbm>>) target_semaphore(%run_scoped3A : memref<!tpu.dma_semaphore, #tpu.memory_space<semaphore_mem>>)
      %dma_wait3A_121 = arith.constant 0 : i32
      %dma_wait3A_122 = tpu.memref_slice %arg5[%arg0, %min3A_116, %dma_wait3A_121] : memref<2x100000x16xf32, #tpu.memory_space<hbm>> -> memref<1x6256x16xf32, #tpu.memory_space<hbm>>
      %dma_wait3A_123 = tpu.memref_squeeze %dma_wait3A_122 : memref<1x6256x16xf32, #tpu.memory_space<hbm>> -> memref<6256x16xf32, #tpu.memory_space<hbm>>
      %dma_wait3A_124 = arith.constant 0 : i32
      %dma_wait3A_125 = tpu.memref_slice %arg10[%min3A_116, %dma_wait3A_124] : memref<100008x16xf32, #tpu.memory_space<vmem_shared>> -> memref<6256x16xf32, #tpu.memory_space<vmem_shared>>
      tpu.wait_dma2 semaphore(%run_scoped3A : memref<!tpu.dma_semaphore, #tpu.memory_space<semaphore_mem>>) src(%dma_wait3A_125 : memref<6256x16xf32, #tpu.memory_space<vmem_shared>>) dst(%dma_wait3A_123 : memref<6256x16xf32, #tpu.memory_space<hbm>>)
      tpu.yield
    }) : () -> ()
    return
  }
}

#map = affine_map<(d0, d1) -> (0, 0)>
#map1 = affine_map<(d0, d1) -> (0)>
#map2 = affine_map<(d0, d1) -> (0, 0, 0)>
module attributes {stable_mosaic.version = 14 : i64} {
  func.func @k(%arg0: i32, %arg1: i32, %arg2: memref<100000x16xf32, #tpu.memory_space<hbm>>, %arg3: memref<1600000xi32, #tpu.memory_space<hbm>>, %arg4: memref<1600000xi32, #tpu.memory_space<hbm>>, %arg5: memref<2x100000x16xf32, #tpu.memory_space<hbm>>, %arg6: memref<2x512xi32, #tpu.memory_space<vmem>>, %arg7: memref<2x512xi32, #tpu.memory_space<vmem>>, %arg8: memref<2x512x16xf32, #tpu.memory_space<vmem>>, %arg9: memref<256x16xf32, #tpu.memory_space<vmem>>, %arg10: memref<100008x16xf32, #tpu.memory_space<vmem_shared>>, %arg11: memref<2x!tpu.dma_semaphore, #tpu.memory_space<semaphore_mem>>, %arg12: memref<2x!tpu.dma_semaphore, #tpu.memory_space<semaphore_mem>>) attributes {dimension_semantics = [#tpu.dimension_semantics<core_parallel>, #tpu.dimension_semantics<subcore_parallel>], iteration_bounds = array<i64: 2, 16>, scalar_prefetch = 0 : i64, scratch_operands = 7 : i64, tpu.core_type = #tpu.core_type<sc_vector_subcore>, window_params = [{transform_indices = #map}, {transform_indices = #map1}, {transform_indices = #map1}, {transform_indices = #map2}]} {
    %mul3A = arith.constant 6256 : i32
    %mul3A_0 = arith.muli %arg1, %mul3A : i32
    %min3A = arith.constant 93744 : i32
    %min3A_1 = arith.minsi %mul3A_0, %min3A : i32
    %scan3A = arith.constant 0 : i32
    %scan3A_2 = arith.constant 0 : i32
    %scan3A_3 = arith.constant 256 : i32
    %scan3A_4 = arith.addi %scan3A_2, %scan3A_3 : i32
    %scan3A_5 = arith.constant 1 : i32
    scf.for %scan3A_117 = %scan3A_2 to %scan3A_4 step %scan3A_5  : i32 {
      %broadcast_in_dim3A = arith.constant 0.000000e+00 : f32
      %broadcast_in_dim3A_118 = vector.broadcast %broadcast_in_dim3A : f32 to vector<16xf32>
      %swap3A = arith.index_cast %scan3A_117 : i32 to index
      %swap3A_119 = arith.constant 0 : index
      %swap3A_120 = tpu.vector_load %arg9[%swap3A, %swap3A_119] {strides = array<i32>} : memref<256x16xf32, #tpu.memory_space<vmem>>, vector<1x16xf32>,
      %swap3A_121 = vector.shape_cast %swap3A_120 : vector<1x16xf32> to vector<16xf32>
      %swap3A_122 = vector.shape_cast %broadcast_in_dim3A_118 : vector<16xf32> to vector<1x16xf32>
      tpu.vector_store %arg9[%swap3A, %swap3A_119], %swap3A_122 {strides = array<i32>} : memref<256x16xf32, #tpu.memory_space<vmem>>, vector<1x16xf32>,
    }
    %scan3A_6 = arith.constant 256 : i32
    %add3A = arith.constant 0 : i32
    %add3A_7 = arith.addi %min3A_1, %add3A : i32
    "tpu.region"() ({
      %run_scoped3A = tpu.sem_alloc : memref<!tpu.dma_semaphore, #tpu.memory_space<semaphore_mem>>
      %dma_start3A = arith.constant 0 : i32
      %dma_start3A_117 = tpu.memref_slice %arg10[%add3A_7, %dma_start3A] : memref<100008x16xf32, #tpu.memory_space<vmem_shared>> -> memref<256x16xf32, #tpu.memory_space<vmem_shared>>
      %dma_start3A_118 = arith.constant 0 : i32
      %dma_start3A_119 = tpu.memref_slice %arg10[%add3A_7, %dma_start3A_118] : memref<100008x16xf32, #tpu.memory_space<vmem_shared>> -> memref<256x16xf32, #tpu.memory_space<vmem_shared>>
      tpu.enqueue_dma source(%arg9 : memref<256x16xf32, #tpu.memory_space<vmem>>) target(%dma_start3A_119 : memref<256x16xf32, #tpu.memory_space<vmem_shared>>) target_semaphore(%run_scoped3A : memref<!tpu.dma_semaphore, #tpu.memory_space<semaphore_mem>>)
      %dma_wait3A_120 = arith.constant 0 : i32
      %dma_wait3A_121 = tpu.memref_slice %arg10[%add3A_7, %dma_wait3A_120] : memref<100008x16xf32, #tpu.memory_space<vmem_shared>> -> memref<256x16xf32, #tpu.memory_space<vmem_shared>>
      %dma_wait3A_122 = arith.constant 0 : i32
      %dma_wait3A_123 = tpu.memref_slice %arg10[%add3A_7, %dma_wait3A_122] : memref<100008x16xf32, #tpu.memory_space<vmem_shared>> -> memref<256x16xf32, #tpu.memory_space<vmem_shared>>
      tpu.wait_dma2 semaphore(%run_scoped3A : memref<!tpu.dma_semaphore, #tpu.memory_space<semaphore_mem>>) src(%arg9 : memref<256x16xf32, #tpu.memory_space<vmem>>) dst(%dma_wait3A_123 : memref<256x16xf32, #tpu.memory_space<vmem_shared>>)
      tpu.yield
    }) : () -> ()
    %add3A_8 = arith.constant 256 : i32
    %add3A_9 = arith.addi %min3A_1, %add3A_8 : i32
    "tpu.region"() ({
      %run_scoped3A = tpu.sem_alloc : memref<!tpu.dma_semaphore, #tpu.memory_space<semaphore_mem>>
      %dma_start3A = arith.constant 0 : i32
      %dma_start3A_117 = tpu.memref_slice %arg10[%add3A_9, %dma_start3A] : memref<100008x16xf32, #tpu.memory_space<vmem_shared>> -> memref<256x16xf32, #tpu.memory_space<vmem_shared>>
      %dma_start3A_118 = arith.constant 0 : i32
      %dma_start3A_119 = tpu.memref_slice %arg10[%add3A_9, %dma_start3A_118] : memref<100008x16xf32, #tpu.memory_space<vmem_shared>> -> memref<256x16xf32, #tpu.memory_space<vmem_shared>>
      tpu.enqueue_dma source(%arg9 : memref<256x16xf32, #tpu.memory_space<vmem>>) target(%dma_start3A_119 : memref<256x16xf32, #tpu.memory_space<vmem_shared>>) target_semaphore(%run_scoped3A : memref<!tpu.dma_semaphore, #tpu.memory_space<semaphore_mem>>)
      %dma_wait3A_120 = arith.constant 0 : i32
      %dma_wait3A_121 = tpu.memref_slice %arg10[%add3A_9, %dma_wait3A_120] : memref<100008x16xf32, #tpu.memory_space<vmem_shared>> -> memref<256x16xf32, #tpu.memory_space<vmem_shared>>
      %dma_wait3A_122 = arith.constant 0 : i32
      %dma_wait3A_123 = tpu.memref_slice %arg10[%add3A_9, %dma_wait3A_122] : memref<100008x16xf32, #tpu.memory_space<vmem_shared>> -> memref<256x16xf32, #tpu.memory_space<vmem_shared>>
      tpu.wait_dma2 semaphore(%run_scoped3A : memref<!tpu.dma_semaphore, #tpu.memory_space<semaphore_mem>>) src(%arg9 : memref<256x16xf32, #tpu.memory_space<vmem>>) dst(%dma_wait3A_123 : memref<256x16xf32, #tpu.memory_space<vmem_shared>>)
      tpu.yield
    }) : () -> ()
    %add3A_10 = arith.constant 512 : i32
    %add3A_11 = arith.addi %min3A_1, %add3A_10 : i32
    "tpu.region"() ({
      %run_scoped3A = tpu.sem_alloc : memref<!tpu.dma_semaphore, #tpu.memory_space<semaphore_mem>>
      %dma_start3A = arith.constant 0 : i32
      %dma_start3A_117 = tpu.memref_slice %arg10[%add3A_11, %dma_start3A] : memref<100008x16xf32, #tpu.memory_space<vmem_shared>> -> memref<256x16xf32, #tpu.memory_space<vmem_shared>>
      %dma_start3A_118 = arith.constant 0 : i32
      %dma_start3A_119 = tpu.memref_slice %arg10[%add3A_11, %dma_start3A_118] : memref<100008x16xf32, #tpu.memory_space<vmem_shared>> -> memref<256x16xf32, #tpu.memory_space<vmem_shared>>
      tpu.enqueue_dma source(%arg9 : memref<256x16xf32, #tpu.memory_space<vmem>>) target(%dma_start3A_119 : memref<256x16xf32, #tpu.memory_space<vmem_shared>>) target_semaphore(%run_scoped3A : memref<!tpu.dma_semaphore, #tpu.memory_space<semaphore_mem>>)
      %dma_wait3A_120 = arith.constant 0 : i32
      %dma_wait3A_121 = tpu.memref_slice %arg10[%add3A_11, %dma_wait3A_120] : memref<100008x16xf32, #tpu.memory_space<vmem_shared>> -> memref<256x16xf32, #tpu.memory_space<vmem_shared>>
      %dma_wait3A_122 = arith.constant 0 : i32
      %dma_wait3A_123 = tpu.memref_slice %arg10[%add3A_11, %dma_wait3A_122] : memref<100008x16xf32, #tpu.memory_space<vmem_shared>> -> memref<256x16xf32, #tpu.memory_space<vmem_shared>>
      tpu.wait_dma2 semaphore(%run_scoped3A : memref<!tpu.dma_semaphore, #tpu.memory_space<semaphore_mem>>) src(%arg9 : memref<256x16xf32, #tpu.memory_space<vmem>>) dst(%dma_wait3A_123 : memref<256x16xf32, #tpu.memory_space<vmem_shared>>)
      tpu.yield
    }) : () -> ()
    %add3A_12 = arith.constant 768 : i32
    %add3A_13 = arith.addi %min3A_1, %add3A_12 : i32
    "tpu.region"() ({
      %run_scoped3A = tpu.sem_alloc : memref<!tpu.dma_semaphore, #tpu.memory_space<semaphore_mem>>
      %dma_start3A = arith.constant 0 : i32
      %dma_start3A_117 = tpu.memref_slice %arg10[%add3A_13, %dma_start3A] : memref<100008x16xf32, #tpu.memory_space<vmem_shared>> -> memref<256x16xf32, #tpu.memory_space<vmem_shared>>
      %dma_start3A_118 = arith.constant 0 : i32
      %dma_start3A_119 = tpu.memref_slice %arg10[%add3A_13, %dma_start3A_118] : memref<100008x16xf32, #tpu.memory_space<vmem_shared>> -> memref<256x16xf32, #tpu.memory_space<vmem_shared>>
      tpu.enqueue_dma source(%arg9 : memref<256x16xf32, #tpu.memory_space<vmem>>) target(%dma_start3A_119 : memref<256x16xf32, #tpu.memory_space<vmem_shared>>) target_semaphore(%run_scoped3A : memref<!tpu.dma_semaphore, #tpu.memory_space<semaphore_mem>>)
      %dma_wait3A_120 = arith.constant 0 : i32
      %dma_wait3A_121 = tpu.memref_slice %arg10[%add3A_13, %dma_wait3A_120] : memref<100008x16xf32, #tpu.memory_space<vmem_shared>> -> memref<256x16xf32, #tpu.memory_space<vmem_shared>>
      %dma_wait3A_122 = arith.constant 0 : i32
      %dma_wait3A_123 = tpu.memref_slice %arg10[%add3A_13, %dma_wait3A_122] : memref<100008x16xf32, #tpu.memory_space<vmem_shared>> -> memref<256x16xf32, #tpu.memory_space<vmem_shared>>
      tpu.wait_dma2 semaphore(%run_scoped3A : memref<!tpu.dma_semaphore, #tpu.memory_space<semaphore_mem>>) src(%arg9 : memref<256x16xf32, #tpu.memory_space<vmem>>) dst(%dma_wait3A_123 : memref<256x16xf32, #tpu.memory_space<vmem_shared>>)
      tpu.yield
    }) : () -> ()
    %add3A_14 = arith.constant 1024 : i32
    %add3A_15 = arith.addi %min3A_1, %add3A_14 : i32
    "tpu.region"() ({
      %run_scoped3A = tpu.sem_alloc : memref<!tpu.dma_semaphore, #tpu.memory_space<semaphore_mem>>
      %dma_start3A = arith.constant 0 : i32
      %dma_start3A_117 = tpu.memref_slice %arg10[%add3A_15, %dma_start3A] : memref<100008x16xf32, #tpu.memory_space<vmem_shared>> -> memref<256x16xf32, #tpu.memory_space<vmem_shared>>
      %dma_start3A_118 = arith.constant 0 : i32
      %dma_start3A_119 = tpu.memref_slice %arg10[%add3A_15, %dma_start3A_118] : memref<100008x16xf32, #tpu.memory_space<vmem_shared>> -> memref<256x16xf32, #tpu.memory_space<vmem_shared>>
      tpu.enqueue_dma source(%arg9 : memref<256x16xf32, #tpu.memory_space<vmem>>) target(%dma_start3A_119 : memref<256x16xf32, #tpu.memory_space<vmem_shared>>) target_semaphore(%run_scoped3A : memref<!tpu.dma_semaphore, #tpu.memory_space<semaphore_mem>>)
      %dma_wait3A_120 = arith.constant 0 : i32
      %dma_wait3A_121 = tpu.memref_slice %arg10[%add3A_15, %dma_wait3A_120] : memref<100008x16xf32, #tpu.memory_space<vmem_shared>> -> memref<256x16xf32, #tpu.memory_space<vmem_shared>>
      %dma_wait3A_122 = arith.constant 0 : i32
      %dma_wait3A_123 = tpu.memref_slice %arg10[%add3A_15, %dma_wait3A_122] : memref<100008x16xf32, #tpu.memory_space<vmem_shared>> -> memref<256x16xf32, #tpu.memory_space<vmem_shared>>
      tpu.wait_dma2 semaphore(%run_scoped3A : memref<!tpu.dma_semaphore, #tpu.memory_space<semaphore_mem>>) src(%arg9 : memref<256x16xf32, #tpu.memory_space<vmem>>) dst(%dma_wait3A_123 : memref<256x16xf32, #tpu.memory_space<vmem_shared>>)
      tpu.yield
    }) : () -> ()
    %add3A_16 = arith.constant 1280 : i32
    %add3A_17 = arith.addi %min3A_1, %add3A_16 : i32
    "tpu.region"() ({
      %run_scoped3A = tpu.sem_alloc : memref<!tpu.dma_semaphore, #tpu.memory_space<semaphore_mem>>
      %dma_start3A = arith.constant 0 : i32
      %dma_start3A_117 = tpu.memref_slice %arg10[%add3A_17, %dma_start3A] : memref<100008x16xf32, #tpu.memory_space<vmem_shared>> -> memref<256x16xf32, #tpu.memory_space<vmem_shared>>
      %dma_start3A_118 = arith.constant 0 : i32
      %dma_start3A_119 = tpu.memref_slice %arg10[%add3A_17, %dma_start3A_118] : memref<100008x16xf32, #tpu.memory_space<vmem_shared>> -> memref<256x16xf32, #tpu.memory_space<vmem_shared>>
      tpu.enqueue_dma source(%arg9 : memref<256x16xf32, #tpu.memory_space<vmem>>) target(%dma_start3A_119 : memref<256x16xf32, #tpu.memory_space<vmem_shared>>) target_semaphore(%run_scoped3A : memref<!tpu.dma_semaphore, #tpu.memory_space<semaphore_mem>>)
      %dma_wait3A_120 = arith.constant 0 : i32
      %dma_wait3A_121 = tpu.memref_slice %arg10[%add3A_17, %dma_wait3A_120] : memref<100008x16xf32, #tpu.memory_space<vmem_shared>> -> memref<256x16xf32, #tpu.memory_space<vmem_shared>>
      %dma_wait3A_122 = arith.constant 0 : i32
      %dma_wait3A_123 = tpu.memref_slice %arg10[%add3A_17, %dma_wait3A_122] : memref<100008x16xf32, #tpu.memory_space<vmem_shared>> -> memref<256x16xf32, #tpu.memory_space<vmem_shared>>
      tpu.wait_dma2 semaphore(%run_scoped3A : memref<!tpu.dma_semaphore, #tpu.memory_space<semaphore_mem>>) src(%arg9 : memref<256x16xf32, #tpu.memory_space<vmem>>) dst(%dma_wait3A_123 : memref<256x16xf32, #tpu.memory_space<vmem_shared>>)
      tpu.yield
    }) : () -> ()
    %add3A_18 = arith.constant 1536 : i32
    %add3A_19 = arith.addi %min3A_1, %add3A_18 : i32
    "tpu.region"() ({
      %run_scoped3A = tpu.sem_alloc : memref<!tpu.dma_semaphore, #tpu.memory_space<semaphore_mem>>
      %dma_start3A = arith.constant 0 : i32
      %dma_start3A_117 = tpu.memref_slice %arg10[%add3A_19, %dma_start3A] : memref<100008x16xf32, #tpu.memory_space<vmem_shared>> -> memref<256x16xf32, #tpu.memory_space<vmem_shared>>
      %dma_start3A_118 = arith.constant 0 : i32
      %dma_start3A_119 = tpu.memref_slice %arg10[%add3A_19, %dma_start3A_118] : memref<100008x16xf32, #tpu.memory_space<vmem_shared>> -> memref<256x16xf32, #tpu.memory_space<vmem_shared>>
      tpu.enqueue_dma source(%arg9 : memref<256x16xf32, #tpu.memory_space<vmem>>) target(%dma_start3A_119 : memref<256x16xf32, #tpu.memory_space<vmem_shared>>) target_semaphore(%run_scoped3A : memref<!tpu.dma_semaphore, #tpu.memory_space<semaphore_mem>>)
      %dma_wait3A_120 = arith.constant 0 : i32
      %dma_wait3A_121 = tpu.memref_slice %arg10[%add3A_19, %dma_wait3A_120] : memref<100008x16xf32, #tpu.memory_space<vmem_shared>> -> memref<256x16xf32, #tpu.memory_space<vmem_shared>>
      %dma_wait3A_122 = arith.constant 0 : i32
      %dma_wait3A_123 = tpu.memref_slice %arg10[%add3A_19, %dma_wait3A_122] : memref<100008x16xf32, #tpu.memory_space<vmem_shared>> -> memref<256x16xf32, #tpu.memory_space<vmem_shared>>
      tpu.wait_dma2 semaphore(%run_scoped3A : memref<!tpu.dma_semaphore, #tpu.memory_space<semaphore_mem>>) src(%arg9 : memref<256x16xf32, #tpu.memory_space<vmem>>) dst(%dma_wait3A_123 : memref<256x16xf32, #tpu.memory_space<vmem_shared>>)
      tpu.yield
    }) : () -> ()
    %add3A_20 = arith.constant 1792 : i32
    %add3A_21 = arith.addi %min3A_1, %add3A_20 : i32
    "tpu.region"() ({
      %run_scoped3A = tpu.sem_alloc : memref<!tpu.dma_semaphore, #tpu.memory_space<semaphore_mem>>
      %dma_start3A = arith.constant 0 : i32
      %dma_start3A_117 = tpu.memref_slice %arg10[%add3A_21, %dma_start3A] : memref<100008x16xf32, #tpu.memory_space<vmem_shared>> -> memref<256x16xf32, #tpu.memory_space<vmem_shared>>
      %dma_start3A_118 = arith.constant 0 : i32
      %dma_start3A_119 = tpu.memref_slice %arg10[%add3A_21, %dma_start3A_118] : memref<100008x16xf32, #tpu.memory_space<vmem_shared>> -> memref<256x16xf32, #tpu.memory_space<vmem_shared>>
      tpu.enqueue_dma source(%arg9 : memref<256x16xf32, #tpu.memory_space<vmem>>) target(%dma_start3A_119 : memref<256x16xf32, #tpu.memory_space<vmem_shared>>) target_semaphore(%run_scoped3A : memref<!tpu.dma_semaphore, #tpu.memory_space<semaphore_mem>>)
      %dma_wait3A_120 = arith.constant 0 : i32
      %dma_wait3A_121 = tpu.memref_slice %arg10[%add3A_21, %dma_wait3A_120] : memref<100008x16xf32, #tpu.memory_space<vmem_shared>> -> memref<256x16xf32, #tpu.memory_space<vmem_shared>>
      %dma_wait3A_122 = arith.constant 0 : i32
      %dma_wait3A_123 = tpu.memref_slice %arg10[%add3A_21, %dma_wait3A_122] : memref<100008x16xf32, #tpu.memory_space<vmem_shared>> -> memref<256x16xf32, #tpu.memory_space<vmem_shared>>
      tpu.wait_dma2 semaphore(%run_scoped3A : memref<!tpu.dma_semaphore, #tpu.memory_space<semaphore_mem>>) src(%arg9 : memref<256x16xf32, #tpu.memory_space<vmem>>) dst(%dma_wait3A_123 : memref<256x16xf32, #tpu.memory_space<vmem_shared>>)
      tpu.yield
    }) : () -> ()
    %add3A_22 = arith.constant 2048 : i32
    %add3A_23 = arith.addi %min3A_1, %add3A_22 : i32
    "tpu.region"() ({
      %run_scoped3A = tpu.sem_alloc : memref<!tpu.dma_semaphore, #tpu.memory_space<semaphore_mem>>
      %dma_start3A = arith.constant 0 : i32
      %dma_start3A_117 = tpu.memref_slice %arg10[%add3A_23, %dma_start3A] : memref<100008x16xf32, #tpu.memory_space<vmem_shared>> -> memref<256x16xf32, #tpu.memory_space<vmem_shared>>
      %dma_start3A_118 = arith.constant 0 : i32
      %dma_start3A_119 = tpu.memref_slice %arg10[%add3A_23, %dma_start3A_118] : memref<100008x16xf32, #tpu.memory_space<vmem_shared>> -> memref<256x16xf32, #tpu.memory_space<vmem_shared>>
      tpu.enqueue_dma source(%arg9 : memref<256x16xf32, #tpu.memory_space<vmem>>) target(%dma_start3A_119 : memref<256x16xf32, #tpu.memory_space<vmem_shared>>) target_semaphore(%run_scoped3A : memref<!tpu.dma_semaphore, #tpu.memory_space<semaphore_mem>>)
      %dma_wait3A_120 = arith.constant 0 : i32
      %dma_wait3A_121 = tpu.memref_slice %arg10[%add3A_23, %dma_wait3A_120] : memref<100008x16xf32, #tpu.memory_space<vmem_shared>> -> memref<256x16xf32, #tpu.memory_space<vmem_shared>>
      %dma_wait3A_122 = arith.constant 0 : i32
      %dma_wait3A_123 = tpu.memref_slice %arg10[%add3A_23, %dma_wait3A_122] : memref<100008x16xf32, #tpu.memory_space<vmem_shared>> -> memref<256x16xf32, #tpu.memory_space<vmem_shared>>
      tpu.wait_dma2 semaphore(%run_scoped3A : memref<!tpu.dma_semaphore, #tpu.memory_space<semaphore_mem>>) src(%arg9 : memref<256x16xf32, #tpu.memory_space<vmem>>) dst(%dma_wait3A_123 : memref<256x16xf32, #tpu.memory_space<vmem_shared>>)
      tpu.yield
    }) : () -> ()
    %add3A_24 = arith.constant 2304 : i32
    %add3A_25 = arith.addi %min3A_1, %add3A_24 : i32
    "tpu.region"() ({
      %run_scoped3A = tpu.sem_alloc : memref<!tpu.dma_semaphore, #tpu.memory_space<semaphore_mem>>
      %dma_start3A = arith.constant 0 : i32
      %dma_start3A_117 = tpu.memref_slice %arg10[%add3A_25, %dma_start3A] : memref<100008x16xf32, #tpu.memory_space<vmem_shared>> -> memref<256x16xf32, #tpu.memory_space<vmem_shared>>
      %dma_start3A_118 = arith.constant 0 : i32
      %dma_start3A_119 = tpu.memref_slice %arg10[%add3A_25, %dma_start3A_118] : memref<100008x16xf32, #tpu.memory_space<vmem_shared>> -> memref<256x16xf32, #tpu.memory_space<vmem_shared>>
      tpu.enqueue_dma source(%arg9 : memref<256x16xf32, #tpu.memory_space<vmem>>) target(%dma_start3A_119 : memref<256x16xf32, #tpu.memory_space<vmem_shared>>) target_semaphore(%run_scoped3A : memref<!tpu.dma_semaphore, #tpu.memory_space<semaphore_mem>>)
      %dma_wait3A_120 = arith.constant 0 : i32
      %dma_wait3A_121 = tpu.memref_slice %arg10[%add3A_25, %dma_wait3A_120] : memref<100008x16xf32, #tpu.memory_space<vmem_shared>> -> memref<256x16xf32, #tpu.memory_space<vmem_shared>>
      %dma_wait3A_122 = arith.constant 0 : i32
      %dma_wait3A_123 = tpu.memref_slice %arg10[%add3A_25, %dma_wait3A_122] : memref<100008x16xf32, #tpu.memory_space<vmem_shared>> -> memref<256x16xf32, #tpu.memory_space<vmem_shared>>
      tpu.wait_dma2 semaphore(%run_scoped3A : memref<!tpu.dma_semaphore, #tpu.memory_space<semaphore_mem>>) src(%arg9 : memref<256x16xf32, #tpu.memory_space<vmem>>) dst(%dma_wait3A_123 : memref<256x16xf32, #tpu.memory_space<vmem_shared>>)
      tpu.yield
    }) : () -> ()
    %add3A_26 = arith.constant 2560 : i32
    %add3A_27 = arith.addi %min3A_1, %add3A_26 : i32
    "tpu.region"() ({
      %run_scoped3A = tpu.sem_alloc : memref<!tpu.dma_semaphore, #tpu.memory_space<semaphore_mem>>
      %dma_start3A = arith.constant 0 : i32
      %dma_start3A_117 = tpu.memref_slice %arg10[%add3A_27, %dma_start3A] : memref<100008x16xf32, #tpu.memory_space<vmem_shared>> -> memref<256x16xf32, #tpu.memory_space<vmem_shared>>
      %dma_start3A_118 = arith.constant 0 : i32
      %dma_start3A_119 = tpu.memref_slice %arg10[%add3A_27, %dma_start3A_118] : memref<100008x16xf32, #tpu.memory_space<vmem_shared>> -> memref<256x16xf32, #tpu.memory_space<vmem_shared>>
      tpu.enqueue_dma source(%arg9 : memref<256x16xf32, #tpu.memory_space<vmem>>) target(%dma_start3A_119 : memref<256x16xf32, #tpu.memory_space<vmem_shared>>) target_semaphore(%run_scoped3A : memref<!tpu.dma_semaphore, #tpu.memory_space<semaphore_mem>>)
      %dma_wait3A_120 = arith.constant 0 : i32
      %dma_wait3A_121 = tpu.memref_slice %arg10[%add3A_27, %dma_wait3A_120] : memref<100008x16xf32, #tpu.memory_space<vmem_shared>> -> memref<256x16xf32, #tpu.memory_space<vmem_shared>>
      %dma_wait3A_122 = arith.constant 0 : i32
      %dma_wait3A_123 = tpu.memref_slice %arg10[%add3A_27, %dma_wait3A_122] : memref<100008x16xf32, #tpu.memory_space<vmem_shared>> -> memref<256x16xf32, #tpu.memory_space<vmem_shared>>
      tpu.wait_dma2 semaphore(%run_scoped3A : memref<!tpu.dma_semaphore, #tpu.memory_space<semaphore_mem>>) src(%arg9 : memref<256x16xf32, #tpu.memory_space<vmem>>) dst(%dma_wait3A_123 : memref<256x16xf32, #tpu.memory_space<vmem_shared>>)
      tpu.yield
    }) : () -> ()
    %add3A_28 = arith.constant 2816 : i32
    %add3A_29 = arith.addi %min3A_1, %add3A_28 : i32
    "tpu.region"() ({
      %run_scoped3A = tpu.sem_alloc : memref<!tpu.dma_semaphore, #tpu.memory_space<semaphore_mem>>
      %dma_start3A = arith.constant 0 : i32
      %dma_start3A_117 = tpu.memref_slice %arg10[%add3A_29, %dma_start3A] : memref<100008x16xf32, #tpu.memory_space<vmem_shared>> -> memref<256x16xf32, #tpu.memory_space<vmem_shared>>
      %dma_start3A_118 = arith.constant 0 : i32
      %dma_start3A_119 = tpu.memref_slice %arg10[%add3A_29, %dma_start3A_118] : memref<100008x16xf32, #tpu.memory_space<vmem_shared>> -> memref<256x16xf32, #tpu.memory_space<vmem_shared>>
      tpu.enqueue_dma source(%arg9 : memref<256x16xf32, #tpu.memory_space<vmem>>) target(%dma_start3A_119 : memref<256x16xf32, #tpu.memory_space<vmem_shared>>) target_semaphore(%run_scoped3A : memref<!tpu.dma_semaphore, #tpu.memory_space<semaphore_mem>>)
      %dma_wait3A_120 = arith.constant 0 : i32
      %dma_wait3A_121 = tpu.memref_slice %arg10[%add3A_29, %dma_wait3A_120] : memref<100008x16xf32, #tpu.memory_space<vmem_shared>> -> memref<256x16xf32, #tpu.memory_space<vmem_shared>>
      %dma_wait3A_122 = arith.constant 0 : i32
      %dma_wait3A_123 = tpu.memref_slice %arg10[%add3A_29, %dma_wait3A_122] : memref<100008x16xf32, #tpu.memory_space<vmem_shared>> -> memref<256x16xf32, #tpu.memory_space<vmem_shared>>
      tpu.wait_dma2 semaphore(%run_scoped3A : memref<!tpu.dma_semaphore, #tpu.memory_space<semaphore_mem>>) src(%arg9 : memref<256x16xf32, #tpu.memory_space<vmem>>) dst(%dma_wait3A_123 : memref<256x16xf32, #tpu.memory_space<vmem_shared>>)
      tpu.yield
    }) : () -> ()
    %add3A_30 = arith.constant 3072 : i32
    %add3A_31 = arith.addi %min3A_1, %add3A_30 : i32
    "tpu.region"() ({
      %run_scoped3A = tpu.sem_alloc : memref<!tpu.dma_semaphore, #tpu.memory_space<semaphore_mem>>
      %dma_start3A = arith.constant 0 : i32
      %dma_start3A_117 = tpu.memref_slice %arg10[%add3A_31, %dma_start3A] : memref<100008x16xf32, #tpu.memory_space<vmem_shared>> -> memref<256x16xf32, #tpu.memory_space<vmem_shared>>
      %dma_start3A_118 = arith.constant 0 : i32
      %dma_start3A_119 = tpu.memref_slice %arg10[%add3A_31, %dma_start3A_118] : memref<100008x16xf32, #tpu.memory_space<vmem_shared>> -> memref<256x16xf32, #tpu.memory_space<vmem_shared>>
      tpu.enqueue_dma source(%arg9 : memref<256x16xf32, #tpu.memory_space<vmem>>) target(%dma_start3A_119 : memref<256x16xf32, #tpu.memory_space<vmem_shared>>) target_semaphore(%run_scoped3A : memref<!tpu.dma_semaphore, #tpu.memory_space<semaphore_mem>>)
      %dma_wait3A_120 = arith.constant 0 : i32
      %dma_wait3A_121 = tpu.memref_slice %arg10[%add3A_31, %dma_wait3A_120] : memref<100008x16xf32, #tpu.memory_space<vmem_shared>> -> memref<256x16xf32, #tpu.memory_space<vmem_shared>>
      %dma_wait3A_122 = arith.constant 0 : i32
      %dma_wait3A_123 = tpu.memref_slice %arg10[%add3A_31, %dma_wait3A_122] : memref<100008x16xf32, #tpu.memory_space<vmem_shared>> -> memref<256x16xf32, #tpu.memory_space<vmem_shared>>
      tpu.wait_dma2 semaphore(%run_scoped3A : memref<!tpu.dma_semaphore, #tpu.memory_space<semaphore_mem>>) src(%arg9 : memref<256x16xf32, #tpu.memory_space<vmem>>) dst(%dma_wait3A_123 : memref<256x16xf32, #tpu.memory_space<vmem_shared>>)
      tpu.yield
    }) : () -> ()
    %add3A_32 = arith.constant 3328 : i32
    %add3A_33 = arith.addi %min3A_1, %add3A_32 : i32
    "tpu.region"() ({
      %run_scoped3A = tpu.sem_alloc : memref<!tpu.dma_semaphore, #tpu.memory_space<semaphore_mem>>
      %dma_start3A = arith.constant 0 : i32
      %dma_start3A_117 = tpu.memref_slice %arg10[%add3A_33, %dma_start3A] : memref<100008x16xf32, #tpu.memory_space<vmem_shared>> -> memref<256x16xf32, #tpu.memory_space<vmem_shared>>
      %dma_start3A_118 = arith.constant 0 : i32
      %dma_start3A_119 = tpu.memref_slice %arg10[%add3A_33, %dma_start3A_118] : memref<100008x16xf32, #tpu.memory_space<vmem_shared>> -> memref<256x16xf32, #tpu.memory_space<vmem_shared>>
      tpu.enqueue_dma source(%arg9 : memref<256x16xf32, #tpu.memory_space<vmem>>) target(%dma_start3A_119 : memref<256x16xf32, #tpu.memory_space<vmem_shared>>) target_semaphore(%run_scoped3A : memref<!tpu.dma_semaphore, #tpu.memory_space<semaphore_mem>>)
      %dma_wait3A_120 = arith.constant 0 : i32
      %dma_wait3A_121 = tpu.memref_slice %arg10[%add3A_33, %dma_wait3A_120] : memref<100008x16xf32, #tpu.memory_space<vmem_shared>> -> memref<256x16xf32, #tpu.memory_space<vmem_shared>>
      %dma_wait3A_122 = arith.constant 0 : i32
      %dma_wait3A_123 = tpu.memref_slice %arg10[%add3A_33, %dma_wait3A_122] : memref<100008x16xf32, #tpu.memory_space<vmem_shared>> -> memref<256x16xf32, #tpu.memory_space<vmem_shared>>
      tpu.wait_dma2 semaphore(%run_scoped3A : memref<!tpu.dma_semaphore, #tpu.memory_space<semaphore_mem>>) src(%arg9 : memref<256x16xf32, #tpu.memory_space<vmem>>) dst(%dma_wait3A_123 : memref<256x16xf32, #tpu.memory_space<vmem_shared>>)
      tpu.yield
    }) : () -> ()
    %add3A_34 = arith.constant 3584 : i32
    %add3A_35 = arith.addi %min3A_1, %add3A_34 : i32
    "tpu.region"() ({
      %run_scoped3A = tpu.sem_alloc : memref<!tpu.dma_semaphore, #tpu.memory_space<semaphore_mem>>
      %dma_start3A = arith.constant 0 : i32
      %dma_start3A_117 = tpu.memref_slice %arg10[%add3A_35, %dma_start3A] : memref<100008x16xf32, #tpu.memory_space<vmem_shared>> -> memref<256x16xf32, #tpu.memory_space<vmem_shared>>
      %dma_start3A_118 = arith.constant 0 : i32
      %dma_start3A_119 = tpu.memref_slice %arg10[%add3A_35, %dma_start3A_118] : memref<100008x16xf32, #tpu.memory_space<vmem_shared>> -> memref<256x16xf32, #tpu.memory_space<vmem_shared>>
      tpu.enqueue_dma source(%arg9 : memref<256x16xf32, #tpu.memory_space<vmem>>) target(%dma_start3A_119 : memref<256x16xf32, #tpu.memory_space<vmem_shared>>) target_semaphore(%run_scoped3A : memref<!tpu.dma_semaphore, #tpu.memory_space<semaphore_mem>>)
      %dma_wait3A_120 = arith.constant 0 : i32
      %dma_wait3A_121 = tpu.memref_slice %arg10[%add3A_35, %dma_wait3A_120] : memref<100008x16xf32, #tpu.memory_space<vmem_shared>> -> memref<256x16xf32, #tpu.memory_space<vmem_shared>>
      %dma_wait3A_122 = arith.constant 0 : i32
      %dma_wait3A_123 = tpu.memref_slice %arg10[%add3A_35, %dma_wait3A_122] : memref<100008x16xf32, #tpu.memory_space<vmem_shared>> -> memref<256x16xf32, #tpu.memory_space<vmem_shared>>
      tpu.wait_dma2 semaphore(%run_scoped3A : memref<!tpu.dma_semaphore, #tpu.memory_space<semaphore_mem>>) src(%arg9 : memref<256x16xf32, #tpu.memory_space<vmem>>) dst(%dma_wait3A_123 : memref<256x16xf32, #tpu.memory_space<vmem_shared>>)
      tpu.yield
    }) : () -> ()
    %add3A_36 = arith.constant 3840 : i32
    %add3A_37 = arith.addi %min3A_1, %add3A_36 : i32
    "tpu.region"() ({
      %run_scoped3A = tpu.sem_alloc : memref<!tpu.dma_semaphore, #tpu.memory_space<semaphore_mem>>
      %dma_start3A = arith.constant 0 : i32
      %dma_start3A_117 = tpu.memref_slice %arg10[%add3A_37, %dma_start3A] : memref<100008x16xf32, #tpu.memory_space<vmem_shared>> -> memref<256x16xf32, #tpu.memory_space<vmem_shared>>
      %dma_start3A_118 = arith.constant 0 : i32
      %dma_start3A_119 = tpu.memref_slice %arg10[%add3A_37, %dma_start3A_118] : memref<100008x16xf32, #tpu.memory_space<vmem_shared>> -> memref<256x16xf32, #tpu.memory_space<vmem_shared>>
      tpu.enqueue_dma source(%arg9 : memref<256x16xf32, #tpu.memory_space<vmem>>) target(%dma_start3A_119 : memref<256x16xf32, #tpu.memory_space<vmem_shared>>) target_semaphore(%run_scoped3A : memref<!tpu.dma_semaphore, #tpu.memory_space<semaphore_mem>>)
      %dma_wait3A_120 = arith.constant 0 : i32
      %dma_wait3A_121 = tpu.memref_slice %arg10[%add3A_37, %dma_wait3A_120] : memref<100008x16xf32, #tpu.memory_space<vmem_shared>> -> memref<256x16xf32, #tpu.memory_space<vmem_shared>>
      %dma_wait3A_122 = arith.constant 0 : i32
      %dma_wait3A_123 = tpu.memref_slice %arg10[%add3A_37, %dma_wait3A_122] : memref<100008x16xf32, #tpu.memory_space<vmem_shared>> -> memref<256x16xf32, #tpu.memory_space<vmem_shared>>
      tpu.wait_dma2 semaphore(%run_scoped3A : memref<!tpu.dma_semaphore, #tpu.memory_space<semaphore_mem>>) src(%arg9 : memref<256x16xf32, #tpu.memory_space<vmem>>) dst(%dma_wait3A_123 : memref<256x16xf32, #tpu.memory_space<vmem_shared>>)
      tpu.yield
    }) : () -> ()
    %add3A_38 = arith.constant 4096 : i32
    %add3A_39 = arith.addi %min3A_1, %add3A_38 : i32
    "tpu.region"() ({
      %run_scoped3A = tpu.sem_alloc : memref<!tpu.dma_semaphore, #tpu.memory_space<semaphore_mem>>
      %dma_start3A = arith.constant 0 : i32
      %dma_start3A_117 = tpu.memref_slice %arg10[%add3A_39, %dma_start3A] : memref<100008x16xf32, #tpu.memory_space<vmem_shared>> -> memref<256x16xf32, #tpu.memory_space<vmem_shared>>
      %dma_start3A_118 = arith.constant 0 : i32
      %dma_start3A_119 = tpu.memref_slice %arg10[%add3A_39, %dma_start3A_118] : memref<100008x16xf32, #tpu.memory_space<vmem_shared>> -> memref<256x16xf32, #tpu.memory_space<vmem_shared>>
      tpu.enqueue_dma source(%arg9 : memref<256x16xf32, #tpu.memory_space<vmem>>) target(%dma_start3A_119 : memref<256x16xf32, #tpu.memory_space<vmem_shared>>) target_semaphore(%run_scoped3A : memref<!tpu.dma_semaphore, #tpu.memory_space<semaphore_mem>>)
      %dma_wait3A_120 = arith.constant 0 : i32
      %dma_wait3A_121 = tpu.memref_slice %arg10[%add3A_39, %dma_wait3A_120] : memref<100008x16xf32, #tpu.memory_space<vmem_shared>> -> memref<256x16xf32, #tpu.memory_space<vmem_shared>>
      %dma_wait3A_122 = arith.constant 0 : i32
      %dma_wait3A_123 = tpu.memref_slice %arg10[%add3A_39, %dma_wait3A_122] : memref<100008x16xf32, #tpu.memory_space<vmem_shared>> -> memref<256x16xf32, #tpu.memory_space<vmem_shared>>
      tpu.wait_dma2 semaphore(%run_scoped3A : memref<!tpu.dma_semaphore, #tpu.memory_space<semaphore_mem>>) src(%arg9 : memref<256x16xf32, #tpu.memory_space<vmem>>) dst(%dma_wait3A_123 : memref<256x16xf32, #tpu.memory_space<vmem_shared>>)
      tpu.yield
    }) : () -> ()
    %add3A_40 = arith.constant 4352 : i32
    %add3A_41 = arith.addi %min3A_1, %add3A_40 : i32
    "tpu.region"() ({
      %run_scoped3A = tpu.sem_alloc : memref<!tpu.dma_semaphore, #tpu.memory_space<semaphore_mem>>
      %dma_start3A = arith.constant 0 : i32
      %dma_start3A_117 = tpu.memref_slice %arg10[%add3A_41, %dma_start3A] : memref<100008x16xf32, #tpu.memory_space<vmem_shared>> -> memref<256x16xf32, #tpu.memory_space<vmem_shared>>
      %dma_start3A_118 = arith.constant 0 : i32
      %dma_start3A_119 = tpu.memref_slice %arg10[%add3A_41, %dma_start3A_118] : memref<100008x16xf32, #tpu.memory_space<vmem_shared>> -> memref<256x16xf32, #tpu.memory_space<vmem_shared>>
      tpu.enqueue_dma source(%arg9 : memref<256x16xf32, #tpu.memory_space<vmem>>) target(%dma_start3A_119 : memref<256x16xf32, #tpu.memory_space<vmem_shared>>) target_semaphore(%run_scoped3A : memref<!tpu.dma_semaphore, #tpu.memory_space<semaphore_mem>>)
      %dma_wait3A_120 = arith.constant 0 : i32
      %dma_wait3A_121 = tpu.memref_slice %arg10[%add3A_41, %dma_wait3A_120] : memref<100008x16xf32, #tpu.memory_space<vmem_shared>> -> memref<256x16xf32, #tpu.memory_space<vmem_shared>>
      %dma_wait3A_122 = arith.constant 0 : i32
      %dma_wait3A_123 = tpu.memref_slice %arg10[%add3A_41, %dma_wait3A_122] : memref<100008x16xf32, #tpu.memory_space<vmem_shared>> -> memref<256x16xf32, #tpu.memory_space<vmem_shared>>
      tpu.wait_dma2 semaphore(%run_scoped3A : memref<!tpu.dma_semaphore, #tpu.memory_space<semaphore_mem>>) src(%arg9 : memref<256x16xf32, #tpu.memory_space<vmem>>) dst(%dma_wait3A_123 : memref<256x16xf32, #tpu.memory_space<vmem_shared>>)
      tpu.yield
    }) : () -> ()
    %add3A_42 = arith.constant 4608 : i32
    %add3A_43 = arith.addi %min3A_1, %add3A_42 : i32
    "tpu.region"() ({
      %run_scoped3A = tpu.sem_alloc : memref<!tpu.dma_semaphore, #tpu.memory_space<semaphore_mem>>
      %dma_start3A = arith.constant 0 : i32
      %dma_start3A_117 = tpu.memref_slice %arg10[%add3A_43, %dma_start3A] : memref<100008x16xf32, #tpu.memory_space<vmem_shared>> -> memref<256x16xf32, #tpu.memory_space<vmem_shared>>
      %dma_start3A_118 = arith.constant 0 : i32
      %dma_start3A_119 = tpu.memref_slice %arg10[%add3A_43, %dma_start3A_118] : memref<100008x16xf32, #tpu.memory_space<vmem_shared>> -> memref<256x16xf32, #tpu.memory_space<vmem_shared>>
      tpu.enqueue_dma source(%arg9 : memref<256x16xf32, #tpu.memory_space<vmem>>) target(%dma_start3A_119 : memref<256x16xf32, #tpu.memory_space<vmem_shared>>) target_semaphore(%run_scoped3A : memref<!tpu.dma_semaphore, #tpu.memory_space<semaphore_mem>>)
      %dma_wait3A_120 = arith.constant 0 : i32
      %dma_wait3A_121 = tpu.memref_slice %arg10[%add3A_43, %dma_wait3A_120] : memref<100008x16xf32, #tpu.memory_space<vmem_shared>> -> memref<256x16xf32, #tpu.memory_space<vmem_shared>>
      %dma_wait3A_122 = arith.constant 0 : i32
      %dma_wait3A_123 = tpu.memref_slice %arg10[%add3A_43, %dma_wait3A_122] : memref<100008x16xf32, #tpu.memory_space<vmem_shared>> -> memref<256x16xf32, #tpu.memory_space<vmem_shared>>
      tpu.wait_dma2 semaphore(%run_scoped3A : memref<!tpu.dma_semaphore, #tpu.memory_space<semaphore_mem>>) src(%arg9 : memref<256x16xf32, #tpu.memory_space<vmem>>) dst(%dma_wait3A_123 : memref<256x16xf32, #tpu.memory_space<vmem_shared>>)
      tpu.yield
    }) : () -> ()
    %add3A_44 = arith.constant 4864 : i32
    %add3A_45 = arith.addi %min3A_1, %add3A_44 : i32
    "tpu.region"() ({
      %run_scoped3A = tpu.sem_alloc : memref<!tpu.dma_semaphore, #tpu.memory_space<semaphore_mem>>
      %dma_start3A = arith.constant 0 : i32
      %dma_start3A_117 = tpu.memref_slice %arg10[%add3A_45, %dma_start3A] : memref<100008x16xf32, #tpu.memory_space<vmem_shared>> -> memref<256x16xf32, #tpu.memory_space<vmem_shared>>
      %dma_start3A_118 = arith.constant 0 : i32
      %dma_start3A_119 = tpu.memref_slice %arg10[%add3A_45, %dma_start3A_118] : memref<100008x16xf32, #tpu.memory_space<vmem_shared>> -> memref<256x16xf32, #tpu.memory_space<vmem_shared>>
      tpu.enqueue_dma source(%arg9 : memref<256x16xf32, #tpu.memory_space<vmem>>) target(%dma_start3A_119 : memref<256x16xf32, #tpu.memory_space<vmem_shared>>) target_semaphore(%run_scoped3A : memref<!tpu.dma_semaphore, #tpu.memory_space<semaphore_mem>>)
      %dma_wait3A_120 = arith.constant 0 : i32
      %dma_wait3A_121 = tpu.memref_slice %arg10[%add3A_45, %dma_wait3A_120] : memref<100008x16xf32, #tpu.memory_space<vmem_shared>> -> memref<256x16xf32, #tpu.memory_space<vmem_shared>>
      %dma_wait3A_122 = arith.constant 0 : i32
      %dma_wait3A_123 = tpu.memref_slice %arg10[%add3A_45, %dma_wait3A_122] : memref<100008x16xf32, #tpu.memory_space<vmem_shared>> -> memref<256x16xf32, #tpu.memory_space<vmem_shared>>
      tpu.wait_dma2 semaphore(%run_scoped3A : memref<!tpu.dma_semaphore, #tpu.memory_space<semaphore_mem>>) src(%arg9 : memref<256x16xf32, #tpu.memory_space<vmem>>) dst(%dma_wait3A_123 : memref<256x16xf32, #tpu.memory_space<vmem_shared>>)
      tpu.yield
    }) : () -> ()
    %add3A_46 = arith.constant 5120 : i32
    %add3A_47 = arith.addi %min3A_1, %add3A_46 : i32
    "tpu.region"() ({
      %run_scoped3A = tpu.sem_alloc : memref<!tpu.dma_semaphore, #tpu.memory_space<semaphore_mem>>
      %dma_start3A = arith.constant 0 : i32
      %dma_start3A_117 = tpu.memref_slice %arg10[%add3A_47, %dma_start3A] : memref<100008x16xf32, #tpu.memory_space<vmem_shared>> -> memref<256x16xf32, #tpu.memory_space<vmem_shared>>
      %dma_start3A_118 = arith.constant 0 : i32
      %dma_start3A_119 = tpu.memref_slice %arg10[%add3A_47, %dma_start3A_118] : memref<100008x16xf32, #tpu.memory_space<vmem_shared>> -> memref<256x16xf32, #tpu.memory_space<vmem_shared>>
      tpu.enqueue_dma source(%arg9 : memref<256x16xf32, #tpu.memory_space<vmem>>) target(%dma_start3A_119 : memref<256x16xf32, #tpu.memory_space<vmem_shared>>) target_semaphore(%run_scoped3A : memref<!tpu.dma_semaphore, #tpu.memory_space<semaphore_mem>>)
      %dma_wait3A_120 = arith.constant 0 : i32
      %dma_wait3A_121 = tpu.memref_slice %arg10[%add3A_47, %dma_wait3A_120] : memref<100008x16xf32, #tpu.memory_space<vmem_shared>> -> memref<256x16xf32, #tpu.memory_space<vmem_shared>>
      %dma_wait3A_122 = arith.constant 0 : i32
      %dma_wait3A_123 = tpu.memref_slice %arg10[%add3A_47, %dma_wait3A_122] : memref<100008x16xf32, #tpu.memory_space<vmem_shared>> -> memref<256x16xf32, #tpu.memory_space<vmem_shared>>
      tpu.wait_dma2 semaphore(%run_scoped3A : memref<!tpu.dma_semaphore, #tpu.memory_space<semaphore_mem>>) src(%arg9 : memref<256x16xf32, #tpu.memory_space<vmem>>) dst(%dma_wait3A_123 : memref<256x16xf32, #tpu.memory_space<vmem_shared>>)
      tpu.yield
    }) : () -> ()
    %add3A_48 = arith.constant 5376 : i32
    %add3A_49 = arith.addi %min3A_1, %add3A_48 : i32
    "tpu.region"() ({
      %run_scoped3A = tpu.sem_alloc : memref<!tpu.dma_semaphore, #tpu.memory_space<semaphore_mem>>
      %dma_start3A = arith.constant 0 : i32
      %dma_start3A_117 = tpu.memref_slice %arg10[%add3A_49, %dma_start3A] : memref<100008x16xf32, #tpu.memory_space<vmem_shared>> -> memref<256x16xf32, #tpu.memory_space<vmem_shared>>
      %dma_start3A_118 = arith.constant 0 : i32
      %dma_start3A_119 = tpu.memref_slice %arg10[%add3A_49, %dma_start3A_118] : memref<100008x16xf32, #tpu.memory_space<vmem_shared>> -> memref<256x16xf32, #tpu.memory_space<vmem_shared>>
      tpu.enqueue_dma source(%arg9 : memref<256x16xf32, #tpu.memory_space<vmem>>) target(%dma_start3A_119 : memref<256x16xf32, #tpu.memory_space<vmem_shared>>) target_semaphore(%run_scoped3A : memref<!tpu.dma_semaphore, #tpu.memory_space<semaphore_mem>>)
      %dma_wait3A_120 = arith.constant 0 : i32
      %dma_wait3A_121 = tpu.memref_slice %arg10[%add3A_49, %dma_wait3A_120] : memref<100008x16xf32, #tpu.memory_space<vmem_shared>> -> memref<256x16xf32, #tpu.memory_space<vmem_shared>>
      %dma_wait3A_122 = arith.constant 0 : i32
      %dma_wait3A_123 = tpu.memref_slice %arg10[%add3A_49, %dma_wait3A_122] : memref<100008x16xf32, #tpu.memory_space<vmem_shared>> -> memref<256x16xf32, #tpu.memory_space<vmem_shared>>
      tpu.wait_dma2 semaphore(%run_scoped3A : memref<!tpu.dma_semaphore, #tpu.memory_space<semaphore_mem>>) src(%arg9 : memref<256x16xf32, #tpu.memory_space<vmem>>) dst(%dma_wait3A_123 : memref<256x16xf32, #tpu.memory_space<vmem_shared>>)
      tpu.yield
    }) : () -> ()
    %add3A_50 = arith.constant 5632 : i32
    %add3A_51 = arith.addi %min3A_1, %add3A_50 : i32
    "tpu.region"() ({
      %run_scoped3A = tpu.sem_alloc : memref<!tpu.dma_semaphore, #tpu.memory_space<semaphore_mem>>
      %dma_start3A = arith.constant 0 : i32
      %dma_start3A_117 = tpu.memref_slice %arg10[%add3A_51, %dma_start3A] : memref<100008x16xf32, #tpu.memory_space<vmem_shared>> -> memref<256x16xf32, #tpu.memory_space<vmem_shared>>
      %dma_start3A_118 = arith.constant 0 : i32
      %dma_start3A_119 = tpu.memref_slice %arg10[%add3A_51, %dma_start3A_118] : memref<100008x16xf32, #tpu.memory_space<vmem_shared>> -> memref<256x16xf32, #tpu.memory_space<vmem_shared>>
      tpu.enqueue_dma source(%arg9 : memref<256x16xf32, #tpu.memory_space<vmem>>) target(%dma_start3A_119 : memref<256x16xf32, #tpu.memory_space<vmem_shared>>) target_semaphore(%run_scoped3A : memref<!tpu.dma_semaphore, #tpu.memory_space<semaphore_mem>>)
      %dma_wait3A_120 = arith.constant 0 : i32
      %dma_wait3A_121 = tpu.memref_slice %arg10[%add3A_51, %dma_wait3A_120] : memref<100008x16xf32, #tpu.memory_space<vmem_shared>> -> memref<256x16xf32, #tpu.memory_space<vmem_shared>>
      %dma_wait3A_122 = arith.constant 0 : i32
      %dma_wait3A_123 = tpu.memref_slice %arg10[%add3A_51, %dma_wait3A_122] : memref<100008x16xf32, #tpu.memory_space<vmem_shared>> -> memref<256x16xf32, #tpu.memory_space<vmem_shared>>
      tpu.wait_dma2 semaphore(%run_scoped3A : memref<!tpu.dma_semaphore, #tpu.memory_space<semaphore_mem>>) src(%arg9 : memref<256x16xf32, #tpu.memory_space<vmem>>) dst(%dma_wait3A_123 : memref<256x16xf32, #tpu.memory_space<vmem_shared>>)
      tpu.yield
    }) : () -> ()
    %add3A_52 = arith.constant 5888 : i32
    %add3A_53 = arith.addi %min3A_1, %add3A_52 : i32
    "tpu.region"() ({
      %run_scoped3A = tpu.sem_alloc : memref<!tpu.dma_semaphore, #tpu.memory_space<semaphore_mem>>
      %dma_start3A = arith.constant 0 : i32
      %dma_start3A_117 = tpu.memref_slice %arg10[%add3A_53, %dma_start3A] : memref<100008x16xf32, #tpu.memory_space<vmem_shared>> -> memref<256x16xf32, #tpu.memory_space<vmem_shared>>
      %dma_start3A_118 = arith.constant 0 : i32
      %dma_start3A_119 = tpu.memref_slice %arg10[%add3A_53, %dma_start3A_118] : memref<100008x16xf32, #tpu.memory_space<vmem_shared>> -> memref<256x16xf32, #tpu.memory_space<vmem_shared>>
      tpu.enqueue_dma source(%arg9 : memref<256x16xf32, #tpu.memory_space<vmem>>) target(%dma_start3A_119 : memref<256x16xf32, #tpu.memory_space<vmem_shared>>) target_semaphore(%run_scoped3A : memref<!tpu.dma_semaphore, #tpu.memory_space<semaphore_mem>>)
      %dma_wait3A_120 = arith.constant 0 : i32
      %dma_wait3A_121 = tpu.memref_slice %arg10[%add3A_53, %dma_wait3A_120] : memref<100008x16xf32, #tpu.memory_space<vmem_shared>> -> memref<256x16xf32, #tpu.memory_space<vmem_shared>>
      %dma_wait3A_122 = arith.constant 0 : i32
      %dma_wait3A_123 = tpu.memref_slice %arg10[%add3A_53, %dma_wait3A_122] : memref<100008x16xf32, #tpu.memory_space<vmem_shared>> -> memref<256x16xf32, #tpu.memory_space<vmem_shared>>
      tpu.wait_dma2 semaphore(%run_scoped3A : memref<!tpu.dma_semaphore, #tpu.memory_space<semaphore_mem>>) src(%arg9 : memref<256x16xf32, #tpu.memory_space<vmem>>) dst(%dma_wait3A_123 : memref<256x16xf32, #tpu.memory_space<vmem_shared>>)
      tpu.yield
    }) : () -> ()
    %add3A_54 = arith.constant 6256 : i32
    %add3A_55 = arith.addi %min3A_1, %add3A_54 : i32
    %sub3A = arith.constant 112 : i32
    %sub3A_56 = arith.subi %add3A_55, %sub3A : i32
    "tpu.region"() ({
      %run_scoped3A = tpu.sem_alloc : memref<!tpu.dma_semaphore, #tpu.memory_space<semaphore_mem>>
      %dma_start3A = arith.constant 0 : i32
      %dma_start3A_117 = arith.constant 0 : i32
      %dma_start3A_118 = tpu.memref_slice %arg9[%dma_start3A, %dma_start3A_117] : memref<256x16xf32, #tpu.memory_space<vmem>> -> memref<112x16xf32, #tpu.memory_space<vmem>>
      %dma_start3A_119 = arith.constant 0 : i32
      %dma_start3A_120 = tpu.memref_slice %arg10[%sub3A_56, %dma_start3A_119] : memref<100008x16xf32, #tpu.memory_space<vmem_shared>> -> memref<112x16xf32, #tpu.memory_space<vmem_shared>>
      %dma_start3A_121 = arith.constant 0 : i32
      %dma_start3A_122 = tpu.memref_slice %arg10[%sub3A_56, %dma_start3A_121] : memref<100008x16xf32, #tpu.memory_space<vmem_shared>> -> memref<112x16xf32, #tpu.memory_space<vmem_shared>>
      %dma_start3A_123 = arith.constant 0 : i32
      %dma_start3A_124 = arith.constant 0 : i32
      %dma_start3A_125 = tpu.memref_slice %arg9[%dma_start3A_123, %dma_start3A_124] : memref<256x16xf32, #tpu.memory_space<vmem>> -> memref<112x16xf32, #tpu.memory_space<vmem>>
      tpu.enqueue_dma source(%dma_start3A_125 : memref<112x16xf32, #tpu.memory_space<vmem>>) target(%dma_start3A_122 : memref<112x16xf32, #tpu.memory_space<vmem_shared>>) target_semaphore(%run_scoped3A : memref<!tpu.dma_semaphore, #tpu.memory_space<semaphore_mem>>)
      %dma_wait3A_126 = arith.constant 0 : i32
      %dma_wait3A_127 = arith.constant 0 : i32
      %dma_wait3A_128 = tpu.memref_slice %arg9[%dma_wait3A_126, %dma_wait3A_127] : memref<256x16xf32, #tpu.memory_space<vmem>> -> memref<112x16xf32, #tpu.memory_space<vmem>>
      %dma_wait3A_129 = arith.constant 0 : i32
      %dma_wait3A_130 = tpu.memref_slice %arg10[%sub3A_56, %dma_wait3A_129] : memref<100008x16xf32, #tpu.memory_space<vmem_shared>> -> memref<112x16xf32, #tpu.memory_space<vmem_shared>>
      %dma_wait3A_131 = arith.constant 0 : i32
      %dma_wait3A_132 = tpu.memref_slice %arg10[%sub3A_56, %dma_wait3A_131] : memref<100008x16xf32, #tpu.memory_space<vmem_shared>> -> memref<112x16xf32, #tpu.memory_space<vmem_shared>>
      %dma_wait3A_133 = arith.constant 0 : i32
      %dma_wait3A_134 = arith.constant 0 : i32
      %dma_wait3A_135 = tpu.memref_slice %arg9[%dma_wait3A_133, %dma_wait3A_134] : memref<256x16xf32, #tpu.memory_space<vmem>> -> memref<112x16xf32, #tpu.memory_space<vmem>>
      tpu.wait_dma2 semaphore(%run_scoped3A : memref<!tpu.dma_semaphore, #tpu.memory_space<semaphore_mem>>) src(%dma_wait3A_135 : memref<112x16xf32, #tpu.memory_space<vmem>>) dst(%dma_wait3A_132 : memref<112x16xf32, #tpu.memory_space<vmem_shared>>)
      tpu.yield
    }) : () -> ()
    %barrier3A = arith.constant 0 : index
    tpu.barrier barrier_id(%barrier3A)
    %eq3A = arith.constant 0 : i32
    %eq3A_57 = arith.cmpi eq, %arg0, %eq3A : i32
    %jit3A = arith.constant 98 : i32
    %jit3A_58 = arith.constant 96 : i32
    %select_n3A = arith.select %eq3A_57, %jit3A, %jit3A_58 : i32
    %eq3A_59 = arith.constant 0 : i32
    %eq3A_60 = arith.cmpi eq, %arg0, %eq3A_59 : i32
    %jit3A_61 = arith.constant 7 : i32
    %jit3A_62 = arith.constant 14 : i32
    %select_n3A_63 = arith.select %eq3A_60, %jit3A_61, %jit3A_62 : i32
    %lt3A = arith.cmpi slt, %arg1, %select_n3A_63 : i32
    %convert_element_type3A = arith.extui %lt3A : i1 to i32
    %add3A_64 = arith.addi %select_n3A, %convert_element_type3A : i32
    %eq3A_65 = arith.constant 0 : i32
    %eq3A_66 = arith.cmpi eq, %arg0, %eq3A_65 : i32
    %jit3A_67 = arith.constant 0 : i32
    %jit3A_68 = arith.constant 1575 : i32
    %select_n3A_69 = arith.select %eq3A_66, %jit3A_67, %jit3A_68 : i32
    %mul3A_70 = arith.muli %arg1, %select_n3A : i32
    %add3A_71 = arith.addi %select_n3A_69, %mul3A_70 : i32
    %min3A_72 = arith.minsi %arg1, %select_n3A_63 : i32
    %add3A_73 = arith.addi %add3A_71, %min3A_72 : i32
    %while3A = arith.constant 0 : i32
    %while3A_74 = arith.constant 0 : i32
    %while3A_75 = arith.subi %add3A_64, %while3A_74 : i32
    %while3A_76 = arith.addi %while3A_74, %while3A_75 : i32
    %while3A_77 = arith.constant 1 : i32
    %while3A_78 = arith.divsi %while3A_75, %while3A_77 : i32
    %while3A_79 = arith.muli %while3A_78, %while3A_77 : i32
    %while3A_80 = arith.addi %while3A_74, %while3A_79 : i32
    %while3A_81 = arith.constant 1 : i32
    scf.for %while3A_117 = %while3A_74 to %while3A_80 step %while3A_81  : i32 {
      %jit3A_118 = arith.constant 2 : i32
      %eq3A_119 = arith.constant 0 : i32
      %eq3A_120 = arith.cmpi eq, %jit3A_118, %eq3A_119 : i32
      %jit3A_121 = arith.constant 1 : i32
      %select_n3A_122 = arith.select %eq3A_120, %jit3A_121, %jit3A_118 : i32
      %rem3A = arith.remsi %while3A_117, %select_n3A_122 : i32
      %ne3A = arith.constant 0 : i32
      %ne3A_123 = arith.cmpi ne, %rem3A, %ne3A : i32
      %lt3A_124 = arith.constant 0 : i32
      %lt3A_125 = arith.cmpi slt, %rem3A, %lt3A_124 : i32
      %lt3A_126 = arith.constant 0 : i32
      %lt3A_127 = arith.cmpi slt, %select_n3A_122, %lt3A_126 : i32
      %ne3A_128 = arith.xori %lt3A_125, %lt3A_127 : i1
      %and3A = arith.andi %ne3A_128, %ne3A_123 : i1
      %add3A_129 = arith.addi %rem3A, %select_n3A_122 : i32
      %select_n3A_130 = arith.select %and3A, %add3A_129, %rem3A : i32
      %add3A_131 = arith.addi %add3A_73, %while3A_117 : i32
      %mul3A_132 = arith.constant 512 : i32
      %mul3A_133 = arith.muli %add3A_131, %mul3A_132 : i32
      %ge3A = arith.constant 2 : i32
      %ge3A_134 = arith.cmpi sge, %while3A_117, %ge3A : i32
      %convert_element_type3A_135 = arith.extui %ge3A_134 : i1 to i32
      %cond3A = arith.constant 0 : i32
      %cond3A_136 = arith.cmpi ne, %convert_element_type3A_135, %cond3A : i32
      scf.if %cond3A_136 {
        %dma_wait3A_172 = arith.constant 0 : i32
        %dma_wait3A_173 = arith.constant 0 : i32
        %dma_wait3A_174 = tpu.memref_slice %arg8[%select_n3A_130, %dma_wait3A_172, %dma_wait3A_173] : memref<2x512x16xf32, #tpu.memory_space<vmem>> -> memref<1x512x16xf32, #tpu.memory_space<vmem>>
        %dma_wait3A_175 = tpu.memref_squeeze %dma_wait3A_174 : memref<1x512x16xf32, #tpu.memory_space<vmem>> -> memref<512x16xf32, #tpu.memory_space<vmem>>
        %dma_wait3A_176 = arith.constant 0 : i32
        %dma_wait3A_177 = tpu.memref_slice %arg7[%select_n3A_130, %dma_wait3A_176] : memref<2x512xi32, #tpu.memory_space<vmem>> -> memref<1x512xi32, #tpu.memory_space<vmem>>
        %dma_wait3A_178 = tpu.memref_squeeze %dma_wait3A_177 : memref<1x512xi32, #tpu.memory_space<vmem>> -> memref<512xi32, #tpu.memory_space<vmem>>
        %dma_wait3A_179 = arith.constant 0 : i32
        %dma_wait3A_180 = arith.constant 0 : i32
        %dma_wait3A_181 = tpu.memref_slice %arg10[%dma_wait3A_179, %dma_wait3A_180] : memref<100008x16xf32, #tpu.memory_space<vmem_shared>> -> memref<100008x16xf32, #tpu.memory_space<vmem_shared>>
        %dma_wait3A_182 = tpu.memref_slice %arg12[%select_n3A_130] : memref<2x!tpu.dma_semaphore, #tpu.memory_space<semaphore_mem>> -> memref<1x!tpu.dma_semaphore, #tpu.memory_space<semaphore_mem>>
        %dma_wait3A_183 = tpu.memref_squeeze %dma_wait3A_182 : memref<1x!tpu.dma_semaphore, #tpu.memory_space<semaphore_mem>> -> memref<!tpu.dma_semaphore, #tpu.memory_space<semaphore_mem>>
        tpu.wait_indirect_dma semaphore(%dma_wait3A_183 : memref<!tpu.dma_semaphore, #tpu.memory_space<semaphore_mem>>) src(%dma_wait3A_175 : memref<512x16xf32, #tpu.memory_space<vmem>>) dst(%dma_wait3A_181 : memref<100008x16xf32, #tpu.memory_space<vmem_shared>>)
      } else {
      }
      "tpu.region"() ({
        %run_scoped3A = tpu.sem_alloc : memref<!tpu.dma_semaphore, #tpu.memory_space<semaphore_mem>>
        %dma_start3A_172 = arith.constant 0 : i32
        %dma_start3A_173 = tpu.memref_slice %arg6[%select_n3A_130, %dma_start3A_172] : memref<2x512xi32, #tpu.memory_space<vmem>> -> memref<1x512xi32, #tpu.memory_space<vmem>>
        %dma_start3A_174 = tpu.memref_squeeze %dma_start3A_173 : memref<1x512xi32, #tpu.memory_space<vmem>> -> memref<512xi32, #tpu.memory_space<vmem>>
        %dma_start3A_175 = tpu.memref_slice %arg3[%mul3A_133] : memref<1600000xi32, #tpu.memory_space<hbm>> -> memref<512xi32, #tpu.memory_space<hbm>>
        %dma_start3A_176 = arith.constant 0 : i32
        %dma_start3A_177 = tpu.memref_slice %arg6[%select_n3A_130, %dma_start3A_176] : memref<2x512xi32, #tpu.memory_space<vmem>> -> memref<1x512xi32, #tpu.memory_space<vmem>>
        %dma_start3A_178 = tpu.memref_squeeze %dma_start3A_177 : memref<1x512xi32, #tpu.memory_space<vmem>> -> memref<512xi32, #tpu.memory_space<vmem>>
        %dma_start3A_179 = tpu.memref_slice %arg3[%mul3A_133] : memref<1600000xi32, #tpu.memory_space<hbm>> -> memref<512xi32, #tpu.memory_space<hbm>>
        tpu.enqueue_dma source(%dma_start3A_179 : memref<512xi32, #tpu.memory_space<hbm>>) target(%dma_start3A_178 : memref<512xi32, #tpu.memory_space<vmem>>) target_semaphore(%run_scoped3A : memref<!tpu.dma_semaphore, #tpu.memory_space<semaphore_mem>>)
        %dma_wait3A_180 = arith.constant 0 : i32
        %dma_wait3A_181 = tpu.memref_slice %arg6[%select_n3A_130, %dma_wait3A_180] : memref<2x512xi32, #tpu.memory_space<vmem>> -> memref<1x512xi32, #tpu.memory_space<vmem>>
        %dma_wait3A_182 = tpu.memref_squeeze %dma_wait3A_181 : memref<1x512xi32, #tpu.memory_space<vmem>> -> memref<512xi32, #tpu.memory_space<vmem>>
        %dma_wait3A_183 = tpu.memref_slice %arg3[%mul3A_133] : memref<1600000xi32, #tpu.memory_space<hbm>> -> memref<512xi32, #tpu.memory_space<hbm>>
        %dma_wait3A_184 = arith.constant 0 : i32
        %dma_wait3A_185 = tpu.memref_slice %arg6[%select_n3A_130, %dma_wait3A_184] : memref<2x512xi32, #tpu.memory_space<vmem>> -> memref<1x512xi32, #tpu.memory_space<vmem>>
        %dma_wait3A_186 = tpu.memref_squeeze %dma_wait3A_185 : memref<1x512xi32, #tpu.memory_space<vmem>> -> memref<512xi32, #tpu.memory_space<vmem>>
        %dma_wait3A_187 = tpu.memref_slice %arg3[%mul3A_133] : memref<1600000xi32, #tpu.memory_space<hbm>> -> memref<512xi32, #tpu.memory_space<hbm>>
        tpu.wait_dma2 semaphore(%run_scoped3A : memref<!tpu.dma_semaphore, #tpu.memory_space<semaphore_mem>>) src(%dma_wait3A_187 : memref<512xi32, #tpu.memory_space<hbm>>) dst(%dma_wait3A_186 : memref<512xi32, #tpu.memory_space<vmem>>)
        tpu.yield
      }) : () -> ()
      "tpu.region"() ({
        %run_scoped3A = tpu.sem_alloc : memref<!tpu.dma_semaphore, #tpu.memory_space<semaphore_mem>>
        %dma_start3A_172 = arith.constant 0 : i32
        %dma_start3A_173 = tpu.memref_slice %arg7[%select_n3A_130, %dma_start3A_172] : memref<2x512xi32, #tpu.memory_space<vmem>> -> memref<1x512xi32, #tpu.memory_space<vmem>>
        %dma_start3A_174 = tpu.memref_squeeze %dma_start3A_173 : memref<1x512xi32, #tpu.memory_space<vmem>> -> memref<512xi32, #tpu.memory_space<vmem>>
        %dma_start3A_175 = tpu.memref_slice %arg4[%mul3A_133] : memref<1600000xi32, #tpu.memory_space<hbm>> -> memref<512xi32, #tpu.memory_space<hbm>>
        %dma_start3A_176 = arith.constant 0 : i32
        %dma_start3A_177 = tpu.memref_slice %arg7[%select_n3A_130, %dma_start3A_176] : memref<2x512xi32, #tpu.memory_space<vmem>> -> memref<1x512xi32, #tpu.memory_space<vmem>>
        %dma_start3A_178 = tpu.memref_squeeze %dma_start3A_177 : memref<1x512xi32, #tpu.memory_space<vmem>> -> memref<512xi32, #tpu.memory_space<vmem>>
        %dma_start3A_179 = tpu.memref_slice %arg4[%mul3A_133] : memref<1600000xi32, #tpu.memory_space<hbm>> -> memref<512xi32, #tpu.memory_space<hbm>>
        tpu.enqueue_dma source(%dma_start3A_179 : memref<512xi32, #tpu.memory_space<hbm>>) target(%dma_start3A_178 : memref<512xi32, #tpu.memory_space<vmem>>) target_semaphore(%run_scoped3A : memref<!tpu.dma_semaphore, #tpu.memory_space<semaphore_mem>>)
        %dma_wait3A_180 = arith.constant 0 : i32
        %dma_wait3A_181 = tpu.memref_slice %arg7[%select_n3A_130, %dma_wait3A_180] : memref<2x512xi32, #tpu.memory_space<vmem>> -> memref<1x512xi32, #tpu.memory_space<vmem>>
        %dma_wait3A_182 = tpu.memref_squeeze %dma_wait3A_181 : memref<1x512xi32, #tpu.memory_space<vmem>> -> memref<512xi32, #tpu.memory_space<vmem>>
        %dma_wait3A_183 = tpu.memref_slice %arg4[%mul3A_133] : memref<1600000xi32, #tpu.memory_space<hbm>> -> memref<512xi32, #tpu.memory_space<hbm>>
        %dma_wait3A_184 = arith.constant 0 : i32
        %dma_wait3A_185 = tpu.memref_slice %arg7[%select_n3A_130, %dma_wait3A_184] : memref<2x512xi32, #tpu.memory_space<vmem>> -> memref<1x512xi32, #tpu.memory_space<vmem>>
        %dma_wait3A_186 = tpu.memref_squeeze %dma_wait3A_185 : memref<1x512xi32, #tpu.memory_space<vmem>> -> memref<512xi32, #tpu.memory_space<vmem>>
        %dma_wait3A_187 = tpu.memref_slice %arg4[%mul3A_133] : memref<1600000xi32, #tpu.memory_space<hbm>> -> memref<512xi32, #tpu.memory_space<hbm>>
        tpu.wait_dma2 semaphore(%run_scoped3A : memref<!tpu.dma_semaphore, #tpu.memory_space<semaphore_mem>>) src(%dma_wait3A_187 : memref<512xi32, #tpu.memory_space<hbm>>) dst(%dma_wait3A_186 : memref<512xi32, #tpu.memory_space<vmem>>)
        tpu.yield
      }) : () -> ()
      %dma_start3A = arith.constant 0 : i32
      %dma_start3A_137 = arith.constant 0 : i32
      %dma_start3A_138 = tpu.memref_slice %arg8[%select_n3A_130, %dma_start3A, %dma_start3A_137] : memref<2x512x16xf32, #tpu.memory_space<vmem>> -> memref<1x512x16xf32, #tpu.memory_space<vmem>>
      %dma_start3A_139 = tpu.memref_squeeze %dma_start3A_138 : memref<1x512x16xf32, #tpu.memory_space<vmem>> -> memref<512x16xf32, #tpu.memory_space<vmem>>
      %dma_start3A_140 = arith.constant 0 : i32
      %dma_start3A_141 = tpu.memref_slice %arg6[%select_n3A_130, %dma_start3A_140] : memref<2x512xi32, #tpu.memory_space<vmem>> -> memref<1x512xi32, #tpu.memory_space<vmem>>
      %dma_start3A_142 = tpu.memref_squeeze %dma_start3A_141 : memref<1x512xi32, #tpu.memory_space<vmem>> -> memref<512xi32, #tpu.memory_space<vmem>>
      %dma_start3A_143 = arith.constant 0 : i32
      %dma_start3A_144 = arith.constant 0 : i32
      %dma_start3A_145 = tpu.memref_slice %arg2[%dma_start3A_143, %dma_start3A_144] : memref<100000x16xf32, #tpu.memory_space<hbm>> -> memref<100000x16xf32, #tpu.memory_space<hbm>>
      %dma_start3A_146 = tpu.memref_slice %arg11[%select_n3A_130] : memref<2x!tpu.dma_semaphore, #tpu.memory_space<semaphore_mem>> -> memref<1x!tpu.dma_semaphore, #tpu.memory_space<semaphore_mem>>
      %dma_start3A_147 = tpu.memref_squeeze %dma_start3A_146 : memref<1x!tpu.dma_semaphore, #tpu.memory_space<semaphore_mem>> -> memref<!tpu.dma_semaphore, #tpu.memory_space<semaphore_mem>>
      tpu.enqueue_indirect_dma source(%dma_start3A_145 : memref<100000x16xf32, #tpu.memory_space<hbm>>) target(%dma_start3A_139 : memref<512x16xf32, #tpu.memory_space<vmem>>) offsets(%dma_start3A_142 : memref<512xi32, #tpu.memory_space<vmem>>) semaphore(%dma_start3A_147 : memref<!tpu.dma_semaphore, #tpu.memory_space<semaphore_mem>>)
      %dma_wait3A_148 = arith.constant 0 : i32
      %dma_wait3A_149 = arith.constant 0 : i32
      %dma_wait3A_150 = tpu.memref_slice %arg8[%select_n3A_130, %dma_wait3A_148, %dma_wait3A_149] : memref<2x512x16xf32, #tpu.memory_space<vmem>> -> memref<1x512x16xf32, #tpu.memory_space<vmem>>
      %dma_wait3A_151 = tpu.memref_squeeze %dma_wait3A_150 : memref<1x512x16xf32, #tpu.memory_space<vmem>> -> memref<512x16xf32, #tpu.memory_space<vmem>>
      %dma_wait3A_152 = arith.constant 0 : i32
      %dma_wait3A_153 = tpu.memref_slice %arg6[%select_n3A_130, %dma_wait3A_152] : memref<2x512xi32, #tpu.memory_space<vmem>> -> memref<1x512xi32, #tpu.memory_space<vmem>>
      %dma_wait3A_154 = tpu.memref_squeeze %dma_wait3A_153 : memref<1x512xi32, #tpu.memory_space<vmem>> -> memref<512xi32, #tpu.memory_space<vmem>>
      %dma_wait3A_155 = arith.constant 0 : i32
      %dma_wait3A_156 = arith.constant 0 : i32
      %dma_wait3A_157 = tpu.memref_slice %arg2[%dma_wait3A_155, %dma_wait3A_156] : memref<100000x16xf32, #tpu.memory_space<hbm>> -> memref<100000x16xf32, #tpu.memory_space<hbm>>
      %dma_wait3A_158 = tpu.memref_slice %arg11[%select_n3A_130] : memref<2x!tpu.dma_semaphore, #tpu.memory_space<semaphore_mem>> -> memref<1x!tpu.dma_semaphore, #tpu.memory_space<semaphore_mem>>
      %dma_wait3A_159 = tpu.memref_squeeze %dma_wait3A_158 : memref<1x!tpu.dma_semaphore, #tpu.memory_space<semaphore_mem>> -> memref<!tpu.dma_semaphore, #tpu.memory_space<semaphore_mem>>
      tpu.wait_indirect_dma semaphore(%dma_wait3A_159 : memref<!tpu.dma_semaphore, #tpu.memory_space<semaphore_mem>>) src(%dma_wait3A_157 : memref<100000x16xf32, #tpu.memory_space<hbm>>) dst(%dma_wait3A_151 : memref<512x16xf32, #tpu.memory_space<vmem>>)
      %dma_start3A_160 = arith.constant 0 : i32
      %dma_start3A_161 = arith.constant 0 : i32
      %dma_start3A_162 = tpu.memref_slice %arg8[%select_n3A_130, %dma_start3A_160, %dma_start3A_161] : memref<2x512x16xf32, #tpu.memory_space<vmem>> -> memref<1x512x16xf32, #tpu.memory_space<vmem>>
      %dma_start3A_163 = tpu.memref_squeeze %dma_start3A_162 : memref<1x512x16xf32, #tpu.memory_space<vmem>> -> memref<512x16xf32, #tpu.memory_space<vmem>>
      %dma_start3A_164 = arith.constant 0 : i32
      %dma_start3A_165 = tpu.memref_slice %arg7[%select_n3A_130, %dma_start3A_164] : memref<2x512xi32, #tpu.memory_space<vmem>> -> memref<1x512xi32, #tpu.memory_space<vmem>>
      %dma_start3A_166 = tpu.memref_squeeze %dma_start3A_165 : memref<1x512xi32, #tpu.memory_space<vmem>> -> memref<512xi32, #tpu.memory_space<vmem>>
      %dma_start3A_167 = arith.constant 0 : i32
      %dma_start3A_168 = arith.constant 0 : i32
      %dma_start3A_169 = tpu.memref_slice %arg10[%dma_start3A_167, %dma_start3A_168] : memref<100008x16xf32, #tpu.memory_space<vmem_shared>> -> memref<100008x16xf32, #tpu.memory_space<vmem_shared>>
      %dma_start3A_170 = tpu.memref_slice %arg12[%select_n3A_130] : memref<2x!tpu.dma_semaphore, #tpu.memory_space<semaphore_mem>> -> memref<1x!tpu.dma_semaphore, #tpu.memory_space<semaphore_mem>>
      %dma_start3A_171 = tpu.memref_squeeze %dma_start3A_170 : memref<1x!tpu.dma_semaphore, #tpu.memory_space<semaphore_mem>> -> memref<!tpu.dma_semaphore, #tpu.memory_space<semaphore_mem>>
      tpu.enqueue_indirect_dma source(%dma_start3A_163 : memref<512x16xf32, #tpu.memory_space<vmem>>) target(%dma_start3A_169 : memref<100008x16xf32, #tpu.memory_space<vmem_shared>>) offsets(%dma_start3A_166 : memref<512xi32, #tpu.memory_space<vmem>>) semaphore(%dma_start3A_171 : memref<!tpu.dma_semaphore, #tpu.memory_space<semaphore_mem>>) {add = true}
    }
    %while3A_82 = arith.constant 1 : i32
    scf.for %while3A_117 = %while3A_80 to %while3A_76 step %while3A_82  : i32 {
      %jit3A_118 = arith.constant 2 : i32
      %eq3A_119 = arith.constant 0 : i32
      %eq3A_120 = arith.cmpi eq, %jit3A_118, %eq3A_119 : i32
      %jit3A_121 = arith.constant 1 : i32
      %select_n3A_122 = arith.select %eq3A_120, %jit3A_121, %jit3A_118 : i32
      %rem3A = arith.remsi %while3A_117, %select_n3A_122 : i32
      %ne3A = arith.constant 0 : i32
      %ne3A_123 = arith.cmpi ne, %rem3A, %ne3A : i32
      %lt3A_124 = arith.constant 0 : i32
      %lt3A_125 = arith.cmpi slt, %rem3A, %lt3A_124 : i32
      %lt3A_126 = arith.constant 0 : i32
      %lt3A_127 = arith.cmpi slt, %select_n3A_122, %lt3A_126 : i32
      %ne3A_128 = arith.xori %lt3A_125, %lt3A_127 : i1
      %and3A = arith.andi %ne3A_128, %ne3A_123 : i1
      %add3A_129 = arith.addi %rem3A, %select_n3A_122 : i32
      %select_n3A_130 = arith.select %and3A, %add3A_129, %rem3A : i32
      %add3A_131 = arith.addi %add3A_73, %while3A_117 : i32
      %mul3A_132 = arith.constant 512 : i32
      %mul3A_133 = arith.muli %add3A_131, %mul3A_132 : i32
      %ge3A = arith.constant 2 : i32
      %ge3A_134 = arith.cmpi sge, %while3A_117, %ge3A : i32
      %convert_element_type3A_135 = arith.extui %ge3A_134 : i1 to i32
      %cond3A = arith.constant 0 : i32
      %cond3A_136 = arith.cmpi ne, %convert_element_type3A_135, %cond3A : i32
      scf.if %cond3A_136 {
        %dma_wait3A_172 = arith.constant 0 : i32
        %dma_wait3A_173 = arith.constant 0 : i32
        %dma_wait3A_174 = tpu.memref_slice %arg8[%select_n3A_130, %dma_wait3A_172, %dma_wait3A_173] : memref<2x512x16xf32, #tpu.memory_space<vmem>> -> memref<1x512x16xf32, #tpu.memory_space<vmem>>
        %dma_wait3A_175 = tpu.memref_squeeze %dma_wait3A_174 : memref<1x512x16xf32, #tpu.memory_space<vmem>> -> memref<512x16xf32, #tpu.memory_space<vmem>>
        %dma_wait3A_176 = arith.constant 0 : i32
        %dma_wait3A_177 = tpu.memref_slice %arg7[%select_n3A_130, %dma_wait3A_176] : memref<2x512xi32, #tpu.memory_space<vmem>> -> memref<1x512xi32, #tpu.memory_space<vmem>>
        %dma_wait3A_178 = tpu.memref_squeeze %dma_wait3A_177 : memref<1x512xi32, #tpu.memory_space<vmem>> -> memref<512xi32, #tpu.memory_space<vmem>>
        %dma_wait3A_179 = arith.constant 0 : i32
        %dma_wait3A_180 = arith.constant 0 : i32
        %dma_wait3A_181 = tpu.memref_slice %arg10[%dma_wait3A_179, %dma_wait3A_180] : memref<100008x16xf32, #tpu.memory_space<vmem_shared>> -> memref<100008x16xf32, #tpu.memory_space<vmem_shared>>
        %dma_wait3A_182 = tpu.memref_slice %arg12[%select_n3A_130] : memref<2x!tpu.dma_semaphore, #tpu.memory_space<semaphore_mem>> -> memref<1x!tpu.dma_semaphore, #tpu.memory_space<semaphore_mem>>
        %dma_wait3A_183 = tpu.memref_squeeze %dma_wait3A_182 : memref<1x!tpu.dma_semaphore, #tpu.memory_space<semaphore_mem>> -> memref<!tpu.dma_semaphore, #tpu.memory_space<semaphore_mem>>
        tpu.wait_indirect_dma semaphore(%dma_wait3A_183 : memref<!tpu.dma_semaphore, #tpu.memory_space<semaphore_mem>>) src(%dma_wait3A_175 : memref<512x16xf32, #tpu.memory_space<vmem>>) dst(%dma_wait3A_181 : memref<100008x16xf32, #tpu.memory_space<vmem_shared>>)
      } else {
      }
      "tpu.region"() ({
        %run_scoped3A = tpu.sem_alloc : memref<!tpu.dma_semaphore, #tpu.memory_space<semaphore_mem>>
        %dma_start3A_172 = arith.constant 0 : i32
        %dma_start3A_173 = tpu.memref_slice %arg6[%select_n3A_130, %dma_start3A_172] : memref<2x512xi32, #tpu.memory_space<vmem>> -> memref<1x512xi32, #tpu.memory_space<vmem>>
        %dma_start3A_174 = tpu.memref_squeeze %dma_start3A_173 : memref<1x512xi32, #tpu.memory_space<vmem>> -> memref<512xi32, #tpu.memory_space<vmem>>
        %dma_start3A_175 = tpu.memref_slice %arg3[%mul3A_133] : memref<1600000xi32, #tpu.memory_space<hbm>> -> memref<512xi32, #tpu.memory_space<hbm>>
        %dma_start3A_176 = arith.constant 0 : i32
        %dma_start3A_177 = tpu.memref_slice %arg6[%select_n3A_130, %dma_start3A_176] : memref<2x512xi32, #tpu.memory_space<vmem>> -> memref<1x512xi32, #tpu.memory_space<vmem>>
        %dma_start3A_178 = tpu.memref_squeeze %dma_start3A_177 : memref<1x512xi32, #tpu.memory_space<vmem>> -> memref<512xi32, #tpu.memory_space<vmem>>
        %dma_start3A_179 = tpu.memref_slice %arg3[%mul3A_133] : memref<1600000xi32, #tpu.memory_space<hbm>> -> memref<512xi32, #tpu.memory_space<hbm>>
        tpu.enqueue_dma source(%dma_start3A_179 : memref<512xi32, #tpu.memory_space<hbm>>) target(%dma_start3A_178 : memref<512xi32, #tpu.memory_space<vmem>>) target_semaphore(%run_scoped3A : memref<!tpu.dma_semaphore, #tpu.memory_space<semaphore_mem>>)
        %dma_wait3A_180 = arith.constant 0 : i32
        %dma_wait3A_181 = tpu.memref_slice %arg6[%select_n3A_130, %dma_wait3A_180] : memref<2x512xi32, #tpu.memory_space<vmem>> -> memref<1x512xi32, #tpu.memory_space<vmem>>
        %dma_wait3A_182 = tpu.memref_squeeze %dma_wait3A_181 : memref<1x512xi32, #tpu.memory_space<vmem>> -> memref<512xi32, #tpu.memory_space<vmem>>
        %dma_wait3A_183 = tpu.memref_slice %arg3[%mul3A_133] : memref<1600000xi32, #tpu.memory_space<hbm>> -> memref<512xi32, #tpu.memory_space<hbm>>
        %dma_wait3A_184 = arith.constant 0 : i32
        %dma_wait3A_185 = tpu.memref_slice %arg6[%select_n3A_130, %dma_wait3A_184] : memref<2x512xi32, #tpu.memory_space<vmem>> -> memref<1x512xi32, #tpu.memory_space<vmem>>
        %dma_wait3A_186 = tpu.memref_squeeze %dma_wait3A_185 : memref<1x512xi32, #tpu.memory_space<vmem>> -> memref<512xi32, #tpu.memory_space<vmem>>
        %dma_wait3A_187 = tpu.memref_slice %arg3[%mul3A_133] : memref<1600000xi32, #tpu.memory_space<hbm>> -> memref<512xi32, #tpu.memory_space<hbm>>
        tpu.wait_dma2 semaphore(%run_scoped3A : memref<!tpu.dma_semaphore, #tpu.memory_space<semaphore_mem>>) src(%dma_wait3A_187 : memref<512xi32, #tpu.memory_space<hbm>>) dst(%dma_wait3A_186 : memref<512xi32, #tpu.memory_space<vmem>>)
        tpu.yield
      }) : () -> ()
      "tpu.region"() ({
        %run_scoped3A = tpu.sem_alloc : memref<!tpu.dma_semaphore, #tpu.memory_space<semaphore_mem>>
        %dma_start3A_172 = arith.constant 0 : i32
        %dma_start3A_173 = tpu.memref_slice %arg7[%select_n3A_130, %dma_start3A_172] : memref<2x512xi32, #tpu.memory_space<vmem>> -> memref<1x512xi32, #tpu.memory_space<vmem>>
        %dma_start3A_174 = tpu.memref_squeeze %dma_start3A_173 : memref<1x512xi32, #tpu.memory_space<vmem>> -> memref<512xi32, #tpu.memory_space<vmem>>
        %dma_start3A_175 = tpu.memref_slice %arg4[%mul3A_133] : memref<1600000xi32, #tpu.memory_space<hbm>> -> memref<512xi32, #tpu.memory_space<hbm>>
        %dma_start3A_176 = arith.constant 0 : i32
        %dma_start3A_177 = tpu.memref_slice %arg7[%select_n3A_130, %dma_start3A_176] : memref<2x512xi32, #tpu.memory_space<vmem>> -> memref<1x512xi32, #tpu.memory_space<vmem>>
        %dma_start3A_178 = tpu.memref_squeeze %dma_start3A_177 : memref<1x512xi32, #tpu.memory_space<vmem>> -> memref<512xi32, #tpu.memory_space<vmem>>
        %dma_start3A_179 = tpu.memref_slice %arg4[%mul3A_133] : memref<1600000xi32, #tpu.memory_space<hbm>> -> memref<512xi32, #tpu.memory_space<hbm>>
        tpu.enqueue_dma source(%dma_start3A_179 : memref<512xi32, #tpu.memory_space<hbm>>) target(%dma_start3A_178 : memref<512xi32, #tpu.memory_space<vmem>>) target_semaphore(%run_scoped3A : memref<!tpu.dma_semaphore, #tpu.memory_space<semaphore_mem>>)
        %dma_wait3A_180 = arith.constant 0 : i32
        %dma_wait3A_181 = tpu.memref_slice %arg7[%select_n3A_130, %dma_wait3A_180] : memref<2x512xi32, #tpu.memory_space<vmem>> -> memref<1x512xi32, #tpu.memory_space<vmem>>
        %dma_wait3A_182 = tpu.memref_squeeze %dma_wait3A_181 : memref<1x512xi32, #tpu.memory_space<vmem>> -> memref<512xi32, #tpu.memory_space<vmem>>
        %dma_wait3A_183 = tpu.memref_slice %arg4[%mul3A_133] : memref<1600000xi32, #tpu.memory_space<hbm>> -> memref<512xi32, #tpu.memory_space<hbm>>
        %dma_wait3A_184 = arith.constant 0 : i32
        %dma_wait3A_185 = tpu.memref_slice %arg7[%select_n3A_130, %dma_wait3A_184] : memref<2x512xi32, #tpu.memory_space<vmem>> -> memref<1x512xi32, #tpu.memory_space<vmem>>
        %dma_wait3A_186 = tpu.memref_squeeze %dma_wait3A_185 : memref<1x512xi32, #tpu.memory_space<vmem>> -> memref<512xi32, #tpu.memory_space<vmem>>
        %dma_wait3A_187 = tpu.memref_slice %arg4[%mul3A_133] : memref<1600000xi32, #tpu.memory_space<hbm>> -> memref<512xi32, #tpu.memory_space<hbm>>
        tpu.wait_dma2 semaphore(%run_scoped3A : memref<!tpu.dma_semaphore, #tpu.memory_space<semaphore_mem>>) src(%dma_wait3A_187 : memref<512xi32, #tpu.memory_space<hbm>>) dst(%dma_wait3A_186 : memref<512xi32, #tpu.memory_space<vmem>>)
        tpu.yield
      }) : () -> ()
      %dma_start3A = arith.constant 0 : i32
      %dma_start3A_137 = arith.constant 0 : i32
      %dma_start3A_138 = tpu.memref_slice %arg8[%select_n3A_130, %dma_start3A, %dma_start3A_137] : memref<2x512x16xf32, #tpu.memory_space<vmem>> -> memref<1x512x16xf32, #tpu.memory_space<vmem>>
      %dma_start3A_139 = tpu.memref_squeeze %dma_start3A_138 : memref<1x512x16xf32, #tpu.memory_space<vmem>> -> memref<512x16xf32, #tpu.memory_space<vmem>>
      %dma_start3A_140 = arith.constant 0 : i32
      %dma_start3A_141 = tpu.memref_slice %arg6[%select_n3A_130, %dma_start3A_140] : memref<2x512xi32, #tpu.memory_space<vmem>> -> memref<1x512xi32, #tpu.memory_space<vmem>>
      %dma_start3A_142 = tpu.memref_squeeze %dma_start3A_141 : memref<1x512xi32, #tpu.memory_space<vmem>> -> memref<512xi32, #tpu.memory_space<vmem>>
      %dma_start3A_143 = arith.constant 0 : i32
      %dma_start3A_144 = arith.constant 0 : i32
      %dma_start3A_145 = tpu.memref_slice %arg2[%dma_start3A_143, %dma_start3A_144] : memref<100000x16xf32, #tpu.memory_space<hbm>> -> memref<100000x16xf32, #tpu.memory_space<hbm>>
      %dma_start3A_146 = tpu.memref_slice %arg11[%select_n3A_130] : memref<2x!tpu.dma_semaphore, #tpu.memory_space<semaphore_mem>> -> memref<1x!tpu.dma_semaphore, #tpu.memory_space<semaphore_mem>>
      %dma_start3A_147 = tpu.memref_squeeze %dma_start3A_146 : memref<1x!tpu.dma_semaphore, #tpu.memory_space<semaphore_mem>> -> memref<!tpu.dma_semaphore, #tpu.memory_space<semaphore_mem>>
      tpu.enqueue_indirect_dma source(%dma_start3A_145 : memref<100000x16xf32, #tpu.memory_space<hbm>>) target(%dma_start3A_139 : memref<512x16xf32, #tpu.memory_space<vmem>>) offsets(%dma_start3A_142 : memref<512xi32, #tpu.memory_space<vmem>>) semaphore(%dma_start3A_147 : memref<!tpu.dma_semaphore, #tpu.memory_space<semaphore_mem>>)
      %dma_wait3A_148 = arith.constant 0 : i32
      %dma_wait3A_149 = arith.constant 0 : i32
      %dma_wait3A_150 = tpu.memref_slice %arg8[%select_n3A_130, %dma_wait3A_148, %dma_wait3A_149] : memref<2x512x16xf32, #tpu.memory_space<vmem>> -> memref<1x512x16xf32, #tpu.memory_space<vmem>>
      %dma_wait3A_151 = tpu.memref_squeeze %dma_wait3A_150 : memref<1x512x16xf32, #tpu.memory_space<vmem>> -> memref<512x16xf32, #tpu.memory_space<vmem>>
      %dma_wait3A_152 = arith.constant 0 : i32
      %dma_wait3A_153 = tpu.memref_slice %arg6[%select_n3A_130, %dma_wait3A_152] : memref<2x512xi32, #tpu.memory_space<vmem>> -> memref<1x512xi32, #tpu.memory_space<vmem>>
      %dma_wait3A_154 = tpu.memref_squeeze %dma_wait3A_153 : memref<1x512xi32, #tpu.memory_space<vmem>> -> memref<512xi32, #tpu.memory_space<vmem>>
      %dma_wait3A_155 = arith.constant 0 : i32
      %dma_wait3A_156 = arith.constant 0 : i32
      %dma_wait3A_157 = tpu.memref_slice %arg2[%dma_wait3A_155, %dma_wait3A_156] : memref<100000x16xf32, #tpu.memory_space<hbm>> -> memref<100000x16xf32, #tpu.memory_space<hbm>>
      %dma_wait3A_158 = tpu.memref_slice %arg11[%select_n3A_130] : memref<2x!tpu.dma_semaphore, #tpu.memory_space<semaphore_mem>> -> memref<1x!tpu.dma_semaphore, #tpu.memory_space<semaphore_mem>>
      %dma_wait3A_159 = tpu.memref_squeeze %dma_wait3A_158 : memref<1x!tpu.dma_semaphore, #tpu.memory_space<semaphore_mem>> -> memref<!tpu.dma_semaphore, #tpu.memory_space<semaphore_mem>>
      tpu.wait_indirect_dma semaphore(%dma_wait3A_159 : memref<!tpu.dma_semaphore, #tpu.memory_space<semaphore_mem>>) src(%dma_wait3A_157 : memref<100000x16xf32, #tpu.memory_space<hbm>>) dst(%dma_wait3A_151 : memref<512x16xf32, #tpu.memory_space<vmem>>)
      %dma_start3A_160 = arith.constant 0 : i32
      %dma_start3A_161 = arith.constant 0 : i32
      %dma_start3A_162 = tpu.memref_slice %arg8[%select_n3A_130, %dma_start3A_160, %dma_start3A_161] : memref<2x512x16xf32, #tpu.memory_space<vmem>> -> memref<1x512x16xf32, #tpu.memory_space<vmem>>
      %dma_start3A_163 = tpu.memref_squeeze %dma_start3A_162 : memref<1x512x16xf32, #tpu.memory_space<vmem>> -> memref<512x16xf32, #tpu.memory_space<vmem>>
      %dma_start3A_164 = arith.constant 0 : i32
      %dma_start3A_165 = tpu.memref_slice %arg7[%select_n3A_130, %dma_start3A_164] : memref<2x512xi32, #tpu.memory_space<vmem>> -> memref<1x512xi32, #tpu.memory_space<vmem>>
      %dma_start3A_166 = tpu.memref_squeeze %dma_start3A_165 : memref<1x512xi32, #tpu.memory_space<vmem>> -> memref<512xi32, #tpu.memory_space<vmem>>
      %dma_start3A_167 = arith.constant 0 : i32
      %dma_start3A_168 = arith.constant 0 : i32
      %dma_start3A_169 = tpu.memref_slice %arg10[%dma_start3A_167, %dma_start3A_168] : memref<100008x16xf32, #tpu.memory_space<vmem_shared>> -> memref<100008x16xf32, #tpu.memory_space<vmem_shared>>
      %dma_start3A_170 = tpu.memref_slice %arg12[%select_n3A_130] : memref<2x!tpu.dma_semaphore, #tpu.memory_space<semaphore_mem>> -> memref<1x!tpu.dma_semaphore, #tpu.memory_space<semaphore_mem>>
      %dma_start3A_171 = tpu.memref_squeeze %dma_start3A_170 : memref<1x!tpu.dma_semaphore, #tpu.memory_space<semaphore_mem>> -> memref<!tpu.dma_semaphore, #tpu.memory_space<semaphore_mem>>
      tpu.enqueue_indirect_dma source(%dma_start3A_163 : memref<512x16xf32, #tpu.memory_space<vmem>>) target(%dma_start3A_169 : memref<100008x16xf32, #tpu.memory_space<vmem_shared>>) offsets(%dma_start3A_166 : memref<512xi32, #tpu.memory_space<vmem>>) semaphore(%dma_start3A_171 : memref<!tpu.dma_semaphore, #tpu.memory_space<semaphore_mem>>) {add = true}
    }
    %dma_wait3A = arith.constant 0 : i32
    %dma_wait3A_83 = arith.constant 0 : i32
    %dma_wait3A_84 = arith.constant 0 : i32
    %dma_wait3A_85 = arith.constant 0 : i32
    %dma_wait3A_86 = arith.constant 0 : i32
    %dma_wait3A_87 = tpu.memref_slice %arg8[%dma_wait3A, %dma_wait3A_85, %dma_wait3A_86] : memref<2x512x16xf32, #tpu.memory_space<vmem>> -> memref<1x512x16xf32, #tpu.memory_space<vmem>>
    %dma_wait3A_88 = tpu.memref_squeeze %dma_wait3A_87 : memref<1x512x16xf32, #tpu.memory_space<vmem>> -> memref<512x16xf32, #tpu.memory_space<vmem>>
    %dma_wait3A_89 = arith.constant 0 : i32
    %dma_wait3A_90 = tpu.memref_slice %arg7[%dma_wait3A_83, %dma_wait3A_89] : memref<2x512xi32, #tpu.memory_space<vmem>> -> memref<1x512xi32, #tpu.memory_space<vmem>>
    %dma_wait3A_91 = tpu.memref_squeeze %dma_wait3A_90 : memref<1x512xi32, #tpu.memory_space<vmem>> -> memref<512xi32, #tpu.memory_space<vmem>>
    %dma_wait3A_92 = arith.constant 0 : i32
    %dma_wait3A_93 = arith.constant 0 : i32
    %dma_wait3A_94 = tpu.memref_slice %arg10[%dma_wait3A_92, %dma_wait3A_93] : memref<100008x16xf32, #tpu.memory_space<vmem_shared>> -> memref<100008x16xf32, #tpu.memory_space<vmem_shared>>
    %dma_wait3A_95 = tpu.memref_slice %arg12[%dma_wait3A_84] : memref<2x!tpu.dma_semaphore, #tpu.memory_space<semaphore_mem>> -> memref<1x!tpu.dma_semaphore, #tpu.memory_space<semaphore_mem>>
    %dma_wait3A_96 = tpu.memref_squeeze %dma_wait3A_95 : memref<1x!tpu.dma_semaphore, #tpu.memory_space<semaphore_mem>> -> memref<!tpu.dma_semaphore, #tpu.memory_space<semaphore_mem>>
    tpu.wait_indirect_dma semaphore(%dma_wait3A_96 : memref<!tpu.dma_semaphore, #tpu.memory_space<semaphore_mem>>) src(%dma_wait3A_88 : memref<512x16xf32, #tpu.memory_space<vmem>>) dst(%dma_wait3A_94 : memref<100008x16xf32, #tpu.memory_space<vmem_shared>>)
    %dma_wait3A_97 = arith.constant 1 : i32
    %dma_wait3A_98 = arith.constant 1 : i32
    %dma_wait3A_99 = arith.constant 1 : i32
    %dma_wait3A_100 = arith.constant 0 : i32
    %dma_wait3A_101 = arith.constant 0 : i32
    %dma_wait3A_102 = tpu.memref_slice %arg8[%dma_wait3A_97, %dma_wait3A_100, %dma_wait3A_101] : memref<2x512x16xf32, #tpu.memory_space<vmem>> -> memref<1x512x16xf32, #tpu.memory_space<vmem>>
    %dma_wait3A_103 = tpu.memref_squeeze %dma_wait3A_102 : memref<1x512x16xf32, #tpu.memory_space<vmem>> -> memref<512x16xf32, #tpu.memory_space<vmem>>
    %dma_wait3A_104 = arith.constant 0 : i32
    %dma_wait3A_105 = tpu.memref_slice %arg7[%dma_wait3A_98, %dma_wait3A_104] : memref<2x512xi32, #tpu.memory_space<vmem>> -> memref<1x512xi32, #tpu.memory_space<vmem>>
    %dma_wait3A_106 = tpu.memref_squeeze %dma_wait3A_105 : memref<1x512xi32, #tpu.memory_space<vmem>> -> memref<512xi32, #tpu.memory_space<vmem>>
    %dma_wait3A_107 = arith.constant 0 : i32
    %dma_wait3A_108 = arith.constant 0 : i32
    %dma_wait3A_109 = tpu.memref_slice %arg10[%dma_wait3A_107, %dma_wait3A_108] : memref<100008x16xf32, #tpu.memory_space<vmem_shared>> -> memref<100008x16xf32, #tpu.memory_space<vmem_shared>>
    %dma_wait3A_110 = tpu.memref_slice %arg12[%dma_wait3A_99] : memref<2x!tpu.dma_semaphore, #tpu.memory_space<semaphore_mem>> -> memref<1x!tpu.dma_semaphore, #tpu.memory_space<semaphore_mem>>
    %dma_wait3A_111 = tpu.memref_squeeze %dma_wait3A_110 : memref<1x!tpu.dma_semaphore, #tpu.memory_space<semaphore_mem>> -> memref<!tpu.dma_semaphore, #tpu.memory_space<semaphore_mem>>
    tpu.wait_indirect_dma semaphore(%dma_wait3A_111 : memref<!tpu.dma_semaphore, #tpu.memory_space<semaphore_mem>>) src(%dma_wait3A_103 : memref<512x16xf32, #tpu.memory_space<vmem>>) dst(%dma_wait3A_109 : memref<100008x16xf32, #tpu.memory_space<vmem_shared>>)
    %barrier3A_112 = arith.constant 0 : index
    tpu.barrier barrier_id(%barrier3A_112)
    %mul3A_113 = arith.constant 6256 : i32
    %mul3A_114 = arith.muli %arg1, %mul3A_113 : i32
    %min3A_115 = arith.constant 93744 : i32
    %min3A_116 = arith.minsi %mul3A_114, %min3A_115 : i32
    "tpu.region"() ({
      %run_scoped3A = tpu.sem_alloc : memref<!tpu.dma_semaphore, #tpu.memory_space<semaphore_mem>>
      %dma_start3A = arith.constant 0 : i32
      %dma_start3A_117 = tpu.memref_slice %arg5[%arg0, %min3A_116, %dma_start3A] : memref<2x100000x16xf32, #tpu.memory_space<hbm>> -> memref<1x6256x16xf32, #tpu.memory_space<hbm>>
      %dma_start3A_118 = tpu.memref_squeeze %dma_start3A_117 : memref<1x6256x16xf32, #tpu.memory_space<hbm>> -> memref<6256x16xf32, #tpu.memory_space<hbm>>
      %dma_start3A_119 = arith.constant 0 : i32
      %dma_start3A_120 = tpu.memref_slice %arg10[%min3A_116, %dma_start3A_119] : memref<100008x16xf32, #tpu.memory_space<vmem_shared>> -> memref<6256x16xf32, #tpu.memory_space<vmem_shared>>
      tpu.enqueue_dma source(%dma_start3A_120 : memref<6256x16xf32, #tpu.memory_space<vmem_shared>>) target(%dma_start3A_118 : memref<6256x16xf32, #tpu.memory_space<hbm>>) target_semaphore(%run_scoped3A : memref<!tpu.dma_semaphore, #tpu.memory_space<semaphore_mem>>)
      %dma_wait3A_121 = arith.constant 0 : i32
      %dma_wait3A_122 = tpu.memref_slice %arg5[%arg0, %min3A_116, %dma_wait3A_121] : memref<2x100000x16xf32, #tpu.memory_space<hbm>> -> memref<1x6256x16xf32, #tpu.memory_space<hbm>>
      %dma_wait3A_123 = tpu.memref_squeeze %dma_wait3A_122 : memref<1x6256x16xf32, #tpu.memory_space<hbm>> -> memref<6256x16xf32, #tpu.memory_space<hbm>>
      %dma_wait3A_124 = arith.constant 0 : i32
      %dma_wait3A_125 = tpu.memref_slice %arg10[%min3A_116, %dma_wait3A_124] : memref<100008x16xf32, #tpu.memory_space<vmem_shared>> -> memref<6256x16xf32, #tpu.memory_space<vmem_shared>>
      tpu.wait_dma2 semaphore(%run_scoped3A : memref<!tpu.dma_semaphore, #tpu.memory_space<semaphore_mem>>) src(%dma_wait3A_125 : memref<6256x16xf32, #tpu.memory_space<vmem_shared>>) dst(%dma_wait3A_123 : memref<6256x16xf32, #tpu.memory_space<hbm>>)
      tpu.yield
    }) : () -> ()
    return
  }
}

module attributes {stable_mosaic.version = 14 : i64} {
  func.func @_fc1_body(%arg0: i32, %arg1: memref<2504x1024xf32, #tpu.memory_space<vmem>>, %arg2: memref<1024x128xf32, #tpu.memory_space<vmem>>, %arg3: memref<1x128xf32, #tpu.memory_space<vmem>>, %arg4: memref<2504x128xf32, #tpu.memory_space<vmem>>) attributes {dimension_semantics = [#tpu.dimension_semantics<arbitrary>], iteration_bounds = array<i64: 5>, scalar_prefetch = 0 : i64, scratch_operands = 0 : i64, tpu.core_type = #tpu.core_type<tc>, window_params = [{transform_indices = @transform_0, window_bounds = array<i64: 2504, 1024>}, {pipeline_mode = #tpu.pipeline_mode<synchronous>, transform_indices = @transform_1, window_bounds = array<i64: 1024, 128>}, {pipeline_mode = #tpu.pipeline_mode<synchronous>, transform_indices = @transform_2, window_bounds = array<i64: 1, 128>}, {transform_indices = @transform_3, window_bounds = array<i64: 2504, 128>}]} {
    %get3A = arith.constant 0 : index
    %get3A_0 = arith.constant 0 : index
    %get3A_1 = vector.load %arg1[%get3A, %get3A_0] : memref<2504x1024xf32, #tpu.memory_space<vmem>>, vector<2504x1024xf32>
    %get3A_2 = arith.constant 0 : index
    %get3A_3 = arith.constant 0 : index
    %get3A_4 = vector.load %arg2[%get3A_2, %get3A_3] : memref<1024x128xf32, #tpu.memory_space<vmem>>, vector<1024x128xf32>
    %dot_general3A = arith.constant dense<0.000000e+00> : vector<2504x128xf32>
    %dot_general3A_5 = tpu.matmul %get3A_1, %get3A_4, %dot_general3A {dimension_numbers = #tpu.dot_dimension_numbers<[1], [0], [0], [1], [0, 0, 1, 1], [], []>, transpose_lhs_hint = false} : vector<2504x1024xf32>, vector<1024x128xf32>, vector<2504x128xf32> -> vector<2504x128xf32>
    %get3A_6 = arith.constant 0 : index
    %get3A_7 = arith.constant 0 : index
    %get3A_8 = vector.load %arg3[%get3A_6, %get3A_7] : memref<1x128xf32, #tpu.memory_space<vmem>>, vector<1x128xf32>
    %add3A = vector.broadcast %get3A_8 : vector<1x128xf32> to vector<2504x128xf32>
    %add3A_9 = arith.addf %dot_general3A_5, %add3A : vector<2504x128xf32>
    %max3A = arith.constant 0.000000e+00 : f32
    %max3A_10 = vector.broadcast %max3A : f32 to vector<2504x128xf32>
    %max3A_11 = arith.maximumf %add3A_9, %max3A_10 : vector<2504x128xf32>
    %swap3A = arith.constant 0 : index
    %swap3A_12 = arith.constant 0 : index
    %swap3A_13 = vector.load %arg4[%swap3A, %swap3A_12] : memref<2504x128xf32, #tpu.memory_space<vmem>>, vector<2504x128xf32>
    tpu.vector_store %arg4[%swap3A, %swap3A_12], %max3A_11 {strides = array<i32>} : memref<2504x128xf32, #tpu.memory_space<vmem>>, vector<2504x128xf32>,
    return
  }
  func.func @transform_0(%arg0: i32) -> (i32, i32) {
    %c0_i32 = arith.constant 0 : i32
    %c0_i32_0 = arith.constant 0 : i32
    return %arg0, %c0_i32 : i32, i32
  }
  func.func @transform_1(%arg0: i32) -> (i32, i32) {
    %c0_i32 = arith.constant 0 : i32
    %c0_i32_0 = arith.constant 0 : i32
    %c0_i32_1 = arith.constant 0 : i32
    return %c0_i32, %c0_i32_0 : i32, i32
  }
  func.func @transform_2(%arg0: i32) -> (i32, i32) {
    %c0_i32 = arith.constant 0 : i32
    %c0_i32_0 = arith.constant 0 : i32
    %c0_i32_1 = arith.constant 0 : i32
    return %c0_i32, %c0_i32_0 : i32, i32
  }
  func.func @transform_3(%arg0: i32) -> (i32, i32) {
    %c0_i32 = arith.constant 0 : i32
    %c0_i32_0 = arith.constant 0 : i32
    return %arg0, %c0_i32 : i32, i32
  }
}

module attributes {stable_mosaic.version = 14 : i64} {
  func.func @_mid_body(%arg0: i32, %arg1: memref<2504x128xf32, #tpu.memory_space<vmem>>, %arg2: memref<2x2504x128xf32, #tpu.memory_space<vmem>>, %arg3: memref<2x2504x128xf32, #tpu.memory_space<vmem>>, %arg4: memref<128x256xf32, #tpu.memory_space<vmem>>, %arg5: memref<128x256xf32, #tpu.memory_space<vmem>>, %arg6: memref<1x256xf32, #tpu.memory_space<vmem>>, %arg7: memref<256x128xf32, #tpu.memory_space<vmem>>, %arg8: memref<256x128xf32, #tpu.memory_space<vmem>>, %arg9: memref<2504x128xf32, #tpu.memory_space<vmem>>, %arg10: memref<2504x128xf32, #tpu.memory_space<vmem>>) attributes {dimension_semantics = [#tpu.dimension_semantics<arbitrary>], iteration_bounds = array<i64: 5>, scalar_prefetch = 0 : i64, scratch_operands = 0 : i64, tpu.core_type = #tpu.core_type<tc>, window_params = [{transform_indices = @transform_0, window_bounds = array<i64: 2504, 128>}, {transform_indices = @transform_1, window_bounds = array<i64: 2, 2504, 128>}, {transform_indices = @transform_2, window_bounds = array<i64: 2, 2504, 128>}, {pipeline_mode = #tpu.pipeline_mode<synchronous>, transform_indices = @transform_3, window_bounds = array<i64: 128, 256>}, {pipeline_mode = #tpu.pipeline_mode<synchronous>, transform_indices = @transform_4, window_bounds = array<i64: 128, 256>}, {pipeline_mode = #tpu.pipeline_mode<synchronous>, transform_indices = @transform_5, window_bounds = array<i64: 1, 256>}, {pipeline_mode = #tpu.pipeline_mode<synchronous>, transform_indices = @transform_6, window_bounds = array<i64: 256, 128>}, {pipeline_mode = #tpu.pipeline_mode<synchronous>, transform_indices = @transform_7, window_bounds = array<i64: 256, 128>}, {transform_indices = @transform_8, window_bounds = array<i64: 2504, 128>}, {transform_indices = @transform_9, window_bounds = array<i64: 2504, 128>}]} {
    %get3A = arith.constant 0 : index
    %get3A_0 = arith.constant 0 : index
    %get3A_1 = arith.constant 0 : index
    %get3A_2 = vector.load %arg3[%get3A, %get3A_0, %get3A_1] : memref<2x2504x128xf32, #tpu.memory_space<vmem>>, vector<1x2504x128xf32>
    %get3A_3 = vector.shape_cast %get3A_2 : vector<1x2504x128xf32> to vector<2504x128xf32>
    %get3A_4 = arith.constant 1 : index
    %get3A_5 = arith.constant 0 : index
    %get3A_6 = arith.constant 0 : index
    %get3A_7 = vector.load %arg3[%get3A_4, %get3A_5, %get3A_6] : memref<2x2504x128xf32, #tpu.memory_space<vmem>>, vector<1x2504x128xf32>
    %get3A_8 = vector.shape_cast %get3A_7 : vector<1x2504x128xf32> to vector<2504x128xf32>
    %add3A = arith.addf %get3A_3, %get3A_8 : vector<2504x128xf32>
    %max3A = arith.constant 1.000000e+00 : f32
    %max3A_9 = vector.broadcast %max3A : f32 to vector<2504x128xf32>
    %max3A_10 = arith.maximumf %add3A, %max3A_9 : vector<2504x128xf32>
    %div3A = arith.constant 1.000000e+00 : f32
    %div3A_11 = vector.broadcast %div3A : f32 to vector<2504x128xf32>
    %div3A_12 = arith.divf %div3A_11, %max3A_10 : vector<2504x128xf32>
    %get3A_13 = arith.constant 0 : index
    %get3A_14 = arith.constant 0 : index
    %get3A_15 = arith.constant 0 : index
    %get3A_16 = vector.load %arg2[%get3A_13, %get3A_14, %get3A_15] : memref<2x2504x128xf32, #tpu.memory_space<vmem>>, vector<1x2504x128xf32>
    %get3A_17 = vector.shape_cast %get3A_16 : vector<1x2504x128xf32> to vector<2504x128xf32>
    %get3A_18 = arith.constant 1 : index
    %get3A_19 = arith.constant 0 : index
    %get3A_20 = arith.constant 0 : index
    %get3A_21 = vector.load %arg2[%get3A_18, %get3A_19, %get3A_20] : memref<2x2504x128xf32, #tpu.memory_space<vmem>>, vector<1x2504x128xf32>
    %get3A_22 = vector.shape_cast %get3A_21 : vector<1x2504x128xf32> to vector<2504x128xf32>
    %add3A_23 = arith.addf %get3A_17, %get3A_22 : vector<2504x128xf32>
    %mul3A = arith.mulf %add3A_23, %div3A_12 : vector<2504x128xf32>
    %get3A_24 = arith.constant 0 : index
    %get3A_25 = arith.constant 0 : index
    %get3A_26 = vector.load %arg4[%get3A_24, %get3A_25] : memref<128x256xf32, #tpu.memory_space<vmem>>, vector<128x256xf32>
    %dot_general3A = arith.constant dense<0.000000e+00> : vector<2504x256xf32>
    %dot_general3A_27 = tpu.matmul %mul3A, %get3A_26, %dot_general3A {dimension_numbers = #tpu.dot_dimension_numbers<[1], [0], [0], [1], [0, 0, 1, 1], [], []>, transpose_lhs_hint = false} : vector<2504x128xf32>, vector<128x256xf32>, vector<2504x256xf32> -> vector<2504x256xf32>
    %get3A_28 = arith.constant 0 : index
    %get3A_29 = arith.constant 0 : index
    %get3A_30 = vector.load %arg1[%get3A_28, %get3A_29] : memref<2504x128xf32, #tpu.memory_space<vmem>>, vector<2504x128xf32>
    %get3A_31 = arith.constant 0 : index
    %get3A_32 = arith.constant 0 : index
    %get3A_33 = vector.load %arg5[%get3A_31, %get3A_32] : memref<128x256xf32, #tpu.memory_space<vmem>>, vector<128x256xf32>
    %dot_general3A_34 = arith.constant dense<0.000000e+00> : vector<2504x256xf32>
    %dot_general3A_35 = tpu.matmul %get3A_30, %get3A_33, %dot_general3A_34 {dimension_numbers = #tpu.dot_dimension_numbers<[1], [0], [0], [1], [0, 0, 1, 1], [], []>, transpose_lhs_hint = false} : vector<2504x128xf32>, vector<128x256xf32>, vector<2504x256xf32> -> vector<2504x256xf32>
    %add3A_36 = arith.addf %dot_general3A_27, %dot_general3A_35 : vector<2504x256xf32>
    %get3A_37 = arith.constant 0 : index
    %get3A_38 = arith.constant 0 : index
    %get3A_39 = vector.load %arg6[%get3A_37, %get3A_38] : memref<1x256xf32, #tpu.memory_space<vmem>>, vector<1x256xf32>
    %add3A_40 = vector.broadcast %get3A_39 : vector<1x256xf32> to vector<2504x256xf32>
    %add3A_41 = arith.addf %add3A_36, %add3A_40 : vector<2504x256xf32>
    %max3A_42 = arith.constant 0.000000e+00 : f32
    %max3A_43 = vector.broadcast %max3A_42 : f32 to vector<2504x256xf32>
    %max3A_44 = arith.maximumf %add3A_41, %max3A_43 : vector<2504x256xf32>
    %get3A_45 = arith.constant 0 : index
    %get3A_46 = arith.constant 0 : index
    %get3A_47 = vector.load %arg7[%get3A_45, %get3A_46] : memref<256x128xf32, #tpu.memory_space<vmem>>, vector<256x128xf32>
    %dot_general3A_48 = arith.constant dense<0.000000e+00> : vector<2504x128xf32>
    %dot_general3A_49 = tpu.matmul %max3A_44, %get3A_47, %dot_general3A_48 {dimension_numbers = #tpu.dot_dimension_numbers<[1], [0], [0], [1], [0, 0, 1, 1], [], []>, transpose_lhs_hint = false} : vector<2504x256xf32>, vector<256x128xf32>, vector<2504x128xf32> -> vector<2504x128xf32>
    %swap3A = arith.constant 0 : index
    %swap3A_50 = arith.constant 0 : index
    %swap3A_51 = vector.load %arg9[%swap3A, %swap3A_50] : memref<2504x128xf32, #tpu.memory_space<vmem>>, vector<2504x128xf32>
    tpu.vector_store %arg9[%swap3A, %swap3A_50], %dot_general3A_49 {strides = array<i32>} : memref<2504x128xf32, #tpu.memory_space<vmem>>, vector<2504x128xf32>,
    %get3A_52 = arith.constant 0 : index
    %get3A_53 = arith.constant 0 : index
    %get3A_54 = vector.load %arg8[%get3A_52, %get3A_53] : memref<256x128xf32, #tpu.memory_space<vmem>>, vector<256x128xf32>
    %dot_general3A_55 = arith.constant dense<0.000000e+00> : vector<2504x128xf32>
    %dot_general3A_56 = tpu.matmul %max3A_44, %get3A_54, %dot_general3A_55 {dimension_numbers = #tpu.dot_dimension_numbers<[1], [0], [0], [1], [0, 0, 1, 1], [], []>, transpose_lhs_hint = false} : vector<2504x256xf32>, vector<256x128xf32>, vector<2504x128xf32> -> vector<2504x128xf32>
    %swap3A_57 = arith.constant 0 : index
    %swap3A_58 = arith.constant 0 : index
    %swap3A_59 = vector.load %arg10[%swap3A_57, %swap3A_58] : memref<2504x128xf32, #tpu.memory_space<vmem>>, vector<2504x128xf32>
    tpu.vector_store %arg10[%swap3A_57, %swap3A_58], %dot_general3A_56 {strides = array<i32>} : memref<2504x128xf32, #tpu.memory_space<vmem>>, vector<2504x128xf32>,
    return
  }
  func.func @transform_0(%arg0: i32) -> (i32, i32) {
    %c0_i32 = arith.constant 0 : i32
    %c0_i32_0 = arith.constant 0 : i32
    return %arg0, %c0_i32 : i32, i32
  }
  func.func @transform_1(%arg0: i32) -> (i32, i32, i32) {
    %c0_i32 = arith.constant 0 : i32
    %c0_i32_0 = arith.constant 0 : i32
    %c0_i32_1 = arith.constant 0 : i32
    return %c0_i32, %arg0, %c0_i32_0 : i32, i32, i32
  }
  func.func @transform_2(%arg0: i32) -> (i32, i32, i32) {
    %c0_i32 = arith.constant 0 : i32
    %c0_i32_0 = arith.constant 0 : i32
    %c0_i32_1 = arith.constant 0 : i32
    return %c0_i32, %arg0, %c0_i32_0 : i32, i32, i32
  }
  func.func @transform_3(%arg0: i32) -> (i32, i32) {
    %c0_i32 = arith.constant 0 : i32
    %c0_i32_0 = arith.constant 0 : i32
    %c0_i32_1 = arith.constant 0 : i32
    return %c0_i32, %c0_i32_0 : i32, i32
  }
  func.func @transform_4(%arg0: i32) -> (i32, i32) {
    %c0_i32 = arith.constant 0 : i32
    %c0_i32_0 = arith.constant 0 : i32
    %c0_i32_1 = arith.constant 0 : i32
    return %c0_i32, %c0_i32_0 : i32, i32
  }
  func.func @transform_5(%arg0: i32) -> (i32, i32) {
    %c0_i32 = arith.constant 0 : i32
    %c0_i32_0 = arith.constant 0 : i32
    %c0_i32_1 = arith.constant 0 : i32
    return %c0_i32, %c0_i32_0 : i32, i32
  }
  func.func @transform_6(%arg0: i32) -> (i32, i32) {
    %c0_i32 = arith.constant 0 : i32
    %c0_i32_0 = arith.constant 0 : i32
    %c0_i32_1 = arith.constant 0 : i32
    return %c0_i32, %c0_i32_0 : i32, i32
  }
  func.func @transform_7(%arg0: i32) -> (i32, i32) {
    %c0_i32 = arith.constant 0 : i32
    %c0_i32_0 = arith.constant 0 : i32
    %c0_i32_1 = arith.constant 0 : i32
    return %c0_i32, %c0_i32_0 : i32, i32
  }
  func.func @transform_8(%arg0: i32) -> (i32, i32) {
    %c0_i32 = arith.constant 0 : i32
    %c0_i32_0 = arith.constant 0 : i32
    return %arg0, %c0_i32 : i32, i32
  }
  func.func @transform_9(%arg0: i32) -> (i32, i32) {
    %c0_i32 = arith.constant 0 : i32
    %c0_i32_0 = arith.constant 0 : i32
    return %arg0, %c0_i32 : i32, i32
  }
}

module attributes {stable_mosaic.version = 14 : i64} {
  func.func @_fin_body(%arg0: i32, %arg1: memref<2x2504x128xf32, #tpu.memory_space<vmem>>, %arg2: memref<2x2504x128xf32, #tpu.memory_space<vmem>>, %arg3: memref<2504x128xf32, #tpu.memory_space<vmem>>, %arg4: memref<1x128xf32, #tpu.memory_space<vmem>>, %arg5: memref<128x24xf32, #tpu.memory_space<vmem>>, %arg6: memref<1x24xf32, #tpu.memory_space<vmem>>, %arg7: memref<2504x24xf32, #tpu.memory_space<vmem>>) attributes {dimension_semantics = [#tpu.dimension_semantics<arbitrary>], iteration_bounds = array<i64: 5>, scalar_prefetch = 0 : i64, scratch_operands = 0 : i64, tpu.core_type = #tpu.core_type<tc>, window_params = [{transform_indices = @transform_0, window_bounds = array<i64: 2, 2504, 128>}, {transform_indices = @transform_1, window_bounds = array<i64: 2, 2504, 128>}, {transform_indices = @transform_2, window_bounds = array<i64: 2504, 128>}, {pipeline_mode = #tpu.pipeline_mode<synchronous>, transform_indices = @transform_3, window_bounds = array<i64: 1, 128>}, {pipeline_mode = #tpu.pipeline_mode<synchronous>, transform_indices = @transform_4, window_bounds = array<i64: 128, 24>}, {pipeline_mode = #tpu.pipeline_mode<synchronous>, transform_indices = @transform_5, window_bounds = array<i64: 1, 24>}, {transform_indices = @transform_6, window_bounds = array<i64: 2504, 24>}]} {
    %get3A = arith.constant 0 : index
    %get3A_0 = arith.constant 0 : index
    %get3A_1 = arith.constant 0 : index
    %get3A_2 = vector.load %arg2[%get3A, %get3A_0, %get3A_1] : memref<2x2504x128xf32, #tpu.memory_space<vmem>>, vector<1x2504x128xf32>
    %get3A_3 = vector.shape_cast %get3A_2 : vector<1x2504x128xf32> to vector<2504x128xf32>
    %get3A_4 = arith.constant 1 : index
    %get3A_5 = arith.constant 0 : index
    %get3A_6 = arith.constant 0 : index
    %get3A_7 = vector.load %arg2[%get3A_4, %get3A_5, %get3A_6] : memref<2x2504x128xf32, #tpu.memory_space<vmem>>, vector<1x2504x128xf32>
    %get3A_8 = vector.shape_cast %get3A_7 : vector<1x2504x128xf32> to vector<2504x128xf32>
    %add3A = arith.addf %get3A_3, %get3A_8 : vector<2504x128xf32>
    %max3A = arith.constant 1.000000e+00 : f32
    %max3A_9 = vector.broadcast %max3A : f32 to vector<2504x128xf32>
    %max3A_10 = arith.maximumf %add3A, %max3A_9 : vector<2504x128xf32>
    %div3A = arith.constant 1.000000e+00 : f32
    %div3A_11 = vector.broadcast %div3A : f32 to vector<2504x128xf32>
    %div3A_12 = arith.divf %div3A_11, %max3A_10 : vector<2504x128xf32>
    %get3A_13 = arith.constant 0 : index
    %get3A_14 = arith.constant 0 : index
    %get3A_15 = arith.constant 0 : index
    %get3A_16 = vector.load %arg1[%get3A_13, %get3A_14, %get3A_15] : memref<2x2504x128xf32, #tpu.memory_space<vmem>>, vector<1x2504x128xf32>
    %get3A_17 = vector.shape_cast %get3A_16 : vector<1x2504x128xf32> to vector<2504x128xf32>
    %get3A_18 = arith.constant 1 : index
    %get3A_19 = arith.constant 0 : index
    %get3A_20 = arith.constant 0 : index
    %get3A_21 = vector.load %arg1[%get3A_18, %get3A_19, %get3A_20] : memref<2x2504x128xf32, #tpu.memory_space<vmem>>, vector<1x2504x128xf32>
    %get3A_22 = vector.shape_cast %get3A_21 : vector<1x2504x128xf32> to vector<2504x128xf32>
    %add3A_23 = arith.addf %get3A_17, %get3A_22 : vector<2504x128xf32>
    %mul3A = arith.mulf %add3A_23, %div3A_12 : vector<2504x128xf32>
    %get3A_24 = arith.constant 0 : index
    %get3A_25 = arith.constant 0 : index
    %get3A_26 = vector.load %arg3[%get3A_24, %get3A_25] : memref<2504x128xf32, #tpu.memory_space<vmem>>, vector<2504x128xf32>
    %add3A_27 = arith.addf %mul3A, %get3A_26 : vector<2504x128xf32>
    %get3A_28 = arith.constant 0 : index
    %get3A_29 = arith.constant 0 : index
    %get3A_30 = vector.load %arg4[%get3A_28, %get3A_29] : memref<1x128xf32, #tpu.memory_space<vmem>>, vector<1x128xf32>
    %add3A_31 = vector.broadcast %get3A_30 : vector<1x128xf32> to vector<2504x128xf32>
    %add3A_32 = arith.addf %add3A_27, %add3A_31 : vector<2504x128xf32>
    %max3A_33 = arith.constant 0.000000e+00 : f32
    %max3A_34 = vector.broadcast %max3A_33 : f32 to vector<2504x128xf32>
    %max3A_35 = arith.maximumf %add3A_32, %max3A_34 : vector<2504x128xf32>
    %get3A_36 = arith.constant 0 : index
    %get3A_37 = arith.constant 0 : index
    %get3A_38 = vector.load %arg5[%get3A_36, %get3A_37] : memref<128x24xf32, #tpu.memory_space<vmem>>, vector<128x24xf32>
    %dot_general3A = arith.constant dense<0.000000e+00> : vector<2504x24xf32>
    %dot_general3A_39 = tpu.matmul %max3A_35, %get3A_38, %dot_general3A {dimension_numbers = #tpu.dot_dimension_numbers<[1], [0], [0], [1], [0, 0, 1, 1], [], []>, transpose_lhs_hint = false} : vector<2504x128xf32>, vector<128x24xf32>, vector<2504x24xf32> -> vector<2504x24xf32>
    %get3A_40 = arith.constant 0 : index
    %get3A_41 = arith.constant 0 : index
    %get3A_42 = vector.load %arg6[%get3A_40, %get3A_41] : memref<1x24xf32, #tpu.memory_space<vmem>>, vector<1x24xf32>
    %add3A_43 = vector.broadcast %get3A_42 : vector<1x24xf32> to vector<2504x24xf32>
    %add3A_44 = arith.addf %dot_general3A_39, %add3A_43 : vector<2504x24xf32>
    %slice3A = vector.extract_strided_slice %add3A_44 {offsets = [0, 0], sizes = [2504, 3], strides = [1, 1]} : vector<2504x24xf32> to vector<2504x3xf32>
    %slice3A_45 = vector.extract_strided_slice %slice3A {offsets = [0, 1], sizes = [2504, 1], strides = [1, 1]} : vector<2504x3xf32> to vector<2504x1xf32>
    %logistic3A = arith.negf %slice3A_45 : vector<2504x1xf32>
    %logistic3A_46 = math.exp %logistic3A : vector<2504x1xf32>
    %logistic3A_47 = arith.constant 1.000000e+00 : f32
    %logistic3A_48 = vector.broadcast %logistic3A_47 : f32 to vector<2504x1xf32>
    %logistic3A_49 = arith.addf %logistic3A_48, %logistic3A_46 : vector<2504x1xf32>
    %logistic3A_50 = arith.divf %logistic3A_48, %logistic3A_49 : vector<2504x1xf32>
    %slice3A_51 = vector.extract_strided_slice %slice3A {offsets = [0, 0], sizes = [2504, 1], strides = [1, 1]} : vector<2504x3xf32> to vector<2504x1xf32>
    %max3A_52 = arith.constant 0.000000e+00 : f32
    %max3A_53 = vector.broadcast %max3A_52 : f32 to vector<2504x1xf32>
    %max3A_54 = arith.maximumf %slice3A_51, %max3A_53 : vector<2504x1xf32>
    %add3A_55 = arith.addf %max3A_54, %logistic3A_50 : vector<2504x1xf32>
    %slice3A_56 = vector.extract_strided_slice %slice3A {offsets = [0, 2], sizes = [2504, 1], strides = [1, 1]} : vector<2504x3xf32> to vector<2504x1xf32>
    %logistic3A_57 = arith.negf %slice3A_56 : vector<2504x1xf32>
    %logistic3A_58 = math.exp %logistic3A_57 : vector<2504x1xf32>
    %logistic3A_59 = arith.constant 1.000000e+00 : f32
    %logistic3A_60 = vector.broadcast %logistic3A_59 : f32 to vector<2504x1xf32>
    %logistic3A_61 = arith.addf %logistic3A_60, %logistic3A_58 : vector<2504x1xf32>
    %logistic3A_62 = arith.divf %logistic3A_60, %logistic3A_61 : vector<2504x1xf32>
    %concatenate3A = tpu.concatenate %add3A_55, %logistic3A_50, %logistic3A_62 in 1 : vector<2504x1xf32>, vector<2504x1xf32>, vector<2504x1xf32> -> vector<2504x3xf32>
    %slice3A_63 = vector.extract_strided_slice %add3A_44 {offsets = [0, 3], sizes = [2504, 3], strides = [1, 1]} : vector<2504x24xf32> to vector<2504x3xf32>
    %slice3A_64 = vector.extract_strided_slice %slice3A_63 {offsets = [0, 1], sizes = [2504, 1], strides = [1, 1]} : vector<2504x3xf32> to vector<2504x1xf32>
    %logistic3A_65 = arith.negf %slice3A_64 : vector<2504x1xf32>
    %logistic3A_66 = math.exp %logistic3A_65 : vector<2504x1xf32>
    %logistic3A_67 = arith.constant 1.000000e+00 : f32
    %logistic3A_68 = vector.broadcast %logistic3A_67 : f32 to vector<2504x1xf32>
    %logistic3A_69 = arith.addf %logistic3A_68, %logistic3A_66 : vector<2504x1xf32>
    %logistic3A_70 = arith.divf %logistic3A_68, %logistic3A_69 : vector<2504x1xf32>
    %slice3A_71 = vector.extract_strided_slice %slice3A_63 {offsets = [0, 0], sizes = [2504, 1], strides = [1, 1]} : vector<2504x3xf32> to vector<2504x1xf32>
    %max3A_72 = arith.constant 0.000000e+00 : f32
    %max3A_73 = vector.broadcast %max3A_72 : f32 to vector<2504x1xf32>
    %max3A_74 = arith.maximumf %slice3A_71, %max3A_73 : vector<2504x1xf32>
    %add3A_75 = arith.addf %max3A_74, %logistic3A_70 : vector<2504x1xf32>
    %slice3A_76 = vector.extract_strided_slice %slice3A_63 {offsets = [0, 2], sizes = [2504, 1], strides = [1, 1]} : vector<2504x3xf32> to vector<2504x1xf32>
    %logistic3A_77 = arith.negf %slice3A_76 : vector<2504x1xf32>
    %logistic3A_78 = math.exp %logistic3A_77 : vector<2504x1xf32>
    %logistic3A_79 = arith.constant 1.000000e+00 : f32
    %logistic3A_80 = vector.broadcast %logistic3A_79 : f32 to vector<2504x1xf32>
    %logistic3A_81 = arith.addf %logistic3A_80, %logistic3A_78 : vector<2504x1xf32>
    %logistic3A_82 = arith.divf %logistic3A_80, %logistic3A_81 : vector<2504x1xf32>
    %concatenate3A_83 = tpu.concatenate %add3A_75, %logistic3A_70, %logistic3A_82 in 1 : vector<2504x1xf32>, vector<2504x1xf32>, vector<2504x1xf32> -> vector<2504x3xf32>
    %slice3A_84 = vector.extract_strided_slice %add3A_44 {offsets = [0, 6], sizes = [2504, 3], strides = [1, 1]} : vector<2504x24xf32> to vector<2504x3xf32>
    %slice3A_85 = vector.extract_strided_slice %slice3A_84 {offsets = [0, 1], sizes = [2504, 1], strides = [1, 1]} : vector<2504x3xf32> to vector<2504x1xf32>
    %logistic3A_86 = arith.negf %slice3A_85 : vector<2504x1xf32>
    %logistic3A_87 = math.exp %logistic3A_86 : vector<2504x1xf32>
    %logistic3A_88 = arith.constant 1.000000e+00 : f32
    %logistic3A_89 = vector.broadcast %logistic3A_88 : f32 to vector<2504x1xf32>
    %logistic3A_90 = arith.addf %logistic3A_89, %logistic3A_87 : vector<2504x1xf32>
    %logistic3A_91 = arith.divf %logistic3A_89, %logistic3A_90 : vector<2504x1xf32>
    %slice3A_92 = vector.extract_strided_slice %slice3A_84 {offsets = [0, 0], sizes = [2504, 1], strides = [1, 1]} : vector<2504x3xf32> to vector<2504x1xf32>
    %max3A_93 = arith.constant 0.000000e+00 : f32
    %max3A_94 = vector.broadcast %max3A_93 : f32 to vector<2504x1xf32>
    %max3A_95 = arith.maximumf %slice3A_92, %max3A_94 : vector<2504x1xf32>
    %add3A_96 = arith.addf %max3A_95, %logistic3A_91 : vector<2504x1xf32>
    %slice3A_97 = vector.extract_strided_slice %slice3A_84 {offsets = [0, 2], sizes = [2504, 1], strides = [1, 1]} : vector<2504x3xf32> to vector<2504x1xf32>
    %logistic3A_98 = arith.negf %slice3A_97 : vector<2504x1xf32>
    %logistic3A_99 = math.exp %logistic3A_98 : vector<2504x1xf32>
    %logistic3A_100 = arith.constant 1.000000e+00 : f32
    %logistic3A_101 = vector.broadcast %logistic3A_100 : f32 to vector<2504x1xf32>
    %logistic3A_102 = arith.addf %logistic3A_101, %logistic3A_99 : vector<2504x1xf32>
    %logistic3A_103 = arith.divf %logistic3A_101, %logistic3A_102 : vector<2504x1xf32>
    %concatenate3A_104 = tpu.concatenate %add3A_96, %logistic3A_91, %logistic3A_103 in 1 : vector<2504x1xf32>, vector<2504x1xf32>, vector<2504x1xf32> -> vector<2504x3xf32>
    %slice3A_105 = vector.extract_strided_slice %add3A_44 {offsets = [0, 9], sizes = [2504, 3], strides = [1, 1]} : vector<2504x24xf32> to vector<2504x3xf32>
    %slice3A_106 = vector.extract_strided_slice %slice3A_105 {offsets = [0, 1], sizes = [2504, 1], strides = [1, 1]} : vector<2504x3xf32> to vector<2504x1xf32>
    %logistic3A_107 = arith.negf %slice3A_106 : vector<2504x1xf32>
    %logistic3A_108 = math.exp %logistic3A_107 : vector<2504x1xf32>
    %logistic3A_109 = arith.constant 1.000000e+00 : f32
    %logistic3A_110 = vector.broadcast %logistic3A_109 : f32 to vector<2504x1xf32>
    %logistic3A_111 = arith.addf %logistic3A_110, %logistic3A_108 : vector<2504x1xf32>
    %logistic3A_112 = arith.divf %logistic3A_110, %logistic3A_111 : vector<2504x1xf32>
    %slice3A_113 = vector.extract_strided_slice %slice3A_105 {offsets = [0, 0], sizes = [2504, 1], strides = [1, 1]} : vector<2504x3xf32> to vector<2504x1xf32>
    %max3A_114 = arith.constant 0.000000e+00 : f32
    %max3A_115 = vector.broadcast %max3A_114 : f32 to vector<2504x1xf32>
    %max3A_116 = arith.maximumf %slice3A_113, %max3A_115 : vector<2504x1xf32>
    %add3A_117 = arith.addf %max3A_116, %logistic3A_112 : vector<2504x1xf32>
    %slice3A_118 = vector.extract_strided_slice %slice3A_105 {offsets = [0, 2], sizes = [2504, 1], strides = [1, 1]} : vector<2504x3xf32> to vector<2504x1xf32>
    %logistic3A_119 = arith.negf %slice3A_118 : vector<2504x1xf32>
    %logistic3A_120 = math.exp %logistic3A_119 : vector<2504x1xf32>
    %logistic3A_121 = arith.constant 1.000000e+00 : f32
    %logistic3A_122 = vector.broadcast %logistic3A_121 : f32 to vector<2504x1xf32>
    %logistic3A_123 = arith.addf %logistic3A_122, %logistic3A_120 : vector<2504x1xf32>
    %logistic3A_124 = arith.divf %logistic3A_122, %logistic3A_123 : vector<2504x1xf32>
    %concatenate3A_125 = tpu.concatenate %add3A_117, %logistic3A_112, %logistic3A_124 in 1 : vector<2504x1xf32>, vector<2504x1xf32>, vector<2504x1xf32> -> vector<2504x3xf32>
    %slice3A_126 = vector.extract_strided_slice %add3A_44 {offsets = [0, 12], sizes = [2504, 3], strides = [1, 1]} : vector<2504x24xf32> to vector<2504x3xf32>
    %slice3A_127 = vector.extract_strided_slice %slice3A_126 {offsets = [0, 1], sizes = [2504, 1], strides = [1, 1]} : vector<2504x3xf32> to vector<2504x1xf32>
    %logistic3A_128 = arith.negf %slice3A_127 : vector<2504x1xf32>
    %logistic3A_129 = math.exp %logistic3A_128 : vector<2504x1xf32>
    %logistic3A_130 = arith.constant 1.000000e+00 : f32
    %logistic3A_131 = vector.broadcast %logistic3A_130 : f32 to vector<2504x1xf32>
    %logistic3A_132 = arith.addf %logistic3A_131, %logistic3A_129 : vector<2504x1xf32>
    %logistic3A_133 = arith.divf %logistic3A_131, %logistic3A_132 : vector<2504x1xf32>
    %slice3A_134 = vector.extract_strided_slice %slice3A_126 {offsets = [0, 0], sizes = [2504, 1], strides = [1, 1]} : vector<2504x3xf32> to vector<2504x1xf32>
    %max3A_135 = arith.constant 0.000000e+00 : f32
    %max3A_136 = vector.broadcast %max3A_135 : f32 to vector<2504x1xf32>
    %max3A_137 = arith.maximumf %slice3A_134, %max3A_136 : vector<2504x1xf32>
    %add3A_138 = arith.addf %max3A_137, %logistic3A_133 : vector<2504x1xf32>
    %slice3A_139 = vector.extract_strided_slice %slice3A_126 {offsets = [0, 2], sizes = [2504, 1], strides = [1, 1]} : vector<2504x3xf32> to vector<2504x1xf32>
    %logistic3A_140 = arith.negf %slice3A_139 : vector<2504x1xf32>
    %logistic3A_141 = math.exp %logistic3A_140 : vector<2504x1xf32>
    %logistic3A_142 = arith.constant 1.000000e+00 : f32
    %logistic3A_143 = vector.broadcast %logistic3A_142 : f32 to vector<2504x1xf32>
    %logistic3A_144 = arith.addf %logistic3A_143, %logistic3A_141 : vector<2504x1xf32>
    %logistic3A_145 = arith.divf %logistic3A_143, %logistic3A_144 : vector<2504x1xf32>
    %concatenate3A_146 = tpu.concatenate %add3A_138, %logistic3A_133, %logistic3A_145 in 1 : vector<2504x1xf32>, vector<2504x1xf32>, vector<2504x1xf32> -> vector<2504x3xf32>
    %slice3A_147 = vector.extract_strided_slice %add3A_44 {offsets = [0, 15], sizes = [2504, 3], strides = [1, 1]} : vector<2504x24xf32> to vector<2504x3xf32>
    %slice3A_148 = vector.extract_strided_slice %slice3A_147 {offsets = [0, 1], sizes = [2504, 1], strides = [1, 1]} : vector<2504x3xf32> to vector<2504x1xf32>
    %logistic3A_149 = arith.negf %slice3A_148 : vector<2504x1xf32>
    %logistic3A_150 = math.exp %logistic3A_149 : vector<2504x1xf32>
    %logistic3A_151 = arith.constant 1.000000e+00 : f32
    %logistic3A_152 = vector.broadcast %logistic3A_151 : f32 to vector<2504x1xf32>
    %logistic3A_153 = arith.addf %logistic3A_152, %logistic3A_150 : vector<2504x1xf32>
    %logistic3A_154 = arith.divf %logistic3A_152, %logistic3A_153 : vector<2504x1xf32>
    %slice3A_155 = vector.extract_strided_slice %slice3A_147 {offsets = [0, 0], sizes = [2504, 1], strides = [1, 1]} : vector<2504x3xf32> to vector<2504x1xf32>
    %max3A_156 = arith.constant 0.000000e+00 : f32
    %max3A_157 = vector.broadcast %max3A_156 : f32 to vector<2504x1xf32>
    %max3A_158 = arith.maximumf %slice3A_155, %max3A_157 : vector<2504x1xf32>
    %add3A_159 = arith.addf %max3A_158, %logistic3A_154 : vector<2504x1xf32>
    %slice3A_160 = vector.extract_strided_slice %slice3A_147 {offsets = [0, 2], sizes = [2504, 1], strides = [1, 1]} : vector<2504x3xf32> to vector<2504x1xf32>
    %logistic3A_161 = arith.negf %slice3A_160 : vector<2504x1xf32>
    %logistic3A_162 = math.exp %logistic3A_161 : vector<2504x1xf32>
    %logistic3A_163 = arith.constant 1.000000e+00 : f32
    %logistic3A_164 = vector.broadcast %logistic3A_163 : f32 to vector<2504x1xf32>
    %logistic3A_165 = arith.addf %logistic3A_164, %logistic3A_162 : vector<2504x1xf32>
    %logistic3A_166 = arith.divf %logistic3A_164, %logistic3A_165 : vector<2504x1xf32>
    %concatenate3A_167 = tpu.concatenate %add3A_159, %logistic3A_154, %logistic3A_166 in 1 : vector<2504x1xf32>, vector<2504x1xf32>, vector<2504x1xf32> -> vector<2504x3xf32>
    %slice3A_168 = vector.extract_strided_slice %add3A_44 {offsets = [0, 18], sizes = [2504, 3], strides = [1, 1]} : vector<2504x24xf32> to vector<2504x3xf32>
    %slice3A_169 = vector.extract_strided_slice %slice3A_168 {offsets = [0, 1], sizes = [2504, 1], strides = [1, 1]} : vector<2504x3xf32> to vector<2504x1xf32>
    %logistic3A_170 = arith.negf %slice3A_169 : vector<2504x1xf32>
    %logistic3A_171 = math.exp %logistic3A_170 : vector<2504x1xf32>
    %logistic3A_172 = arith.constant 1.000000e+00 : f32
    %logistic3A_173 = vector.broadcast %logistic3A_172 : f32 to vector<2504x1xf32>
    %logistic3A_174 = arith.addf %logistic3A_173, %logistic3A_171 : vector<2504x1xf32>
    %logistic3A_175 = arith.divf %logistic3A_173, %logistic3A_174 : vector<2504x1xf32>
    %slice3A_176 = vector.extract_strided_slice %slice3A_168 {offsets = [0, 0], sizes = [2504, 1], strides = [1, 1]} : vector<2504x3xf32> to vector<2504x1xf32>
    %max3A_177 = arith.constant 0.000000e+00 : f32
    %max3A_178 = vector.broadcast %max3A_177 : f32 to vector<2504x1xf32>
    %max3A_179 = arith.maximumf %slice3A_176, %max3A_178 : vector<2504x1xf32>
    %add3A_180 = arith.addf %max3A_179, %logistic3A_175 : vector<2504x1xf32>
    %slice3A_181 = vector.extract_strided_slice %slice3A_168 {offsets = [0, 2], sizes = [2504, 1], strides = [1, 1]} : vector<2504x3xf32> to vector<2504x1xf32>
    %logistic3A_182 = arith.negf %slice3A_181 : vector<2504x1xf32>
    %logistic3A_183 = math.exp %logistic3A_182 : vector<2504x1xf32>
    %logistic3A_184 = arith.constant 1.000000e+00 : f32
    %logistic3A_185 = vector.broadcast %logistic3A_184 : f32 to vector<2504x1xf32>
    %logistic3A_186 = arith.addf %logistic3A_185, %logistic3A_183 : vector<2504x1xf32>
    %logistic3A_187 = arith.divf %logistic3A_185, %logistic3A_186 : vector<2504x1xf32>
    %concatenate3A_188 = tpu.concatenate %add3A_180, %logistic3A_175, %logistic3A_187 in 1 : vector<2504x1xf32>, vector<2504x1xf32>, vector<2504x1xf32> -> vector<2504x3xf32>
    %slice3A_189 = vector.extract_strided_slice %add3A_44 {offsets = [0, 21], sizes = [2504, 3], strides = [1, 1]} : vector<2504x24xf32> to vector<2504x3xf32>
    %slice3A_190 = vector.extract_strided_slice %slice3A_189 {offsets = [0, 1], sizes = [2504, 1], strides = [1, 1]} : vector<2504x3xf32> to vector<2504x1xf32>
    %logistic3A_191 = arith.negf %slice3A_190 : vector<2504x1xf32>
    %logistic3A_192 = math.exp %logistic3A_191 : vector<2504x1xf32>
    %logistic3A_193 = arith.constant 1.000000e+00 : f32
    %logistic3A_194 = vector.broadcast %logistic3A_193 : f32 to vector<2504x1xf32>
    %logistic3A_195 = arith.addf %logistic3A_194, %logistic3A_192 : vector<2504x1xf32>
    %logistic3A_196 = arith.divf %logistic3A_194, %logistic3A_195 : vector<2504x1xf32>
    %slice3A_197 = vector.extract_strided_slice %slice3A_189 {offsets = [0, 0], sizes = [2504, 1], strides = [1, 1]} : vector<2504x3xf32> to vector<2504x1xf32>
    %max3A_198 = arith.constant 0.000000e+00 : f32
    %max3A_199 = vector.broadcast %max3A_198 : f32 to vector<2504x1xf32>
    %max3A_200 = arith.maximumf %slice3A_197, %max3A_199 : vector<2504x1xf32>
    %add3A_201 = arith.addf %max3A_200, %logistic3A_196 : vector<2504x1xf32>
    %slice3A_202 = vector.extract_strided_slice %slice3A_189 {offsets = [0, 2], sizes = [2504, 1], strides = [1, 1]} : vector<2504x3xf32> to vector<2504x1xf32>
    %logistic3A_203 = arith.negf %slice3A_202 : vector<2504x1xf32>
    %logistic3A_204 = math.exp %logistic3A_203 : vector<2504x1xf32>
    %logistic3A_205 = arith.constant 1.000000e+00 : f32
    %logistic3A_206 = vector.broadcast %logistic3A_205 : f32 to vector<2504x1xf32>
    %logistic3A_207 = arith.addf %logistic3A_206, %logistic3A_204 : vector<2504x1xf32>
    %logistic3A_208 = arith.divf %logistic3A_206, %logistic3A_207 : vector<2504x1xf32>
    %concatenate3A_209 = tpu.concatenate %add3A_201, %logistic3A_196, %logistic3A_208 in 1 : vector<2504x1xf32>, vector<2504x1xf32>, vector<2504x1xf32> -> vector<2504x3xf32>
    %concatenate3A_210 = tpu.concatenate %concatenate3A, %concatenate3A_83, %concatenate3A_104, %concatenate3A_125, %concatenate3A_146, %concatenate3A_167, %concatenate3A_188, %concatenate3A_209 in 1 : vector<2504x3xf32>, vector<2504x3xf32>, vector<2504x3xf32>, vector<2504x3xf32>, vector<2504x3xf32>, vector<2504x3xf32>, vector<2504x3xf32>, vector<2504x3xf32> -> vector<2504x24xf32>
    %swap3A = arith.constant 0 : index
    %swap3A_211 = arith.constant 0 : index
    %swap3A_212 = vector.load %arg7[%swap3A, %swap3A_211] : memref<2504x24xf32, #tpu.memory_space<vmem>>, vector<2504x24xf32>
    tpu.vector_store %arg7[%swap3A, %swap3A_211], %concatenate3A_210 {strides = array<i32>} : memref<2504x24xf32, #tpu.memory_space<vmem>>, vector<2504x24xf32>,
    return
  }
  func.func @transform_0(%arg0: i32) -> (i32, i32, i32) {
    %c0_i32 = arith.constant 0 : i32
    %c0_i32_0 = arith.constant 0 : i32
    %c0_i32_1 = arith.constant 0 : i32
    return %c0_i32, %arg0, %c0_i32_0 : i32, i32, i32
  }
  func.func @transform_1(%arg0: i32) -> (i32, i32, i32) {
    %c0_i32 = arith.constant 0 : i32
    %c0_i32_0 = arith.constant 0 : i32
    %c0_i32_1 = arith.constant 0 : i32
    return %c0_i32, %arg0, %c0_i32_0 : i32, i32, i32
  }
  func.func @transform_2(%arg0: i32) -> (i32, i32) {
    %c0_i32 = arith.constant 0 : i32
    %c0_i32_0 = arith.constant 0 : i32
    return %arg0, %c0_i32 : i32, i32
  }
  func.func @transform_3(%arg0: i32) -> (i32, i32) {
    %c0_i32 = arith.constant 0 : i32
    %c0_i32_0 = arith.constant 0 : i32
    %c0_i32_1 = arith.constant 0 : i32
    return %c0_i32, %c0_i32_0 : i32, i32
  }
  func.func @transform_4(%arg0: i32) -> (i32, i32) {
    %c0_i32 = arith.constant 0 : i32
    %c0_i32_0 = arith.constant 0 : i32
    %c0_i32_1 = arith.constant 0 : i32
    return %c0_i32, %c0_i32_0 : i32, i32
  }
  func.func @transform_5(%arg0: i32) -> (i32, i32) {
    %c0_i32 = arith.constant 0 : i32
    %c0_i32_0 = arith.constant 0 : i32
    %c0_i32_1 = arith.constant 0 : i32
    return %c0_i32, %c0_i32_0 : i32, i32
  }
  func.func @transform_6(%arg0: i32) -> (i32, i32) {
    %c0_i32 = arith.constant 0 : i32
    %c0_i32_0 = arith.constant 0 : i32
    return %arg0, %c0_i32 : i32, i32
  }
}

</mosaic_0001>

<sc_bundles>
// kernel: kernel.11.cloned.1.call-start
scs
__scs_entry_jumppad:
0x0: {  	(pc) =	sbr.rel $0x88, $3  }
0x1: {  	(tag) =	ssettag $0x0;
	lr =	simm.s32 $0x1  }
0x2: {  	[smem:$0x3F95] =	sst lr;
	_ =	strace $0xD0000000  }
0x3: {  	_ = 	snop  }
0x4: {  	_ = 	snop  }
0x5: {  	_ = 	snop  }
0x6: {  	_ = 	snop  }
0x7: {  	_ = 	snop  }
__scs_overlays_trampoline_lowered:
0x8: {  	[smem:$0x3FA4] =	sst s0  }
0x9: {  	[smem:$0x3FA5] =	sst s1  }
0xa: {  	[smem:$0x3FA6] =	sst s2  }
0xb: {  	[smem:$0x3FA7] =	sst s3  }
0xc: {  	[smem:$0x3FA8] =	sst s4  }
0xd: {  	[smem:$0x3FA9] =	sst s5  }
0xe: {  	[smem:$0x3FAA] =	sst s6  }
0xf: {  	[smem:$0x3FAB] =	sst s7  }
0x10: {  	[smem:$0x3FAC] =	sst s8  }
0x11: {  	[smem:$0x3FAD] =	sst s9;
	s0 =	simm.s32 @!p0 $0x0  }
0x12: {  	s1 =	sld [smem:$0x3F93];
	s0 =	simm.s32 @p0 $0x1  }
0x13: {  	[smem:$0x3FAE] =	sst s0;
	s0 =	simm.s32 @!p1 $0x0  }
0x14: {  	s2 =	sld [smem:$0x3F92];
	s0 =	simm.s32 @p1 $0x1  }
0x15: {  	[smem:$0x3FAF] =	sst s0;
	s0 =	simm.s32 @!p2 $0x0  }
0x16: {  	s3 =	sld [smem:$0x3FDB];
	s0 =	simm.s32 @p2 $0x1  }
0x17: {  	s4 =	simm.s32 $0x1BF5;
	[smem:$0x3FB1] =	sst s0  }
0x18: {  	s0 =	sld [smem:$0x3F94];
	_ =	swait.ge [sflag:s4], $0x0  }
0x19: {  	s7 =	sld [smem:$0x3F95]  }
0x1a: {  	s8 =	sadd.s32 $0xFFFFE003, lr  }
0x1b: {  	s9 =	sadd.s32 $0xFFFFFEF7, lr;
	s5 =	simm.s32 $0xFFFFFFFF;
	p2 =	slt.u32 s8, $0xFFFFF086  }
0x1c: {  	p1 =	slt.u32 s9, $0xF7A;
	s5 =	simm.s32 @!p2 $0x0  }
0x1d: {  	s5 =	simm.s32 @p1 $0x1;
	p0 =	seq.s32 s7, s2  }
0x1e: {  	s7 =	smul.u32 @!p0 $0xF7A, s2;
	p2 =	seq.s32 @!p0 s5, $0x0  }
0x1f: {  	s9 =	smul.u32 $0xF7A, s1;
	s8 =	simm.s32 @!p0 $0x1BF5;
	p2 =	por !p2, p0  }
0x20: {  	[sflag:s8] =	ssyncset.s32 @!p0 $0xFFFFF086;
	s6 =	sadd.s32 @!p0 s3, s7;
	s7 =	simm.s32 @!p0 $0x108  }
0x21: {  	s3 =	sadd.s32 s3, s9;
	s6 =	sadd.s32 @!p0 $0x88, s6;
	s7 =	simm.s32 @p2 $0x1082  }
0x22: {  	[simem:s7], [sflag:s8] =	dma.local @!p0 [hbm:s6], $0xF7A  }
0x23: {  	s9 =	sor.u32 $0xD0000000, s2;
	s6 =	simm.s32 $0x108;
	_ =	swait.ge @!p0 [sflag:s8], $0x0  }
0x24: {  	s3 =	sadd.s32 $0x88, s3;
	s6 =	simm.s32 @!p1 $0x1082;
	[sflag:s4] =	ssyncset.s32 $0xFFFFF086  }
0x25: {  	[simem:s6], [sflag:s4] =	dma.local [hbm:s3], $0xF7A  }
0x26: {  	[smem:$0x3F95] =	sst s1;
	(tag) =	ssettag s2;
	_ =	strace s9  }
0x27: {  	s1 =	sld [smem:$0x3FA5]  }
0x28: {  	s2 =	sld [smem:$0x3FA6]  }
0x29: {  	s4 =	sld [smem:$0x3FA8]  }
0x2a: {  	p0 =	seq.s32 s5, $0x0;
	s5 =	sld [smem:$0x3FA9]  }
0x2b: {  	s6 =	sld [smem:$0x3FAA]  }
0x2c: {  	s7 =	sld [smem:$0x3FAB]  }
0x2d: {  	s3 =	simm.s32 $0x108;
	s8 =	sld [smem:$0x3FAC]  }
0x2e: {  	s3 =	simm.s32 @!p0 $0x1082;
	s9 =	sld [smem:$0x3FAD]  }
0x2f: {  	lr =	sadd.s32 s0, s3;
	s0 =	sld [smem:$0x3FA4]  }
0x30: {  	s3 =	sld [smem:$0x3FA7]  }
0x31: {  	[smem:$0x3FB0] =	sst s10  }
0x32: {  	s10 =	sld [smem:$0x3FAE];
	_ =	sdelay $0x3  }
0x33: {  	p0 =	seq.s32 s10, $0x1;
	s10 =	sld [smem:$0x3FB0];
	_ =	sdelay $0x3  }
0x34: {  	[smem:$0x3FB0] =	sst s10  }
0x35: {  	s10 =	sld [smem:$0x3FAF];
	_ =	sdelay $0x3  }
0x36: {  	p1 =	seq.s32 s10, $0x1;
	s10 =	sld [smem:$0x3FB0];
	_ =	sdelay $0x3  }
0x37: {  	[smem:$0x3FB0] =	sst s10  }
0x38: {  	s10 =	sld [smem:$0x3FB1]  }
0x39: {  	_ = 	snop;
	(pc) =	sbr.ind lr, $3  }
0x3a: {  	_ = 	snop  }
0x3b: {  	_ = 	snop  }
0x3c: {  	p2 =	seq.s32 s10, $0x1;
	s10 =	sld [smem:$0x3FB0]  }
0x3d: {  	_ =	shalt  }
0x3e: {  	_ =	shalt  }
0x3f: {  	_ =	shalt  }
0x40: {  	_ =	shalt  }
0x41: {  	_ =	shalt  }
0x42: {  	_ =	shalt  }
0x43: {  	_ =	shalt  }
0x44: {  	_ =	shalt  }
0x45: {  	_ =	shalt  }
0x46: {  	_ =	shalt  }
0x47: {  	_ =	shalt  }
0x48: {  	_ =	shalt  }
0x49: {  	_ =	shalt  }
0x4a: {  	_ =	shalt  }
0x4b: {  	_ =	shalt  }
0x4c: {  	_ =	shalt  }
0x4d: {  	_ =	shalt  }
0x4e: {  	_ =	shalt  }
0x4f: {  	_ =	shalt  }
0x50: {  	_ =	shalt  }
0x51: {  	_ =	shalt  }
0x52: {  	_ =	shalt  }
0x53: {  	_ =	shalt  }
0x54: {  	_ =	shalt  }
0x55: {  	_ =	shalt  }
0x56: {  	_ =	shalt  }
0x57: {  	_ =	shalt  }
0x58: {  	_ =	shalt  }
0x59: {  	_ =	shalt  }
0x5a: {  	_ =	shalt  }
0x5b: {  	_ =	shalt  }
0x5c: {  	_ =	shalt  }
0x5d: {  	_ =	shalt  }
0x5e: {  	_ =	shalt  }
0x5f: {  	_ =	shalt  }
0x60: {  	_ =	shalt  }
0x61: {  	_ =	shalt  }
0x62: {  	_ =	shalt  }
0x63: {  	_ =	shalt  }
0x64: {  	_ =	shalt  }
0x65: {  	_ =	shalt  }
0x66: {  	_ =	shalt  }
0x67: {  	_ =	shalt  }
0x68: {  	_ =	shalt  }
0x69: {  	_ =	shalt  }
0x6a: {  	_ =	shalt  }
0x6b: {  	_ =	shalt  }
0x6c: {  	_ =	shalt  }
0x6d: {  	_ =	shalt  }
0x6e: {  	_ =	shalt  }
0x6f: {  	_ =	shalt  }
0x70: {  	_ =	shalt  }
0x71: {  	_ =	shalt  }
0x72: {  	_ =	shalt  }
0x73: {  	_ =	shalt  }
0x74: {  	_ =	shalt  }
0x75: {  	_ =	shalt  }
0x76: {  	_ =	shalt  }
0x77: {  	_ =	shalt  }
0x78: {  	_ =	shalt  }
0x79: {  	_ =	shalt  }
0x7a: {  	_ =	shalt  }
0x7b: {  	_ =	shalt  }
0x7c: {  	_ =	shalt  }
0x7d: {  	_ =	shalt  }
0x7e: {  	_ =	shalt  }
0x7f: {  	_ =	shalt  }
0x80: {  	_ =	shalt  }
0x81: {  	_ =	shalt  }
0x82: {  	_ =	shalt  }
0x83: {  	_ =	shalt  }
0x84: {  	_ =	shalt  }
0x85: {  	_ =	shalt  }
0x86: {  	_ =	shalt  }
0x87: {  	_ =	shalt  }
.Lfunc_end0:
.L_simem_size_0:
called_computation.1_lowered:
.L_overlay_start_0:
0x88: {  	s2 =	sld [smem:$0x3FD9]  }
0x89: {  	s3 =	sld [smem:$0x3FFE];
	_ =	sdelay $0x1  }
0x8a: {  	s1 =	srdreg.scid  }
0x8b: {  	s0 =	sand.u32 $0x1, s1  }
0x8c: {  	s16 =	sshll.u32 s0, $0xA;
	s2 =	sadd.s32 s3, s2  }
0x8d: {  	s2 =	sadd.s32 s2, s16  }
0x8e: {  	[smem:$0x3FBC] =	sst s2  }
0x8f: {  	_ = 	snop  }
0x90: {  	(tm) =	ssettm $0x1  }
0x91: {  	s17 =	sld [smem:$0x3FFB];
	_ =	sdelay $0x3  }
0x92: {  	_ =	strace s17  }
0x93: {  	s2 =	sld [smem:$0x3FFC];
	_ =	sdelay $0x3  }
0x94: {  	_ =	strace s2  }
0x95: {  	s2 =	sld [smem:$0x3FFD];
	_ =	sdelay $0x3  }
0x96: {  	_ =	strace s2  }
0x97: {  	_ =	strace $0x8FFFFFFF  }
0x98: {  	s18 =	sld [smem:$0x3FDB];
	_ =	sdelay $0x1  }
0x99: {  	s19 =	simm.s32 $_scs_section_size  }
0x9a: {  	s4 =	simm.s32 $_size__tile_overlayer_lowered;
	s5 =	simm.s32 $_tile_overlayer_lowered  }
0x9b: {  	s22 =	simm.s32 $0x1BFF;
	s21 =	sshll.u32 s5, $0x1;
	s2 =	sadd.s32 s19, s18  }
0x9c: {  	s6 =	simm.s32 $0x0;
	s20 =	sshll.u32 s4, $0x1;
	s4 =	sadd.s32 s21, s2  }
0x9d: {  	[timem:s6], [sflag:s22] =	dma.local [hbm:s4], s20  }
0x9e: {  	_ =	swait.ge [sflag:s22], s20  }
0x9f: {  	s3 =	ssub.s32 $0x0, s20;
	[sflag:s22] =	ssyncset.done $0x0  }
0xa0: {  	[sflag:s22] =	ssyncadd.s32 s3;
	_ =	sdelay $0x1  }
0xa1: {  	s23 =	simm.s32 $0x1B8B  }
0xa2: {  	_ =	swait.ge [sflag:s23], $0x1  }
0xa3: {  	[sflag:s23] =	ssyncset.done $0x0  }
0xa4: {  	s25 =	simm.s32 $0x1B8E;
	s24 =	sld [smem:$0x3FFE];
	[sflag:s23] =	ssyncadd.s32 $0xFFFFFFFF  }
0xa5: {  	s26 =	simm.s32 $execute0_lowered;
	[smem:$0x3FD2] =	sst s25  }
0xa6: {  	s4 =	sshll.u32 s26, $0x1;
	_ =	strace $0x80000046;
	[dreg:$0x1] =	wrdreg $0xFFFFFFFF  }
0xa7: {  	s28 =	simm.s32 $_size_execute0_lowered;
	s2 =	sadd.s32 s2, s4;
	[dreg:$0x0] =	wrdreg $0x0  }
0xa8: {  	s4 =	sshll.u32 s28, $0x1;
	[dreg:$0x2] =	wrdreg s2  }
0xa9: {  	[dreg:$0x3] =	wrdreg s4  }
0xaa: {  	[dreg:$0x4] =	wrdreg $0xC0  }
0xab: {  	_ =	task [dreg:s6], $0x5FFFF  }
0xac: {  	[dreg:$0x1] =	wrdreg $0xFFFFFFFF  }
0xad: {  	[dreg:$0x0] =	wrdreg $0x60  }
0xae: {  	[dreg:$0x2] =	wrdreg s24  }
0xaf: {  	[dreg:$0x3] =	wrdreg $0x58000  }
0xb0: {  	[dreg:$0x4] =	wrdreg $0xA  }
0xb1: {  	_ =	task.clear_ibuf [dreg:s6], $0x5FFFF;
	_ =	strace $0x90000046  }
0xb2: {  	s29 =	simm.s32 $0xA;
	_ =	strace $0x80000048  }
0xb3: {  	_ =	swait.ge [sflag:s29], $0x1  }
0xb4: {  	[sflag:s29] =	ssyncadd.s32 $0xFFFFFFFF  }
0xb5: {  	_ =	strace $0x90000048  }
0xb6: {  	_ =	sfence  }
0xb7: {  	s30 =	sld [smem:$0x0];
	_ =	sdelay $0x2  }
0xb8: {  	s31 =	sshll.u32 s1, $0xD;
	s1 =	sshrl.u32 s1, $0x2  }
0xb9: {  	s3 =	sand.u32 $0x4000, s31;
	s1 =	sadd.s32 s1, s30  }
0xba: {  	s0 =	sor.u32 s3, s0;
	s1 =	sshll.u32 s1, $0x11  }
0xbb: {  	s0 =	sor.u32 s1, s0  }
0xbc: {  	s0 =	sadd.s32 $0x8F2B, s0  }
0xbd: {  	[sflag:s0] =	ssyncadd.remote.s32 $0x1  }
0xbe: {  	_ =	sfence.sel $0xFFFF  }
0xbf: {  	[dreg:$0x0] =	wrdreg $0xFFFFFFFF;
	(pc) =	sbr.abs _section_cstart, $3  }
0xc0: {  	[dreg:$0x1] =	wrdreg $0xFFFFFFFF  }
0xc1: {  	_ =	task.clear_ibuf [dreg:s6], $0x2FFFF;
	_ =	strace $0x9FFFFFFF  }
0xc2: {  	(tm) =	ssettm $0x7FFFFFFF  }
0xc3: {  	_ =	shalt  }
tec
execute0_lowered:
.L_overlay_start_1:
0x0: {  	(tag) =	ssettag $0x1  }
0x1: {  	s0 =	rddreg [dreg:$0x0];
	s14 =	stileid.u32  }
0x2: {  	s1 =	srdreg.scid;
	s4 =	smul.u32 $0x1870, s14  }
0x3: {  	s2 =	rddreg [dreg:$0x1];
	s1 =	sand.u32 $0x1, s1  }
0x4: {  	s3 =	simm.s32 $0x0;
	s5 =	smul.u32 $0x186A00, s1;
	s4 =	smin.u32 s4, $0x16E30  }
0x5: {  	[smem:$0x7FF] =	sst s3;
	s7 =	sadd.s32 $0x1BB200, s0;
	s6 =	sshll.u32 s4, $0x4  }
0x6: {  	s8 =	sadd.s32 $0x18A400, s0;
	_ =	strace $0x80000047;
	s5 =	sadd.s32 s5, s6  }
0x7: {  	s9 =	ssub.s32 $0x2, s1;
	s15 =	ssub.s32 $0x0, s1;
	s5 =	sshrl.u32 s5, $0x3  }
0x8: {  	s4 =	sadd.s32 $0x3800, s0;
	s0 =	sadd.s32 s5, s0;
	s5 =	sadd.s32 s6, s2  }
0x9: {  	p0 =	seq.s32 s1, $0x0;
	s1 =	simm.s32 $0x62;
	s16 =	sadd.s32 $0x1000, s5  }
0xa: {  	s10 =	sshrl.u32 s9, $0x1;
	s17 =	sadd.s32 $0x2000, s5;
	[dreg:$0x3] =	wrdreg s16  }
0xb: {  	s1 =	simm.s32 @!p0 $0x60;
	s18 =	sadd.s32 $0x3000, s5;
	[dreg:$0x4] =	wrdreg s17  }
0xc: {  	s9 =	ssub.s32 s9, s10;
	s19 =	sadd.s32 $0x4000, s5;
	[dreg:$0x5] =	wrdreg s18  }
0xd: {  	s10 =	simm.s32 $0x7;
	s20 =	sadd.s32 $0x5000, s5;
	[dreg:$0x6] =	wrdreg s19  }
0xe: {  	s11 =	smul.u32 s14, s1;
	s21 =	sadd.s32 $0x6000, s5;
	[dreg:$0x7] =	wrdreg s20  }
0xf: {  	s10 =	simm.s32 @!p0 $0xE;
	s22 =	sadd.s32 $0x7000, s5;
	[dreg:$0x8] =	wrdreg s21  }
0x10: {  	s13 =	smin.u32 s14, s10;
	s23 =	sadd.s32 $0x8000, s5;
	[dreg:$0x9] =	wrdreg s22  }
0x11: {  	p0 =	slt.u32 s14, s10;
	s12 =	sadd.s32 $0x9000, s5;
	[dreg:$0xa] =	wrdreg s23  }
0x12: {  	s10 =	simm.s32 $0x1;
	s24 =	sadd.s32 $0xA000, s5;
	[dreg:$0xb] =	wrdreg s12  }
0x13: {  	s6 =	sand.u32 $0x627, s15;
	s0 =	sadd.s32 $0x34600, s0;
	[dreg:$0xc] =	wrdreg s24  }
0x14: {  	s10 =	simm.s32 @!p0 $0x0;
	s16 =	sadd.s32 $0xB000, s5;
	[dreg:$0x12] =	wrdreg s0  }
0x15: {  	s25 =	sadd.s32 s6, s11;
	s17 =	smax.u32 s9, $0x1;
	[dreg:$0x11] =	wrdreg s16  }
0x16: {  	s6 =	sadd.s32 s13, s6;
	s19 =	sadd.s32 $0xC000, s5;
	[dreg:$0x13] =	wrdreg s17  }
0x17: {  	s12 =	sadd.s32 s13, s25;
	s20 =	sadd.s32 $0xD000, s5;
	[dreg:$0x14] =	wrdreg s19  }
0x18: {  	s6 =	sadd.s32 s11, s6;
	s21 =	sadd.s32 $0xE000, s5;
	[dreg:$0x15] =	wrdreg s20  }
0x19: {  	s18 =	sor.u32 s10, s1;
	s22 =	sadd.s32 $0xF000, s5;
	[dreg:$0x16] =	wrdreg s21  }
0x1a: {  	s23 =	sadd.s32 $0x10000, s5;
	s24 =	sadd.s32 $0x11000, s5;
	[dreg:$0x17] =	wrdreg s22  }
0x1b: {  	s25 =	sadd.s32 $0x12000, s5;
	s9 =	sadd.s32 $0x16000, s5;
	[dreg:$0x18] =	wrdreg s23  }
0x1c: {  	s10 =	sadd.s32 $0x17000, s5;
	s11 =	sadd.s32 $0x18000, s5;
	[dreg:$0x19] =	wrdreg s24  }
0x1d: {  	s12 =	sshll.u32 s12, $0x6;
	[dreg:$0x1a] =	wrdreg s25;
	s16 =	simm.s32 $0x200  }
0x1e: {  	s17 =	simm.s32 $0x800;
	s19 =	simm.s32 $0x600;
	s20 =	simm.s32 $0x2800  }
0x1f: {  	s21 =	simm.s32 $0x3;
	s22 =	simm.s32 $0x4;
	s26 =	sadd.s32 s7, s12  }
0x20: {  	s28 =	sadd.s32 s8, s12;
	s31 =	sadd.s32 $0x40, s12;
	[dreg:$0xd] =	wrdreg s26  }
0x21: {  	s23 =	simm.s32 $0x0;
	[dreg:$0xe] =	wrdreg s28;
	s13 =	sadd.s32 s7, s31  }
0x22: {  	s12 =	sshll.u32 s6, $0x6;
	s14 =	sadd.s32 s8, s31;
	[dreg:$0xf] =	wrdreg s13  }
0x23: {  	s15 =	sadd.s32 s12, s8;
	s26 =	sadd.s32 $0x13000, s5;
	[dreg:$0x10] =	wrdreg s14  }
0x24: {  	s1 =	sadd.s32 s12, s7;
	s28 =	sadd.s32 $0x14000, s5;
	[dreg:$0x1b] =	wrdreg s26  }
0x25: {  	s31 =	sadd.s32 $0x15000, s5;
	s12 =	simm.s32 $0x1;
	[dreg:$0x1c] =	wrdreg s28  }
0x26: {  	s29 =	sadd.s32 $0x80, s15;
	s30 =	sadd.s32 $0x80, s1;
	[dreg:$0x1d] =	wrdreg s31  }
0x27: {  	v0 =	vimm.f32 $0.0e+00;
	s13 =	simm.s32 $0x4800;
	s14 =	simm.s32 $0x5;
	s15 =	simm.s32 $0x400  }
.LBB2_1:
0x28: {  	s0 =	simm.s32 $0x40;
	s1 =	simm.s32 $0x0  }
.LBB2_2:
0x29: {  	p0 =	sne.s32 s0, $0x3FC0;
	[tilespmem:s1+$0x4800] =	vst v0;
	s1 =	smov.u32 s0;
	s0 =	sadd.s32 $0x40, s0  }
.Ltmp0:
0x2a: {  	(pc) =	sbr.rel @p0 .LBB2_2-.Ltmp0, $2  }
0x2b: {  	_ =	sdelay $0x2  }
0x2c: {  	s1 =	sshra.s32 s1, $0x2  }
0x2d: {  	[tilespmem:s1+$0x4800] =	vst v0  }
0x2e: {  	[spmem:s5] =	stream.linear.scatter [tilespmem:s13], [sflag:$0x5], $0x1000, $0x38;
	[tilespmem:$0x1DEA8] =	vst v63  }
0x2f: {  	_ =	swait.ge [sflag:s14], $0x1000  }
0x30: {  	[sflag:s14] =	ssyncset.done $0x0  }
0x31: {  	s0 =	rddreg [dreg:$0x3];
	[sflag:s14] =	ssyncadd.s32 $0xFFFFF000  }
0x32: {  	[spmem:s0] =	stream.linear.scatter [tilespmem:s13], [sflag:$0x5], $0x1000, $0x38;
	[tilespmem:$0x1DEA8] =	vst v63  }
0x33: {  	_ =	swait.ge [sflag:s14], $0x1000  }
0x34: {  	[sflag:s14] =	ssyncset.done $0x0  }
0x35: {  	s7 =	rddreg [dreg:$0x4];
	[sflag:s14] =	ssyncadd.s32 $0xFFFFF000  }
0x36: {  	[spmem:s7] =	stream.linear.scatter [tilespmem:s13], [sflag:$0x5], $0x1000, $0x38;
	[tilespmem:$0x1DEA8] =	vst v63  }
0x37: {  	_ =	swait.ge [sflag:s14], $0x1000  }
0x38: {  	[sflag:s14] =	ssyncset.done $0x0  }
0x39: {  	s8 =	rddreg [dreg:$0x5];
	[sflag:s14] =	ssyncadd.s32 $0xFFFFF000  }
0x3a: {  	[spmem:s8] =	stream.linear.scatter [tilespmem:s13], [sflag:$0x5], $0x1000, $0x38;
	[tilespmem:$0x1DEA8] =	vst v63  }
0x3b: {  	_ =	swait.ge [sflag:s14], $0x1000  }
0x3c: {  	[sflag:s14] =	ssyncset.done $0x0  }
0x3d: {  	s24 =	rddreg [dreg:$0x6];
	[sflag:s14] =	ssyncadd.s32 $0xFFFFF000  }
0x3e: {  	[spmem:s24] =	stream.linear.scatter [tilespmem:s13], [sflag:$0x5], $0x1000, $0x38;
	[tilespmem:$0x1DEA8] =	vst v63  }
0x3f: {  	_ =	swait.ge [sflag:s14], $0x1000  }
0x40: {  	[sflag:s14] =	ssyncset.done $0x0  }
0x41: {  	s25 =	rddreg [dreg:$0x7];
	[sflag:s14] =	ssyncadd.s32 $0xFFFFF000  }
0x42: {  	[spmem:s25] =	stream.linear.scatter [tilespmem:s13], [sflag:$0x5], $0x1000, $0x38;
	[tilespmem:$0x1DEA8] =	vst v63  }
0x43: {  	_ =	swait.ge [sflag:s14], $0x1000  }
0x44: {  	[sflag:s14] =	ssyncset.done $0x0  }
0x45: {  	s26 =	rddreg [dreg:$0x8];
	[sflag:s14] =	ssyncadd.s32 $0xFFFFF000  }
0x46: {  	[spmem:s26] =	stream.linear.scatter [tilespmem:s13], [sflag:$0x5], $0x1000, $0x38;
	[tilespmem:$0x1DEA8] =	vst v63  }
0x47: {  	_ =	swait.ge [sflag:s14], $0x1000  }
0x48: {  	[sflag:s14] =	ssyncset.done $0x0  }
0x49: {  	s28 =	rddreg [dreg:$0x9];
	[sflag:s14] =	ssyncadd.s32 $0xFFFFF000  }
0x4a: {  	[spmem:s28] =	stream.linear.scatter [tilespmem:s13], [sflag:$0x5], $0x1000, $0x38;
	[tilespmem:$0x1DEA8] =	vst v63  }
0x4b: {  	_ =	swait.ge [sflag:s14], $0x1000  }
0x4c: {  	[sflag:s14] =	ssyncset.done $0x0  }
0x4d: {  	s31 =	rddreg [dreg:$0xa];
	[sflag:s14] =	ssyncadd.s32 $0xFFFFF000  }
0x4e: {  	[spmem:s31] =	stream.linear.scatter [tilespmem:s13], [sflag:$0x5], $0x1000, $0x38;
	[tilespmem:$0x1DEA8] =	vst v63  }
0x4f: {  	_ =	swait.ge [sflag:s14], $0x1000  }
0x50: {  	[sflag:s14] =	ssyncset.done $0x0  }
0x51: {  	s1 =	rddreg [dreg:$0xb];
	[sflag:s14] =	ssyncadd.s32 $0xFFFFF000  }
0x52: {  	[spmem:s1] =	stream.linear.scatter [tilespmem:s13], [sflag:$0x5], $0x1000, $0x38;
	[tilespmem:$0x1DEA8] =	vst v63  }
0x53: {  	_ =	swait.ge [sflag:s14], $0x1000  }
0x54: {  	[sflag:s14] =	ssyncset.done $0x0  }
0x55: {  	s6 =	rddreg [dreg:$0xc];
	[sflag:s14] =	ssyncadd.s32 $0xFFFFF000  }
0x56: {  	[spmem:s6] =	stream.linear.scatter [tilespmem:s13], [sflag:$0x5], $0x1000, $0x38;
	[tilespmem:$0x1DEA8] =	vst v63  }
0x57: {  	_ =	swait.ge [sflag:s14], $0x1000  }
0x58: {  	[sflag:s14] =	ssyncset.done $0x0  }
0x59: {  	s7 =	rddreg [dreg:$0x11];
	[sflag:s14] =	ssyncadd.s32 $0xFFFFF000  }
0x5a: {  	[spmem:s7] =	stream.linear.scatter [tilespmem:s13], [sflag:$0x5], $0x1000, $0x38;
	[tilespmem:$0x1DEA8] =	vst v63  }
0x5b: {  	_ =	swait.ge [sflag:s14], $0x1000  }
0x5c: {  	[sflag:s14] =	ssyncset.done $0x0  }
0x5d: {  	s8 =	rddreg [dreg:$0x14];
	[sflag:s14] =	ssyncadd.s32 $0xFFFFF000  }
0x5e: {  	[spmem:s8] =	stream.linear.scatter [tilespmem:s13], [sflag:$0x5], $0x1000, $0x38;
	[tilespmem:$0x1DEA8] =	vst v63  }
0x5f: {  	_ =	swait.ge [sflag:s14], $0x1000  }
0x60: {  	[sflag:s14] =	ssyncset.done $0x0  }
0x61: {  	s24 =	rddreg [dreg:$0x15];
	[sflag:s14] =	ssyncadd.s32 $0xFFFFF000  }
0x62: {  	[spmem:s24] =	stream.linear.scatter [tilespmem:s13], [sflag:$0x5], $0x1000, $0x38;
	[tilespmem:$0x1DEA8] =	vst v63  }
0x63: {  	_ =	swait.ge [sflag:s14], $0x1000  }
0x64: {  	[sflag:s14] =	ssyncset.done $0x0  }
0x65: {  	s25 =	rddreg [dreg:$0x16];
	[sflag:s14] =	ssyncadd.s32 $0xFFFFF000  }
0x66: {  	[spmem:s25] =	stream.linear.scatter [tilespmem:s13], [sflag:$0x5], $0x1000, $0x38;
	[tilespmem:$0x1DEA8] =	vst v63  }
0x67: {  	_ =	swait.ge [sflag:s14], $0x1000  }
0x68: {  	[sflag:s14] =	ssyncset.done $0x0  }
0x69: {  	s26 =	rddreg [dreg:$0x17];
	[sflag:s14] =	ssyncadd.s32 $0xFFFFF000  }
0x6a: {  	[spmem:s26] =	stream.linear.scatter [tilespmem:s13], [sflag:$0x5], $0x1000, $0x38;
	[tilespmem:$0x1DEA8] =	vst v63  }
0x6b: {  	_ =	swait.ge [sflag:s14], $0x1000  }
0x6c: {  	[sflag:s14] =	ssyncset.done $0x0  }
0x6d: {  	s28 =	rddreg [dreg:$0x18];
	[sflag:s14] =	ssyncadd.s32 $0xFFFFF000  }
0x6e: {  	[spmem:s28] =	stream.linear.scatter [tilespmem:s13], [sflag:$0x5], $0x1000, $0x38;
	[tilespmem:$0x1DEA8] =	vst v63  }
0x6f: {  	_ =	swait.ge [sflag:s14], $0x1000  }
0x70: {  	[sflag:s14] =	ssyncset.done $0x0  }
0x71: {  	s31 =	rddreg [dreg:$0x19];
	[sflag:s14] =	ssyncadd.s32 $0xFFFFF000  }
0x72: {  	[spmem:s31] =	stream.linear.scatter [tilespmem:s13], [sflag:$0x5], $0x1000, $0x38;
	[tilespmem:$0x1DEA8] =	vst v63  }
0x73: {  	_ =	swait.ge [sflag:s14], $0x1000  }
0x74: {  	[sflag:s14] =	ssyncset.done $0x0  }
0x75: {  	s1 =	rddreg [dreg:$0x1a];
	[sflag:s14] =	ssyncadd.s32 $0xFFFFF000  }
0x76: {  	[spmem:s1] =	stream.linear.scatter [tilespmem:s13], [sflag:$0x5], $0x1000, $0x38;
	[tilespmem:$0x1DEA8] =	vst v63  }
0x77: {  	_ =	swait.ge [sflag:s14], $0x1000  }
0x78: {  	[sflag:s14] =	ssyncset.done $0x0  }
0x79: {  	s6 =	rddreg [dreg:$0x1b];
	[sflag:s14] =	ssyncadd.s32 $0xFFFFF000  }
0x7a: {  	[spmem:s6] =	stream.linear.scatter [tilespmem:s13], [sflag:$0x5], $0x1000, $0x38;
	[tilespmem:$0x1DEA8] =	vst v63  }
0x7b: {  	_ =	swait.ge [sflag:s14], $0x1000  }
0x7c: {  	[sflag:s14] =	ssyncset.done $0x0  }
0x7d: {  	s7 =	rddreg [dreg:$0x1c];
	[sflag:s14] =	ssyncadd.s32 $0xFFFFF000  }
0x7e: {  	[spmem:s7] =	stream.linear.scatter [tilespmem:s13], [sflag:$0x5], $0x1000, $0x38;
	[tilespmem:$0x1DEA8] =	vst v63  }
0x7f: {  	_ =	swait.ge [sflag:s14], $0x1000  }
0x80: {  	[sflag:s14] =	ssyncset.done $0x0  }
0x81: {  	s8 =	rddreg [dreg:$0x1d];
	[sflag:s14] =	ssyncadd.s32 $0xFFFFF000  }
0x82: {  	[spmem:s8] =	stream.linear.scatter [tilespmem:s13], [sflag:$0x5], $0x1000, $0x38;
	[tilespmem:$0x1DEA8] =	vst v63  }
0x83: {  	_ =	swait.ge [sflag:s14], $0x1000  }
0x84: {  	[sflag:s14] =	ssyncset.done $0x0  }
0x85: {  	[sflag:s14] =	ssyncadd.s32 $0xFFFFF000  }
0x86: {  	[spmem:s9] =	stream.linear.scatter [tilespmem:s13], [sflag:$0x5], $0x1000, $0x38;
	[tilespmem:$0x1DEA8] =	vst v63  }
0x87: {  	_ =	swait.ge [sflag:s14], $0x1000  }
0x88: {  	[sflag:s14] =	ssyncset.done $0x0  }
0x89: {  	[sflag:s14] =	ssyncadd.s32 $0xFFFFF000  }
0x8a: {  	[spmem:s10] =	stream.linear.scatter [tilespmem:s13], [sflag:$0x5], $0x1000, $0x38;
	[tilespmem:$0x1DEA8] =	vst v63  }
0x8b: {  	_ =	swait.ge [sflag:s14], $0x1000  }
0x8c: {  	[sflag:s14] =	ssyncset.done $0x0  }
0x8d: {  	[sflag:s14] =	ssyncadd.s32 $0xFFFFF000  }
0x8e: {  	[spmem:s11] =	stream.linear.scatter [tilespmem:s13], [sflag:$0x5], $0x700, $0x38;
	[tilespmem:$0x1DEA8] =	vst v63  }
0x8f: {  	_ =	swait.ge [sflag:s14], $0x700  }
0x90: {  	[sflag:s14] =	ssyncset.done $0x0  }
0x91: {  	[sflag:s14] =	ssyncadd.s32 $0xFFFFF900  }
0x92: {  	[bflag:$0x0] =	sbarrier.arrive $0xFFFF  }
0x93: {  	s24 =	rddreg [dreg:$0xd]  }
0x94: {  	[tilespmem:s3], [sflag:$0x5] =	stream.linear.gather [hbm4b:s24+s3], $0x200, $0x38;
	[tilespmem:$0x1DEA8] =	vst v63  }
0x95: {  	_ =	swait.ge [sflag:s14], $0x200  }
0x96: {  	[sflag:s14] =	ssyncset.done $0x0  }
0x97: {  	s25 =	rddreg [dreg:$0xe];
	[sflag:s14] =	ssyncadd.s32 $0xFFFFFE00  }
0x98: {  	[tilespmem:s15], [sflag:$0x5] =	stream.linear.gather [hbm4b:s25+s3], $0x200, $0x38;
	[tilespmem:$0x1DEA8] =	vst v63  }
0x99: {  	_ =	swait.ge [sflag:s14], $0x200  }
0x9a: {  	[sflag:s14] =	ssyncset.done $0x0  }
0x9b: {  	[sflag:s14] =	ssyncadd.s32 $0xFFFFFE00  }
0x9c: {  	[tilespmem:s17], [sflag:$0x1] =	stream.indirect.gather [hbm4b:s4+s16], $0x10, s3, s16, $0xb8;
	[tilespmem:$0x1DEA8] =	vst v63  }
0x9d: {  	_ =	swait.ge [sflag:s12], $0x2000  }
0x9e: {  	[sflag:s12] =	ssyncset.done $0x0  }
0x9f: {  	[sflag:s12] =	ssyncadd.s32 $0xFFFFE000  }
0xa0: {  	[spmem:s2] =	stream.indirect.scatter.add.f32 [tilespmem:s17], [sflag:$0x3], $0x10, s15, s16, $0xb8;
	[tilespmem:$0x1DEA8] =	vst v63  }
0xa1: {  	s26 =	rddreg [dreg:$0xf]  }
0xa2: {  	[tilespmem:s16], [sflag:$0x5] =	stream.linear.gather [hbm4b:s26+s3], $0x200, $0x38;
	[tilespmem:$0x1DEA8] =	vst v63  }
0xa3: {  	_ =	swait.ge [sflag:s14], $0x200  }
0xa4: {  	[sflag:s14] =	ssyncset.done $0x0  }
0xa5: {  	s28 =	rddreg [dreg:$0x10];
	[sflag:s14] =	ssyncadd.s32 $0xFFFFFE00  }
0xa6: {  	[tilespmem:s19], [sflag:$0x5] =	stream.linear.gather [hbm4b:s28+s3], $0x200, $0x38;
	[tilespmem:$0x1DEA8] =	vst v63  }
0xa7: {  	_ =	swait.ge [sflag:s14], $0x200  }
0xa8: {  	[sflag:s14] =	ssyncset.done $0x0  }
0xa9: {  	p1 =	sne.s32 s18, $0x3;
	[sflag:s14] =	ssyncadd.s32 $0xFFFFFE00  }
0xaa: {  	[tilespmem:s20], [sflag:$0x2] =	stream.indirect.gather [hbm4b:s4+s16], $0x10, s16, s16, $0xb8;
	[tilespmem:$0x1DEA8] =	vst v63  }
.Ltmp1:
0xab: {  	s31 =	simm.s32 $0x2;
	(pc) =	sbr.rel @!p1 .LBB2_4-.Ltmp1, $4  }
0xac: {  	_ =	swait.ge [sflag:s31], $0x2000  }
0xad: {  	p0 =	por $0x0, $0x0;
	[sflag:s31] =	ssyncset.done $0x0  }
0xae: {  	s24 =	simm.s32 $0x3;
	s26 =	sand.u32 $0x1, s31;
	[sflag:s31] =	ssyncadd.s32 $0xFFFFE000  }
0xaf: {  	[spmem:s2] =	stream.indirect.scatter.add.f32 [tilespmem:s20], [sflag:$0x4], $0x10, s19, s16, $0xb8;
	[tilespmem:$0x1DEA8] =	vst v63  }
0xb0: {  	s28 =	sadd.s32 $0x3, s26  }
0xb1: {  	_ =	swait.ge [sflag:s28], $0x2000  }
0xb2: {  	[sflag:s28] =	ssyncset.done $0x0  }
0xb3: {  	s25 =	sshll.u32 s26, $0x9;
	[sflag:s28] =	ssyncadd.s32 $0xFFFFE000  }
0xb4: {  	[tilespmem:s25], [sflag:$0x5] =	stream.linear.gather [hbm4b:s30+s3], $0x200, $0x38;
	[tilespmem:$0x1DEA8] =	vst v63  }
0xb5: {  	_ =	swait.ge [sflag:s14], $0x200  }
0xb6: {  	[sflag:s14] =	ssyncset.done $0x0  }
0xb7: {  	s1 =	sor.u32 $0x400, s25;
	[sflag:s14] =	ssyncadd.s32 $0xFFFFFE00  }
0xb8: {  	[tilespmem:s1], [sflag:$0x5] =	stream.linear.gather [hbm4b:s29+s3], $0x200, $0x38;
	[tilespmem:$0x1DEA8] =	vst v63  }
0xb9: {  	s31 =	simm.s32 $0x4;
	p1 =	sne.s32 s18, $0x4;
	_ =	swait.ge [sflag:s14], $0x200  }
.Ltmp2:
0xba: {  	s0 =	sshll.u32 s26, $0xD;
	[sflag:s14] =	ssyncset.done $0x0;
	(pc) =	sbr.rel @!p1 .LBB2_7-.Ltmp2, $4  }
0xbb: {  	s6 =	sadd.s32 $0x1, s26;
	s0 =	sor.u32 $0x800, s0;
	[sflag:s14] =	ssyncadd.s32 $0xFFFFFE00  }
0xbc: {  	[tilespmem:s0], [sflag:s6] =	stream.indirect.gather [hbm4b:s4+s16], $0x10, s25, s16, $0xb8;
	[tilespmem:$0x1DEA8] =	vst v63  }
0xbd: {  	s26 =	sand.u32 $0x1, s24;
	s24 =	sadd.s32 $0x40, s29;
	_ =	swait.ge [sflag:s6], $0x2000  }
0xbe: {  	p0 =	por $0x1, $0x1;
	s25 =	sadd.s32 $0x40, s30;
	[sflag:s6] =	ssyncset.done $0x0  }
.LBB2_6:
0xbf: {  	s7 =	sadd.s32 $0x3, s26  }
0xc0: {  	[sflag:s6] =	ssyncadd.s32 $0xFFFFE000;
	s8 =	smov.u32 s31;
	s31 =	sadd.s32 $0x1, s31  }
0xc1: {  	[spmem:s2] =	stream.indirect.scatter.add.f32 [tilespmem:s0], [sflag:s28], $0x10, s1, s16, $0xb8;
	[tilespmem:$0x1DEA8] =	vst v63  }
0xc2: {  	p1 =	sne.s32 s18, s31;
	s28 =	smov.u32 s7;
	_ =	swait.ge [sflag:s7], $0x2000  }
0xc3: {  	[sflag:s28] =	ssyncset.done $0x0  }
0xc4: {  	s7 =	sshll.u32 s26, $0x9;
	[sflag:s28] =	ssyncadd.s32 $0xFFFFE000  }
0xc5: {  	[tilespmem:s7], [sflag:$0x5] =	stream.linear.gather [hbm4b:s25+s3], $0x200, $0x38;
	[tilespmem:$0x1DEA8] =	vst v63  }
0xc6: {  	_ =	swait.ge [sflag:s14], $0x200  }
0xc7: {  	[sflag:s14] =	ssyncset.done $0x0  }
0xc8: {  	s1 =	sor.u32 $0x400, s7;
	[sflag:s14] =	ssyncadd.s32 $0xFFFFFE00  }
0xc9: {  	[tilespmem:s1], [sflag:$0x5] =	stream.linear.gather [hbm4b:s24+s3], $0x200, $0x38;
	[tilespmem:$0x1DEA8] =	vst v63  }
0xca: {  	_ =	swait.ge [sflag:s14], $0x200  }
.Ltmp3:
0xcb: {  	s0 =	sshll.u32 s26, $0xD;
	[sflag:s14] =	ssyncset.done $0x0;
	(pc) =	sbr.rel @p1 .LBB2_6-.Ltmp3, $4  }
0xcc: {  	s6 =	sadd.s32 $0x1, s26;
	s0 =	sor.u32 $0x800, s0;
	[sflag:s14] =	ssyncadd.s32 $0xFFFFFE00  }
0xcd: {  	[tilespmem:s0], [sflag:s6] =	stream.indirect.gather [hbm4b:s4+s16], $0x10, s7, s16, $0xb8;
	[tilespmem:$0x1DEA8] =	vst v63  }
0xce: {  	s25 =	sadd.s32 $0x40, s25;
	_ =	swait.ge [sflag:s6], $0x2000  }
0xcf: {  	s26 =	sand.u32 $0x1, s8;
	s24 =	sadd.s32 $0x40, s24;
	[sflag:s6] =	ssyncset.done $0x0  }
.LBB2_7:
0xd0: {  	s7 =	sadd.s32 $0x3, s26;
	[sflag:s6] =	ssyncadd.s32 @p0 $0xFFFFE000  }
0xd1: {  	[spmem:s2] =	stream.indirect.scatter.add.f32 @p0 [tilespmem:s0], [sflag:s28], $0x10, s1, s16, $0xb8;
	[tilespmem:$0x1DEA8] =	vst v63  }
0xd2: {  	_ =	swait.ge [sflag:s7], $0x2000  }
0xd3: {  	[sflag:s7] =	ssyncset.done $0x0  }
0xd4: {  	s28 =	sshll.u32 s26, $0x9;
	[sflag:s7] =	ssyncadd.s32 $0xFFFFE000  }
0xd5: {  	[tilespmem:s28], [sflag:$0x5] =	stream.linear.gather [hbm4b:s25+s3], $0x200, $0x38;
	[tilespmem:$0x1DEA8] =	vst v63  }
0xd6: {  	_ =	swait.ge [sflag:s14], $0x200  }
0xd7: {  	[sflag:s14] =	ssyncset.done $0x0  }
0xd8: {  	s31 =	sor.u32 $0x400, s28;
	[sflag:s14] =	ssyncadd.s32 $0xFFFFFE00  }
0xd9: {  	[tilespmem:s31], [sflag:$0x5] =	stream.linear.gather [hbm4b:s24+s3], $0x200, $0x38;
	[tilespmem:$0x1DEA8] =	vst v63  }
0xda: {  	_ =	swait.ge [sflag:s14], $0x200  }
0xdb: {  	s24 =	sshll.u32 s26, $0xD;
	[sflag:s14] =	ssyncset.done $0x0  }
0xdc: {  	s8 =	sadd.s32 $0x1, s26;
	s6 =	sor.u32 $0x800, s24;
	[sflag:s14] =	ssyncadd.s32 $0xFFFFFE00  }
0xdd: {  	[tilespmem:s6], [sflag:s8] =	stream.indirect.gather [hbm4b:s4+s16], $0x10, s28, s16, $0xb8;
	[tilespmem:$0x1DEA8] =	vst v63  }
0xde: {  	_ =	swait.ge [sflag:s8], $0x2000  }
0xdf: {  	[sflag:s8] =	ssyncset.done $0x0  }
0xe0: {  	[sflag:s8] =	ssyncadd.s32 $0xFFFFE000  }
0xe1: {  	[spmem:s2] =	stream.indirect.scatter.add.f32 [tilespmem:s6], [sflag:s7], $0x10, s31, s16, $0xb8;
	[tilespmem:$0x1DEA8] =	vst v63  }
0xe2: {  	_ =	swait.ge [sflag:s21], $0x2000  }
0xe3: {  	[sflag:s21] =	ssyncset.done $0x0  }
0xe4: {  	[sflag:s21] =	ssyncadd.s32 $0xFFFFE000  }
0xe5: {  	_ =	swait.ge [sflag:s22], $0x2000  }
0xe6: {  	[sflag:s22] =	ssyncset.done $0x0  }
0xe7: {  	s25 =	stileid.u32;
	[sflag:s22] =	ssyncadd.s32 $0xFFFFE000  }
0xe8: {  	s0 =	sshll.u32 s25, $0x6;
	[bflag:$0x0] =	sbarrier.arrive $0xFFFF  }
0xe9: {  	s0 =	sor.u32 $0x1C05, s0;
	s26 =	sshrl.u32 s5, $0x3;
	s28 =	rddreg [dreg:$0x12]  }
0xea: {  	[hbm:s28], [sflag:s0] =	dma.local [spmem:s26], $0x30E0  }
0xeb: {  	_ =	swait.ge [sflag:s14], $0x30E0  }
0xec: {  	s23 =	sadd.s32 $0x1, s23;
	s31 =	rddreg [dreg:$0x13]  }
0xed: {  	p0 =	sne.s32 s23, s31  }
.Ltmp4:
0xee: {  	_ = 	snop;
	(pc) =	sbr.rel @p0 .LBB2_1-.Ltmp4, $4  }
.Ltmp5:
0xef: {  	_ = 	snop;
	(pc) =	sbr.rel @!p0 .LBB2_8-.Ltmp5, $4  }
0xf0: {  	_ = 	snop  }
0xf1: {  	[sflag:s14] =	ssyncset.done $0x0  }
0xf2: {  	[sflag:s14] =	ssyncadd.s32 $0xFFFFCF20  }
0xf3: {  	_ = 	snop  }
.LBB2_4:
.Ltmp6:
0xf4: {  	(pc) =	sbr.rel .LBB2_7-.Ltmp6, $2  }
0xf5: {  	_ =	sdelay $0x2  }
0xf6: {  	s25 =	smov.u32 s30;
	s24 =	smov.u32 s29  }
.LBB2_8:
0xf7: {  	_ =	sfence.sel $0x180000  }
0xf8: {  	[bflag:$0x0] =	sbarrier.arrive $0xFFFF  }
0xf9: {  	_ =	strace $0x90000047  }
0xfa: {  	s0 =	stileid.u32;
	[bflag:$0x2] =	sbarrier.arrive $0xFFFF  }
0xfb: {  	p0 =	sne.s32 s0, $0x0;
	s0 =	rddreg [dreg:$0x2]  }
0xfc: {  	s0 =	sadd.s32 @!p0 $0x100000, s0  }
0xfd: {  	[sflag:s0] =	ssyncadd.tile.s32 @!p0 $0x1;
	_ =	shalt  }
.Lfunc_end2:
_tile_overlayer_lowered:
.L_overlay_start_2:
0xfe: {  	(tag) =	ssettag $0x2  }
0xff: {  	s0 =	rddreg [dreg:$0x0];
	s2 =	stileid.u32  }
0x100: {  	s1 =	rddreg [dreg:$0x1];
	p0 =	sne.s32 s2, $0x0  }
0x101: {  	s3 =	rddreg [dreg:$0x2];
	[bflag:$0x3] =	sbarrier.arrive $0xFFFF;
	s2 =	simm.s32 @!p0 $0x1C05  }
0x102: {  	[timem:s3], [sflag:s2] =	dma.local @!p0 [hbm:s0], s1  }
0x103: {  	s0 =	simm.s32 @!p0 $0x5  }
0x104: {  	_ =	swait.ge @!p0 [sflag:s0], s1  }
0x105: {  	s1 =	ssub.s32 @!p0 $0x0, s1;
	[sflag:s0] =	ssyncset.done @!p0 $0x0  }
0x106: {  	[sflag:s0] =	ssyncadd.s32 @!p0 s1  }
0x107: {  	[bflag:$0x3] =	sbarrier.arrive $0xFFFF  }
0x108: {  	_ =	shalt  }

// kernel: kernel.14.cloned.1.call-start
scs
__scs_entry_jumppad:
0x0: {  	(pc) =	sbr.rel $0x88, $3  }
0x1: {  	(tag) =	ssettag $0x0;
	lr =	simm.s32 $0x1  }
0x2: {  	[smem:$0x3F95] =	sst lr;
	_ =	strace $0xD0000000  }
0x3: {  	_ = 	snop  }
0x4: {  	_ = 	snop  }
0x5: {  	_ = 	snop  }
0x6: {  	_ = 	snop  }
0x7: {  	_ = 	snop  }
__scs_overlays_trampoline_lowered:
0x8: {  	[smem:$0x3FA4] =	sst s0  }
0x9: {  	[smem:$0x3FA5] =	sst s1  }
0xa: {  	[smem:$0x3FA6] =	sst s2  }
0xb: {  	[smem:$0x3FA7] =	sst s3  }
0xc: {  	[smem:$0x3FA8] =	sst s4  }
0xd: {  	[smem:$0x3FA9] =	sst s5  }
0xe: {  	[smem:$0x3FAA] =	sst s6  }
0xf: {  	[smem:$0x3FAB] =	sst s7  }
0x10: {  	[smem:$0x3FAC] =	sst s8  }
0x11: {  	[smem:$0x3FAD] =	sst s9;
	s0 =	simm.s32 @!p0 $0x0  }
0x12: {  	s1 =	sld [smem:$0x3F93];
	s0 =	simm.s32 @p0 $0x1  }
0x13: {  	[smem:$0x3FAE] =	sst s0;
	s0 =	simm.s32 @!p1 $0x0  }
0x14: {  	s2 =	sld [smem:$0x3F92];
	s0 =	simm.s32 @p1 $0x1  }
0x15: {  	[smem:$0x3FAF] =	sst s0;
	s0 =	simm.s32 @!p2 $0x0  }
0x16: {  	s3 =	sld [smem:$0x3FDB];
	s0 =	simm.s32 @p2 $0x1  }
0x17: {  	s4 =	simm.s32 $0x1BF5;
	[smem:$0x3FB1] =	sst s0  }
0x18: {  	s0 =	sld [smem:$0x3F94];
	_ =	swait.ge [sflag:s4], $0x0  }
0x19: {  	s7 =	sld [smem:$0x3F95]  }
0x1a: {  	s8 =	sadd.s32 $0xFFFFE003, lr  }
0x1b: {  	s9 =	sadd.s32 $0xFFFFFEF7, lr;
	s5 =	simm.s32 $0xFFFFFFFF;
	p2 =	slt.u32 s8, $0xFFFFF086  }
0x1c: {  	p1 =	slt.u32 s9, $0xF7A;
	s5 =	simm.s32 @!p2 $0x0  }
0x1d: {  	s5 =	simm.s32 @p1 $0x1;
	p0 =	seq.s32 s7, s2  }
0x1e: {  	s7 =	smul.u32 @!p0 $0xF7A, s2;
	p2 =	seq.s32 @!p0 s5, $0x0  }
0x1f: {  	s9 =	smul.u32 $0xF7A, s1;
	s8 =	simm.s32 @!p0 $0x1BF5;
	p2 =	por !p2, p0  }
0x20: {  	[sflag:s8] =	ssyncset.s32 @!p0 $0xFFFFF086;
	s6 =	sadd.s32 @!p0 s3, s7;
	s7 =	simm.s32 @!p0 $0x108  }
0x21: {  	s3 =	sadd.s32 s3, s9;
	s6 =	sadd.s32 @!p0 $0x88, s6;
	s7 =	simm.s32 @p2 $0x1082  }
0x22: {  	[simem:s7], [sflag:s8] =	dma.local @!p0 [hbm:s6], $0xF7A  }
0x23: {  	s9 =	sor.u32 $0xD0000000, s2;
	s6 =	simm.s32 $0x108;
	_ =	swait.ge @!p0 [sflag:s8], $0x0  }
0x24: {  	s3 =	sadd.s32 $0x88, s3;
	s6 =	simm.s32 @!p1 $0x1082;
	[sflag:s4] =	ssyncset.s32 $0xFFFFF086  }
0x25: {  	[simem:s6], [sflag:s4] =	dma.local [hbm:s3], $0xF7A  }
0x26: {  	[smem:$0x3F95] =	sst s1;
	(tag) =	ssettag s2;
	_ =	strace s9  }
0x27: {  	s1 =	sld [smem:$0x3FA5]  }
0x28: {  	s2 =	sld [smem:$0x3FA6]  }
0x29: {  	s4 =	sld [smem:$0x3FA8]  }
0x2a: {  	p0 =	seq.s32 s5, $0x0;
	s5 =	sld [smem:$0x3FA9]  }
0x2b: {  	s6 =	sld [smem:$0x3FAA]  }
0x2c: {  	s7 =	sld [smem:$0x3FAB]  }
0x2d: {  	s3 =	simm.s32 $0x108;
	s8 =	sld [smem:$0x3FAC]  }
0x2e: {  	s3 =	simm.s32 @!p0 $0x1082;
	s9 =	sld [smem:$0x3FAD]  }
0x2f: {  	lr =	sadd.s32 s0, s3;
	s0 =	sld [smem:$0x3FA4]  }
0x30: {  	s3 =	sld [smem:$0x3FA7]  }
0x31: {  	[smem:$0x3FB0] =	sst s10  }
0x32: {  	s10 =	sld [smem:$0x3FAE];
	_ =	sdelay $0x3  }
0x33: {  	p0 =	seq.s32 s10, $0x1;
	s10 =	sld [smem:$0x3FB0];
	_ =	sdelay $0x3  }
0x34: {  	[smem:$0x3FB0] =	sst s10  }
0x35: {  	s10 =	sld [smem:$0x3FAF];
	_ =	sdelay $0x3  }
0x36: {  	p1 =	seq.s32 s10, $0x1;
	s10 =	sld [smem:$0x3FB0];
	_ =	sdelay $0x3  }
0x37: {  	[smem:$0x3FB0] =	sst s10  }
0x38: {  	s10 =	sld [smem:$0x3FB1]  }
0x39: {  	_ = 	snop;
	(pc) =	sbr.ind lr, $3  }
0x3a: {  	_ = 	snop  }
0x3b: {  	_ = 	snop  }
0x3c: {  	p2 =	seq.s32 s10, $0x1;
	s10 =	sld [smem:$0x3FB0]  }
0x3d: {  	_ =	shalt  }
0x3e: {  	_ =	shalt  }
0x3f: {  	_ =	shalt  }
0x40: {  	_ =	shalt  }
0x41: {  	_ =	shalt  }
0x42: {  	_ =	shalt  }
0x43: {  	_ =	shalt  }
0x44: {  	_ =	shalt  }
0x45: {  	_ =	shalt  }
0x46: {  	_ =	shalt  }
0x47: {  	_ =	shalt  }
0x48: {  	_ =	shalt  }
0x49: {  	_ =	shalt  }
0x4a: {  	_ =	shalt  }
0x4b: {  	_ =	shalt  }
0x4c: {  	_ =	shalt  }
0x4d: {  	_ =	shalt  }
0x4e: {  	_ =	shalt  }
0x4f: {  	_ =	shalt  }
0x50: {  	_ =	shalt  }
0x51: {  	_ =	shalt  }
0x52: {  	_ =	shalt  }
0x53: {  	_ =	shalt  }
0x54: {  	_ =	shalt  }
0x55: {  	_ =	shalt  }
0x56: {  	_ =	shalt  }
0x57: {  	_ =	shalt  }
0x58: {  	_ =	shalt  }
0x59: {  	_ =	shalt  }
0x5a: {  	_ =	shalt  }
0x5b: {  	_ =	shalt  }
0x5c: {  	_ =	shalt  }
0x5d: {  	_ =	shalt  }
0x5e: {  	_ =	shalt  }
0x5f: {  	_ =	shalt  }
0x60: {  	_ =	shalt  }
0x61: {  	_ =	shalt  }
0x62: {  	_ =	shalt  }
0x63: {  	_ =	shalt  }
0x64: {  	_ =	shalt  }
0x65: {  	_ =	shalt  }
0x66: {  	_ =	shalt  }
0x67: {  	_ =	shalt  }
0x68: {  	_ =	shalt  }
0x69: {  	_ =	shalt  }
0x6a: {  	_ =	shalt  }
0x6b: {  	_ =	shalt  }
0x6c: {  	_ =	shalt  }
0x6d: {  	_ =	shalt  }
0x6e: {  	_ =	shalt  }
0x6f: {  	_ =	shalt  }
0x70: {  	_ =	shalt  }
0x71: {  	_ =	shalt  }
0x72: {  	_ =	shalt  }
0x73: {  	_ =	shalt  }
0x74: {  	_ =	shalt  }
0x75: {  	_ =	shalt  }
0x76: {  	_ =	shalt  }
0x77: {  	_ =	shalt  }
0x78: {  	_ =	shalt  }
0x79: {  	_ =	shalt  }
0x7a: {  	_ =	shalt  }
0x7b: {  	_ =	shalt  }
0x7c: {  	_ =	shalt  }
0x7d: {  	_ =	shalt  }
0x7e: {  	_ =	shalt  }
0x7f: {  	_ =	shalt  }
0x80: {  	_ =	shalt  }
0x81: {  	_ =	shalt  }
0x82: {  	_ =	shalt  }
0x83: {  	_ =	shalt  }
0x84: {  	_ =	shalt  }
0x85: {  	_ =	shalt  }
0x86: {  	_ =	shalt  }
0x87: {  	_ =	shalt  }
.Lfunc_end0:
.L_simem_size_0:
called_computation.2_lowered:
.L_overlay_start_0:
0x88: {  	s2 =	sld [smem:$0x3FD9]  }
0x89: {  	s3 =	sld [smem:$0x3FFE];
	_ =	sdelay $0x1  }
0x8a: {  	s1 =	srdreg.scid  }
0x8b: {  	s0 =	sand.u32 $0x1, s1  }
0x8c: {  	s16 =	sshll.u32 s0, $0xA;
	s2 =	sadd.s32 s3, s2  }
0x8d: {  	s2 =	sadd.s32 s2, s16  }
0x8e: {  	[smem:$0x3FBC] =	sst s2  }
0x8f: {  	_ = 	snop  }
0x90: {  	(tm) =	ssettm $0x1  }
0x91: {  	s17 =	sld [smem:$0x3FFB];
	_ =	sdelay $0x3  }
0x92: {  	_ =	strace s17  }
0x93: {  	s2 =	sld [smem:$0x3FFC];
	_ =	sdelay $0x3  }
0x94: {  	_ =	strace s2  }
0x95: {  	s2 =	sld [smem:$0x3FFD];
	_ =	sdelay $0x3  }
0x96: {  	_ =	strace s2  }
0x97: {  	_ =	strace $0x8FFFFFFF  }
0x98: {  	s18 =	sld [smem:$0x3FDB];
	_ =	sdelay $0x1  }
0x99: {  	s19 =	simm.s32 $_scs_section_size  }
0x9a: {  	s4 =	simm.s32 $_size__tile_overlayer_lowered;
	s5 =	simm.s32 $_tile_overlayer_lowered  }
0x9b: {  	s22 =	simm.s32 $0x1BFF;
	s21 =	sshll.u32 s5, $0x1;
	s2 =	sadd.s32 s19, s18  }
0x9c: {  	s6 =	simm.s32 $0x0;
	s20 =	sshll.u32 s4, $0x1;
	s4 =	sadd.s32 s21, s2  }
0x9d: {  	[timem:s6], [sflag:s22] =	dma.local [hbm:s4], s20  }
0x9e: {  	_ =	swait.ge [sflag:s22], s20  }
0x9f: {  	s3 =	ssub.s32 $0x0, s20;
	[sflag:s22] =	ssyncset.done $0x0  }
0xa0: {  	[sflag:s22] =	ssyncadd.s32 s3;
	_ =	sdelay $0x1  }
0xa1: {  	s23 =	simm.s32 $0x1B8B  }
0xa2: {  	_ =	swait.ge [sflag:s23], $0x1  }
0xa3: {  	[sflag:s23] =	ssyncset.done $0x0  }
0xa4: {  	s25 =	simm.s32 $0x1B8E;
	s24 =	sld [smem:$0x3FFE];
	[sflag:s23] =	ssyncadd.s32 $0xFFFFFFFF  }
0xa5: {  	s26 =	simm.s32 $execute0_lowered;
	[smem:$0x3FD2] =	sst s25  }
0xa6: {  	s4 =	sshll.u32 s26, $0x1;
	_ =	strace $0x8000004C;
	[dreg:$0x1] =	wrdreg $0xFFFFFFFF  }
0xa7: {  	s28 =	simm.s32 $_size_execute0_lowered;
	s2 =	sadd.s32 s2, s4;
	[dreg:$0x0] =	wrdreg $0x0  }
0xa8: {  	s4 =	sshll.u32 s28, $0x1;
	[dreg:$0x2] =	wrdreg s2  }
0xa9: {  	[dreg:$0x3] =	wrdreg s4  }
0xaa: {  	[dreg:$0x4] =	wrdreg $0xC0  }
0xab: {  	_ =	task [dreg:s6], $0x5FFFF  }
0xac: {  	[dreg:$0x1] =	wrdreg $0xFFFFFFFF  }
0xad: {  	[dreg:$0x0] =	wrdreg $0x60  }
0xae: {  	[dreg:$0x2] =	wrdreg s24  }
0xaf: {  	[dreg:$0x3] =	wrdreg $0x58000  }
0xb0: {  	[dreg:$0x4] =	wrdreg $0x9  }
0xb1: {  	_ =	task.clear_ibuf [dreg:s6], $0x5FFFF;
	_ =	strace $0x9000004C  }
0xb2: {  	s29 =	simm.s32 $0x9;
	_ =	strace $0x8000004E  }
0xb3: {  	_ =	swait.ge [sflag:s29], $0x1  }
0xb4: {  	[sflag:s29] =	ssyncadd.s32 $0xFFFFFFFF  }
0xb5: {  	_ =	strace $0x9000004E  }
0xb6: {  	_ =	sfence  }
0xb7: {  	s30 =	sld [smem:$0x0];
	_ =	sdelay $0x2  }
0xb8: {  	s31 =	sshll.u32 s1, $0xD;
	s1 =	sshrl.u32 s1, $0x2  }
0xb9: {  	s3 =	sand.u32 $0x4000, s31;
	s1 =	sadd.s32 s1, s30  }
0xba: {  	s0 =	sor.u32 s3, s0;
	s1 =	sshll.u32 s1, $0x11  }
0xbb: {  	s0 =	sor.u32 s1, s0  }
0xbc: {  	s0 =	sadd.s32 $0x8F2B, s0  }
0xbd: {  	[sflag:s0] =	ssyncadd.remote.s32 $0x1  }
0xbe: {  	_ =	sfence.sel $0xFFFF  }
0xbf: {  	[dreg:$0x0] =	wrdreg $0xFFFFFFFF;
	(pc) =	sbr.abs _section_cstart, $3  }
0xc0: {  	[dreg:$0x1] =	wrdreg $0xFFFFFFFF  }
0xc1: {  	_ =	task.clear_ibuf [dreg:s6], $0x2FFFF;
	_ =	strace $0x9FFFFFFF  }
0xc2: {  	(tm) =	ssettm $0x7FFFFFFF  }
0xc3: {  	_ =	shalt  }
tec
execute0_lowered:
.L_overlay_start_1:
0x0: {  	(tag) =	ssettag $0x1  }
0x1: {  	s0 =	rddreg [dreg:$0x0];
	s14 =	stileid.u32  }
0x2: {  	s1 =	srdreg.scid;
	s4 =	smul.u32 $0x1870, s14  }
0x3: {  	s2 =	rddreg [dreg:$0x1];
	s1 =	sand.u32 $0x1, s1  }
0x4: {  	s3 =	simm.s32 $0x0;
	s5 =	smul.u32 $0x186A00, s1;
	s4 =	smin.u32 s4, $0x16E30  }
0x5: {  	[smem:$0x7FF] =	sst s3;
	s7 =	sadd.s32 $0x1BB200, s0;
	s6 =	sshll.u32 s4, $0x4  }
0x6: {  	s8 =	sadd.s32 $0x18A400, s0;
	_ =	strace $0x8000004D;
	s5 =	sadd.s32 s5, s6  }
0x7: {  	s9 =	ssub.s32 $0x2, s1;
	s15 =	ssub.s32 $0x0, s1;
	s5 =	sshrl.u32 s5, $0x3  }
0x8: {  	s4 =	sadd.s32 $0x3800, s0;
	s0 =	sadd.s32 s5, s0;
	s5 =	sadd.s32 s6, s2  }
0x9: {  	p0 =	seq.s32 s1, $0x0;
	s1 =	simm.s32 $0x62;
	s16 =	sadd.s32 $0x1000, s5  }
0xa: {  	s10 =	sshrl.u32 s9, $0x1;
	s17 =	sadd.s32 $0x2000, s5;
	[dreg:$0x3] =	wrdreg s16  }
0xb: {  	s1 =	simm.s32 @!p0 $0x60;
	s18 =	sadd.s32 $0x3000, s5;
	[dreg:$0x4] =	wrdreg s17  }
0xc: {  	s9 =	ssub.s32 s9, s10;
	s19 =	sadd.s32 $0x4000, s5;
	[dreg:$0x5] =	wrdreg s18  }
0xd: {  	s10 =	simm.s32 $0x7;
	s20 =	sadd.s32 $0x5000, s5;
	[dreg:$0x6] =	wrdreg s19  }
0xe: {  	s11 =	smul.u32 s14, s1;
	s21 =	sadd.s32 $0x6000, s5;
	[dreg:$0x7] =	wrdreg s20  }
0xf: {  	s10 =	simm.s32 @!p0 $0xE;
	s22 =	sadd.s32 $0x7000, s5;
	[dreg:$0x8] =	wrdreg s21  }
0x10: {  	s13 =	smin.u32 s14, s10;
	s23 =	sadd.s32 $0x8000, s5;
	[dreg:$0x9] =	wrdreg s22  }
0x11: {  	p0 =	slt.u32 s14, s10;
	s12 =	sadd.s32 $0x9000, s5;
	[dreg:$0xa] =	wrdreg s23  }
0x12: {  	s10 =	simm.s32 $0x1;
	s24 =	sadd.s32 $0xA000, s5;
	[dreg:$0xb] =	wrdreg s12  }
0x13: {  	s6 =	sand.u32 $0x627, s15;
	s0 =	sadd.s32 $0x34600, s0;
	[dreg:$0xc] =	wrdreg s24  }
0x14: {  	s10 =	simm.s32 @!p0 $0x0;
	s16 =	sadd.s32 $0xB000, s5;
	[dreg:$0x12] =	wrdreg s0  }
0x15: {  	s25 =	sadd.s32 s6, s11;
	s17 =	smax.u32 s9, $0x1;
	[dreg:$0x11] =	wrdreg s16  }
0x16: {  	s6 =	sadd.s32 s13, s6;
	s19 =	sadd.s32 $0xC000, s5;
	[dreg:$0x13] =	wrdreg s17  }
0x17: {  	s12 =	sadd.s32 s13, s25;
	s20 =	sadd.s32 $0xD000, s5;
	[dreg:$0x14] =	wrdreg s19  }
0x18: {  	s6 =	sadd.s32 s11, s6;
	s21 =	sadd.s32 $0xE000, s5;
	[dreg:$0x15] =	wrdreg s20  }
0x19: {  	s18 =	sor.u32 s10, s1;
	s22 =	sadd.s32 $0xF000, s5;
	[dreg:$0x16] =	wrdreg s21  }
0x1a: {  	s23 =	sadd.s32 $0x10000, s5;
	s24 =	sadd.s32 $0x11000, s5;
	[dreg:$0x17] =	wrdreg s22  }
0x1b: {  	s25 =	sadd.s32 $0x12000, s5;
	s9 =	sadd.s32 $0x16000, s5;
	[dreg:$0x18] =	wrdreg s23  }
0x1c: {  	s10 =	sadd.s32 $0x17000, s5;
	s11 =	sadd.s32 $0x18000, s5;
	[dreg:$0x19] =	wrdreg s24  }
0x1d: {  	s12 =	sshll.u32 s12, $0x6;
	[dreg:$0x1a] =	wrdreg s25;
	s16 =	simm.s32 $0x200  }
0x1e: {  	s17 =	simm.s32 $0x800;
	s19 =	simm.s32 $0x600;
	s20 =	simm.s32 $0x2800  }
0x1f: {  	s21 =	simm.s32 $0x3;
	s22 =	simm.s32 $0x4;
	s26 =	sadd.s32 s7, s12  }
0x20: {  	s28 =	sadd.s32 s8, s12;
	s31 =	sadd.s32 $0x40, s12;
	[dreg:$0xd] =	wrdreg s26  }
0x21: {  	s23 =	simm.s32 $0x0;
	[dreg:$0xe] =	wrdreg s28;
	s13 =	sadd.s32 s7, s31  }
0x22: {  	s12 =	sshll.u32 s6, $0x6;
	s14 =	sadd.s32 s8, s31;
	[dreg:$0xf] =	wrdreg s13  }
0x23: {  	s15 =	sadd.s32 s12, s8;
	s26 =	sadd.s32 $0x13000, s5;
	[dreg:$0x10] =	wrdreg s14  }
0x24: {  	s1 =	sadd.s32 s12, s7;
	s28 =	sadd.s32 $0x14000, s5;
	[dreg:$0x1b] =	wrdreg s26  }
0x25: {  	s31 =	sadd.s32 $0x15000, s5;
	s12 =	simm.s32 $0x1;
	[dreg:$0x1c] =	wrdreg s28  }
0x26: {  	s29 =	sadd.s32 $0x80, s15;
	s30 =	sadd.s32 $0x80, s1;
	[dreg:$0x1d] =	wrdreg s31  }
0x27: {  	v0 =	vimm.f32 $0.0e+00;
	s13 =	simm.s32 $0x4800;
	s14 =	simm.s32 $0x5;
	s15 =	simm.s32 $0x400  }
.LBB2_1:
0x28: {  	s0 =	simm.s32 $0x40;
	s1 =	simm.s32 $0x0  }
.LBB2_2:
0x29: {  	p0 =	sne.s32 s0, $0x3FC0;
	[tilespmem:s1+$0x4800] =	vst v0;
	s1 =	smov.u32 s0;
	s0 =	sadd.s32 $0x40, s0  }
.Ltmp0:
0x2a: {  	(pc) =	sbr.rel @p0 .LBB2_2-.Ltmp0, $2  }
0x2b: {  	_ =	sdelay $0x2  }
0x2c: {  	s1 =	sshra.s32 s1, $0x2  }
0x2d: {  	[tilespmem:s1+$0x4800] =	vst v0  }
0x2e: {  	[spmem:s5] =	stream.linear.scatter [tilespmem:s13], [sflag:$0x5], $0x1000, $0x38;
	[tilespmem:$0x1DEA8] =	vst v63  }
0x2f: {  	_ =	swait.ge [sflag:s14], $0x1000  }
0x30: {  	[sflag:s14] =	ssyncset.done $0x0  }
0x31: {  	s0 =	rddreg [dreg:$0x3];
	[sflag:s14] =	ssyncadd.s32 $0xFFFFF000  }
0x32: {  	[spmem:s0] =	stream.linear.scatter [tilespmem:s13], [sflag:$0x5], $0x1000, $0x38;
	[tilespmem:$0x1DEA8] =	vst v63  }
0x33: {  	_ =	swait.ge [sflag:s14], $0x1000  }
0x34: {  	[sflag:s14] =	ssyncset.done $0x0  }
0x35: {  	s7 =	rddreg [dreg:$0x4];
	[sflag:s14] =	ssyncadd.s32 $0xFFFFF000  }
0x36: {  	[spmem:s7] =	stream.linear.scatter [tilespmem:s13], [sflag:$0x5], $0x1000, $0x38;
	[tilespmem:$0x1DEA8] =	vst v63  }
0x37: {  	_ =	swait.ge [sflag:s14], $0x1000  }
0x38: {  	[sflag:s14] =	ssyncset.done $0x0  }
0x39: {  	s8 =	rddreg [dreg:$0x5];
	[sflag:s14] =	ssyncadd.s32 $0xFFFFF000  }
0x3a: {  	[spmem:s8] =	stream.linear.scatter [tilespmem:s13], [sflag:$0x5], $0x1000, $0x38;
	[tilespmem:$0x1DEA8] =	vst v63  }
0x3b: {  	_ =	swait.ge [sflag:s14], $0x1000  }
0x3c: {  	[sflag:s14] =	ssyncset.done $0x0  }
0x3d: {  	s24 =	rddreg [dreg:$0x6];
	[sflag:s14] =	ssyncadd.s32 $0xFFFFF000  }
0x3e: {  	[spmem:s24] =	stream.linear.scatter [tilespmem:s13], [sflag:$0x5], $0x1000, $0x38;
	[tilespmem:$0x1DEA8] =	vst v63  }
0x3f: {  	_ =	swait.ge [sflag:s14], $0x1000  }
0x40: {  	[sflag:s14] =	ssyncset.done $0x0  }
0x41: {  	s25 =	rddreg [dreg:$0x7];
	[sflag:s14] =	ssyncadd.s32 $0xFFFFF000  }
0x42: {  	[spmem:s25] =	stream.linear.scatter [tilespmem:s13], [sflag:$0x5], $0x1000, $0x38;
	[tilespmem:$0x1DEA8] =	vst v63  }
0x43: {  	_ =	swait.ge [sflag:s14], $0x1000  }
0x44: {  	[sflag:s14] =	ssyncset.done $0x0  }
0x45: {  	s26 =	rddreg [dreg:$0x8];
	[sflag:s14] =	ssyncadd.s32 $0xFFFFF000  }
0x46: {  	[spmem:s26] =	stream.linear.scatter [tilespmem:s13], [sflag:$0x5], $0x1000, $0x38;
	[tilespmem:$0x1DEA8] =	vst v63  }
0x47: {  	_ =	swait.ge [sflag:s14], $0x1000  }
0x48: {  	[sflag:s14] =	ssyncset.done $0x0  }
0x49: {  	s28 =	rddreg [dreg:$0x9];
	[sflag:s14] =	ssyncadd.s32 $0xFFFFF000  }
0x4a: {  	[spmem:s28] =	stream.linear.scatter [tilespmem:s13], [sflag:$0x5], $0x1000, $0x38;
	[tilespmem:$0x1DEA8] =	vst v63  }
0x4b: {  	_ =	swait.ge [sflag:s14], $0x1000  }
0x4c: {  	[sflag:s14] =	ssyncset.done $0x0  }
0x4d: {  	s31 =	rddreg [dreg:$0xa];
	[sflag:s14] =	ssyncadd.s32 $0xFFFFF000  }
0x4e: {  	[spmem:s31] =	stream.linear.scatter [tilespmem:s13], [sflag:$0x5], $0x1000, $0x38;
	[tilespmem:$0x1DEA8] =	vst v63  }
0x4f: {  	_ =	swait.ge [sflag:s14], $0x1000  }
0x50: {  	[sflag:s14] =	ssyncset.done $0x0  }
0x51: {  	s1 =	rddreg [dreg:$0xb];
	[sflag:s14] =	ssyncadd.s32 $0xFFFFF000  }
0x52: {  	[spmem:s1] =	stream.linear.scatter [tilespmem:s13], [sflag:$0x5], $0x1000, $0x38;
	[tilespmem:$0x1DEA8] =	vst v63  }
0x53: {  	_ =	swait.ge [sflag:s14], $0x1000  }
0x54: {  	[sflag:s14] =	ssyncset.done $0x0  }
0x55: {  	s6 =	rddreg [dreg:$0xc];
	[sflag:s14] =	ssyncadd.s32 $0xFFFFF000  }
0x56: {  	[spmem:s6] =	stream.linear.scatter [tilespmem:s13], [sflag:$0x5], $0x1000, $0x38;
	[tilespmem:$0x1DEA8] =	vst v63  }
0x57: {  	_ =	swait.ge [sflag:s14], $0x1000  }
0x58: {  	[sflag:s14] =	ssyncset.done $0x0  }
0x59: {  	s7 =	rddreg [dreg:$0x11];
	[sflag:s14] =	ssyncadd.s32 $0xFFFFF000  }
0x5a: {  	[spmem:s7] =	stream.linear.scatter [tilespmem:s13], [sflag:$0x5], $0x1000, $0x38;
	[tilespmem:$0x1DEA8] =	vst v63  }
0x5b: {  	_ =	swait.ge [sflag:s14], $0x1000  }
0x5c: {  	[sflag:s14] =	ssyncset.done $0x0  }
0x5d: {  	s8 =	rddreg [dreg:$0x14];
	[sflag:s14] =	ssyncadd.s32 $0xFFFFF000  }
0x5e: {  	[spmem:s8] =	stream.linear.scatter [tilespmem:s13], [sflag:$0x5], $0x1000, $0x38;
	[tilespmem:$0x1DEA8] =	vst v63  }
0x5f: {  	_ =	swait.ge [sflag:s14], $0x1000  }
0x60: {  	[sflag:s14] =	ssyncset.done $0x0  }
0x61: {  	s24 =	rddreg [dreg:$0x15];
	[sflag:s14] =	ssyncadd.s32 $0xFFFFF000  }
0x62: {  	[spmem:s24] =	stream.linear.scatter [tilespmem:s13], [sflag:$0x5], $0x1000, $0x38;
	[tilespmem:$0x1DEA8] =	vst v63  }
0x63: {  	_ =	swait.ge [sflag:s14], $0x1000  }
0x64: {  	[sflag:s14] =	ssyncset.done $0x0  }
0x65: {  	s25 =	rddreg [dreg:$0x16];
	[sflag:s14] =	ssyncadd.s32 $0xFFFFF000  }
0x66: {  	[spmem:s25] =	stream.linear.scatter [tilespmem:s13], [sflag:$0x5], $0x1000, $0x38;
	[tilespmem:$0x1DEA8] =	vst v63  }
0x67: {  	_ =	swait.ge [sflag:s14], $0x1000  }
0x68: {  	[sflag:s14] =	ssyncset.done $0x0  }
0x69: {  	s26 =	rddreg [dreg:$0x17];
	[sflag:s14] =	ssyncadd.s32 $0xFFFFF000  }
0x6a: {  	[spmem:s26] =	stream.linear.scatter [tilespmem:s13], [sflag:$0x5], $0x1000, $0x38;
	[tilespmem:$0x1DEA8] =	vst v63  }
0x6b: {  	_ =	swait.ge [sflag:s14], $0x1000  }
0x6c: {  	[sflag:s14] =	ssyncset.done $0x0  }
0x6d: {  	s28 =	rddreg [dreg:$0x18];
	[sflag:s14] =	ssyncadd.s32 $0xFFFFF000  }
0x6e: {  	[spmem:s28] =	stream.linear.scatter [tilespmem:s13], [sflag:$0x5], $0x1000, $0x38;
	[tilespmem:$0x1DEA8] =	vst v63  }
0x6f: {  	_ =	swait.ge [sflag:s14], $0x1000  }
0x70: {  	[sflag:s14] =	ssyncset.done $0x0  }
0x71: {  	s31 =	rddreg [dreg:$0x19];
	[sflag:s14] =	ssyncadd.s32 $0xFFFFF000  }
0x72: {  	[spmem:s31] =	stream.linear.scatter [tilespmem:s13], [sflag:$0x5], $0x1000, $0x38;
	[tilespmem:$0x1DEA8] =	vst v63  }
0x73: {  	_ =	swait.ge [sflag:s14], $0x1000  }
0x74: {  	[sflag:s14] =	ssyncset.done $0x0  }
0x75: {  	s1 =	rddreg [dreg:$0x1a];
	[sflag:s14] =	ssyncadd.s32 $0xFFFFF000  }
0x76: {  	[spmem:s1] =	stream.linear.scatter [tilespmem:s13], [sflag:$0x5], $0x1000, $0x38;
	[tilespmem:$0x1DEA8] =	vst v63  }
0x77: {  	_ =	swait.ge [sflag:s14], $0x1000  }
0x78: {  	[sflag:s14] =	ssyncset.done $0x0  }
0x79: {  	s6 =	rddreg [dreg:$0x1b];
	[sflag:s14] =	ssyncadd.s32 $0xFFFFF000  }
0x7a: {  	[spmem:s6] =	stream.linear.scatter [tilespmem:s13], [sflag:$0x5], $0x1000, $0x38;
	[tilespmem:$0x1DEA8] =	vst v63  }
0x7b: {  	_ =	swait.ge [sflag:s14], $0x1000  }
0x7c: {  	[sflag:s14] =	ssyncset.done $0x0  }
0x7d: {  	s7 =	rddreg [dreg:$0x1c];
	[sflag:s14] =	ssyncadd.s32 $0xFFFFF000  }
0x7e: {  	[spmem:s7] =	stream.linear.scatter [tilespmem:s13], [sflag:$0x5], $0x1000, $0x38;
	[tilespmem:$0x1DEA8] =	vst v63  }
0x7f: {  	_ =	swait.ge [sflag:s14], $0x1000  }
0x80: {  	[sflag:s14] =	ssyncset.done $0x0  }
0x81: {  	s8 =	rddreg [dreg:$0x1d];
	[sflag:s14] =	ssyncadd.s32 $0xFFFFF000  }
0x82: {  	[spmem:s8] =	stream.linear.scatter [tilespmem:s13], [sflag:$0x5], $0x1000, $0x38;
	[tilespmem:$0x1DEA8] =	vst v63  }
0x83: {  	_ =	swait.ge [sflag:s14], $0x1000  }
0x84: {  	[sflag:s14] =	ssyncset.done $0x0  }
0x85: {  	[sflag:s14] =	ssyncadd.s32 $0xFFFFF000  }
0x86: {  	[spmem:s9] =	stream.linear.scatter [tilespmem:s13], [sflag:$0x5], $0x1000, $0x38;
	[tilespmem:$0x1DEA8] =	vst v63  }
0x87: {  	_ =	swait.ge [sflag:s14], $0x1000  }
0x88: {  	[sflag:s14] =	ssyncset.done $0x0  }
0x89: {  	[sflag:s14] =	ssyncadd.s32 $0xFFFFF000  }
0x8a: {  	[spmem:s10] =	stream.linear.scatter [tilespmem:s13], [sflag:$0x5], $0x1000, $0x38;
	[tilespmem:$0x1DEA8] =	vst v63  }
0x8b: {  	_ =	swait.ge [sflag:s14], $0x1000  }
0x8c: {  	[sflag:s14] =	ssyncset.done $0x0  }
0x8d: {  	[sflag:s14] =	ssyncadd.s32 $0xFFFFF000  }
0x8e: {  	[spmem:s11] =	stream.linear.scatter [tilespmem:s13], [sflag:$0x5], $0x700, $0x38;
	[tilespmem:$0x1DEA8] =	vst v63  }
0x8f: {  	_ =	swait.ge [sflag:s14], $0x700  }
0x90: {  	[sflag:s14] =	ssyncset.done $0x0  }
0x91: {  	[sflag:s14] =	ssyncadd.s32 $0xFFFFF900  }
0x92: {  	[bflag:$0x0] =	sbarrier.arrive $0xFFFF  }
0x93: {  	s24 =	rddreg [dreg:$0xd]  }
0x94: {  	[tilespmem:s3], [sflag:$0x5] =	stream.linear.gather [hbm4b:s24+s3], $0x200, $0x38;
	[tilespmem:$0x1DEA8] =	vst v63  }
0x95: {  	_ =	swait.ge [sflag:s14], $0x200  }
0x96: {  	[sflag:s14] =	ssyncset.done $0x0  }
0x97: {  	s25 =	rddreg [dreg:$0xe];
	[sflag:s14] =	ssyncadd.s32 $0xFFFFFE00  }
0x98: {  	[tilespmem:s15], [sflag:$0x5] =	stream.linear.gather [hbm4b:s25+s3], $0x200, $0x38;
	[tilespmem:$0x1DEA8] =	vst v63  }
0x99: {  	_ =	swait.ge [sflag:s14], $0x200  }
0x9a: {  	[sflag:s14] =	ssyncset.done $0x0  }
0x9b: {  	[sflag:s14] =	ssyncadd.s32 $0xFFFFFE00  }
0x9c: {  	[tilespmem:s17], [sflag:$0x1] =	stream.indirect.gather [hbm4b:s4+s16], $0x10, s3, s16, $0xb8;
	[tilespmem:$0x1DEA8] =	vst v63  }
0x9d: {  	_ =	swait.ge [sflag:s12], $0x2000  }
0x9e: {  	[sflag:s12] =	ssyncset.done $0x0  }
0x9f: {  	[sflag:s12] =	ssyncadd.s32 $0xFFFFE000  }
0xa0: {  	[spmem:s2] =	stream.indirect.scatter.add.f32 [tilespmem:s17], [sflag:$0x3], $0x10, s15, s16, $0xb8;
	[tilespmem:$0x1DEA8] =	vst v63  }
0xa1: {  	s26 =	rddreg [dreg:$0xf]  }
0xa2: {  	[tilespmem:s16], [sflag:$0x5] =	stream.linear.gather [hbm4b:s26+s3], $0x200, $0x38;
	[tilespmem:$0x1DEA8] =	vst v63  }
0xa3: {  	_ =	swait.ge [sflag:s14], $0x200  }
0xa4: {  	[sflag:s14] =	ssyncset.done $0x0  }
0xa5: {  	s28 =	rddreg [dreg:$0x10];
	[sflag:s14] =	ssyncadd.s32 $0xFFFFFE00  }
0xa6: {  	[tilespmem:s19], [sflag:$0x5] =	stream.linear.gather [hbm4b:s28+s3], $0x200, $0x38;
	[tilespmem:$0x1DEA8] =	vst v63  }
0xa7: {  	_ =	swait.ge [sflag:s14], $0x200  }
0xa8: {  	[sflag:s14] =	ssyncset.done $0x0  }
0xa9: {  	p1 =	sne.s32 s18, $0x3;
	[sflag:s14] =	ssyncadd.s32 $0xFFFFFE00  }
0xaa: {  	[tilespmem:s20], [sflag:$0x2] =	stream.indirect.gather [hbm4b:s4+s16], $0x10, s16, s16, $0xb8;
	[tilespmem:$0x1DEA8] =	vst v63  }
.Ltmp1:
0xab: {  	s31 =	simm.s32 $0x2;
	(pc) =	sbr.rel @!p1 .LBB2_4-.Ltmp1, $4  }
0xac: {  	_ =	swait.ge [sflag:s31], $0x2000  }
0xad: {  	p0 =	por $0x0, $0x0;
	[sflag:s31] =	ssyncset.done $0x0  }
0xae: {  	s24 =	simm.s32 $0x3;
	s26 =	sand.u32 $0x1, s31;
	[sflag:s31] =	ssyncadd.s32 $0xFFFFE000  }
0xaf: {  	[spmem:s2] =	stream.indirect.scatter.add.f32 [tilespmem:s20], [sflag:$0x4], $0x10, s19, s16, $0xb8;
	[tilespmem:$0x1DEA8] =	vst v63  }
0xb0: {  	s28 =	sadd.s32 $0x3, s26  }
0xb1: {  	_ =	swait.ge [sflag:s28], $0x2000  }
0xb2: {  	[sflag:s28] =	ssyncset.done $0x0  }
0xb3: {  	s25 =	sshll.u32 s26, $0x9;
	[sflag:s28] =	ssyncadd.s32 $0xFFFFE000  }
0xb4: {  	[tilespmem:s25], [sflag:$0x5] =	stream.linear.gather [hbm4b:s30+s3], $0x200, $0x38;
	[tilespmem:$0x1DEA8] =	vst v63  }
0xb5: {  	_ =	swait.ge [sflag:s14], $0x200  }
0xb6: {  	[sflag:s14] =	ssyncset.done $0x0  }
0xb7: {  	s1 =	sor.u32 $0x400, s25;
	[sflag:s14] =	ssyncadd.s32 $0xFFFFFE00  }
0xb8: {  	[tilespmem:s1], [sflag:$0x5] =	stream.linear.gather [hbm4b:s29+s3], $0x200, $0x38;
	[tilespmem:$0x1DEA8] =	vst v63  }
0xb9: {  	s31 =	simm.s32 $0x4;
	p1 =	sne.s32 s18, $0x4;
	_ =	swait.ge [sflag:s14], $0x200  }
.Ltmp2:
0xba: {  	s0 =	sshll.u32 s26, $0xD;
	[sflag:s14] =	ssyncset.done $0x0;
	(pc) =	sbr.rel @!p1 .LBB2_7-.Ltmp2, $4  }
0xbb: {  	s6 =	sadd.s32 $0x1, s26;
	s0 =	sor.u32 $0x800, s0;
	[sflag:s14] =	ssyncadd.s32 $0xFFFFFE00  }
0xbc: {  	[tilespmem:s0], [sflag:s6] =	stream.indirect.gather [hbm4b:s4+s16], $0x10, s25, s16, $0xb8;
	[tilespmem:$0x1DEA8] =	vst v63  }
0xbd: {  	s26 =	sand.u32 $0x1, s24;
	s24 =	sadd.s32 $0x40, s29;
	_ =	swait.ge [sflag:s6], $0x2000  }
0xbe: {  	p0 =	por $0x1, $0x1;
	s25 =	sadd.s32 $0x40, s30;
	[sflag:s6] =	ssyncset.done $0x0  }
.LBB2_6:
0xbf: {  	s7 =	sadd.s32 $0x3, s26  }
0xc0: {  	[sflag:s6] =	ssyncadd.s32 $0xFFFFE000;
	s8 =	smov.u32 s31;
	s31 =	sadd.s32 $0x1, s31  }
0xc1: {  	[spmem:s2] =	stream.indirect.scatter.add.f32 [tilespmem:s0], [sflag:s28], $0x10, s1, s16, $0xb8;
	[tilespmem:$0x1DEA8] =	vst v63  }
0xc2: {  	p1 =	sne.s32 s18, s31;
	s28 =	smov.u32 s7;
	_ =	swait.ge [sflag:s7], $0x2000  }
0xc3: {  	[sflag:s28] =	ssyncset.done $0x0  }
0xc4: {  	s7 =	sshll.u32 s26, $0x9;
	[sflag:s28] =	ssyncadd.s32 $0xFFFFE000  }
0xc5: {  	[tilespmem:s7], [sflag:$0x5] =	stream.linear.gather [hbm4b:s25+s3], $0x200, $0x38;
	[tilespmem:$0x1DEA8] =	vst v63  }
0xc6: {  	_ =	swait.ge [sflag:s14], $0x200  }
0xc7: {  	[sflag:s14] =	ssyncset.done $0x0  }
0xc8: {  	s1 =	sor.u32 $0x400, s7;
	[sflag:s14] =	ssyncadd.s32 $0xFFFFFE00  }
0xc9: {  	[tilespmem:s1], [sflag:$0x5] =	stream.linear.gather [hbm4b:s24+s3], $0x200, $0x38;
	[tilespmem:$0x1DEA8] =	vst v63  }
0xca: {  	_ =	swait.ge [sflag:s14], $0x200  }
.Ltmp3:
0xcb: {  	s0 =	sshll.u32 s26, $0xD;
	[sflag:s14] =	ssyncset.done $0x0;
	(pc) =	sbr.rel @p1 .LBB2_6-.Ltmp3, $4  }
0xcc: {  	s6 =	sadd.s32 $0x1, s26;
	s0 =	sor.u32 $0x800, s0;
	[sflag:s14] =	ssyncadd.s32 $0xFFFFFE00  }
0xcd: {  	[tilespmem:s0], [sflag:s6] =	stream.indirect.gather [hbm4b:s4+s16], $0x10, s7, s16, $0xb8;
	[tilespmem:$0x1DEA8] =	vst v63  }
0xce: {  	s25 =	sadd.s32 $0x40, s25;
	_ =	swait.ge [sflag:s6], $0x2000  }
0xcf: {  	s26 =	sand.u32 $0x1, s8;
	s24 =	sadd.s32 $0x40, s24;
	[sflag:s6] =	ssyncset.done $0x0  }
.LBB2_7:
0xd0: {  	s7 =	sadd.s32 $0x3, s26;
	[sflag:s6] =	ssyncadd.s32 @p0 $0xFFFFE000  }
0xd1: {  	[spmem:s2] =	stream.indirect.scatter.add.f32 @p0 [tilespmem:s0], [sflag:s28], $0x10, s1, s16, $0xb8;
	[tilespmem:$0x1DEA8] =	vst v63  }
0xd2: {  	_ =	swait.ge [sflag:s7], $0x2000  }
0xd3: {  	[sflag:s7] =	ssyncset.done $0x0  }
0xd4: {  	s28 =	sshll.u32 s26, $0x9;
	[sflag:s7] =	ssyncadd.s32 $0xFFFFE000  }
0xd5: {  	[tilespmem:s28], [sflag:$0x5] =	stream.linear.gather [hbm4b:s25+s3], $0x200, $0x38;
	[tilespmem:$0x1DEA8] =	vst v63  }
0xd6: {  	_ =	swait.ge [sflag:s14], $0x200  }
0xd7: {  	[sflag:s14] =	ssyncset.done $0x0  }
0xd8: {  	s31 =	sor.u32 $0x400, s28;
	[sflag:s14] =	ssyncadd.s32 $0xFFFFFE00  }
0xd9: {  	[tilespmem:s31], [sflag:$0x5] =	stream.linear.gather [hbm4b:s24+s3], $0x200, $0x38;
	[tilespmem:$0x1DEA8] =	vst v63  }
0xda: {  	_ =	swait.ge [sflag:s14], $0x200  }
0xdb: {  	s24 =	sshll.u32 s26, $0xD;
	[sflag:s14] =	ssyncset.done $0x0  }
0xdc: {  	s8 =	sadd.s32 $0x1, s26;
	s6 =	sor.u32 $0x800, s24;
	[sflag:s14] =	ssyncadd.s32 $0xFFFFFE00  }
0xdd: {  	[tilespmem:s6], [sflag:s8] =	stream.indirect.gather [hbm4b:s4+s16], $0x10, s28, s16, $0xb8;
	[tilespmem:$0x1DEA8] =	vst v63  }
0xde: {  	_ =	swait.ge [sflag:s8], $0x2000  }
0xdf: {  	[sflag:s8] =	ssyncset.done $0x0  }
0xe0: {  	[sflag:s8] =	ssyncadd.s32 $0xFFFFE000  }
0xe1: {  	[spmem:s2] =	stream.indirect.scatter.add.f32 [tilespmem:s6], [sflag:s7], $0x10, s31, s16, $0xb8;
	[tilespmem:$0x1DEA8] =	vst v63  }
0xe2: {  	_ =	swait.ge [sflag:s21], $0x2000  }
0xe3: {  	[sflag:s21] =	ssyncset.done $0x0  }
0xe4: {  	[sflag:s21] =	ssyncadd.s32 $0xFFFFE000  }
0xe5: {  	_ =	swait.ge [sflag:s22], $0x2000  }
0xe6: {  	[sflag:s22] =	ssyncset.done $0x0  }
0xe7: {  	s25 =	stileid.u32;
	[sflag:s22] =	ssyncadd.s32 $0xFFFFE000  }
0xe8: {  	s0 =	sshll.u32 s25, $0x6;
	[bflag:$0x0] =	sbarrier.arrive $0xFFFF  }
0xe9: {  	s0 =	sor.u32 $0x1C05, s0;
	s26 =	sshrl.u32 s5, $0x3;
	s28 =	rddreg [dreg:$0x12]  }
0xea: {  	[hbm:s28], [sflag:s0] =	dma.local [spmem:s26], $0x30E0  }
0xeb: {  	_ =	swait.ge [sflag:s14], $0x30E0  }
0xec: {  	s23 =	sadd.s32 $0x1, s23;
	s31 =	rddreg [dreg:$0x13]  }
0xed: {  	p0 =	sne.s32 s23, s31  }
.Ltmp4:
0xee: {  	_ = 	snop;
	(pc) =	sbr.rel @p0 .LBB2_1-.Ltmp4, $4  }
.Ltmp5:
0xef: {  	_ = 	snop;
	(pc) =	sbr.rel @!p0 .LBB2_8-.Ltmp5, $4  }
0xf0: {  	_ = 	snop  }
0xf1: {  	[sflag:s14] =	ssyncset.done $0x0  }
0xf2: {  	[sflag:s14] =	ssyncadd.s32 $0xFFFFCF20  }
0xf3: {  	_ = 	snop  }
.LBB2_4:
.Ltmp6:
0xf4: {  	(pc) =	sbr.rel .LBB2_7-.Ltmp6, $2  }
0xf5: {  	_ =	sdelay $0x2  }
0xf6: {  	s25 =	smov.u32 s30;
	s24 =	smov.u32 s29  }
.LBB2_8:
0xf7: {  	_ =	sfence.sel $0x180000  }
0xf8: {  	[bflag:$0x0] =	sbarrier.arrive $0xFFFF  }
0xf9: {  	_ =	strace $0x9000004D  }
0xfa: {  	s0 =	stileid.u32;
	[bflag:$0x2] =	sbarrier.arrive $0xFFFF  }
0xfb: {  	p0 =	sne.s32 s0, $0x0;
	s0 =	rddreg [dreg:$0x2]  }
0xfc: {  	s0 =	sadd.s32 @!p0 $0x100000, s0  }
0xfd: {  	[sflag:s0] =	ssyncadd.tile.s32 @!p0 $0x1;
	_ =	shalt  }
.Lfunc_end2:
_tile_overlayer_lowered:
.L_overlay_start_2:
0xfe: {  	(tag) =	ssettag $0x2  }
0xff: {  	s0 =	rddreg [dreg:$0x0];
	s2 =	stileid.u32  }
0x100: {  	s1 =	rddreg [dreg:$0x1];
	p0 =	sne.s32 s2, $0x0  }
0x101: {  	s3 =	rddreg [dreg:$0x2];
	[bflag:$0x3] =	sbarrier.arrive $0xFFFF;
	s2 =	simm.s32 @!p0 $0x1C05  }
0x102: {  	[timem:s3], [sflag:s2] =	dma.local @!p0 [hbm:s0], s1  }
0x103: {  	s0 =	simm.s32 @!p0 $0x5  }
0x104: {  	_ =	swait.ge @!p0 [sflag:s0], s1  }
0x105: {  	s1 =	ssub.s32 @!p0 $0x0, s1;
	[sflag:s0] =	ssyncset.done @!p0 $0x0  }
0x106: {  	[sflag:s0] =	ssyncadd.s32 @!p0 s1  }
0x107: {  	[bflag:$0x3] =	sbarrier.arrive $0xFFFF  }
0x108: {  	_ =	shalt  }

// kernel: kernel.8.cloned.1.call-start
scs
__scs_entry_jumppad:
0x0: {  	(pc) =	sbr.rel $0x88, $3  }
0x1: {  	(tag) =	ssettag $0x0;
	lr =	simm.s32 $0x1  }
0x2: {  	[smem:$0x3F95] =	sst lr;
	_ =	strace $0xD0000000  }
0x3: {  	_ = 	snop  }
0x4: {  	_ = 	snop  }
0x5: {  	_ = 	snop  }
0x6: {  	_ = 	snop  }
0x7: {  	_ = 	snop  }
__scs_overlays_trampoline_lowered:
0x8: {  	[smem:$0x3FA4] =	sst s0  }
0x9: {  	[smem:$0x3FA5] =	sst s1  }
0xa: {  	[smem:$0x3FA6] =	sst s2  }
0xb: {  	[smem:$0x3FA7] =	sst s3  }
0xc: {  	[smem:$0x3FA8] =	sst s4  }
0xd: {  	[smem:$0x3FA9] =	sst s5  }
0xe: {  	[smem:$0x3FAA] =	sst s6  }
0xf: {  	[smem:$0x3FAB] =	sst s7  }
0x10: {  	[smem:$0x3FAC] =	sst s8  }
0x11: {  	[smem:$0x3FAD] =	sst s9;
	s0 =	simm.s32 @!p0 $0x0  }
0x12: {  	s1 =	sld [smem:$0x3F93];
	s0 =	simm.s32 @p0 $0x1  }
0x13: {  	[smem:$0x3FAE] =	sst s0;
	s0 =	simm.s32 @!p1 $0x0  }
0x14: {  	s2 =	sld [smem:$0x3F92];
	s0 =	simm.s32 @p1 $0x1  }
0x15: {  	[smem:$0x3FAF] =	sst s0;
	s0 =	simm.s32 @!p2 $0x0  }
0x16: {  	s3 =	sld [smem:$0x3FDB];
	s0 =	simm.s32 @p2 $0x1  }
0x17: {  	s4 =	simm.s32 $0x1BF5;
	[smem:$0x3FB1] =	sst s0  }
0x18: {  	s0 =	sld [smem:$0x3F94];
	_ =	swait.ge [sflag:s4], $0x0  }
0x19: {  	s7 =	sld [smem:$0x3F95]  }
0x1a: {  	s8 =	sadd.s32 $0xFFFFE003, lr  }
0x1b: {  	s9 =	sadd.s32 $0xFFFFFEF7, lr;
	s5 =	simm.s32 $0xFFFFFFFF;
	p2 =	slt.u32 s8, $0xFFFFF086  }
0x1c: {  	p1 =	slt.u32 s9, $0xF7A;
	s5 =	simm.s32 @!p2 $0x0  }
0x1d: {  	s5 =	simm.s32 @p1 $0x1;
	p0 =	seq.s32 s7, s2  }
0x1e: {  	s7 =	smul.u32 @!p0 $0xF7A, s2;
	p2 =	seq.s32 @!p0 s5, $0x0  }
0x1f: {  	s9 =	smul.u32 $0xF7A, s1;
	s8 =	simm.s32 @!p0 $0x1BF5;
	p2 =	por !p2, p0  }
0x20: {  	[sflag:s8] =	ssyncset.s32 @!p0 $0xFFFFF086;
	s6 =	sadd.s32 @!p0 s3, s7;
	s7 =	simm.s32 @!p0 $0x108  }
0x21: {  	s3 =	sadd.s32 s3, s9;
	s6 =	sadd.s32 @!p0 $0x88, s6;
	s7 =	simm.s32 @p2 $0x1082  }
0x22: {  	[simem:s7], [sflag:s8] =	dma.local @!p0 [hbm:s6], $0xF7A  }
0x23: {  	s9 =	sor.u32 $0xD0000000, s2;
	s6 =	simm.s32 $0x108;
	_ =	swait.ge @!p0 [sflag:s8], $0x0  }
0x24: {  	s3 =	sadd.s32 $0x88, s3;
	s6 =	simm.s32 @!p1 $0x1082;
	[sflag:s4] =	ssyncset.s32 $0xFFFFF086  }
0x25: {  	[simem:s6], [sflag:s4] =	dma.local [hbm:s3], $0xF7A  }
0x26: {  	[smem:$0x3F95] =	sst s1;
	(tag) =	ssettag s2;
	_ =	strace s9  }
0x27: {  	s1 =	sld [smem:$0x3FA5]  }
0x28: {  	s2 =	sld [smem:$0x3FA6]  }
0x29: {  	s4 =	sld [smem:$0x3FA8]  }
0x2a: {  	p0 =	seq.s32 s5, $0x0;
	s5 =	sld [smem:$0x3FA9]  }
0x2b: {  	s6 =	sld [smem:$0x3FAA]  }
0x2c: {  	s7 =	sld [smem:$0x3FAB]  }
0x2d: {  	s3 =	simm.s32 $0x108;
	s8 =	sld [smem:$0x3FAC]  }
0x2e: {  	s3 =	simm.s32 @!p0 $0x1082;
	s9 =	sld [smem:$0x3FAD]  }
0x2f: {  	lr =	sadd.s32 s0, s3;
	s0 =	sld [smem:$0x3FA4]  }
0x30: {  	s3 =	sld [smem:$0x3FA7]  }
0x31: {  	[smem:$0x3FB0] =	sst s10  }
0x32: {  	s10 =	sld [smem:$0x3FAE];
	_ =	sdelay $0x3  }
0x33: {  	p0 =	seq.s32 s10, $0x1;
	s10 =	sld [smem:$0x3FB0];
	_ =	sdelay $0x3  }
0x34: {  	[smem:$0x3FB0] =	sst s10  }
0x35: {  	s10 =	sld [smem:$0x3FAF];
	_ =	sdelay $0x3  }
0x36: {  	p1 =	seq.s32 s10, $0x1;
	s10 =	sld [smem:$0x3FB0];
	_ =	sdelay $0x3  }
0x37: {  	[smem:$0x3FB0] =	sst s10  }
0x38: {  	s10 =	sld [smem:$0x3FB1]  }
0x39: {  	_ = 	snop;
	(pc) =	sbr.ind lr, $3  }
0x3a: {  	_ = 	snop  }
0x3b: {  	_ = 	snop  }
0x3c: {  	p2 =	seq.s32 s10, $0x1;
	s10 =	sld [smem:$0x3FB0]  }
0x3d: {  	_ =	shalt  }
0x3e: {  	_ =	shalt  }
0x3f: {  	_ =	shalt  }
0x40: {  	_ =	shalt  }
0x41: {  	_ =	shalt  }
0x42: {  	_ =	shalt  }
0x43: {  	_ =	shalt  }
0x44: {  	_ =	shalt  }
0x45: {  	_ =	shalt  }
0x46: {  	_ =	shalt  }
0x47: {  	_ =	shalt  }
0x48: {  	_ =	shalt  }
0x49: {  	_ =	shalt  }
0x4a: {  	_ =	shalt  }
0x4b: {  	_ =	shalt  }
0x4c: {  	_ =	shalt  }
0x4d: {  	_ =	shalt  }
0x4e: {  	_ =	shalt  }
0x4f: {  	_ =	shalt  }
0x50: {  	_ =	shalt  }
0x51: {  	_ =	shalt  }
0x52: {  	_ =	shalt  }
0x53: {  	_ =	shalt  }
0x54: {  	_ =	shalt  }
0x55: {  	_ =	shalt  }
0x56: {  	_ =	shalt  }
0x57: {  	_ =	shalt  }
0x58: {  	_ =	shalt  }
0x59: {  	_ =	shalt  }
0x5a: {  	_ =	shalt  }
0x5b: {  	_ =	shalt  }
0x5c: {  	_ =	shalt  }
0x5d: {  	_ =	shalt  }
0x5e: {  	_ =	shalt  }
0x5f: {  	_ =	shalt  }
0x60: {  	_ =	shalt  }
0x61: {  	_ =	shalt  }
0x62: {  	_ =	shalt  }
0x63: {  	_ =	shalt  }
0x64: {  	_ =	shalt  }
0x65: {  	_ =	shalt  }
0x66: {  	_ =	shalt  }
0x67: {  	_ =	shalt  }
0x68: {  	_ =	shalt  }
0x69: {  	_ =	shalt  }
0x6a: {  	_ =	shalt  }
0x6b: {  	_ =	shalt  }
0x6c: {  	_ =	shalt  }
0x6d: {  	_ =	shalt  }
0x6e: {  	_ =	shalt  }
0x6f: {  	_ =	shalt  }
0x70: {  	_ =	shalt  }
0x71: {  	_ =	shalt  }
0x72: {  	_ =	shalt  }
0x73: {  	_ =	shalt  }
0x74: {  	_ =	shalt  }
0x75: {  	_ =	shalt  }
0x76: {  	_ =	shalt  }
0x77: {  	_ =	shalt  }
0x78: {  	_ =	shalt  }
0x79: {  	_ =	shalt  }
0x7a: {  	_ =	shalt  }
0x7b: {  	_ =	shalt  }
0x7c: {  	_ =	shalt  }
0x7d: {  	_ =	shalt  }
0x7e: {  	_ =	shalt  }
0x7f: {  	_ =	shalt  }
0x80: {  	_ =	shalt  }
0x81: {  	_ =	shalt  }
0x82: {  	_ =	shalt  }
0x83: {  	_ =	shalt  }
0x84: {  	_ =	shalt  }
0x85: {  	_ =	shalt  }
0x86: {  	_ =	shalt  }
0x87: {  	_ =	shalt  }
.Lfunc_end0:
.L_simem_size_0:
called_computation_lowered:
.L_overlay_start_0:
0x88: {  	s2 =	sld [smem:$0x3FD9]  }
0x89: {  	s3 =	sld [smem:$0x3FFE];
	_ =	sdelay $0x1  }
0x8a: {  	s1 =	srdreg.scid  }
0x8b: {  	s0 =	sand.u32 $0x1, s1  }
0x8c: {  	s17 =	sshll.u32 s0, $0xA;
	s2 =	sadd.s32 s3, s2  }
0x8d: {  	s2 =	sadd.s32 s2, s17  }
0x8e: {  	[smem:$0x3FBC] =	sst s2  }
0x8f: {  	_ = 	snop  }
0x90: {  	(tm) =	ssettm $0x1  }
0x91: {  	s18 =	sld [smem:$0x3FFB];
	_ =	sdelay $0x3  }
0x92: {  	_ =	strace s18  }
0x93: {  	s2 =	sld [smem:$0x3FFC];
	_ =	sdelay $0x3  }
0x94: {  	_ =	strace s2  }
0x95: {  	s2 =	sld [smem:$0x3FFD];
	_ =	sdelay $0x3  }
0x96: {  	_ =	strace s2  }
0x97: {  	_ =	strace $0x8FFFFFFF  }
0x98: {  	s19 =	sld [smem:$0x3FDB];
	_ =	sdelay $0x1  }
0x99: {  	s20 =	simm.s32 $_scs_section_size  }
0x9a: {  	s4 =	simm.s32 $_size__tile_overlayer_lowered;
	s5 =	simm.s32 $_tile_overlayer_lowered  }
0x9b: {  	s6 =	simm.s32 $0x1BFF;
	s21 =	sshll.u32 s5, $0x1;
	s3 =	sadd.s32 s20, s19  }
0x9c: {  	s22 =	simm.s32 $0x0;
	s4 =	sshll.u32 s4, $0x1;
	s5 =	sadd.s32 s21, s3  }
0x9d: {  	[timem:s22], [sflag:s6] =	dma.local [hbm:s5], s4  }
0x9e: {  	_ =	swait.ge [sflag:s6], s4  }
0x9f: {  	s4 =	ssub.s32 $0x0, s4;
	[sflag:s6] =	ssyncset.done $0x0  }
0xa0: {  	[sflag:s6] =	ssyncadd.s32 s4;
	_ =	sdelay $0x1  }
0xa1: {  	s23 =	simm.s32 $0x1B8B  }
0xa2: {  	_ =	swait.ge [sflag:s23], $0x1  }
0xa3: {  	[sflag:s23] =	ssyncset.done $0x0  }
0xa4: {  	[sflag:s23] =	ssyncadd.s32 $0xFFFFFFFF  }
0xa5: {  	s4 =	sld [smem:$0x0]  }
0xa6: {  	s5 =	sand.u32 $0xFFFFFFFE, s1  }
0xa7: {  	p0 =	sne.s32 s1, s5  }
0xa8: {  	s5 =	sshll.u32 @p0 s5, $0xE  }
0xa9: {  	s5 =	sadd.s32 @p0 $0x11B8D, s5;
	s6 =	sshll.u32 @p0 s4, $0x11  }
0xaa: {  	s5 =	sor.u32 @p0 s6, s5  }
0xab: {  	[sflag:s5] =	ssyncadd.remote.s32 @p0 $0x1;
	_ =	sdelay $0x1  }
0xac: {  	s5 =	simm.s32 @p0 $0x1B8D  }
0xad: {  	_ =	swait.eq @p0 [sflag:s5], $0x1  }
0xae: {  	[sflag:s5] =	ssyncadd.s32 @p0 $0xFFFFFFFF  }
0xaf: {  	s6 =	sshll.u32 @!p0 s1, $0xE  }
0xb0: {  	s6 =	sor.u32 @!p0 $0x4000, s6;
	s5 =	simm.s32 @!p0 $0x1B8D  }
0xb1: {  	s4 =	sshll.u32 @!p0 s4, $0x11;
	s6 =	sadd.s32 @!p0 $0x11B8D, s6;
	_ =	swait.eq @!p0 [sflag:s5], $0x1  }
0xb2: {  	s4 =	sor.u32 @!p0 s4, s6;
	[sflag:s5] =	ssyncadd.s32 @!p0 $0xFFFFFFFF  }
0xb3: {  	s25 =	simm.s32 $0x1B8E;
	s24 =	sld [smem:$0x3FFE];
	[sflag:s4] =	ssyncadd.remote.s32 @!p0 $0x1  }
0xb4: {  	s26 =	simm.s32 $execute0_lowered;
	[smem:$0x3FD2] =	sst s25  }
0xb5: {  	s5 =	sshll.u32 s26, $0x1;
	_ =	strace $0x80000049;
	[dreg:$0x1] =	wrdreg $0xFFFFFFFF  }
0xb6: {  	s28 =	simm.s32 $_size_execute0_lowered;
	s3 =	sadd.s32 s3, s5;
	[dreg:$0x0] =	wrdreg $0x0  }
0xb7: {  	s5 =	sshll.u32 s28, $0x1;
	[dreg:$0x2] =	wrdreg s3  }
0xb8: {  	[dreg:$0x3] =	wrdreg s5  }
0xb9: {  	[dreg:$0x4] =	wrdreg $0xC0  }
0xba: {  	_ =	task [dreg:s22], $0x5FFFF  }
0xbb: {  	[dreg:$0x1] =	wrdreg $0xFFFFFFFF  }
0xbc: {  	[dreg:$0x0] =	wrdreg $0x60  }
0xbd: {  	[dreg:$0x2] =	wrdreg s24  }
0xbe: {  	[dreg:$0x3] =	wrdreg $0x34000  }
0xbf: {  	[dreg:$0x4] =	wrdreg $0x9  }
0xc0: {  	_ =	task.clear_ibuf [dreg:s22], $0x5FFFF;
	_ =	strace $0x90000049  }
0xc1: {  	s29 =	simm.s32 $0x9;
	_ =	strace $0x8000004B  }
0xc2: {  	_ =	swait.ge [sflag:s29], $0x1  }
0xc3: {  	[sflag:s29] =	ssyncadd.s32 $0xFFFFFFFF  }
0xc4: {  	_ =	strace $0x9000004B  }
0xc5: {  	_ =	sfence  }
0xc6: {  	s30 =	sld [smem:$0x0];
	_ =	sdelay $0x2  }
0xc7: {  	s31 =	sshll.u32 s1, $0xD;
	s1 =	sshrl.u32 s1, $0x2  }
0xc8: {  	s4 =	sand.u32 $0x4000, s31;
	s1 =	sadd.s32 s1, s30  }
0xc9: {  	s0 =	sor.u32 s4, s0;
	s1 =	sshll.u32 s1, $0x11  }
0xca: {  	s0 =	sor.u32 s1, s0  }
0xcb: {  	s0 =	sadd.s32 $0x8F2B, s0  }
0xcc: {  	[sflag:s0] =	ssyncadd.remote.s32 $0x1  }
0xcd: {  	_ =	sfence.sel $0xFFFF  }
0xce: {  	[dreg:$0x0] =	wrdreg $0xFFFFFFFF;
	(pc) =	sbr.abs _section_cstart, $3  }
0xcf: {  	[dreg:$0x1] =	wrdreg $0xFFFFFFFF  }
0xd0: {  	_ =	task.clear_ibuf [dreg:s22], $0x2FFFF;
	_ =	strace $0x9FFFFFFF  }
0xd1: {  	(tm) =	ssettm $0x7FFFFFFF  }
tec
execute0_lowered:
.L_overlay_start_1:
0x0: {  	(tag) =	ssettag $0x1  }
0x1: {  	s0 =	rddreg [dreg:$0x0]  }
0x2: {  	s2 =	rddreg [dreg:$0x1];
	s12 =	stileid.u32  }
0x3: {  	s1 =	srdreg.scid;
	s4 =	smul.u32 $0x1870, s12  }
0x4: {  	s3 =	simm.s32 $0x0;
	s1 =	sand.u32 $0x1, s1;
	s6 =	sadd.s32 $0x18A400, s0  }
0x5: {  	[smem:$0x7FF] =	sst s3;
	s5 =	smul.u32 $0x186A00, s1;
	s4 =	smin.u32 s4, $0x16E30  }
0x6: {  	_ =	strace $0x8000004A;
	s7 =	ssub.s32 $0x2, s1;
	s4 =	sshll.u32 s4, $0x4  }
0x7: {  	s8 =	ssub.s32 $0x0, s1;
	s5 =	sadd.s32 s5, s4;
	s4 =	sadd.s32 s4, s2  }
0x8: {  	p0 =	seq.s32 s1, $0x0;
	s1 =	simm.s32 $0x62;
	s9 =	sadd.s32 $0x1000, s4  }
0x9: {  	s26 =	sshrl.u32 s7, $0x1;
	s10 =	sadd.s32 $0x2000, s4;
	[dreg:$0x3] =	wrdreg s9  }
0xa: {  	s1 =	simm.s32 @!p0 $0x60;
	s11 =	sadd.s32 $0x3000, s4;
	[dreg:$0x4] =	wrdreg s10  }
0xb: {  	s8 =	sand.u32 $0x627, s8;
	s13 =	sadd.s32 $0x4000, s4;
	[dreg:$0x5] =	wrdreg s11  }
0xc: {  	s5 =	sshrl.u32 s5, $0x3;
	s14 =	sadd.s32 $0x5000, s4;
	[dreg:$0x6] =	wrdreg s13  }
0xd: {  	s15 =	sadd.s32 $0x6000, s4;
	s16 =	sadd.s32 $0x7000, s4;
	[dreg:$0x7] =	wrdreg s14  }
0xe: {  	s17 =	sadd.s32 $0x8000, s4;
	s18 =	sadd.s32 $0x9000, s4;
	[dreg:$0x8] =	wrdreg s15  }
0xf: {  	s19 =	sadd.s32 $0xA000, s4;
	s21 =	sadd.s32 $0xD000, s4;
	[dreg:$0x9] =	wrdreg s16  }
0x10: {  	s23 =	sadd.s32 $0xE000, s4;
	s24 =	sadd.s32 $0xF000, s4;
	[dreg:$0xa] =	wrdreg s17  }
0x11: {  	s28 =	sadd.s32 $0x12000, s4;
	s29 =	sadd.s32 $0x13000, s4;
	[dreg:$0xb] =	wrdreg s18  }
0x12: {  	s30 =	sadd.s32 $0x14000, s4;
	s31 =	sadd.s32 $0x15000, s4;
	[dreg:$0xc] =	wrdreg s19  }
0x13: {  	s0 =	sadd.s32 s5, s0;
	s5 =	ssub.s32 s7, s26;
	[dreg:$0xf] =	wrdreg s21  }
0x14: {  	s7 =	simm.s32 $0x7;
	s9 =	sadd.s32 $0xB000, s4;
	[dreg:$0x10] =	wrdreg s23  }
0x15: {  	s10 =	smul.u32 s12, s1;
	s11 =	sadd.s32 $0xC000, s4;
	[dreg:$0x11] =	wrdreg s24  }
0x16: {  	s26 =	sadd.s32 $0x10000, s4;
	s13 =	simm.s32 $0x0;
	[dreg:$0xd] =	wrdreg s9  }
0x17: {  	s7 =	simm.s32 @!p0 $0xE;
	s9 =	simm.s32 $0x1;
	[dreg:$0xe] =	wrdreg s11  }
0x18: {  	[dreg:$0x12] =	wrdreg s26;
	s23 =	sadd.s32 $0x96200, s0;
	s24 =	smax.u32 s5, $0x1  }
0x19: {  	s26 =	sadd.s32 $0x11000, s4;
	s0 =	sadd.s32 $0x17000, s4;
	s5 =	sadd.s32 $0x18000, s4  }
0x1a: {  	s11 =	simm.s32 $0x400;
	p0 =	slt.u32 s12, s7;
	s20 =	sadd.s32 s8, s10  }
0x1b: {  	s7 =	smin.u32 s12, s7;
	s12 =	simm.s32 $0x2;
	s9 =	simm.s32 @!p0 $0x0  }
0x1c: {  	s22 =	sadd.s32 s7, s20;
	s7 =	sadd.s32 s7, s8;
	s8 =	simm.s32 $0x2400  }
0x1d: {  	s17 =	sor.u32 s9, s1;
	s1 =	sshll.u32 s22, $0x6;
	s7 =	sadd.s32 s10, s7  }
0x1e: {  	s9 =	simm.s32 $0x3;
	s10 =	simm.s32 $0x200;
	s25 =	sshll.u32 s7, $0x6  }
0x1f: {  	s21 =	sadd.s32 s6, s1;
	s1 =	sadd.s32 s25, s6;
	s6 =	simm.s32 $0x1  }
0x20: {  	v0 =	vimm.f32 $0.0e+00;
	v1 =	vimm.f32 $1.000000000e+00;
	s7 =	sadd.s32 $0x40, s21;
	s16 =	sadd.s32 $0x80, s1;
	s1 =	sadd.s32 $0x16000, s4  }
.LBB2_1:
0x21: {  	s14 =	simm.s32 $0x40;
	s15 =	simm.s32 $0x0  }
.LBB2_2:
0x22: {  	p0 =	sne.s32 s14, $0x3FC0;
	[tilespmem:s15+$0x2400] =	vst v0;
	s15 =	smov.u32 s14;
	s14 =	sadd.s32 $0x40, s14  }
.Ltmp0:
0x23: {  	(pc) =	sbr.rel @p0 .LBB2_2-.Ltmp0, $2  }
0x24: {  	_ =	sdelay $0x2  }
0x25: {  	s15 =	sshra.s32 s15, $0x2  }
0x26: {  	[tilespmem:s15+$0x2400] =	vst v0  }
0x27: {  	[spmem:s4] =	stream.linear.scatter [tilespmem:s8], [sflag:$0x3], $0x1000, $0x38;
	[tilespmem:$0x1BAA8] =	vst v63  }
0x28: {  	_ =	swait.ge [sflag:s9], $0x1000  }
0x29: {  	[sflag:s9] =	ssyncset.done $0x0  }
0x2a: {  	s14 =	rddreg [dreg:$0x3];
	[sflag:s9] =	ssyncadd.s32 $0xFFFFF000  }
0x2b: {  	[spmem:s14] =	stream.linear.scatter [tilespmem:s8], [sflag:$0x3], $0x1000, $0x38;
	[tilespmem:$0x1BAA8] =	vst v63  }
0x2c: {  	_ =	swait.ge [sflag:s9], $0x1000  }
0x2d: {  	[sflag:s9] =	ssyncset.done $0x0  }
0x2e: {  	s20 =	rddreg [dreg:$0x4];
	[sflag:s9] =	ssyncadd.s32 $0xFFFFF000  }
0x2f: {  	[spmem:s20] =	stream.linear.scatter [tilespmem:s8], [sflag:$0x3], $0x1000, $0x38;
	[tilespmem:$0x1BAA8] =	vst v63  }
0x30: {  	_ =	swait.ge [sflag:s9], $0x1000  }
0x31: {  	[sflag:s9] =	ssyncset.done $0x0  }
0x32: {  	s22 =	rddreg [dreg:$0x5];
	[sflag:s9] =	ssyncadd.s32 $0xFFFFF000  }
0x33: {  	[spmem:s22] =	stream.linear.scatter [tilespmem:s8], [sflag:$0x3], $0x1000, $0x38;
	[tilespmem:$0x1BAA8] =	vst v63  }
0x34: {  	_ =	swait.ge [sflag:s9], $0x1000  }
0x35: {  	[sflag:s9] =	ssyncset.done $0x0  }
0x36: {  	s25 =	rddreg [dreg:$0x6];
	[sflag:s9] =	ssyncadd.s32 $0xFFFFF000  }
0x37: {  	[spmem:s25] =	stream.linear.scatter [tilespmem:s8], [sflag:$0x3], $0x1000, $0x38;
	[tilespmem:$0x1BAA8] =	vst v63  }
0x38: {  	_ =	swait.ge [sflag:s9], $0x1000  }
0x39: {  	[sflag:s9] =	ssyncset.done $0x0  }
0x3a: {  	s15 =	rddreg [dreg:$0x7];
	[sflag:s9] =	ssyncadd.s32 $0xFFFFF000  }
0x3b: {  	[spmem:s15] =	stream.linear.scatter [tilespmem:s8], [sflag:$0x3], $0x1000, $0x38;
	[tilespmem:$0x1BAA8] =	vst v63  }
0x3c: {  	_ =	swait.ge [sflag:s9], $0x1000  }
0x3d: {  	[sflag:s9] =	ssyncset.done $0x0  }
0x3e: {  	s18 =	rddreg [dreg:$0x8];
	[sflag:s9] =	ssyncadd.s32 $0xFFFFF000  }
0x3f: {  	[spmem:s18] =	stream.linear.scatter [tilespmem:s8], [sflag:$0x3], $0x1000, $0x38;
	[tilespmem:$0x1BAA8] =	vst v63  }
0x40: {  	_ =	swait.ge [sflag:s9], $0x1000  }
0x41: {  	[sflag:s9] =	ssyncset.done $0x0  }
0x42: {  	s19 =	rddreg [dreg:$0x9];
	[sflag:s9] =	ssyncadd.s32 $0xFFFFF000  }
0x43: {  	[spmem:s19] =	stream.linear.scatter [tilespmem:s8], [sflag:$0x3], $0x1000, $0x38;
	[tilespmem:$0x1BAA8] =	vst v63  }
0x44: {  	_ =	swait.ge [sflag:s9], $0x1000  }
0x45: {  	[sflag:s9] =	ssyncset.done $0x0  }
0x46: {  	s20 =	rddreg [dreg:$0xa];
	[sflag:s9] =	ssyncadd.s32 $0xFFFFF000  }
0x47: {  	[spmem:s20] =	stream.linear.scatter [tilespmem:s8], [sflag:$0x3], $0x1000, $0x38;
	[tilespmem:$0x1BAA8] =	vst v63  }
0x48: {  	_ =	swait.ge [sflag:s9], $0x1000  }
0x49: {  	[sflag:s9] =	ssyncset.done $0x0  }
0x4a: {  	s22 =	rddreg [dreg:$0xb];
	[sflag:s9] =	ssyncadd.s32 $0xFFFFF000  }
0x4b: {  	[spmem:s22] =	stream.linear.scatter [tilespmem:s8], [sflag:$0x3], $0x1000, $0x38;
	[tilespmem:$0x1BAA8] =	vst v63  }
0x4c: {  	_ =	swait.ge [sflag:s9], $0x1000  }
0x4d: {  	[sflag:s9] =	ssyncset.done $0x0  }
0x4e: {  	s25 =	rddreg [dreg:$0xc];
	[sflag:s9] =	ssyncadd.s32 $0xFFFFF000  }
0x4f: {  	[spmem:s25] =	stream.linear.scatter [tilespmem:s8], [sflag:$0x3], $0x1000, $0x38;
	[tilespmem:$0x1BAA8] =	vst v63  }
0x50: {  	_ =	swait.ge [sflag:s9], $0x1000  }
0x51: {  	[sflag:s9] =	ssyncset.done $0x0  }
0x52: {  	s15 =	rddreg [dreg:$0xd];
	[sflag:s9] =	ssyncadd.s32 $0xFFFFF000  }
0x53: {  	[spmem:s15] =	stream.linear.scatter [tilespmem:s8], [sflag:$0x3], $0x1000, $0x38;
	[tilespmem:$0x1BAA8] =	vst v63  }
0x54: {  	_ =	swait.ge [sflag:s9], $0x1000  }
0x55: {  	[sflag:s9] =	ssyncset.done $0x0  }
0x56: {  	s18 =	rddreg [dreg:$0xe];
	[sflag:s9] =	ssyncadd.s32 $0xFFFFF000  }
0x57: {  	[spmem:s18] =	stream.linear.scatter [tilespmem:s8], [sflag:$0x3], $0x1000, $0x38;
	[tilespmem:$0x1BAA8] =	vst v63  }
0x58: {  	_ =	swait.ge [sflag:s9], $0x1000  }
0x59: {  	[sflag:s9] =	ssyncset.done $0x0  }
0x5a: {  	s19 =	rddreg [dreg:$0xf];
	[sflag:s9] =	ssyncadd.s32 $0xFFFFF000  }
0x5b: {  	[spmem:s19] =	stream.linear.scatter [tilespmem:s8], [sflag:$0x3], $0x1000, $0x38;
	[tilespmem:$0x1BAA8] =	vst v63  }
0x5c: {  	_ =	swait.ge [sflag:s9], $0x1000  }
0x5d: {  	[sflag:s9] =	ssyncset.done $0x0  }
0x5e: {  	s20 =	rddreg [dreg:$0x10];
	[sflag:s9] =	ssyncadd.s32 $0xFFFFF000  }
0x5f: {  	[spmem:s20] =	stream.linear.scatter [tilespmem:s8], [sflag:$0x3], $0x1000, $0x38;
	[tilespmem:$0x1BAA8] =	vst v63  }
0x60: {  	_ =	swait.ge [sflag:s9], $0x1000  }
0x61: {  	[sflag:s9] =	ssyncset.done $0x0  }
0x62: {  	s22 =	rddreg [dreg:$0x11];
	[sflag:s9] =	ssyncadd.s32 $0xFFFFF000  }
0x63: {  	[spmem:s22] =	stream.linear.scatter [tilespmem:s8], [sflag:$0x3], $0x1000, $0x38;
	[tilespmem:$0x1BAA8] =	vst v63  }
0x64: {  	_ =	swait.ge [sflag:s9], $0x1000  }
0x65: {  	[sflag:s9] =	ssyncset.done $0x0  }
0x66: {  	s25 =	rddreg [dreg:$0x12];
	[sflag:s9] =	ssyncadd.s32 $0xFFFFF000  }
0x67: {  	[spmem:s25] =	stream.linear.scatter [tilespmem:s8], [sflag:$0x3], $0x1000, $0x38;
	[tilespmem:$0x1BAA8] =	vst v63  }
0x68: {  	_ =	swait.ge [sflag:s9], $0x1000  }
0x69: {  	[sflag:s9] =	ssyncset.done $0x0  }
0x6a: {  	[sflag:s9] =	ssyncadd.s32 $0xFFFFF000  }
0x6b: {  	[spmem:s26] =	stream.linear.scatter [tilespmem:s8], [sflag:$0x3], $0x1000, $0x38;
	[tilespmem:$0x1BAA8] =	vst v63  }
0x6c: {  	_ =	swait.ge [sflag:s9], $0x1000  }
0x6d: {  	[sflag:s9] =	ssyncset.done $0x0  }
0x6e: {  	[sflag:s9] =	ssyncadd.s32 $0xFFFFF000  }
0x6f: {  	[spmem:s28] =	stream.linear.scatter [tilespmem:s8], [sflag:$0x3], $0x1000, $0x38;
	[tilespmem:$0x1BAA8] =	vst v63  }
0x70: {  	_ =	swait.ge [sflag:s9], $0x1000  }
0x71: {  	[sflag:s9] =	ssyncset.done $0x0  }
0x72: {  	[sflag:s9] =	ssyncadd.s32 $0xFFFFF000  }
0x73: {  	[spmem:s29] =	stream.linear.scatter [tilespmem:s8], [sflag:$0x3], $0x1000, $0x38;
	[tilespmem:$0x1BAA8] =	vst v63  }
0x74: {  	_ =	swait.ge [sflag:s9], $0x1000  }
0x75: {  	[sflag:s9] =	ssyncset.done $0x0  }
0x76: {  	[sflag:s9] =	ssyncadd.s32 $0xFFFFF000  }
0x77: {  	[spmem:s30] =	stream.linear.scatter [tilespmem:s8], [sflag:$0x3], $0x1000, $0x38;
	[tilespmem:$0x1BAA8] =	vst v63  }
0x78: {  	_ =	swait.ge [sflag:s9], $0x1000  }
0x79: {  	[sflag:s9] =	ssyncset.done $0x0  }
0x7a: {  	[sflag:s9] =	ssyncadd.s32 $0xFFFFF000  }
0x7b: {  	[spmem:s31] =	stream.linear.scatter [tilespmem:s8], [sflag:$0x3], $0x1000, $0x38;
	[tilespmem:$0x1BAA8] =	vst v63  }
0x7c: {  	_ =	swait.ge [sflag:s9], $0x1000  }
0x7d: {  	[sflag:s9] =	ssyncset.done $0x0  }
0x7e: {  	[sflag:s9] =	ssyncadd.s32 $0xFFFFF000  }
0x7f: {  	[spmem:s1] =	stream.linear.scatter [tilespmem:s8], [sflag:$0x3], $0x1000, $0x38;
	[tilespmem:$0x1BAA8] =	vst v63  }
0x80: {  	_ =	swait.ge [sflag:s9], $0x1000  }
0x81: {  	[sflag:s9] =	ssyncset.done $0x0  }
0x82: {  	[sflag:s9] =	ssyncadd.s32 $0xFFFFF000  }
0x83: {  	[spmem:s0] =	stream.linear.scatter [tilespmem:s8], [sflag:$0x3], $0x1000, $0x38;
	[tilespmem:$0x1BAA8] =	vst v63  }
0x84: {  	_ =	swait.ge [sflag:s9], $0x1000  }
0x85: {  	[sflag:s9] =	ssyncset.done $0x0  }
0x86: {  	[sflag:s9] =	ssyncadd.s32 $0xFFFFF000  }
0x87: {  	[spmem:s5] =	stream.linear.scatter [tilespmem:s8], [sflag:$0x3], $0x700, $0x38;
	[tilespmem:$0x1BAA8] =	vst v63  }
0x88: {  	_ =	swait.ge [sflag:s9], $0x700  }
0x89: {  	[sflag:s9] =	ssyncset.done $0x0  }
0x8a: {  	s14 =	simm.s32 $0x40;
	s15 =	simm.s32 $0x0;
	[sflag:s9] =	ssyncadd.s32 $0xFFFFF900  }
.LBB2_4:
0x8b: {  	p0 =	sne.s32 s14, $0x7FC0;
	[tilespmem:s15+$0x400] =	vst v1;
	s15 =	smov.u32 s14;
	s14 =	sadd.s32 $0x40, s14  }
.Ltmp1:
0x8c: {  	(pc) =	sbr.rel @p0 .LBB2_4-.Ltmp1, $2  }
0x8d: {  	_ =	sdelay $0x2  }
0x8e: {  	s15 =	sshra.s32 s15, $0x2  }
0x8f: {  	[tilespmem:s15+$0x400] =	vst v1  }
0x90: {  	[bflag:$0x0] =	sbarrier.arrive $0xFFFF  }
0x91: {  	[tilespmem:s3], [sflag:$0x3] =	stream.linear.gather [hbm4b:s21+s3], $0x200, $0x38;
	[tilespmem:$0x1BAA8] =	vst v63  }
0x92: {  	_ =	swait.ge [sflag:s9], $0x200  }
0x93: {  	[sflag:s9] =	ssyncset.done $0x0  }
0x94: {  	[sflag:s9] =	ssyncadd.s32 $0xFFFFFE00  }
0x95: {  	[spmem:s2] =	stream.indirect.scatter.add.f32 [tilespmem:s11], [sflag:$0x1], $0x10, s3, s10, $0xb8;
	[tilespmem:$0x1BAA8] =	vst v63  }
0x96: {  	p1 =	sne.s32 s17, $0x3  }
0x97: {  	[tilespmem:s10], [sflag:$0x3] =	stream.linear.gather [hbm4b:s7+s3], $0x200, $0x38;
	[tilespmem:$0x1BAA8] =	vst v63  }
.Ltmp2:
0x98: {  	_ = 	snop;
	(pc) =	sbr.rel @!p1 .LBB2_6-.Ltmp2, $4  }
0x99: {  	_ =	swait.ge [sflag:s9], $0x200  }
0x9a: {  	s14 =	simm.s32 $0x2;
	s25 =	simm.s32 $0x3;
	[sflag:s9] =	ssyncset.done $0x0  }
0x9b: {  	p0 =	por $0x0, $0x0;
	s14 =	sand.u32 $0x1, s14;
	[sflag:s9] =	ssyncadd.s32 $0xFFFFFE00  }
0x9c: {  	[spmem:s2] =	stream.indirect.scatter.add.f32 [tilespmem:s11], [sflag:$0x2], $0x10, s10, s10, $0xb8;
	[tilespmem:$0x1BAA8] =	vst v63  }
0x9d: {  	s15 =	sadd.s32 $0x1, s14  }
0x9e: {  	p1 =	sne.s32 s17, $0x4;
	_ =	swait.ge [sflag:s15], $0x2000  }
.Ltmp3:
0x9f: {  	[sflag:s15] =	ssyncset.done $0x0;
	(pc) =	sbr.rel @!p1 .LBB2_9-.Ltmp3, $4  }
0xa0: {  	s19 =	sshll.u32 s14, $0x9;
	[sflag:s15] =	ssyncadd.s32 $0xFFFFE000  }
0xa1: {  	[tilespmem:s19], [sflag:$0x3] =	stream.linear.gather [hbm4b:s16+s3], $0x200, $0x38;
	[tilespmem:$0x1BAA8] =	vst v63  }
0xa2: {  	s18 =	simm.s32 $0x4;
	s14 =	sand.u32 $0x1, s25;
	_ =	swait.ge [sflag:s9], $0x200  }
0xa3: {  	s25 =	sadd.s32 $0x40, s16;
	p0 =	por $0x1, $0x1;
	[sflag:s9] =	ssyncset.done $0x0  }
.LBB2_8:
0xa4: {  	s20 =	sadd.s32 $0x1, s14  }
0xa5: {  	[sflag:s9] =	ssyncadd.s32 $0xFFFFFE00;
	s22 =	smov.u32 s18;
	s18 =	sadd.s32 $0x1, s18  }
0xa6: {  	[spmem:s2] =	stream.indirect.scatter.add.f32 [tilespmem:s11], [sflag:s15], $0x10, s19, s10, $0xb8;
	[tilespmem:$0x1BAA8] =	vst v63  }
0xa7: {  	p1 =	sne.s32 s17, s18;
	s15 =	smov.u32 s20;
	_ =	swait.ge [sflag:s20], $0x2000  }
.Ltmp4:
0xa8: {  	[sflag:s15] =	ssyncset.done $0x0;
	(pc) =	sbr.rel @p1 .LBB2_8-.Ltmp4, $4  }
0xa9: {  	s19 =	sshll.u32 s14, $0x9;
	[sflag:s15] =	ssyncadd.s32 $0xFFFFE000  }
0xaa: {  	[tilespmem:s19], [sflag:$0x3] =	stream.linear.gather [hbm4b:s25+s3], $0x200, $0x38;
	[tilespmem:$0x1BAA8] =	vst v63  }
0xab: {  	_ =	swait.ge [sflag:s9], $0x200  }
0xac: {  	s14 =	sand.u32 $0x1, s22;
	s25 =	sadd.s32 $0x40, s25;
	[sflag:s9] =	ssyncset.done $0x0  }
.LBB2_9:
0xad: {  	s18 =	sadd.s32 $0x1, s14;
	[sflag:s9] =	ssyncadd.s32 @p0 $0xFFFFFE00  }
0xae: {  	[spmem:s2] =	stream.indirect.scatter.add.f32 @p0 [tilespmem:s11], [sflag:s15], $0x10, s19, s10, $0xb8;
	[tilespmem:$0x1BAA8] =	vst v63  }
0xaf: {  	_ =	swait.ge [sflag:s18], $0x2000  }
0xb0: {  	[sflag:s18] =	ssyncset.done $0x0  }
0xb1: {  	s20 =	sshll.u32 s14, $0x9;
	[sflag:s18] =	ssyncadd.s32 $0xFFFFE000  }
0xb2: {  	[tilespmem:s20], [sflag:$0x3] =	stream.linear.gather [hbm4b:s25+s3], $0x200, $0x38;
	[tilespmem:$0x1BAA8] =	vst v63  }
0xb3: {  	_ =	swait.ge [sflag:s9], $0x200  }
0xb4: {  	[sflag:s9] =	ssyncset.done $0x0  }
0xb5: {  	[sflag:s9] =	ssyncadd.s32 $0xFFFFFE00  }
0xb6: {  	[spmem:s2] =	stream.indirect.scatter.add.f32 [tilespmem:s11], [sflag:s18], $0x10, s20, s10, $0xb8;
	[tilespmem:$0x1BAA8] =	vst v63  }
0xb7: {  	_ =	swait.ge [sflag:s6], $0x2000  }
0xb8: {  	[sflag:s6] =	ssyncset.done $0x0  }
0xb9: {  	[sflag:s6] =	ssyncadd.s32 $0xFFFFE000  }
0xba: {  	_ =	swait.ge [sflag:s12], $0x2000  }
0xbb: {  	s22 =	stileid.u32;
	s13 =	sadd.s32 $0x1, s13;
	[sflag:s12] =	ssyncset.done $0x0  }
0xbc: {  	s14 =	sshll.u32 s22, $0x6;
	p0 =	sne.s32 s13, s24;
	[sflag:s12] =	ssyncadd.s32 $0xFFFFE000  }
0xbd: {  	s14 =	sor.u32 $0x1C03, s14;
	s25 =	sshrl.u32 s4, $0x3;
	[bflag:$0x0] =	sbarrier.arrive $0xFFFF  }
0xbe: {  	[hbm:s23], [sflag:s14] =	dma.local [spmem:s25], $0x30E0  }
.Ltmp5:
0xbf: {  	_ = 	snop;
	(pc) =	sbr.rel @p0 .LBB2_1-.Ltmp5, $4  }
.Ltmp6:
0xc0: {  	_ = 	snop;
	(pc) =	sbr.rel @!p0 .LBB2_10-.Ltmp6, $4  }
0xc1: {  	_ =	swait.ge [sflag:s9], $0x30E0  }
0xc2: {  	[sflag:s9] =	ssyncset.done $0x0  }
0xc3: {  	[sflag:s9] =	ssyncadd.s32 $0xFFFFCF20  }
0xc4: {  	_ = 	snop  }
.LBB2_6:
.Ltmp7:
0xc5: {  	(pc) =	sbr.rel .LBB2_9-.Ltmp7, $2  }
0xc6: {  	_ =	sdelay $0x2  }
0xc7: {  	s25 =	smov.u32 s16  }
.LBB2_10:
0xc8: {  	_ =	sfence.sel $0x180000  }
0xc9: {  	[bflag:$0x0] =	sbarrier.arrive $0xFFFF  }
0xca: {  	_ =	strace $0x9000004A  }
0xcb: {  	s0 =	stileid.u32;
	[bflag:$0x2] =	sbarrier.arrive $0xFFFF  }
0xcc: {  	p0 =	sne.s32 s0, $0x0;
	s0 =	rddreg [dreg:$0x2]  }
0xcd: {  	s0 =	sadd.s32 @!p0 $0x100000, s0  }
0xce: {  	[sflag:s0] =	ssyncadd.tile.s32 @!p0 $0x1;
	_ =	shalt  }
.Lfunc_end2:
_tile_overlayer_lowered:
.L_overlay_start_2:
0xcf: {  	(tag) =	ssettag $0x2  }
0xd0: {  	s0 =	rddreg [dreg:$0x0];
	s2 =	stileid.u32  }
0xd1: {  	s1 =	rddreg [dreg:$0x1];
	p0 =	sne.s32 s2, $0x0  }
0xd2: {  	s3 =	rddreg [dreg:$0x2];
	[bflag:$0x3] =	sbarrier.arrive $0xFFFF;
	s2 =	simm.s32 @!p0 $0x1C03  }
0xd3: {  	[timem:s3], [sflag:s2] =	dma.local @!p0 [hbm:s0], s1  }
0xd4: {  	s0 =	simm.s32 @!p0 $0x3  }
0xd5: {  	_ =	swait.ge @!p0 [sflag:s0], s1  }
0xd6: {  	s1 =	ssub.s32 @!p0 $0x0, s1;
	[sflag:s0] =	ssyncset.done @!p0 $0x0  }
0xd7: {  	[sflag:s0] =	ssyncadd.s32 @!p0 s1  }
0xd8: {  	[bflag:$0x3] =	sbarrier.arrive $0xFFFF  }
0xd9: {  	_ =	shalt  }

</sc_bundles>
